<compile_context>
chip_gen: v7x
topology: tpu7x:2x2x1
jax: 0.10.2.dev20260603
libtpu: 0.0.44.dev20260713+nightly
codegen_flags: <defaults>
</compile_context>

<pallas_src>
import functools

import jax
import jax.numpy as jnp
from jax import lax
from jax.experimental import pallas as pl
from jax.experimental.pallas import tpu as pltpu
from jax.experimental.pallas import tpu_sc as plsc

NC = 2
NS = 16
LN = 16
NW = NC * NS
K = 64


def _mesh():
    return plsc.VectorSubcoreMesh(core_axis_name="c", subcore_axis_name="s")


def _deg_sc(dst3, n_pad):
    nw, c_chunks, k = dst3.shape
    per_tile = n_pad // NS

    @functools.partial(
        pl.kernel,
        out_type=jax.ShapeDtypeStruct((NC, n_pad), jnp.float32),
        mesh=_mesh(),
        scratch_types=[
            pltpu.VMEM((c_chunks, k), jnp.int32),
            pltpu.VMEM((k,), jnp.float32),
            pltpu.VMEM((per_tile,), jnp.float32),
            pltpu.VMEM_SHARED((n_pad,), jnp.float32),
        ],
    )
    def deg_kernel(dst_hbm, out_hbm, dst_v, ones_v, buf_v, deg_sh):
        c = lax.axis_index("c")
        s = lax.axis_index("s")
        wid = s * NC + c
        pltpu.sync_copy(dst_hbm.at[wid], dst_v)

        def fill_ones(i, carry):
            ones_v[pl.ds(i * LN, LN)] = jnp.ones((LN,), jnp.float32)
            return carry

        lax.fori_loop(0, k // LN, fill_ones, 0)

        def fill_zero(i, carry):
            buf_v[pl.ds(i * LN, LN)] = jnp.zeros((LN,), jnp.float32)
            return carry

        lax.fori_loop(0, per_tile // LN, fill_zero, 0)
        pltpu.sync_copy(buf_v, deg_sh.at[pl.ds(s * per_tile, per_tile)])
        plsc.subcore_barrier()

        def body(j, carry):
            pltpu.sync_copy(ones_v, deg_sh.at[dst_v.at[j]], add=True)
            return carry

        lax.fori_loop(0, c_chunks, body, 0)
        plsc.subcore_barrier()
        pltpu.sync_copy(deg_sh.at[pl.ds(s * per_tile, per_tile)], buf_v)
        pltpu.sync_copy(buf_v, out_hbm.at[c, pl.ds(s * per_tile, per_tile)])

    return deg_kernel(dst3)


def _pack_tc(src3, dst3):
    def body(s_ref, d_ref, o_ref):
        o_ref[...] = s_ref[...] | (d_ref[...] << 16)

    return pl.pallas_call(
        body,
        out_shape=jax.ShapeDtypeStruct(src3.shape, jnp.int32),
    )(src3, dst3)


NBUF = 3


def _agg_sc(y, pk3, n_pad):
    n, hh = y.shape
    nw, c_chunks, k = pk3.shape
    rows_per_tile = n_pad // NS
    groups = c_chunks // NBUF
    tail = c_chunks - groups * NBUF

    idx_scratch = []
    for _ in range(NBUF):
        idx_scratch += [pltpu.VMEM((k,), jnp.int32),
                        pltpu.VMEM((k,), jnp.int32),
                        pltpu.VMEM((k, hh), jnp.float32)]

    @functools.partial(
        pl.kernel,
        out_type=jax.ShapeDtypeStruct((NC, n_pad, hh), jnp.float32),
        mesh=_mesh(),
        scratch_types=(
            [pltpu.VMEM((c_chunks, k), jnp.int32)] + idx_scratch
            + [pltpu.VMEM_SHARED((n_pad, hh), jnp.float32)]
            + [pltpu.SemaphoreType.DMA] * (2 * NBUF)
        ),
    )
    def agg_kernel(y_hbm, pk_hbm, out_hbm, pk_v, *rest):
        bufs = []
        for b in range(NBUF):
            sb, db, rows = rest[3 * b:3 * b + 3]
            gsem = rest[3 * NBUF + 1 + b]
            ssem = rest[3 * NBUF + 1 + NBUF + b]
            bufs.append((sb, db, rows, gsem, ssem))
        z_sh = rest[3 * NBUF]
        c = lax.axis_index("c")
        s = lax.axis_index("s")
        wid = s * NC + c
        pltpu.sync_copy(pk_hbm.at[wid], pk_v)

        def unpack(j, sb, db):
            for t in range(k // LN):
                v = pk_v[j, pl.ds(t * LN, LN)]
                sb[pl.ds(t * LN, LN)] = v & 0xFFFF
                db[pl.ds(t * LN, LN)] = v >> 16

        rows0 = bufs[0][2]

        def fill_zero(i, carry):
            rows0[i // (hh // LN), pl.ds((i % (hh // LN)) * LN, LN)] = (
                jnp.zeros((LN,), jnp.float32))
            return carry

        lax.fori_loop(0, k * hh // LN, fill_zero, 0)
        for t in range(rows_per_tile // k):
            pltpu.sync_copy(
                rows0, z_sh.at[pl.ds(s * rows_per_tile + t * k, k)])
        plsc.subcore_barrier()

        def finish(cbuf):
            sb, db, rows, gsem, ssem = cbuf
            pltpu.make_async_copy(y_hbm.at[sb], rows, gsem).wait()
            pltpu.async_copy(rows, z_sh.at[db], ssem, add=True)
            pltpu.make_async_copy(rows, z_sh.at[db], ssem).wait()

        for b in range(NBUF):
            sb, db, rows, gsem, _ = bufs[b]
            unpack(b, sb, db)
            pltpu.async_copy(y_hbm.at[sb], rows, gsem)

        def body(p, carry):
            for b in range(NBUF):
                cbuf = bufs[b]
                sb, db, rows, gsem, _ = cbuf
                finish(cbuf)
                nxt = NBUF * p + b + NBUF

                def refill():
                    unpack(nxt, sb, db)
                    pltpu.async_copy(y_hbm.at[sb], rows, gsem)

                pl.when(nxt < c_chunks)(refill)
            return carry

        lax.fori_loop(0, groups, body, 0)
        for tb in range(tail):
            finish(bufs[tb])
        plsc.subcore_barrier()
        sl = pl.ds(s * rows_per_tile, rows_per_tile)
        pltpu.sync_copy(z_sh.at[sl], out_hbm.at[c, sl])

    return agg_kernel(y, pk3)


def _prep_tc(x, w0, deg_parts):
    n, d = x.shape
    h = w0.shape[0]
    r = 2000

    def body(p_ref, x_ref, w_ref, dinv_ref, y_ref):
        deg = p_ref[:, 0:1] + p_ref[:, 1:2] + 1.0
        dv = lax.rsqrt(deg)
        xt = lax.dot_general(x_ref[...], w_ref[...], (((1,), (1,)), ((), ())),
                             preferred_element_type=jnp.float32,
                             precision=lax.Precision.HIGHEST)
        dinv_ref[...] = dv
        y_ref[...] = dv * xt

    return pl.pallas_call(
        body,
        grid=(n // r,),
        in_specs=[
            pl.BlockSpec((r, NC), lambda i: (i, 0)),
            pl.BlockSpec((r, d), lambda i: (i, 0)),
            pl.BlockSpec((h, d), lambda i: (0, 0)),
        ],
        out_specs=[
            pl.BlockSpec((r, 1), lambda i: (i, 0)),
            pl.BlockSpec((r, h), lambda i: (i, 0)),
        ],
        out_shape=[
            jax.ShapeDtypeStruct((n, 1), jnp.float32),
            jax.ShapeDtypeStruct((n, h), jnp.float32),
        ],
    )(deg_parts, x, w0)


def _post_tc(zp, y, dinv, b, w_next, h_prev=None, rw=None):
    n, h = y.shape
    r = 2000
    with_skip = h_prev is not None

    def body(*refs):
        if with_skip:
            (z_ref, y_ref, dv_ref, b_ref, hp_ref, rw_ref, w_ref,
             h_ref, yn_ref) = refs
        else:
            z_ref, y_ref, dv_ref, b_ref, w_ref, h_ref, yn_ref = refs
        dv = dv_ref[...]
        agg = dv * (z_ref[0] + z_ref[1] + y_ref[...]) + b_ref[...]
        hh = jnp.maximum(agg, 0.0)
        if with_skip:
            hh = hh + rw_ref[0, 0] * hp_ref[...]
        h_ref[...] = hh
        yn_ref[...] = dv * lax.dot_general(
            hh, w_ref[...], (((1,), (1,)), ((), ())),
            preferred_element_type=jnp.float32,
            precision=lax.Precision.HIGHEST)

    in_specs = [
        pl.BlockSpec((NC, r, h), lambda i: (0, i, 0)),
        pl.BlockSpec((r, h), lambda i: (i, 0)),
        pl.BlockSpec((r, 1), lambda i: (i, 0)),
        pl.BlockSpec((1, h), lambda i: (0, 0)),
    ]
    args = [zp, y, dinv, b.reshape(1, h)]
    if with_skip:
        in_specs.append(pl.BlockSpec((r, h), lambda i: (i, 0)))
        in_specs.append(pl.BlockSpec((1, 1), lambda i: (0, 0)))
        args.append(h_prev)
        args.append(rw.reshape(1, 1))
    hn = w_next.shape[0]
    in_specs.append(pl.BlockSpec((hn, h), lambda i: (0, 0)))
    args.append(w_next)

    return pl.pallas_call(
        body,
        grid=(n // r,),
        in_specs=in_specs,
        out_specs=[
            pl.BlockSpec((r, h), lambda i: (i, 0)),
            pl.BlockSpec((r, hn), lambda i: (i, 0)),
        ],
        out_shape=[
            jax.ShapeDtypeStruct((n, h), jnp.float32),
            jax.ShapeDtypeStruct((n, hn), jnp.float32),
        ],
    )(*args)


def _final_tc(zp, y, dinv, b, wm, bm):
    n, h = y.shape
    co = wm.shape[0]
    r = 2000

    def body(z_ref, y_ref, dv_ref, b_ref, w_ref, bm_ref, o_ref):
        dv = dv_ref[...]
        hh = dv * (z_ref[0] + z_ref[1] + y_ref[...]) + b_ref[...]
        o_ref[...] = lax.dot_general(
            hh, w_ref[...], (((1,), (1,)), ((), ())),
            preferred_element_type=jnp.float32,
            precision=lax.Precision.HIGHEST) + bm_ref[...]

    return pl.pallas_call(
        body,
        grid=(n // r,),
        in_specs=[
            pl.BlockSpec((NC, r, h), lambda i: (0, i, 0)),
            pl.BlockSpec((r, h), lambda i: (i, 0)),
            pl.BlockSpec((r, 1), lambda i: (i, 0)),
            pl.BlockSpec((1, h), lambda i: (0, 0)),
            pl.BlockSpec((co, h), lambda i: (0, 0)),
            pl.BlockSpec((1, co), lambda i: (0, 0)),
        ],
        out_specs=pl.BlockSpec((r, co), lambda i: (i, 0)),
        out_shape=jax.ShapeDtypeStruct((n, co), jnp.float32),
    )(zp, y, dinv, b.reshape(1, h), wm, bm.reshape(1, co))


def kernel(X, A, W0, b0, W1, b1, W2, b2, Wm, bm, res_weight):
    n, d = X.shape
    e = A.shape[1]
    et = e // NW
    et_pad = -(-et // K) * K
    pad = et_pad - et
    n_pad = ((n + (NS * LN) - 1) // (NS * LN)) * (NS * LN)
    if pad and n_pad == n:
        n_pad += NS * LN

    src2 = A[0].reshape(NW, et)
    dst2 = A[1].reshape(NW, et)
    if pad:
        pr = (jnp.arange(pad, dtype=jnp.int32) * 97) % n
        pd = n + jnp.arange(pad, dtype=jnp.int32) % (n_pad - n)
        src2 = jnp.concatenate(
            [src2, jnp.broadcast_to(pr, (NW, pad))], axis=1)
        dst2 = jnp.concatenate(
            [dst2, jnp.broadcast_to(pd, (NW, pad))], axis=1)
    src3 = src2.reshape(NW, et_pad // K, K)
    dst3 = dst2.reshape(NW, et_pad // K, K)

    pk3 = _pack_tc(src3, dst3)
    deg_parts = _deg_sc(dst3, n_pad)[:, :n].T
    dinv, y0 = _prep_tc(X, W0, deg_parts)

    z0 = _agg_sc(y0, pk3, n_pad)
    h0, y1 = _post_tc(z0, y0, dinv, b0, W1)
    z1 = _agg_sc(y1, pk3, n_pad)
    _, y2 = _post_tc(z1, y1, dinv, b1, W2, h_prev=h0, rw=res_weight)
    z2 = _agg_sc(y2, pk3, n_pad)
    return _final_tc(z2, y2, dinv, b2, Wm, bm)

# --- scband reference (transcript-rebuilt; emitter-appended) ---
"""Pipeline reference for scband-wskip-gnn-33019708572410 (READ-ONLY COPY).

The authoritative reference and input builder live on the scoring server;
editing this copy changes nothing except your own understanding.
"""

import jax, jax.numpy as jnp
import numpy as np

N = 10000
E = 320000
D = 128
H = 128
C = 64


def setup_inputs(seed: int = 0) -> dict:
    key = jax.random.key(seed)
    ks = jax.random.split(key, 12)
    X = jax.random.normal(ks[0], (N, D), dtype=jnp.float32)
    A = jax.random.randint(ks[1], (2, E), 0, N, dtype=jnp.int32)
    # GCNConv weights, PyG convention: lin.weight shape [out, in], x @ W.T, separate bias
    W0 = jax.random.normal(ks[2], (H, D), dtype=jnp.float32) * 0.05
    b0 = jnp.zeros((H,), dtype=jnp.float32)
    W1 = jax.random.normal(ks[3], (H, H), dtype=jnp.float32) * 0.05
    b1 = jnp.zeros((H,), dtype=jnp.float32)
    W2 = jax.random.normal(ks[4], (H, H), dtype=jnp.float32) * 0.05
    b2 = jnp.zeros((H,), dtype=jnp.float32)
    Wm = jax.random.normal(ks[5], (C, H), dtype=jnp.float32) * 0.05
    bm = jnp.zeros((C,), dtype=jnp.float32)
    res_weight = jnp.asarray(0.3, dtype=jnp.float32)
    return {"X": X, "A": A, "W0": W0, "b0": b0, "W1": W1, "b1": b1,
            "W2": W2, "b2": b2, "Wm": Wm, "bm": bm, "res_weight": res_weight}


def _gcn_conv(x, edge_index, W, b):
    # x: [N, in], edge_index: [2, E]; GCN with self-loops + symmetric normalization
    x = x @ W.T
    loop = jnp.arange(N, dtype=edge_index.dtype)
    src = jnp.concatenate([edge_index[0], loop])
    dst = jnp.concatenate([edge_index[1], loop])
    deg = jax.ops.segment_sum(jnp.ones(src.shape[0], dtype=x.dtype), dst, num_segments=N)
    dinv = jnp.where(deg > 0, jax.lax.rsqrt(deg), 0.0)
    norm = dinv[src] * dinv[dst]
    msg = x[src] * norm[:, None]
    out = jax.ops.segment_sum(msg, dst, num_segments=N)
    return out + b


def reference(X, A, W0, b0, W1, b1, W2, b2, Wm, bm, res_weight):
    # layer 0 + act
    h = jax.nn.relu(_gcn_conv(X, A, W0, b0))
    # middle layers with weighted skip connections (n_layers=3 -> one middle layer)
    residual = h
    h = jax.nn.relu(_gcn_conv(h, A, W1, b1))
    h = h + res_weight * residual
    # final GCN layer, no activation
    h = _gcn_conv(h, A, W2, b2)
    # MLP head
    return h @ Wm.T + bm

if __name__ == "__main__":
    import jax
    _d = setup_inputs()
    print(jax.jit(kernel)(*tuple(_d.values())))

</pallas_src>

<mosaic_0001>
#map = affine_map<(d0, d1) -> (0, 0)>
#map1 = affine_map<(d0, d1) -> (0, 0, 0)>
module attributes {stable_mosaic.version = 14 : i64} {
  func.func @agg_kernel(%arg0: i32, %arg1: i32, %arg2: memref<10000x128xf32, #tpu.memory_space<hbm>>, %arg3: memref<32x157x64xi32, #tpu.memory_space<hbm>>, %arg4: memref<2x10240x128xf32, #tpu.memory_space<hbm>>, %arg5: memref<157x64xi32, #tpu.memory_space<vmem>>, %arg6: memref<64xi32, #tpu.memory_space<vmem>>, %arg7: memref<64xi32, #tpu.memory_space<vmem>>, %arg8: memref<64x128xf32, #tpu.memory_space<vmem>>, %arg9: memref<64xi32, #tpu.memory_space<vmem>>, %arg10: memref<64xi32, #tpu.memory_space<vmem>>, %arg11: memref<64x128xf32, #tpu.memory_space<vmem>>, %arg12: memref<64xi32, #tpu.memory_space<vmem>>, %arg13: memref<64xi32, #tpu.memory_space<vmem>>, %arg14: memref<64x128xf32, #tpu.memory_space<vmem>>, %arg15: memref<10240x128xf32, #tpu.memory_space<vmem_shared>>, %arg16: memref<!tpu.dma_semaphore, #tpu.memory_space<semaphore_mem>>, %arg17: memref<!tpu.dma_semaphore, #tpu.memory_space<semaphore_mem>>, %arg18: memref<!tpu.dma_semaphore, #tpu.memory_space<semaphore_mem>>, %arg19: memref<!tpu.dma_semaphore, #tpu.memory_space<semaphore_mem>>, %arg20: memref<!tpu.dma_semaphore, #tpu.memory_space<semaphore_mem>>, %arg21: memref<!tpu.dma_semaphore, #tpu.memory_space<semaphore_mem>>) attributes {dimension_semantics = [#tpu.dimension_semantics<core_parallel>, #tpu.dimension_semantics<subcore_parallel>], iteration_bounds = array<i64: 2, 16>, scalar_prefetch = 0 : i64, scratch_operands = 17 : i64, tpu.core_type = #tpu.core_type<sc_vector_subcore>, window_params = [{transform_indices = #map}, {transform_indices = #map1}, {transform_indices = #map1}]} {
    %mul3A = arith.constant 2 : i32
    %mul3A_0 = arith.muli %arg1, %mul3A : i32
    %add3A = arith.addi %mul3A_0, %arg0 : i32
    "tpu.region"() ({
      %run_scoped3A = tpu.sem_alloc : memref<!tpu.dma_semaphore, #tpu.memory_space<semaphore_mem>>
      %dma_start3A_295 = arith.constant 0 : i32
      %dma_start3A_296 = arith.constant 0 : i32
      %dma_start3A_297 = tpu.memref_slice %arg3[%add3A, %dma_start3A_295, %dma_start3A_296] : memref<32x157x64xi32, #tpu.memory_space<hbm>> -> memref<1x157x64xi32, #tpu.memory_space<hbm>>
      %dma_start3A_298 = tpu.memref_squeeze %dma_start3A_297 : memref<1x157x64xi32, #tpu.memory_space<hbm>> -> memref<157x64xi32, #tpu.memory_space<hbm>>
      %dma_start3A_299 = arith.constant 0 : i32
      %dma_start3A_300 = arith.constant 0 : i32
      %dma_start3A_301 = tpu.memref_slice %arg3[%add3A, %dma_start3A_299, %dma_start3A_300] : memref<32x157x64xi32, #tpu.memory_space<hbm>> -> memref<1x157x64xi32, #tpu.memory_space<hbm>>
      %dma_start3A_302 = tpu.memref_squeeze %dma_start3A_301 : memref<1x157x64xi32, #tpu.memory_space<hbm>> -> memref<157x64xi32, #tpu.memory_space<hbm>>
      tpu.enqueue_dma source(%dma_start3A_302 : memref<157x64xi32, #tpu.memory_space<hbm>>) target(%arg5 : memref<157x64xi32, #tpu.memory_space<vmem>>) target_semaphore(%run_scoped3A : memref<!tpu.dma_semaphore, #tpu.memory_space<semaphore_mem>>)
      %dma_wait3A_303 = arith.constant 0 : i32
      %dma_wait3A_304 = arith.constant 0 : i32
      %dma_wait3A_305 = tpu.memref_slice %arg3[%add3A, %dma_wait3A_303, %dma_wait3A_304] : memref<32x157x64xi32, #tpu.memory_space<hbm>> -> memref<1x157x64xi32, #tpu.memory_space<hbm>>
      %dma_wait3A_306 = tpu.memref_squeeze %dma_wait3A_305 : memref<1x157x64xi32, #tpu.memory_space<hbm>> -> memref<157x64xi32, #tpu.memory_space<hbm>>
      %dma_wait3A_307 = arith.constant 0 : i32
      %dma_wait3A_308 = arith.constant 0 : i32
      %dma_wait3A_309 = tpu.memref_slice %arg3[%add3A, %dma_wait3A_307, %dma_wait3A_308] : memref<32x157x64xi32, #tpu.memory_space<hbm>> -> memref<1x157x64xi32, #tpu.memory_space<hbm>>
      %dma_wait3A_310 = tpu.memref_squeeze %dma_wait3A_309 : memref<1x157x64xi32, #tpu.memory_space<hbm>> -> memref<157x64xi32, #tpu.memory_space<hbm>>
      tpu.wait_dma2 semaphore(%run_scoped3A : memref<!tpu.dma_semaphore, #tpu.memory_space<semaphore_mem>>) src(%dma_wait3A_310 : memref<157x64xi32, #tpu.memory_space<hbm>>) dst(%arg5 : memref<157x64xi32, #tpu.memory_space<vmem>>)
      tpu.yield
    }) : () -> ()
    %scan3A = arith.constant 0 : i32
    %scan3A_1 = arith.constant 0 : i32
    %scan3A_2 = arith.constant 512 : i32
    %scan3A_3 = arith.addi %scan3A_1, %scan3A_2 : i32
    %scan3A_4 = arith.constant 1 : i32
    scf.for %scan3A_295 = %scan3A_1 to %scan3A_3 step %scan3A_4  : i32 {
      %broadcast_in_dim3A = arith.constant 0.000000e+00 : f32
      %broadcast_in_dim3A_296 = vector.broadcast %broadcast_in_dim3A : f32 to vector<16xf32>
      %jit3A = arith.constant 8 : i32
      %div3A = arith.divsi %scan3A_295, %jit3A : i32
      %sign3A = arith.constant 0 : i32
      %sign3A_297 = arith.cmpi sgt, %scan3A_295, %sign3A : i32
      %sign3A_298 = arith.extui %sign3A_297 : i1 to i32
      %sign3A_299 = arith.constant 0 : i32
      %sign3A_300 = arith.cmpi slt, %scan3A_295, %sign3A_299 : i32
      %sign3A_301 = arith.extui %sign3A_300 : i1 to i32
      %sign3A_302 = arith.subi %sign3A_298, %sign3A_301 : i32
      %sign3A_303 = arith.constant 0 : i32
      %sign3A_304 = arith.cmpi sgt, %jit3A, %sign3A_303 : i32
      %sign3A_305 = arith.extui %sign3A_304 : i1 to i32
      %sign3A_306 = arith.constant 0 : i32
      %sign3A_307 = arith.cmpi slt, %jit3A, %sign3A_306 : i32
      %sign3A_308 = arith.extui %sign3A_307 : i1 to i32
      %sign3A_309 = arith.subi %sign3A_305, %sign3A_308 : i32
      %ne3A = arith.cmpi ne, %sign3A_302, %sign3A_309 : i32
      %rem3A = arith.remsi %scan3A_295, %jit3A : i32
      %ne3A_310 = arith.constant 0 : i32
      %ne3A_311 = arith.cmpi ne, %rem3A, %ne3A_310 : i32
      %and3A_312 = arith.andi %ne3A, %ne3A_311 : i1
      %sub3A = arith.constant 1 : i32
      %sub3A_313 = arith.subi %div3A, %sub3A : i32
      %select_n3A = arith.select %and3A_312, %sub3A_313, %div3A : i32
      %jit3A_314 = arith.constant 8 : i32
      %eq3A = arith.constant 0 : i32
      %eq3A_315 = arith.cmpi eq, %jit3A_314, %eq3A : i32
      %jit3A_316 = arith.constant 1 : i32
      %select_n3A_317 = arith.select %eq3A_315, %jit3A_316, %jit3A_314 : i32
      %rem3A_318 = arith.remsi %scan3A_295, %select_n3A_317 : i32
      %ne3A_319 = arith.constant 0 : i32
      %ne3A_320 = arith.cmpi ne, %rem3A_318, %ne3A_319 : i32
      %lt3A = arith.constant 0 : i32
      %lt3A_321 = arith.cmpi slt, %rem3A_318, %lt3A : i32
      %lt3A_322 = arith.constant 0 : i32
      %lt3A_323 = arith.cmpi slt, %select_n3A_317, %lt3A_322 : i32
      %ne3A_324 = arith.xori %lt3A_321, %lt3A_323 : i1
      %and3A_325 = arith.andi %ne3A_324, %ne3A_320 : i1
      %add3A_326 = arith.addi %rem3A_318, %select_n3A_317 : i32
      %select_n3A_327 = arith.select %and3A_325, %add3A_326, %rem3A_318 : i32
      %mul3A_328 = arith.constant 16 : i32
      %mul3A_329 = arith.muli %select_n3A_327, %mul3A_328 : i32
      %swap3A_330 = arith.index_cast %select_n3A : i32 to index
      %swap3A_331 = arith.index_cast %mul3A_329 : i32 to index
      %swap3A_332 = tpu.vector_load %arg8[%swap3A_330, %swap3A_331] {strides = array<i32>} : memref<64x128xf32, #tpu.memory_space<vmem>>, vector<1x16xf32>,
      %swap3A_333 = vector.shape_cast %swap3A_332 : vector<1x16xf32> to vector<16xf32>
      %swap3A_334 = vector.shape_cast %broadcast_in_dim3A_296 : vector<16xf32> to vector<1x16xf32>
      tpu.vector_store %arg8[%swap3A_330, %swap3A_331], %swap3A_334 {strides = array<i32>} : memref<64x128xf32, #tpu.memory_space<vmem>>, vector<1x16xf32>,
    }
    %scan3A_5 = arith.constant 512 : i32
    %mul3A_6 = arith.constant 640 : i32
    %mul3A_7 = arith.muli %arg1, %mul3A_6 : i32
    %add3A_8 = arith.constant 0 : i32
    %add3A_9 = arith.addi %mul3A_7, %add3A_8 : i32
    "tpu.region"() ({
      %run_scoped3A = tpu.sem_alloc : memref<!tpu.dma_semaphore, #tpu.memory_space<semaphore_mem>>
      %dma_start3A_295 = arith.constant 0 : i32
      %dma_start3A_296 = tpu.memref_slice %arg15[%add3A_9, %dma_start3A_295] : memref<10240x128xf32, #tpu.memory_space<vmem_shared>> -> memref<64x128xf32, #tpu.memory_space<vmem_shared>>
      %dma_start3A_297 = arith.constant 0 : i32
      %dma_start3A_298 = tpu.memref_slice %arg15[%add3A_9, %dma_start3A_297] : memref<10240x128xf32, #tpu.memory_space<vmem_shared>> -> memref<64x128xf32, #tpu.memory_space<vmem_shared>>
      tpu.enqueue_dma source(%arg8 : memref<64x128xf32, #tpu.memory_space<vmem>>) target(%dma_start3A_298 : memref<64x128xf32, #tpu.memory_space<vmem_shared>>) target_semaphore(%run_scoped3A : memref<!tpu.dma_semaphore, #tpu.memory_space<semaphore_mem>>)
      %dma_wait3A_299 = arith.constant 0 : i32
      %dma_wait3A_300 = tpu.memref_slice %arg15[%add3A_9, %dma_wait3A_299] : memref<10240x128xf32, #tpu.memory_space<vmem_shared>> -> memref<64x128xf32, #tpu.memory_space<vmem_shared>>
      %dma_wait3A_301 = arith.constant 0 : i32
      %dma_wait3A_302 = tpu.memref_slice %arg15[%add3A_9, %dma_wait3A_301] : memref<10240x128xf32, #tpu.memory_space<vmem_shared>> -> memref<64x128xf32, #tpu.memory_space<vmem_shared>>
      tpu.wait_dma2 semaphore(%run_scoped3A : memref<!tpu.dma_semaphore, #tpu.memory_space<semaphore_mem>>) src(%arg8 : memref<64x128xf32, #tpu.memory_space<vmem>>) dst(%dma_wait3A_302 : memref<64x128xf32, #tpu.memory_space<vmem_shared>>)
      tpu.yield
    }) : () -> ()
    %mul3A_10 = arith.constant 640 : i32
    %mul3A_11 = arith.muli %arg1, %mul3A_10 : i32
    %add3A_12 = arith.constant 64 : i32
    %add3A_13 = arith.addi %mul3A_11, %add3A_12 : i32
    "tpu.region"() ({
      %run_scoped3A = tpu.sem_alloc : memref<!tpu.dma_semaphore, #tpu.memory_space<semaphore_mem>>
      %dma_start3A_295 = arith.constant 0 : i32
      %dma_start3A_296 = tpu.memref_slice %arg15[%add3A_13, %dma_start3A_295] : memref<10240x128xf32, #tpu.memory_space<vmem_shared>> -> memref<64x128xf32, #tpu.memory_space<vmem_shared>>
      %dma_start3A_297 = arith.constant 0 : i32
      %dma_start3A_298 = tpu.memref_slice %arg15[%add3A_13, %dma_start3A_297] : memref<10240x128xf32, #tpu.memory_space<vmem_shared>> -> memref<64x128xf32, #tpu.memory_space<vmem_shared>>
      tpu.enqueue_dma source(%arg8 : memref<64x128xf32, #tpu.memory_space<vmem>>) target(%dma_start3A_298 : memref<64x128xf32, #tpu.memory_space<vmem_shared>>) target_semaphore(%run_scoped3A : memref<!tpu.dma_semaphore, #tpu.memory_space<semaphore_mem>>)
      %dma_wait3A_299 = arith.constant 0 : i32
      %dma_wait3A_300 = tpu.memref_slice %arg15[%add3A_13, %dma_wait3A_299] : memref<10240x128xf32, #tpu.memory_space<vmem_shared>> -> memref<64x128xf32, #tpu.memory_space<vmem_shared>>
      %dma_wait3A_301 = arith.constant 0 : i32
      %dma_wait3A_302 = tpu.memref_slice %arg15[%add3A_13, %dma_wait3A_301] : memref<10240x128xf32, #tpu.memory_space<vmem_shared>> -> memref<64x128xf32, #tpu.memory_space<vmem_shared>>
      tpu.wait_dma2 semaphore(%run_scoped3A : memref<!tpu.dma_semaphore, #tpu.memory_space<semaphore_mem>>) src(%arg8 : memref<64x128xf32, #tpu.memory_space<vmem>>) dst(%dma_wait3A_302 : memref<64x128xf32, #tpu.memory_space<vmem_shared>>)
      tpu.yield
    }) : () -> ()
    %mul3A_14 = arith.constant 640 : i32
    %mul3A_15 = arith.muli %arg1, %mul3A_14 : i32
    %add3A_16 = arith.constant 128 : i32
    %add3A_17 = arith.addi %mul3A_15, %add3A_16 : i32
    "tpu.region"() ({
      %run_scoped3A = tpu.sem_alloc : memref<!tpu.dma_semaphore, #tpu.memory_space<semaphore_mem>>
      %dma_start3A_295 = arith.constant 0 : i32
      %dma_start3A_296 = tpu.memref_slice %arg15[%add3A_17, %dma_start3A_295] : memref<10240x128xf32, #tpu.memory_space<vmem_shared>> -> memref<64x128xf32, #tpu.memory_space<vmem_shared>>
      %dma_start3A_297 = arith.constant 0 : i32
      %dma_start3A_298 = tpu.memref_slice %arg15[%add3A_17, %dma_start3A_297] : memref<10240x128xf32, #tpu.memory_space<vmem_shared>> -> memref<64x128xf32, #tpu.memory_space<vmem_shared>>
      tpu.enqueue_dma source(%arg8 : memref<64x128xf32, #tpu.memory_space<vmem>>) target(%dma_start3A_298 : memref<64x128xf32, #tpu.memory_space<vmem_shared>>) target_semaphore(%run_scoped3A : memref<!tpu.dma_semaphore, #tpu.memory_space<semaphore_mem>>)
      %dma_wait3A_299 = arith.constant 0 : i32
      %dma_wait3A_300 = tpu.memref_slice %arg15[%add3A_17, %dma_wait3A_299] : memref<10240x128xf32, #tpu.memory_space<vmem_shared>> -> memref<64x128xf32, #tpu.memory_space<vmem_shared>>
      %dma_wait3A_301 = arith.constant 0 : i32
      %dma_wait3A_302 = tpu.memref_slice %arg15[%add3A_17, %dma_wait3A_301] : memref<10240x128xf32, #tpu.memory_space<vmem_shared>> -> memref<64x128xf32, #tpu.memory_space<vmem_shared>>
      tpu.wait_dma2 semaphore(%run_scoped3A : memref<!tpu.dma_semaphore, #tpu.memory_space<semaphore_mem>>) src(%arg8 : memref<64x128xf32, #tpu.memory_space<vmem>>) dst(%dma_wait3A_302 : memref<64x128xf32, #tpu.memory_space<vmem_shared>>)
      tpu.yield
    }) : () -> ()
    %mul3A_18 = arith.constant 640 : i32
    %mul3A_19 = arith.muli %arg1, %mul3A_18 : i32
    %add3A_20 = arith.constant 192 : i32
    %add3A_21 = arith.addi %mul3A_19, %add3A_20 : i32
    "tpu.region"() ({
      %run_scoped3A = tpu.sem_alloc : memref<!tpu.dma_semaphore, #tpu.memory_space<semaphore_mem>>
      %dma_start3A_295 = arith.constant 0 : i32
      %dma_start3A_296 = tpu.memref_slice %arg15[%add3A_21, %dma_start3A_295] : memref<10240x128xf32, #tpu.memory_space<vmem_shared>> -> memref<64x128xf32, #tpu.memory_space<vmem_shared>>
      %dma_start3A_297 = arith.constant 0 : i32
      %dma_start3A_298 = tpu.memref_slice %arg15[%add3A_21, %dma_start3A_297] : memref<10240x128xf32, #tpu.memory_space<vmem_shared>> -> memref<64x128xf32, #tpu.memory_space<vmem_shared>>
      tpu.enqueue_dma source(%arg8 : memref<64x128xf32, #tpu.memory_space<vmem>>) target(%dma_start3A_298 : memref<64x128xf32, #tpu.memory_space<vmem_shared>>) target_semaphore(%run_scoped3A : memref<!tpu.dma_semaphore, #tpu.memory_space<semaphore_mem>>)
      %dma_wait3A_299 = arith.constant 0 : i32
      %dma_wait3A_300 = tpu.memref_slice %arg15[%add3A_21, %dma_wait3A_299] : memref<10240x128xf32, #tpu.memory_space<vmem_shared>> -> memref<64x128xf32, #tpu.memory_space<vmem_shared>>
      %dma_wait3A_301 = arith.constant 0 : i32
      %dma_wait3A_302 = tpu.memref_slice %arg15[%add3A_21, %dma_wait3A_301] : memref<10240x128xf32, #tpu.memory_space<vmem_shared>> -> memref<64x128xf32, #tpu.memory_space<vmem_shared>>
      tpu.wait_dma2 semaphore(%run_scoped3A : memref<!tpu.dma_semaphore, #tpu.memory_space<semaphore_mem>>) src(%arg8 : memref<64x128xf32, #tpu.memory_space<vmem>>) dst(%dma_wait3A_302 : memref<64x128xf32, #tpu.memory_space<vmem_shared>>)
      tpu.yield
    }) : () -> ()
    %mul3A_22 = arith.constant 640 : i32
    %mul3A_23 = arith.muli %arg1, %mul3A_22 : i32
    %add3A_24 = arith.constant 256 : i32
    %add3A_25 = arith.addi %mul3A_23, %add3A_24 : i32
    "tpu.region"() ({
      %run_scoped3A = tpu.sem_alloc : memref<!tpu.dma_semaphore, #tpu.memory_space<semaphore_mem>>
      %dma_start3A_295 = arith.constant 0 : i32
      %dma_start3A_296 = tpu.memref_slice %arg15[%add3A_25, %dma_start3A_295] : memref<10240x128xf32, #tpu.memory_space<vmem_shared>> -> memref<64x128xf32, #tpu.memory_space<vmem_shared>>
      %dma_start3A_297 = arith.constant 0 : i32
      %dma_start3A_298 = tpu.memref_slice %arg15[%add3A_25, %dma_start3A_297] : memref<10240x128xf32, #tpu.memory_space<vmem_shared>> -> memref<64x128xf32, #tpu.memory_space<vmem_shared>>
      tpu.enqueue_dma source(%arg8 : memref<64x128xf32, #tpu.memory_space<vmem>>) target(%dma_start3A_298 : memref<64x128xf32, #tpu.memory_space<vmem_shared>>) target_semaphore(%run_scoped3A : memref<!tpu.dma_semaphore, #tpu.memory_space<semaphore_mem>>)
      %dma_wait3A_299 = arith.constant 0 : i32
      %dma_wait3A_300 = tpu.memref_slice %arg15[%add3A_25, %dma_wait3A_299] : memref<10240x128xf32, #tpu.memory_space<vmem_shared>> -> memref<64x128xf32, #tpu.memory_space<vmem_shared>>
      %dma_wait3A_301 = arith.constant 0 : i32
      %dma_wait3A_302 = tpu.memref_slice %arg15[%add3A_25, %dma_wait3A_301] : memref<10240x128xf32, #tpu.memory_space<vmem_shared>> -> memref<64x128xf32, #tpu.memory_space<vmem_shared>>
      tpu.wait_dma2 semaphore(%run_scoped3A : memref<!tpu.dma_semaphore, #tpu.memory_space<semaphore_mem>>) src(%arg8 : memref<64x128xf32, #tpu.memory_space<vmem>>) dst(%dma_wait3A_302 : memref<64x128xf32, #tpu.memory_space<vmem_shared>>)
      tpu.yield
    }) : () -> ()
    %mul3A_26 = arith.constant 640 : i32
    %mul3A_27 = arith.muli %arg1, %mul3A_26 : i32
    %add3A_28 = arith.constant 320 : i32
    %add3A_29 = arith.addi %mul3A_27, %add3A_28 : i32
    "tpu.region"() ({
      %run_scoped3A = tpu.sem_alloc : memref<!tpu.dma_semaphore, #tpu.memory_space<semaphore_mem>>
      %dma_start3A_295 = arith.constant 0 : i32
      %dma_start3A_296 = tpu.memref_slice %arg15[%add3A_29, %dma_start3A_295] : memref<10240x128xf32, #tpu.memory_space<vmem_shared>> -> memref<64x128xf32, #tpu.memory_space<vmem_shared>>
      %dma_start3A_297 = arith.constant 0 : i32
      %dma_start3A_298 = tpu.memref_slice %arg15[%add3A_29, %dma_start3A_297] : memref<10240x128xf32, #tpu.memory_space<vmem_shared>> -> memref<64x128xf32, #tpu.memory_space<vmem_shared>>
      tpu.enqueue_dma source(%arg8 : memref<64x128xf32, #tpu.memory_space<vmem>>) target(%dma_start3A_298 : memref<64x128xf32, #tpu.memory_space<vmem_shared>>) target_semaphore(%run_scoped3A : memref<!tpu.dma_semaphore, #tpu.memory_space<semaphore_mem>>)
      %dma_wait3A_299 = arith.constant 0 : i32
      %dma_wait3A_300 = tpu.memref_slice %arg15[%add3A_29, %dma_wait3A_299] : memref<10240x128xf32, #tpu.memory_space<vmem_shared>> -> memref<64x128xf32, #tpu.memory_space<vmem_shared>>
      %dma_wait3A_301 = arith.constant 0 : i32
      %dma_wait3A_302 = tpu.memref_slice %arg15[%add3A_29, %dma_wait3A_301] : memref<10240x128xf32, #tpu.memory_space<vmem_shared>> -> memref<64x128xf32, #tpu.memory_space<vmem_shared>>
      tpu.wait_dma2 semaphore(%run_scoped3A : memref<!tpu.dma_semaphore, #tpu.memory_space<semaphore_mem>>) src(%arg8 : memref<64x128xf32, #tpu.memory_space<vmem>>) dst(%dma_wait3A_302 : memref<64x128xf32, #tpu.memory_space<vmem_shared>>)
      tpu.yield
    }) : () -> ()
    %mul3A_30 = arith.constant 640 : i32
    %mul3A_31 = arith.muli %arg1, %mul3A_30 : i32
    %add3A_32 = arith.constant 384 : i32
    %add3A_33 = arith.addi %mul3A_31, %add3A_32 : i32
    "tpu.region"() ({
      %run_scoped3A = tpu.sem_alloc : memref<!tpu.dma_semaphore, #tpu.memory_space<semaphore_mem>>
      %dma_start3A_295 = arith.constant 0 : i32
      %dma_start3A_296 = tpu.memref_slice %arg15[%add3A_33, %dma_start3A_295] : memref<10240x128xf32, #tpu.memory_space<vmem_shared>> -> memref<64x128xf32, #tpu.memory_space<vmem_shared>>
      %dma_start3A_297 = arith.constant 0 : i32
      %dma_start3A_298 = tpu.memref_slice %arg15[%add3A_33, %dma_start3A_297] : memref<10240x128xf32, #tpu.memory_space<vmem_shared>> -> memref<64x128xf32, #tpu.memory_space<vmem_shared>>
      tpu.enqueue_dma source(%arg8 : memref<64x128xf32, #tpu.memory_space<vmem>>) target(%dma_start3A_298 : memref<64x128xf32, #tpu.memory_space<vmem_shared>>) target_semaphore(%run_scoped3A : memref<!tpu.dma_semaphore, #tpu.memory_space<semaphore_mem>>)
      %dma_wait3A_299 = arith.constant 0 : i32
      %dma_wait3A_300 = tpu.memref_slice %arg15[%add3A_33, %dma_wait3A_299] : memref<10240x128xf32, #tpu.memory_space<vmem_shared>> -> memref<64x128xf32, #tpu.memory_space<vmem_shared>>
      %dma_wait3A_301 = arith.constant 0 : i32
      %dma_wait3A_302 = tpu.memref_slice %arg15[%add3A_33, %dma_wait3A_301] : memref<10240x128xf32, #tpu.memory_space<vmem_shared>> -> memref<64x128xf32, #tpu.memory_space<vmem_shared>>
      tpu.wait_dma2 semaphore(%run_scoped3A : memref<!tpu.dma_semaphore, #tpu.memory_space<semaphore_mem>>) src(%arg8 : memref<64x128xf32, #tpu.memory_space<vmem>>) dst(%dma_wait3A_302 : memref<64x128xf32, #tpu.memory_space<vmem_shared>>)
      tpu.yield
    }) : () -> ()
    %mul3A_34 = arith.constant 640 : i32
    %mul3A_35 = arith.muli %arg1, %mul3A_34 : i32
    %add3A_36 = arith.constant 448 : i32
    %add3A_37 = arith.addi %mul3A_35, %add3A_36 : i32
    "tpu.region"() ({
      %run_scoped3A = tpu.sem_alloc : memref<!tpu.dma_semaphore, #tpu.memory_space<semaphore_mem>>
      %dma_start3A_295 = arith.constant 0 : i32
      %dma_start3A_296 = tpu.memref_slice %arg15[%add3A_37, %dma_start3A_295] : memref<10240x128xf32, #tpu.memory_space<vmem_shared>> -> memref<64x128xf32, #tpu.memory_space<vmem_shared>>
      %dma_start3A_297 = arith.constant 0 : i32
      %dma_start3A_298 = tpu.memref_slice %arg15[%add3A_37, %dma_start3A_297] : memref<10240x128xf32, #tpu.memory_space<vmem_shared>> -> memref<64x128xf32, #tpu.memory_space<vmem_shared>>
      tpu.enqueue_dma source(%arg8 : memref<64x128xf32, #tpu.memory_space<vmem>>) target(%dma_start3A_298 : memref<64x128xf32, #tpu.memory_space<vmem_shared>>) target_semaphore(%run_scoped3A : memref<!tpu.dma_semaphore, #tpu.memory_space<semaphore_mem>>)
      %dma_wait3A_299 = arith.constant 0 : i32
      %dma_wait3A_300 = tpu.memref_slice %arg15[%add3A_37, %dma_wait3A_299] : memref<10240x128xf32, #tpu.memory_space<vmem_shared>> -> memref<64x128xf32, #tpu.memory_space<vmem_shared>>
      %dma_wait3A_301 = arith.constant 0 : i32
      %dma_wait3A_302 = tpu.memref_slice %arg15[%add3A_37, %dma_wait3A_301] : memref<10240x128xf32, #tpu.memory_space<vmem_shared>> -> memref<64x128xf32, #tpu.memory_space<vmem_shared>>
      tpu.wait_dma2 semaphore(%run_scoped3A : memref<!tpu.dma_semaphore, #tpu.memory_space<semaphore_mem>>) src(%arg8 : memref<64x128xf32, #tpu.memory_space<vmem>>) dst(%dma_wait3A_302 : memref<64x128xf32, #tpu.memory_space<vmem_shared>>)
      tpu.yield
    }) : () -> ()
    %mul3A_38 = arith.constant 640 : i32
    %mul3A_39 = arith.muli %arg1, %mul3A_38 : i32
    %add3A_40 = arith.constant 512 : i32
    %add3A_41 = arith.addi %mul3A_39, %add3A_40 : i32
    "tpu.region"() ({
      %run_scoped3A = tpu.sem_alloc : memref<!tpu.dma_semaphore, #tpu.memory_space<semaphore_mem>>
      %dma_start3A_295 = arith.constant 0 : i32
      %dma_start3A_296 = tpu.memref_slice %arg15[%add3A_41, %dma_start3A_295] : memref<10240x128xf32, #tpu.memory_space<vmem_shared>> -> memref<64x128xf32, #tpu.memory_space<vmem_shared>>
      %dma_start3A_297 = arith.constant 0 : i32
      %dma_start3A_298 = tpu.memref_slice %arg15[%add3A_41, %dma_start3A_297] : memref<10240x128xf32, #tpu.memory_space<vmem_shared>> -> memref<64x128xf32, #tpu.memory_space<vmem_shared>>
      tpu.enqueue_dma source(%arg8 : memref<64x128xf32, #tpu.memory_space<vmem>>) target(%dma_start3A_298 : memref<64x128xf32, #tpu.memory_space<vmem_shared>>) target_semaphore(%run_scoped3A : memref<!tpu.dma_semaphore, #tpu.memory_space<semaphore_mem>>)
      %dma_wait3A_299 = arith.constant 0 : i32
      %dma_wait3A_300 = tpu.memref_slice %arg15[%add3A_41, %dma_wait3A_299] : memref<10240x128xf32, #tpu.memory_space<vmem_shared>> -> memref<64x128xf32, #tpu.memory_space<vmem_shared>>
      %dma_wait3A_301 = arith.constant 0 : i32
      %dma_wait3A_302 = tpu.memref_slice %arg15[%add3A_41, %dma_wait3A_301] : memref<10240x128xf32, #tpu.memory_space<vmem_shared>> -> memref<64x128xf32, #tpu.memory_space<vmem_shared>>
      tpu.wait_dma2 semaphore(%run_scoped3A : memref<!tpu.dma_semaphore, #tpu.memory_space<semaphore_mem>>) src(%arg8 : memref<64x128xf32, #tpu.memory_space<vmem>>) dst(%dma_wait3A_302 : memref<64x128xf32, #tpu.memory_space<vmem_shared>>)
      tpu.yield
    }) : () -> ()
    %mul3A_42 = arith.constant 640 : i32
    %mul3A_43 = arith.muli %arg1, %mul3A_42 : i32
    %add3A_44 = arith.constant 576 : i32
    %add3A_45 = arith.addi %mul3A_43, %add3A_44 : i32
    "tpu.region"() ({
      %run_scoped3A = tpu.sem_alloc : memref<!tpu.dma_semaphore, #tpu.memory_space<semaphore_mem>>
      %dma_start3A_295 = arith.constant 0 : i32
      %dma_start3A_296 = tpu.memref_slice %arg15[%add3A_45, %dma_start3A_295] : memref<10240x128xf32, #tpu.memory_space<vmem_shared>> -> memref<64x128xf32, #tpu.memory_space<vmem_shared>>
      %dma_start3A_297 = arith.constant 0 : i32
      %dma_start3A_298 = tpu.memref_slice %arg15[%add3A_45, %dma_start3A_297] : memref<10240x128xf32, #tpu.memory_space<vmem_shared>> -> memref<64x128xf32, #tpu.memory_space<vmem_shared>>
      tpu.enqueue_dma source(%arg8 : memref<64x128xf32, #tpu.memory_space<vmem>>) target(%dma_start3A_298 : memref<64x128xf32, #tpu.memory_space<vmem_shared>>) target_semaphore(%run_scoped3A : memref<!tpu.dma_semaphore, #tpu.memory_space<semaphore_mem>>)
      %dma_wait3A_299 = arith.constant 0 : i32
      %dma_wait3A_300 = tpu.memref_slice %arg15[%add3A_45, %dma_wait3A_299] : memref<10240x128xf32, #tpu.memory_space<vmem_shared>> -> memref<64x128xf32, #tpu.memory_space<vmem_shared>>
      %dma_wait3A_301 = arith.constant 0 : i32
      %dma_wait3A_302 = tpu.memref_slice %arg15[%add3A_45, %dma_wait3A_301] : memref<10240x128xf32, #tpu.memory_space<vmem_shared>> -> memref<64x128xf32, #tpu.memory_space<vmem_shared>>
      tpu.wait_dma2 semaphore(%run_scoped3A : memref<!tpu.dma_semaphore, #tpu.memory_space<semaphore_mem>>) src(%arg8 : memref<64x128xf32, #tpu.memory_space<vmem>>) dst(%dma_wait3A_302 : memref<64x128xf32, #tpu.memory_space<vmem_shared>>)
      tpu.yield
    }) : () -> ()
    %barrier3A = arith.constant 0 : index
    tpu.barrier barrier_id(%barrier3A)
    %get3A = arith.constant 0 : i32
    %get3A_46 = arith.index_cast %get3A : i32 to index
    %get3A_47 = arith.constant 0 : index
    %get3A_48 = tpu.vector_load %arg5[%get3A_46, %get3A_47] {strides = array<i32>} : memref<157x64xi32, #tpu.memory_space<vmem>>, vector<1x16xi32>,
    %get3A_49 = vector.shape_cast %get3A_48 : vector<1x16xi32> to vector<16xi32>
    %and3A = arith.constant 65535 : i32
    %and3A_50 = vector.broadcast %and3A : i32 to vector<16xi32>
    %and3A_51 = arith.andi %get3A_49, %and3A_50 : vector<16xi32>
    %swap3A = arith.constant 0 : index
    %swap3A_52 = tpu.vector_load %arg6[%swap3A] {strides = array<i32>} : memref<64xi32, #tpu.memory_space<vmem>>, vector<16xi32>,
    %swap3A_53 = vector.shape_cast %swap3A_52 : vector<16xi32> to vector<16xi32>
    %swap3A_54 = vector.shape_cast %and3A_51 : vector<16xi32> to vector<16xi32>
    tpu.vector_store %arg6[%swap3A], %swap3A_54 {strides = array<i32>} : memref<64xi32, #tpu.memory_space<vmem>>, vector<16xi32>,
    %shift_right_arithmetic3A = arith.constant 16 : i32
    %shift_right_arithmetic3A_55 = vector.broadcast %shift_right_arithmetic3A : i32 to vector<16xi32>
    %shift_right_arithmetic3A_56 = arith.shrsi %get3A_49, %shift_right_arithmetic3A_55 : vector<16xi32>
    %swap3A_57 = arith.constant 0 : index
    %swap3A_58 = tpu.vector_load %arg7[%swap3A_57] {strides = array<i32>} : memref<64xi32, #tpu.memory_space<vmem>>, vector<16xi32>,
    %swap3A_59 = vector.shape_cast %swap3A_58 : vector<16xi32> to vector<16xi32>
    %swap3A_60 = vector.shape_cast %shift_right_arithmetic3A_56 : vector<16xi32> to vector<16xi32>
    tpu.vector_store %arg7[%swap3A_57], %swap3A_60 {strides = array<i32>} : memref<64xi32, #tpu.memory_space<vmem>>, vector<16xi32>,
    %get3A_61 = arith.constant 0 : i32
    %get3A_62 = arith.index_cast %get3A_61 : i32 to index
    %get3A_63 = arith.constant 16 : index
    %get3A_64 = tpu.vector_load %arg5[%get3A_62, %get3A_63] {strides = array<i32>} : memref<157x64xi32, #tpu.memory_space<vmem>>, vector<1x16xi32>,
    %get3A_65 = vector.shape_cast %get3A_64 : vector<1x16xi32> to vector<16xi32>
    %and3A_66 = arith.constant 65535 : i32
    %and3A_67 = vector.broadcast %and3A_66 : i32 to vector<16xi32>
    %and3A_68 = arith.andi %get3A_65, %and3A_67 : vector<16xi32>
    %swap3A_69 = arith.constant 16 : index
    %swap3A_70 = tpu.vector_load %arg6[%swap3A_69] {strides = array<i32>} : memref<64xi32, #tpu.memory_space<vmem>>, vector<16xi32>,
    %swap3A_71 = vector.shape_cast %swap3A_70 : vector<16xi32> to vector<16xi32>
    %swap3A_72 = vector.shape_cast %and3A_68 : vector<16xi32> to vector<16xi32>
    tpu.vector_store %arg6[%swap3A_69], %swap3A_72 {strides = array<i32>} : memref<64xi32, #tpu.memory_space<vmem>>, vector<16xi32>,
    %shift_right_arithmetic3A_73 = arith.constant 16 : i32
    %shift_right_arithmetic3A_74 = vector.broadcast %shift_right_arithmetic3A_73 : i32 to vector<16xi32>
    %shift_right_arithmetic3A_75 = arith.shrsi %get3A_65, %shift_right_arithmetic3A_74 : vector<16xi32>
    %swap3A_76 = arith.constant 16 : index
    %swap3A_77 = tpu.vector_load %arg7[%swap3A_76] {strides = array<i32>} : memref<64xi32, #tpu.memory_space<vmem>>, vector<16xi32>,
    %swap3A_78 = vector.shape_cast %swap3A_77 : vector<16xi32> to vector<16xi32>
    %swap3A_79 = vector.shape_cast %shift_right_arithmetic3A_75 : vector<16xi32> to vector<16xi32>
    tpu.vector_store %arg7[%swap3A_76], %swap3A_79 {strides = array<i32>} : memref<64xi32, #tpu.memory_space<vmem>>, vector<16xi32>,
    %get3A_80 = arith.constant 0 : i32
    %get3A_81 = arith.index_cast %get3A_80 : i32 to index
    %get3A_82 = arith.constant 32 : index
    %get3A_83 = tpu.vector_load %arg5[%get3A_81, %get3A_82] {strides = array<i32>} : memref<157x64xi32, #tpu.memory_space<vmem>>, vector<1x16xi32>,
    %get3A_84 = vector.shape_cast %get3A_83 : vector<1x16xi32> to vector<16xi32>
    %and3A_85 = arith.constant 65535 : i32
    %and3A_86 = vector.broadcast %and3A_85 : i32 to vector<16xi32>
    %and3A_87 = arith.andi %get3A_84, %and3A_86 : vector<16xi32>
    %swap3A_88 = arith.constant 32 : index
    %swap3A_89 = tpu.vector_load %arg6[%swap3A_88] {strides = array<i32>} : memref<64xi32, #tpu.memory_space<vmem>>, vector<16xi32>,
    %swap3A_90 = vector.shape_cast %swap3A_89 : vector<16xi32> to vector<16xi32>
    %swap3A_91 = vector.shape_cast %and3A_87 : vector<16xi32> to vector<16xi32>
    tpu.vector_store %arg6[%swap3A_88], %swap3A_91 {strides = array<i32>} : memref<64xi32, #tpu.memory_space<vmem>>, vector<16xi32>,
    %shift_right_arithmetic3A_92 = arith.constant 16 : i32
    %shift_right_arithmetic3A_93 = vector.broadcast %shift_right_arithmetic3A_92 : i32 to vector<16xi32>
    %shift_right_arithmetic3A_94 = arith.shrsi %get3A_84, %shift_right_arithmetic3A_93 : vector<16xi32>
    %swap3A_95 = arith.constant 32 : index
    %swap3A_96 = tpu.vector_load %arg7[%swap3A_95] {strides = array<i32>} : memref<64xi32, #tpu.memory_space<vmem>>, vector<16xi32>,
    %swap3A_97 = vector.shape_cast %swap3A_96 : vector<16xi32> to vector<16xi32>
    %swap3A_98 = vector.shape_cast %shift_right_arithmetic3A_94 : vector<16xi32> to vector<16xi32>
    tpu.vector_store %arg7[%swap3A_95], %swap3A_98 {strides = array<i32>} : memref<64xi32, #tpu.memory_space<vmem>>, vector<16xi32>,
    %get3A_99 = arith.constant 0 : i32
    %get3A_100 = arith.index_cast %get3A_99 : i32 to index
    %get3A_101 = arith.constant 48 : index
    %get3A_102 = tpu.vector_load %arg5[%get3A_100, %get3A_101] {strides = array<i32>} : memref<157x64xi32, #tpu.memory_space<vmem>>, vector<1x16xi32>,
    %get3A_103 = vector.shape_cast %get3A_102 : vector<1x16xi32> to vector<16xi32>
    %and3A_104 = arith.constant 65535 : i32
    %and3A_105 = vector.broadcast %and3A_104 : i32 to vector<16xi32>
    %and3A_106 = arith.andi %get3A_103, %and3A_105 : vector<16xi32>
    %swap3A_107 = arith.constant 48 : index
    %swap3A_108 = tpu.vector_load %arg6[%swap3A_107] {strides = array<i32>} : memref<64xi32, #tpu.memory_space<vmem>>, vector<16xi32>,
    %swap3A_109 = vector.shape_cast %swap3A_108 : vector<16xi32> to vector<16xi32>
    %swap3A_110 = vector.shape_cast %and3A_106 : vector<16xi32> to vector<16xi32>
    tpu.vector_store %arg6[%swap3A_107], %swap3A_110 {strides = array<i32>} : memref<64xi32, #tpu.memory_space<vmem>>, vector<16xi32>,
    %shift_right_arithmetic3A_111 = arith.constant 16 : i32
    %shift_right_arithmetic3A_112 = vector.broadcast %shift_right_arithmetic3A_111 : i32 to vector<16xi32>
    %shift_right_arithmetic3A_113 = arith.shrsi %get3A_103, %shift_right_arithmetic3A_112 : vector<16xi32>
    %swap3A_114 = arith.constant 48 : index
    %swap3A_115 = tpu.vector_load %arg7[%swap3A_114] {strides = array<i32>} : memref<64xi32, #tpu.memory_space<vmem>>, vector<16xi32>,
    %swap3A_116 = vector.shape_cast %swap3A_115 : vector<16xi32> to vector<16xi32>
    %swap3A_117 = vector.shape_cast %shift_right_arithmetic3A_113 : vector<16xi32> to vector<16xi32>
    tpu.vector_store %arg7[%swap3A_114], %swap3A_117 {strides = array<i32>} : memref<64xi32, #tpu.memory_space<vmem>>, vector<16xi32>,
    %dma_start3A = arith.constant 0 : i32
    %dma_start3A_118 = arith.constant 0 : i32
    %dma_start3A_119 = tpu.memref_slice %arg2[%dma_start3A, %dma_start3A_118] : memref<10000x128xf32, #tpu.memory_space<hbm>> -> memref<10000x128xf32, #tpu.memory_space<hbm>>
    tpu.enqueue_indirect_dma source(%dma_start3A_119 : memref<10000x128xf32, #tpu.memory_space<hbm>>) target(%arg8 : memref<64x128xf32, #tpu.memory_space<vmem>>) offsets(%arg6 : memref<64xi32, #tpu.memory_space<vmem>>) semaphore(%arg16 : memref<!tpu.dma_semaphore, #tpu.memory_space<semaphore_mem>>)
    %get3A_120 = arith.constant 1 : i32
    %get3A_121 = arith.index_cast %get3A_120 : i32 to index
    %get3A_122 = arith.constant 0 : index
    %get3A_123 = tpu.vector_load %arg5[%get3A_121, %get3A_122] {strides = array<i32>} : memref<157x64xi32, #tpu.memory_space<vmem>>, vector<1x16xi32>,
    %get3A_124 = vector.shape_cast %get3A_123 : vector<1x16xi32> to vector<16xi32>
    %and3A_125 = arith.constant 65535 : i32
    %and3A_126 = vector.broadcast %and3A_125 : i32 to vector<16xi32>
    %and3A_127 = arith.andi %get3A_124, %and3A_126 : vector<16xi32>
    %swap3A_128 = arith.constant 0 : index
    %swap3A_129 = tpu.vector_load %arg9[%swap3A_128] {strides = array<i32>} : memref<64xi32, #tpu.memory_space<vmem>>, vector<16xi32>,
    %swap3A_130 = vector.shape_cast %swap3A_129 : vector<16xi32> to vector<16xi32>
    %swap3A_131 = vector.shape_cast %and3A_127 : vector<16xi32> to vector<16xi32>
    tpu.vector_store %arg9[%swap3A_128], %swap3A_131 {strides = array<i32>} : memref<64xi32, #tpu.memory_space<vmem>>, vector<16xi32>,
    %shift_right_arithmetic3A_132 = arith.constant 16 : i32
    %shift_right_arithmetic3A_133 = vector.broadcast %shift_right_arithmetic3A_132 : i32 to vector<16xi32>
    %shift_right_arithmetic3A_134 = arith.shrsi %get3A_124, %shift_right_arithmetic3A_133 : vector<16xi32>
    %swap3A_135 = arith.constant 0 : index
    %swap3A_136 = tpu.vector_load %arg10[%swap3A_135] {strides = array<i32>} : memref<64xi32, #tpu.memory_space<vmem>>, vector<16xi32>,
    %swap3A_137 = vector.shape_cast %swap3A_136 : vector<16xi32> to vector<16xi32>
    %swap3A_138 = vector.shape_cast %shift_right_arithmetic3A_134 : vector<16xi32> to vector<16xi32>
    tpu.vector_store %arg10[%swap3A_135], %swap3A_138 {strides = array<i32>} : memref<64xi32, #tpu.memory_space<vmem>>, vector<16xi32>,
    %get3A_139 = arith.constant 1 : i32
    %get3A_140 = arith.index_cast %get3A_139 : i32 to index
    %get3A_141 = arith.constant 16 : index
    %get3A_142 = tpu.vector_load %arg5[%get3A_140, %get3A_141] {strides = array<i32>} : memref<157x64xi32, #tpu.memory_space<vmem>>, vector<1x16xi32>,
    %get3A_143 = vector.shape_cast %get3A_142 : vector<1x16xi32> to vector<16xi32>
    %and3A_144 = arith.constant 65535 : i32
    %and3A_145 = vector.broadcast %and3A_144 : i32 to vector<16xi32>
    %and3A_146 = arith.andi %get3A_143, %and3A_145 : vector<16xi32>
    %swap3A_147 = arith.constant 16 : index
    %swap3A_148 = tpu.vector_load %arg9[%swap3A_147] {strides = array<i32>} : memref<64xi32, #tpu.memory_space<vmem>>, vector<16xi32>,
    %swap3A_149 = vector.shape_cast %swap3A_148 : vector<16xi32> to vector<16xi32>
    %swap3A_150 = vector.shape_cast %and3A_146 : vector<16xi32> to vector<16xi32>
    tpu.vector_store %arg9[%swap3A_147], %swap3A_150 {strides = array<i32>} : memref<64xi32, #tpu.memory_space<vmem>>, vector<16xi32>,
    %shift_right_arithmetic3A_151 = arith.constant 16 : i32
    %shift_right_arithmetic3A_152 = vector.broadcast %shift_right_arithmetic3A_151 : i32 to vector<16xi32>
    %shift_right_arithmetic3A_153 = arith.shrsi %get3A_143, %shift_right_arithmetic3A_152 : vector<16xi32>
    %swap3A_154 = arith.constant 16 : index
    %swap3A_155 = tpu.vector_load %arg10[%swap3A_154] {strides = array<i32>} : memref<64xi32, #tpu.memory_space<vmem>>, vector<16xi32>,
    %swap3A_156 = vector.shape_cast %swap3A_155 : vector<16xi32> to vector<16xi32>
    %swap3A_157 = vector.shape_cast %shift_right_arithmetic3A_153 : vector<16xi32> to vector<16xi32>
    tpu.vector_store %arg10[%swap3A_154], %swap3A_157 {strides = array<i32>} : memref<64xi32, #tpu.memory_space<vmem>>, vector<16xi32>,
    %get3A_158 = arith.constant 1 : i32
    %get3A_159 = arith.index_cast %get3A_158 : i32 to index
    %get3A_160 = arith.constant 32 : index
    %get3A_161 = tpu.vector_load %arg5[%get3A_159, %get3A_160] {strides = array<i32>} : memref<157x64xi32, #tpu.memory_space<vmem>>, vector<1x16xi32>,
    %get3A_162 = vector.shape_cast %get3A_161 : vector<1x16xi32> to vector<16xi32>
    %and3A_163 = arith.constant 65535 : i32
    %and3A_164 = vector.broadcast %and3A_163 : i32 to vector<16xi32>
    %and3A_165 = arith.andi %get3A_162, %and3A_164 : vector<16xi32>
    %swap3A_166 = arith.constant 32 : index
    %swap3A_167 = tpu.vector_load %arg9[%swap3A_166] {strides = array<i32>} : memref<64xi32, #tpu.memory_space<vmem>>, vector<16xi32>,
    %swap3A_168 = vector.shape_cast %swap3A_167 : vector<16xi32> to vector<16xi32>
    %swap3A_169 = vector.shape_cast %and3A_165 : vector<16xi32> to vector<16xi32>
    tpu.vector_store %arg9[%swap3A_166], %swap3A_169 {strides = array<i32>} : memref<64xi32, #tpu.memory_space<vmem>>, vector<16xi32>,
    %shift_right_arithmetic3A_170 = arith.constant 16 : i32
    %shift_right_arithmetic3A_171 = vector.broadcast %shift_right_arithmetic3A_170 : i32 to vector<16xi32>
    %shift_right_arithmetic3A_172 = arith.shrsi %get3A_162, %shift_right_arithmetic3A_171 : vector<16xi32>
    %swap3A_173 = arith.constant 32 : index
    %swap3A_174 = tpu.vector_load %arg10[%swap3A_173] {strides = array<i32>} : memref<64xi32, #tpu.memory_space<vmem>>, vector<16xi32>,
    %swap3A_175 = vector.shape_cast %swap3A_174 : vector<16xi32> to vector<16xi32>
    %swap3A_176 = vector.shape_cast %shift_right_arithmetic3A_172 : vector<16xi32> to vector<16xi32>
    tpu.vector_store %arg10[%swap3A_173], %swap3A_176 {strides = array<i32>} : memref<64xi32, #tpu.memory_space<vmem>>, vector<16xi32>,
    %get3A_177 = arith.constant 1 : i32
    %get3A_178 = arith.index_cast %get3A_177 : i32 to index
    %get3A_179 = arith.constant 48 : index
    %get3A_180 = tpu.vector_load %arg5[%get3A_178, %get3A_179] {strides = array<i32>} : memref<157x64xi32, #tpu.memory_space<vmem>>, vector<1x16xi32>,
    %get3A_181 = vector.shape_cast %get3A_180 : vector<1x16xi32> to vector<16xi32>
    %and3A_182 = arith.constant 65535 : i32
    %and3A_183 = vector.broadcast %and3A_182 : i32 to vector<16xi32>
    %and3A_184 = arith.andi %get3A_181, %and3A_183 : vector<16xi32>
    %swap3A_185 = arith.constant 48 : index
    %swap3A_186 = tpu.vector_load %arg9[%swap3A_185] {strides = array<i32>} : memref<64xi32, #tpu.memory_space<vmem>>, vector<16xi32>,
    %swap3A_187 = vector.shape_cast %swap3A_186 : vector<16xi32> to vector<16xi32>
    %swap3A_188 = vector.shape_cast %and3A_184 : vector<16xi32> to vector<16xi32>
    tpu.vector_store %arg9[%swap3A_185], %swap3A_188 {strides = array<i32>} : memref<64xi32, #tpu.memory_space<vmem>>, vector<16xi32>,
    %shift_right_arithmetic3A_189 = arith.constant 16 : i32
    %shift_right_arithmetic3A_190 = vector.broadcast %shift_right_arithmetic3A_189 : i32 to vector<16xi32>
    %shift_right_arithmetic3A_191 = arith.shrsi %get3A_181, %shift_right_arithmetic3A_190 : vector<16xi32>
    %swap3A_192 = arith.constant 48 : index
    %swap3A_193 = tpu.vector_load %arg10[%swap3A_192] {strides = array<i32>} : memref<64xi32, #tpu.memory_space<vmem>>, vector<16xi32>,
    %swap3A_194 = vector.shape_cast %swap3A_193 : vector<16xi32> to vector<16xi32>
    %swap3A_195 = vector.shape_cast %shift_right_arithmetic3A_191 : vector<16xi32> to vector<16xi32>
    tpu.vector_store %arg10[%swap3A_192], %swap3A_195 {strides = array<i32>} : memref<64xi32, #tpu.memory_space<vmem>>, vector<16xi32>,
    %dma_start3A_196 = arith.constant 0 : i32
    %dma_start3A_197 = arith.constant 0 : i32
    %dma_start3A_198 = tpu.memref_slice %arg2[%dma_start3A_196, %dma_start3A_197] : memref<10000x128xf32, #tpu.memory_space<hbm>> -> memref<10000x128xf32, #tpu.memory_space<hbm>>
    tpu.enqueue_indirect_dma source(%dma_start3A_198 : memref<10000x128xf32, #tpu.memory_space<hbm>>) target(%arg11 : memref<64x128xf32, #tpu.memory_space<vmem>>) offsets(%arg9 : memref<64xi32, #tpu.memory_space<vmem>>) semaphore(%arg17 : memref<!tpu.dma_semaphore, #tpu.memory_space<semaphore_mem>>)
    %get3A_199 = arith.constant 2 : i32
    %get3A_200 = arith.index_cast %get3A_199 : i32 to index
    %get3A_201 = arith.constant 0 : index
    %get3A_202 = tpu.vector_load %arg5[%get3A_200, %get3A_201] {strides = array<i32>} : memref<157x64xi32, #tpu.memory_space<vmem>>, vector<1x16xi32>,
    %get3A_203 = vector.shape_cast %get3A_202 : vector<1x16xi32> to vector<16xi32>
    %and3A_204 = arith.constant 65535 : i32
    %and3A_205 = vector.broadcast %and3A_204 : i32 to vector<16xi32>
    %and3A_206 = arith.andi %get3A_203, %and3A_205 : vector<16xi32>
    %swap3A_207 = arith.constant 0 : index
    %swap3A_208 = tpu.vector_load %arg12[%swap3A_207] {strides = array<i32>} : memref<64xi32, #tpu.memory_space<vmem>>, vector<16xi32>,
    %swap3A_209 = vector.shape_cast %swap3A_208 : vector<16xi32> to vector<16xi32>
    %swap3A_210 = vector.shape_cast %and3A_206 : vector<16xi32> to vector<16xi32>
    tpu.vector_store %arg12[%swap3A_207], %swap3A_210 {strides = array<i32>} : memref<64xi32, #tpu.memory_space<vmem>>, vector<16xi32>,
    %shift_right_arithmetic3A_211 = arith.constant 16 : i32
    %shift_right_arithmetic3A_212 = vector.broadcast %shift_right_arithmetic3A_211 : i32 to vector<16xi32>
    %shift_right_arithmetic3A_213 = arith.shrsi %get3A_203, %shift_right_arithmetic3A_212 : vector<16xi32>
    %swap3A_214 = arith.constant 0 : index
    %swap3A_215 = tpu.vector_load %arg13[%swap3A_214] {strides = array<i32>} : memref<64xi32, #tpu.memory_space<vmem>>, vector<16xi32>,
    %swap3A_216 = vector.shape_cast %swap3A_215 : vector<16xi32> to vector<16xi32>
    %swap3A_217 = vector.shape_cast %shift_right_arithmetic3A_213 : vector<16xi32> to vector<16xi32>
    tpu.vector_store %arg13[%swap3A_214], %swap3A_217 {strides = array<i32>} : memref<64xi32, #tpu.memory_space<vmem>>, vector<16xi32>,
    %get3A_218 = arith.constant 2 : i32
    %get3A_219 = arith.index_cast %get3A_218 : i32 to index
    %get3A_220 = arith.constant 16 : index
    %get3A_221 = tpu.vector_load %arg5[%get3A_219, %get3A_220] {strides = array<i32>} : memref<157x64xi32, #tpu.memory_space<vmem>>, vector<1x16xi32>,
    %get3A_222 = vector.shape_cast %get3A_221 : vector<1x16xi32> to vector<16xi32>
    %and3A_223 = arith.constant 65535 : i32
    %and3A_224 = vector.broadcast %and3A_223 : i32 to vector<16xi32>
    %and3A_225 = arith.andi %get3A_222, %and3A_224 : vector<16xi32>
    %swap3A_226 = arith.constant 16 : index
    %swap3A_227 = tpu.vector_load %arg12[%swap3A_226] {strides = array<i32>} : memref<64xi32, #tpu.memory_space<vmem>>, vector<16xi32>,
    %swap3A_228 = vector.shape_cast %swap3A_227 : vector<16xi32> to vector<16xi32>
    %swap3A_229 = vector.shape_cast %and3A_225 : vector<16xi32> to vector<16xi32>
    tpu.vector_store %arg12[%swap3A_226], %swap3A_229 {strides = array<i32>} : memref<64xi32, #tpu.memory_space<vmem>>, vector<16xi32>,
    %shift_right_arithmetic3A_230 = arith.constant 16 : i32
    %shift_right_arithmetic3A_231 = vector.broadcast %shift_right_arithmetic3A_230 : i32 to vector<16xi32>
    %shift_right_arithmetic3A_232 = arith.shrsi %get3A_222, %shift_right_arithmetic3A_231 : vector<16xi32>
    %swap3A_233 = arith.constant 16 : index
    %swap3A_234 = tpu.vector_load %arg13[%swap3A_233] {strides = array<i32>} : memref<64xi32, #tpu.memory_space<vmem>>, vector<16xi32>,
    %swap3A_235 = vector.shape_cast %swap3A_234 : vector<16xi32> to vector<16xi32>
    %swap3A_236 = vector.shape_cast %shift_right_arithmetic3A_232 : vector<16xi32> to vector<16xi32>
    tpu.vector_store %arg13[%swap3A_233], %swap3A_236 {strides = array<i32>} : memref<64xi32, #tpu.memory_space<vmem>>, vector<16xi32>,
    %get3A_237 = arith.constant 2 : i32
    %get3A_238 = arith.index_cast %get3A_237 : i32 to index
    %get3A_239 = arith.constant 32 : index
    %get3A_240 = tpu.vector_load %arg5[%get3A_238, %get3A_239] {strides = array<i32>} : memref<157x64xi32, #tpu.memory_space<vmem>>, vector<1x16xi32>,
    %get3A_241 = vector.shape_cast %get3A_240 : vector<1x16xi32> to vector<16xi32>
    %and3A_242 = arith.constant 65535 : i32
    %and3A_243 = vector.broadcast %and3A_242 : i32 to vector<16xi32>
    %and3A_244 = arith.andi %get3A_241, %and3A_243 : vector<16xi32>
    %swap3A_245 = arith.constant 32 : index
    %swap3A_246 = tpu.vector_load %arg12[%swap3A_245] {strides = array<i32>} : memref<64xi32, #tpu.memory_space<vmem>>, vector<16xi32>,
    %swap3A_247 = vector.shape_cast %swap3A_246 : vector<16xi32> to vector<16xi32>
    %swap3A_248 = vector.shape_cast %and3A_244 : vector<16xi32> to vector<16xi32>
    tpu.vector_store %arg12[%swap3A_245], %swap3A_248 {strides = array<i32>} : memref<64xi32, #tpu.memory_space<vmem>>, vector<16xi32>,
    %shift_right_arithmetic3A_249 = arith.constant 16 : i32
    %shift_right_arithmetic3A_250 = vector.broadcast %shift_right_arithmetic3A_249 : i32 to vector<16xi32>
    %shift_right_arithmetic3A_251 = arith.shrsi %get3A_241, %shift_right_arithmetic3A_250 : vector<16xi32>
    %swap3A_252 = arith.constant 32 : index
    %swap3A_253 = tpu.vector_load %arg13[%swap3A_252] {strides = array<i32>} : memref<64xi32, #tpu.memory_space<vmem>>, vector<16xi32>,
    %swap3A_254 = vector.shape_cast %swap3A_253 : vector<16xi32> to vector<16xi32>
    %swap3A_255 = vector.shape_cast %shift_right_arithmetic3A_251 : vector<16xi32> to vector<16xi32>
    tpu.vector_store %arg13[%swap3A_252], %swap3A_255 {strides = array<i32>} : memref<64xi32, #tpu.memory_space<vmem>>, vector<16xi32>,
    %get3A_256 = arith.constant 2 : i32
    %get3A_257 = arith.index_cast %get3A_256 : i32 to index
    %get3A_258 = arith.constant 48 : index
    %get3A_259 = tpu.vector_load %arg5[%get3A_257, %get3A_258] {strides = array<i32>} : memref<157x64xi32, #tpu.memory_space<vmem>>, vector<1x16xi32>,
    %get3A_260 = vector.shape_cast %get3A_259 : vector<1x16xi32> to vector<16xi32>
    %and3A_261 = arith.constant 65535 : i32
    %and3A_262 = vector.broadcast %and3A_261 : i32 to vector<16xi32>
    %and3A_263 = arith.andi %get3A_260, %and3A_262 : vector<16xi32>
    %swap3A_264 = arith.constant 48 : index
    %swap3A_265 = tpu.vector_load %arg12[%swap3A_264] {strides = array<i32>} : memref<64xi32, #tpu.memory_space<vmem>>, vector<16xi32>,
    %swap3A_266 = vector.shape_cast %swap3A_265 : vector<16xi32> to vector<16xi32>
    %swap3A_267 = vector.shape_cast %and3A_263 : vector<16xi32> to vector<16xi32>
    tpu.vector_store %arg12[%swap3A_264], %swap3A_267 {strides = array<i32>} : memref<64xi32, #tpu.memory_space<vmem>>, vector<16xi32>,
    %shift_right_arithmetic3A_268 = arith.constant 16 : i32
    %shift_right_arithmetic3A_269 = vector.broadcast %shift_right_arithmetic3A_268 : i32 to vector<16xi32>
    %shift_right_arithmetic3A_270 = arith.shrsi %get3A_260, %shift_right_arithmetic3A_269 : vector<16xi32>
    %swap3A_271 = arith.constant 48 : index
    %swap3A_272 = tpu.vector_load %arg13[%swap3A_271] {strides = array<i32>} : memref<64xi32, #tpu.memory_space<vmem>>, vector<16xi32>,
    %swap3A_273 = vector.shape_cast %swap3A_272 : vector<16xi32> to vector<16xi32>
    %swap3A_274 = vector.shape_cast %shift_right_arithmetic3A_270 : vector<16xi32> to vector<16xi32>
    tpu.vector_store %arg13[%swap3A_271], %swap3A_274 {strides = array<i32>} : memref<64xi32, #tpu.memory_space<vmem>>, vector<16xi32>,
    %dma_start3A_275 = arith.constant 0 : i32
    %dma_start3A_276 = arith.constant 0 : i32
    %dma_start3A_277 = tpu.memref_slice %arg2[%dma_start3A_275, %dma_start3A_276] : memref<10000x128xf32, #tpu.memory_space<hbm>> -> memref<10000x128xf32, #tpu.memory_space<hbm>>
    tpu.enqueue_indirect_dma source(%dma_start3A_277 : memref<10000x128xf32, #tpu.memory_space<hbm>>) target(%arg14 : memref<64x128xf32, #tpu.memory_space<vmem>>) offsets(%arg12 : memref<64xi32, #tpu.memory_space<vmem>>) semaphore(%arg18 : memref<!tpu.dma_semaphore, #tpu.memory_space<semaphore_mem>>)
    %scan3A_278 = arith.constant 0 : i32
    %scan3A_279 = arith.constant 0 : i32
    %scan3A_280 = arith.constant 52 : i32
    %scan3A_281 = arith.addi %scan3A_279, %scan3A_280 : i32
    %scan3A_282 = arith.constant 1 : i32
    scf.for %scan3A_295 = %scan3A_279 to %scan3A_281 step %scan3A_282  : i32 {
      %dma_wait3A_296 = arith.constant 0 : i32
      %dma_wait3A_297 = arith.constant 0 : i32
      %dma_wait3A_298 = tpu.memref_slice %arg2[%dma_wait3A_296, %dma_wait3A_297] : memref<10000x128xf32, #tpu.memory_space<hbm>> -> memref<10000x128xf32, #tpu.memory_space<hbm>>
      tpu.wait_indirect_dma semaphore(%arg16 : memref<!tpu.dma_semaphore, #tpu.memory_space<semaphore_mem>>) src(%dma_wait3A_298 : memref<10000x128xf32, #tpu.memory_space<hbm>>) dst(%arg8 : memref<64x128xf32, #tpu.memory_space<vmem>>)
      %dma_start3A_299 = arith.constant 0 : i32
      %dma_start3A_300 = arith.constant 0 : i32
      %dma_start3A_301 = tpu.memref_slice %arg15[%dma_start3A_299, %dma_start3A_300] : memref<10240x128xf32, #tpu.memory_space<vmem_shared>> -> memref<10240x128xf32, #tpu.memory_space<vmem_shared>>
      tpu.enqueue_indirect_dma source(%arg8 : memref<64x128xf32, #tpu.memory_space<vmem>>) target(%dma_start3A_301 : memref<10240x128xf32, #tpu.memory_space<vmem_shared>>) offsets(%arg7 : memref<64xi32, #tpu.memory_space<vmem>>) semaphore(%arg19 : memref<!tpu.dma_semaphore, #tpu.memory_space<semaphore_mem>>) {add = true}
      %dma_wait3A_302 = arith.constant 0 : i32
      %dma_wait3A_303 = arith.constant 0 : i32
      %dma_wait3A_304 = tpu.memref_slice %arg15[%dma_wait3A_302, %dma_wait3A_303] : memref<10240x128xf32, #tpu.memory_space<vmem_shared>> -> memref<10240x128xf32, #tpu.memory_space<vmem_shared>>
      tpu.wait_indirect_dma semaphore(%arg19 : memref<!tpu.dma_semaphore, #tpu.memory_space<semaphore_mem>>) src(%arg8 : memref<64x128xf32, #tpu.memory_space<vmem>>) dst(%dma_wait3A_304 : memref<10240x128xf32, #tpu.memory_space<vmem_shared>>)
      %mul3A_305 = arith.constant 3 : i32
      %mul3A_306 = arith.muli %mul3A_305, %scan3A_295 : i32
      %add3A_307 = arith.constant 0 : i32
      %add3A_308 = arith.addi %mul3A_306, %add3A_307 : i32
      %add3A_309 = arith.constant 3 : i32
      %add3A_310 = arith.addi %add3A_308, %add3A_309 : i32
      %lt3A = arith.constant 157 : i32
      %lt3A_311 = arith.cmpi slt, %add3A_310, %lt3A : i32
      %convert_element_type3A = arith.extui %lt3A_311 : i1 to i32
      %cond3A = arith.constant 0 : i32
      %cond3A_312 = arith.cmpi ne, %convert_element_type3A, %cond3A : i32
      scf.if %cond3A_312 {
        %get3A_353 = arith.index_cast %add3A_310 : i32 to index
        %get3A_354 = arith.constant 0 : index
        %get3A_355 = tpu.vector_load %arg5[%get3A_353, %get3A_354] {strides = array<i32>} : memref<157x64xi32, #tpu.memory_space<vmem>>, vector<1x16xi32>,
        %get3A_356 = vector.shape_cast %get3A_355 : vector<1x16xi32> to vector<16xi32>
        %and3A_357 = arith.constant 65535 : i32
        %and3A_358 = vector.broadcast %and3A_357 : i32 to vector<16xi32>
        %and3A_359 = arith.andi %get3A_356, %and3A_358 : vector<16xi32>
        %swap3A_360 = arith.constant 0 : index
        %swap3A_361 = tpu.vector_load %arg6[%swap3A_360] {strides = array<i32>} : memref<64xi32, #tpu.memory_space<vmem>>, vector<16xi32>,
        %swap3A_362 = vector.shape_cast %swap3A_361 : vector<16xi32> to vector<16xi32>
        %swap3A_363 = vector.shape_cast %and3A_359 : vector<16xi32> to vector<16xi32>
        tpu.vector_store %arg6[%swap3A_360], %swap3A_363 {strides = array<i32>} : memref<64xi32, #tpu.memory_space<vmem>>, vector<16xi32>,
        %shift_right_arithmetic3A_364 = arith.constant 16 : i32
        %shift_right_arithmetic3A_365 = vector.broadcast %shift_right_arithmetic3A_364 : i32 to vector<16xi32>
        %shift_right_arithmetic3A_366 = arith.shrsi %get3A_356, %shift_right_arithmetic3A_365 : vector<16xi32>
        %swap3A_367 = arith.constant 0 : index
        %swap3A_368 = tpu.vector_load %arg7[%swap3A_367] {strides = array<i32>} : memref<64xi32, #tpu.memory_space<vmem>>, vector<16xi32>,
        %swap3A_369 = vector.shape_cast %swap3A_368 : vector<16xi32> to vector<16xi32>
        %swap3A_370 = vector.shape_cast %shift_right_arithmetic3A_366 : vector<16xi32> to vector<16xi32>
        tpu.vector_store %arg7[%swap3A_367], %swap3A_370 {strides = array<i32>} : memref<64xi32, #tpu.memory_space<vmem>>, vector<16xi32>,
        %get3A_371 = arith.index_cast %add3A_310 : i32 to index
        %get3A_372 = arith.constant 16 : index
        %get3A_373 = tpu.vector_load %arg5[%get3A_371, %get3A_372] {strides = array<i32>} : memref<157x64xi32, #tpu.memory_space<vmem>>, vector<1x16xi32>,
        %get3A_374 = vector.shape_cast %get3A_373 : vector<1x16xi32> to vector<16xi32>
        %and3A_375 = arith.constant 65535 : i32
        %and3A_376 = vector.broadcast %and3A_375 : i32 to vector<16xi32>
        %and3A_377 = arith.andi %get3A_374, %and3A_376 : vector<16xi32>
        %swap3A_378 = arith.constant 16 : index
        %swap3A_379 = tpu.vector_load %arg6[%swap3A_378] {strides = array<i32>} : memref<64xi32, #tpu.memory_space<vmem>>, vector<16xi32>,
        %swap3A_380 = vector.shape_cast %swap3A_379 : vector<16xi32> to vector<16xi32>
        %swap3A_381 = vector.shape_cast %and3A_377 : vector<16xi32> to vector<16xi32>
        tpu.vector_store %arg6[%swap3A_378], %swap3A_381 {strides = array<i32>} : memref<64xi32, #tpu.memory_space<vmem>>, vector<16xi32>,
        %shift_right_arithmetic3A_382 = arith.constant 16 : i32
        %shift_right_arithmetic3A_383 = vector.broadcast %shift_right_arithmetic3A_382 : i32 to vector<16xi32>
        %shift_right_arithmetic3A_384 = arith.shrsi %get3A_374, %shift_right_arithmetic3A_383 : vector<16xi32>
        %swap3A_385 = arith.constant 16 : index
        %swap3A_386 = tpu.vector_load %arg7[%swap3A_385] {strides = array<i32>} : memref<64xi32, #tpu.memory_space<vmem>>, vector<16xi32>,
        %swap3A_387 = vector.shape_cast %swap3A_386 : vector<16xi32> to vector<16xi32>
        %swap3A_388 = vector.shape_cast %shift_right_arithmetic3A_384 : vector<16xi32> to vector<16xi32>
        tpu.vector_store %arg7[%swap3A_385], %swap3A_388 {strides = array<i32>} : memref<64xi32, #tpu.memory_space<vmem>>, vector<16xi32>,
        %get3A_389 = arith.index_cast %add3A_310 : i32 to index
        %get3A_390 = arith.constant 32 : index
        %get3A_391 = tpu.vector_load %arg5[%get3A_389, %get3A_390] {strides = array<i32>} : memref<157x64xi32, #tpu.memory_space<vmem>>, vector<1x16xi32>,
        %get3A_392 = vector.shape_cast %get3A_391 : vector<1x16xi32> to vector<16xi32>
        %and3A_393 = arith.constant 65535 : i32
        %and3A_394 = vector.broadcast %and3A_393 : i32 to vector<16xi32>
        %and3A_395 = arith.andi %get3A_392, %and3A_394 : vector<16xi32>
        %swap3A_396 = arith.constant 32 : index
        %swap3A_397 = tpu.vector_load %arg6[%swap3A_396] {strides = array<i32>} : memref<64xi32, #tpu.memory_space<vmem>>, vector<16xi32>,
        %swap3A_398 = vector.shape_cast %swap3A_397 : vector<16xi32> to vector<16xi32>
        %swap3A_399 = vector.shape_cast %and3A_395 : vector<16xi32> to vector<16xi32>
        tpu.vector_store %arg6[%swap3A_396], %swap3A_399 {strides = array<i32>} : memref<64xi32, #tpu.memory_space<vmem>>, vector<16xi32>,
        %shift_right_arithmetic3A_400 = arith.constant 16 : i32
        %shift_right_arithmetic3A_401 = vector.broadcast %shift_right_arithmetic3A_400 : i32 to vector<16xi32>
        %shift_right_arithmetic3A_402 = arith.shrsi %get3A_392, %shift_right_arithmetic3A_401 : vector<16xi32>
        %swap3A_403 = arith.constant 32 : index
        %swap3A_404 = tpu.vector_load %arg7[%swap3A_403] {strides = array<i32>} : memref<64xi32, #tpu.memory_space<vmem>>, vector<16xi32>,
        %swap3A_405 = vector.shape_cast %swap3A_404 : vector<16xi32> to vector<16xi32>
        %swap3A_406 = vector.shape_cast %shift_right_arithmetic3A_402 : vector<16xi32> to vector<16xi32>
        tpu.vector_store %arg7[%swap3A_403], %swap3A_406 {strides = array<i32>} : memref<64xi32, #tpu.memory_space<vmem>>, vector<16xi32>,
        %get3A_407 = arith.index_cast %add3A_310 : i32 to index
        %get3A_408 = arith.constant 48 : index
        %get3A_409 = tpu.vector_load %arg5[%get3A_407, %get3A_408] {strides = array<i32>} : memref<157x64xi32, #tpu.memory_space<vmem>>, vector<1x16xi32>,
        %get3A_410 = vector.shape_cast %get3A_409 : vector<1x16xi32> to vector<16xi32>
        %and3A_411 = arith.constant 65535 : i32
        %and3A_412 = vector.broadcast %and3A_411 : i32 to vector<16xi32>
        %and3A_413 = arith.andi %get3A_410, %and3A_412 : vector<16xi32>
        %swap3A_414 = arith.constant 48 : index
        %swap3A_415 = tpu.vector_load %arg6[%swap3A_414] {strides = array<i32>} : memref<64xi32, #tpu.memory_space<vmem>>, vector<16xi32>,
        %swap3A_416 = vector.shape_cast %swap3A_415 : vector<16xi32> to vector<16xi32>
        %swap3A_417 = vector.shape_cast %and3A_413 : vector<16xi32> to vector<16xi32>
        tpu.vector_store %arg6[%swap3A_414], %swap3A_417 {strides = array<i32>} : memref<64xi32, #tpu.memory_space<vmem>>, vector<16xi32>,
        %shift_right_arithmetic3A_418 = arith.constant 16 : i32
        %shift_right_arithmetic3A_419 = vector.broadcast %shift_right_arithmetic3A_418 : i32 to vector<16xi32>
        %shift_right_arithmetic3A_420 = arith.shrsi %get3A_410, %shift_right_arithmetic3A_419 : vector<16xi32>
        %swap3A_421 = arith.constant 48 : index
        %swap3A_422 = tpu.vector_load %arg7[%swap3A_421] {strides = array<i32>} : memref<64xi32, #tpu.memory_space<vmem>>, vector<16xi32>,
        %swap3A_423 = vector.shape_cast %swap3A_422 : vector<16xi32> to vector<16xi32>
        %swap3A_424 = vector.shape_cast %shift_right_arithmetic3A_420 : vector<16xi32> to vector<16xi32>
        tpu.vector_store %arg7[%swap3A_421], %swap3A_424 {strides = array<i32>} : memref<64xi32, #tpu.memory_space<vmem>>, vector<16xi32>,
        %dma_start3A_425 = arith.constant 0 : i32
        %dma_start3A_426 = arith.constant 0 : i32
        %dma_start3A_427 = tpu.memref_slice %arg2[%dma_start3A_425, %dma_start3A_426] : memref<10000x128xf32, #tpu.memory_space<hbm>> -> memref<10000x128xf32, #tpu.memory_space<hbm>>
        tpu.enqueue_indirect_dma source(%dma_start3A_427 : memref<10000x128xf32, #tpu.memory_space<hbm>>) target(%arg8 : memref<64x128xf32, #tpu.memory_space<vmem>>) offsets(%arg6 : memref<64xi32, #tpu.memory_space<vmem>>) semaphore(%arg16 : memref<!tpu.dma_semaphore, #tpu.memory_space<semaphore_mem>>)
      } else {
      }
      %dma_wait3A_313 = arith.constant 0 : i32
      %dma_wait3A_314 = arith.constant 0 : i32
      %dma_wait3A_315 = tpu.memref_slice %arg2[%dma_wait3A_313, %dma_wait3A_314] : memref<10000x128xf32, #tpu.memory_space<hbm>> -> memref<10000x128xf32, #tpu.memory_space<hbm>>
      tpu.wait_indirect_dma semaphore(%arg17 : memref<!tpu.dma_semaphore, #tpu.memory_space<semaphore_mem>>) src(%dma_wait3A_315 : memref<10000x128xf32, #tpu.memory_space<hbm>>) dst(%arg11 : memref<64x128xf32, #tpu.memory_space<vmem>>)
      %dma_start3A_316 = arith.constant 0 : i32
      %dma_start3A_317 = arith.constant 0 : i32
      %dma_start3A_318 = tpu.memref_slice %arg15[%dma_start3A_316, %dma_start3A_317] : memref<10240x128xf32, #tpu.memory_space<vmem_shared>> -> memref<10240x128xf32, #tpu.memory_space<vmem_shared>>
      tpu.enqueue_indirect_dma source(%arg11 : memref<64x128xf32, #tpu.memory_space<vmem>>) target(%dma_start3A_318 : memref<10240x128xf32, #tpu.memory_space<vmem_shared>>) offsets(%arg10 : memref<64xi32, #tpu.memory_space<vmem>>) semaphore(%arg20 : memref<!tpu.dma_semaphore, #tpu.memory_space<semaphore_mem>>) {add = true}
      %dma_wait3A_319 = arith.constant 0 : i32
      %dma_wait3A_320 = arith.constant 0 : i32
      %dma_wait3A_321 = tpu.memref_slice %arg15[%dma_wait3A_319, %dma_wait3A_320] : memref<10240x128xf32, #tpu.memory_space<vmem_shared>> -> memref<10240x128xf32, #tpu.memory_space<vmem_shared>>
      tpu.wait_indirect_dma semaphore(%arg20 : memref<!tpu.dma_semaphore, #tpu.memory_space<semaphore_mem>>) src(%arg11 : memref<64x128xf32, #tpu.memory_space<vmem>>) dst(%dma_wait3A_321 : memref<10240x128xf32, #tpu.memory_space<vmem_shared>>)
      %mul3A_322 = arith.constant 3 : i32
      %mul3A_323 = arith.muli %mul3A_322, %scan3A_295 : i32
      %add3A_324 = arith.constant 1 : i32
      %add3A_325 = arith.addi %mul3A_323, %add3A_324 : i32
      %add3A_326 = arith.constant 3 : i32
      %add3A_327 = arith.addi %add3A_325, %add3A_326 : i32
      %lt3A_328 = arith.constant 157 : i32
      %lt3A_329 = arith.cmpi slt, %add3A_327, %lt3A_328 : i32
      %convert_element_type3A_330 = arith.extui %lt3A_329 : i1 to i32
      %cond3A_331 = arith.constant 0 : i32
      %cond3A_332 = arith.cmpi ne, %convert_element_type3A_330, %cond3A_331 : i32
      scf.if %cond3A_332 {
        %get3A_353 = arith.index_cast %add3A_327 : i32 to index
        %get3A_354 = arith.constant 0 : index
        %get3A_355 = tpu.vector_load %arg5[%get3A_353, %get3A_354] {strides = array<i32>} : memref<157x64xi32, #tpu.memory_space<vmem>>, vector<1x16xi32>,
        %get3A_356 = vector.shape_cast %get3A_355 : vector<1x16xi32> to vector<16xi32>
        %and3A_357 = arith.constant 65535 : i32
        %and3A_358 = vector.broadcast %and3A_357 : i32 to vector<16xi32>
        %and3A_359 = arith.andi %get3A_356, %and3A_358 : vector<16xi32>
        %swap3A_360 = arith.constant 0 : index
        %swap3A_361 = tpu.vector_load %arg9[%swap3A_360] {strides = array<i32>} : memref<64xi32, #tpu.memory_space<vmem>>, vector<16xi32>,
        %swap3A_362 = vector.shape_cast %swap3A_361 : vector<16xi32> to vector<16xi32>
        %swap3A_363 = vector.shape_cast %and3A_359 : vector<16xi32> to vector<16xi32>
        tpu.vector_store %arg9[%swap3A_360], %swap3A_363 {strides = array<i32>} : memref<64xi32, #tpu.memory_space<vmem>>, vector<16xi32>,
        %shift_right_arithmetic3A_364 = arith.constant 16 : i32
        %shift_right_arithmetic3A_365 = vector.broadcast %shift_right_arithmetic3A_364 : i32 to vector<16xi32>
        %shift_right_arithmetic3A_366 = arith.shrsi %get3A_356, %shift_right_arithmetic3A_365 : vector<16xi32>
        %swap3A_367 = arith.constant 0 : index
        %swap3A_368 = tpu.vector_load %arg10[%swap3A_367] {strides = array<i32>} : memref<64xi32, #tpu.memory_space<vmem>>, vector<16xi32>,
        %swap3A_369 = vector.shape_cast %swap3A_368 : vector<16xi32> to vector<16xi32>
        %swap3A_370 = vector.shape_cast %shift_right_arithmetic3A_366 : vector<16xi32> to vector<16xi32>
        tpu.vector_store %arg10[%swap3A_367], %swap3A_370 {strides = array<i32>} : memref<64xi32, #tpu.memory_space<vmem>>, vector<16xi32>,
        %get3A_371 = arith.index_cast %add3A_327 : i32 to index
        %get3A_372 = arith.constant 16 : index
        %get3A_373 = tpu.vector_load %arg5[%get3A_371, %get3A_372] {strides = array<i32>} : memref<157x64xi32, #tpu.memory_space<vmem>>, vector<1x16xi32>,
        %get3A_374 = vector.shape_cast %get3A_373 : vector<1x16xi32> to vector<16xi32>
        %and3A_375 = arith.constant 65535 : i32
        %and3A_376 = vector.broadcast %and3A_375 : i32 to vector<16xi32>
        %and3A_377 = arith.andi %get3A_374, %and3A_376 : vector<16xi32>
        %swap3A_378 = arith.constant 16 : index
        %swap3A_379 = tpu.vector_load %arg9[%swap3A_378] {strides = array<i32>} : memref<64xi32, #tpu.memory_space<vmem>>, vector<16xi32>,
        %swap3A_380 = vector.shape_cast %swap3A_379 : vector<16xi32> to vector<16xi32>
        %swap3A_381 = vector.shape_cast %and3A_377 : vector<16xi32> to vector<16xi32>
        tpu.vector_store %arg9[%swap3A_378], %swap3A_381 {strides = array<i32>} : memref<64xi32, #tpu.memory_space<vmem>>, vector<16xi32>,
        %shift_right_arithmetic3A_382 = arith.constant 16 : i32
        %shift_right_arithmetic3A_383 = vector.broadcast %shift_right_arithmetic3A_382 : i32 to vector<16xi32>
        %shift_right_arithmetic3A_384 = arith.shrsi %get3A_374, %shift_right_arithmetic3A_383 : vector<16xi32>
        %swap3A_385 = arith.constant 16 : index
        %swap3A_386 = tpu.vector_load %arg10[%swap3A_385] {strides = array<i32>} : memref<64xi32, #tpu.memory_space<vmem>>, vector<16xi32>,
        %swap3A_387 = vector.shape_cast %swap3A_386 : vector<16xi32> to vector<16xi32>
        %swap3A_388 = vector.shape_cast %shift_right_arithmetic3A_384 : vector<16xi32> to vector<16xi32>
        tpu.vector_store %arg10[%swap3A_385], %swap3A_388 {strides = array<i32>} : memref<64xi32, #tpu.memory_space<vmem>>, vector<16xi32>,
        %get3A_389 = arith.index_cast %add3A_327 : i32 to index
        %get3A_390 = arith.constant 32 : index
        %get3A_391 = tpu.vector_load %arg5[%get3A_389, %get3A_390] {strides = array<i32>} : memref<157x64xi32, #tpu.memory_space<vmem>>, vector<1x16xi32>,
        %get3A_392 = vector.shape_cast %get3A_391 : vector<1x16xi32> to vector<16xi32>
        %and3A_393 = arith.constant 65535 : i32
        %and3A_394 = vector.broadcast %and3A_393 : i32 to vector<16xi32>
        %and3A_395 = arith.andi %get3A_392, %and3A_394 : vector<16xi32>
        %swap3A_396 = arith.constant 32 : index
        %swap3A_397 = tpu.vector_load %arg9[%swap3A_396] {strides = array<i32>} : memref<64xi32, #tpu.memory_space<vmem>>, vector<16xi32>,
        %swap3A_398 = vector.shape_cast %swap3A_397 : vector<16xi32> to vector<16xi32>
        %swap3A_399 = vector.shape_cast %and3A_395 : vector<16xi32> to vector<16xi32>
        tpu.vector_store %arg9[%swap3A_396], %swap3A_399 {strides = array<i32>} : memref<64xi32, #tpu.memory_space<vmem>>, vector<16xi32>,
        %shift_right_arithmetic3A_400 = arith.constant 16 : i32
        %shift_right_arithmetic3A_401 = vector.broadcast %shift_right_arithmetic3A_400 : i32 to vector<16xi32>
        %shift_right_arithmetic3A_402 = arith.shrsi %get3A_392, %shift_right_arithmetic3A_401 : vector<16xi32>
        %swap3A_403 = arith.constant 32 : index
        %swap3A_404 = tpu.vector_load %arg10[%swap3A_403] {strides = array<i32>} : memref<64xi32, #tpu.memory_space<vmem>>, vector<16xi32>,
        %swap3A_405 = vector.shape_cast %swap3A_404 : vector<16xi32> to vector<16xi32>
        %swap3A_406 = vector.shape_cast %shift_right_arithmetic3A_402 : vector<16xi32> to vector<16xi32>
        tpu.vector_store %arg10[%swap3A_403], %swap3A_406 {strides = array<i32>} : memref<64xi32, #tpu.memory_space<vmem>>, vector<16xi32>,
        %get3A_407 = arith.index_cast %add3A_327 : i32 to index
        %get3A_408 = arith.constant 48 : index
        %get3A_409 = tpu.vector_load %arg5[%get3A_407, %get3A_408] {strides = array<i32>} : memref<157x64xi32, #tpu.memory_space<vmem>>, vector<1x16xi32>,
        %get3A_410 = vector.shape_cast %get3A_409 : vector<1x16xi32> to vector<16xi32>
        %and3A_411 = arith.constant 65535 : i32
        %and3A_412 = vector.broadcast %and3A_411 : i32 to vector<16xi32>
        %and3A_413 = arith.andi %get3A_410, %and3A_412 : vector<16xi32>
        %swap3A_414 = arith.constant 48 : index
        %swap3A_415 = tpu.vector_load %arg9[%swap3A_414] {strides = array<i32>} : memref<64xi32, #tpu.memory_space<vmem>>, vector<16xi32>,
        %swap3A_416 = vector.shape_cast %swap3A_415 : vector<16xi32> to vector<16xi32>
        %swap3A_417 = vector.shape_cast %and3A_413 : vector<16xi32> to vector<16xi32>
        tpu.vector_store %arg9[%swap3A_414], %swap3A_417 {strides = array<i32>} : memref<64xi32, #tpu.memory_space<vmem>>, vector<16xi32>,
        %shift_right_arithmetic3A_418 = arith.constant 16 : i32
        %shift_right_arithmetic3A_419 = vector.broadcast %shift_right_arithmetic3A_418 : i32 to vector<16xi32>
        %shift_right_arithmetic3A_420 = arith.shrsi %get3A_410, %shift_right_arithmetic3A_419 : vector<16xi32>
        %swap3A_421 = arith.constant 48 : index
        %swap3A_422 = tpu.vector_load %arg10[%swap3A_421] {strides = array<i32>} : memref<64xi32, #tpu.memory_space<vmem>>, vector<16xi32>,
        %swap3A_423 = vector.shape_cast %swap3A_422 : vector<16xi32> to vector<16xi32>
        %swap3A_424 = vector.shape_cast %shift_right_arithmetic3A_420 : vector<16xi32> to vector<16xi32>
        tpu.vector_store %arg10[%swap3A_421], %swap3A_424 {strides = array<i32>} : memref<64xi32, #tpu.memory_space<vmem>>, vector<16xi32>,
        %dma_start3A_425 = arith.constant 0 : i32
        %dma_start3A_426 = arith.constant 0 : i32
        %dma_start3A_427 = tpu.memref_slice %arg2[%dma_start3A_425, %dma_start3A_426] : memref<10000x128xf32, #tpu.memory_space<hbm>> -> memref<10000x128xf32, #tpu.memory_space<hbm>>
        tpu.enqueue_indirect_dma source(%dma_start3A_427 : memref<10000x128xf32, #tpu.memory_space<hbm>>) target(%arg11 : memref<64x128xf32, #tpu.memory_space<vmem>>) offsets(%arg9 : memref<64xi32, #tpu.memory_space<vmem>>) semaphore(%arg17 : memref<!tpu.dma_semaphore, #tpu.memory_space<semaphore_mem>>)
      } else {
      }
      %dma_wait3A_333 = arith.constant 0 : i32
      %dma_wait3A_334 = arith.constant 0 : i32
      %dma_wait3A_335 = tpu.memref_slice %arg2[%dma_wait3A_333, %dma_wait3A_334] : memref<10000x128xf32, #tpu.memory_space<hbm>> -> memref<10000x128xf32, #tpu.memory_space<hbm>>
      tpu.wait_indirect_dma semaphore(%arg18 : memref<!tpu.dma_semaphore, #tpu.memory_space<semaphore_mem>>) src(%dma_wait3A_335 : memref<10000x128xf32, #tpu.memory_space<hbm>>) dst(%arg14 : memref<64x128xf32, #tpu.memory_space<vmem>>)
      %dma_start3A_336 = arith.constant 0 : i32
      %dma_start3A_337 = arith.constant 0 : i32
      %dma_start3A_338 = tpu.memref_slice %arg15[%dma_start3A_336, %dma_start3A_337] : memref<10240x128xf32, #tpu.memory_space<vmem_shared>> -> memref<10240x128xf32, #tpu.memory_space<vmem_shared>>
      tpu.enqueue_indirect_dma source(%arg14 : memref<64x128xf32, #tpu.memory_space<vmem>>) target(%dma_start3A_338 : memref<10240x128xf32, #tpu.memory_space<vmem_shared>>) offsets(%arg13 : memref<64xi32, #tpu.memory_space<vmem>>) semaphore(%arg21 : memref<!tpu.dma_semaphore, #tpu.memory_space<semaphore_mem>>) {add = true}
      %dma_wait3A_339 = arith.constant 0 : i32
      %dma_wait3A_340 = arith.constant 0 : i32
      %dma_wait3A_341 = tpu.memref_slice %arg15[%dma_wait3A_339, %dma_wait3A_340] : memref<10240x128xf32, #tpu.memory_space<vmem_shared>> -> memref<10240x128xf32, #tpu.memory_space<vmem_shared>>
      tpu.wait_indirect_dma semaphore(%arg21 : memref<!tpu.dma_semaphore, #tpu.memory_space<semaphore_mem>>) src(%arg14 : memref<64x128xf32, #tpu.memory_space<vmem>>) dst(%dma_wait3A_341 : memref<10240x128xf32, #tpu.memory_space<vmem_shared>>)
      %mul3A_342 = arith.constant 3 : i32
      %mul3A_343 = arith.muli %mul3A_342, %scan3A_295 : i32
      %add3A_344 = arith.constant 2 : i32
      %add3A_345 = arith.addi %mul3A_343, %add3A_344 : i32
      %add3A_346 = arith.constant 3 : i32
      %add3A_347 = arith.addi %add3A_345, %add3A_346 : i32
      %lt3A_348 = arith.constant 157 : i32
      %lt3A_349 = arith.cmpi slt, %add3A_347, %lt3A_348 : i32
      %convert_element_type3A_350 = arith.extui %lt3A_349 : i1 to i32
      %cond3A_351 = arith.constant 0 : i32
      %cond3A_352 = arith.cmpi ne, %convert_element_type3A_350, %cond3A_351 : i32
      scf.if %cond3A_352 {
        %get3A_353 = arith.index_cast %add3A_347 : i32 to index
        %get3A_354 = arith.constant 0 : index
        %get3A_355 = tpu.vector_load %arg5[%get3A_353, %get3A_354] {strides = array<i32>} : memref<157x64xi32, #tpu.memory_space<vmem>>, vector<1x16xi32>,
        %get3A_356 = vector.shape_cast %get3A_355 : vector<1x16xi32> to vector<16xi32>
        %and3A_357 = arith.constant 65535 : i32
        %and3A_358 = vector.broadcast %and3A_357 : i32 to vector<16xi32>
        %and3A_359 = arith.andi %get3A_356, %and3A_358 : vector<16xi32>
        %swap3A_360 = arith.constant 0 : index
        %swap3A_361 = tpu.vector_load %arg12[%swap3A_360] {strides = array<i32>} : memref<64xi32, #tpu.memory_space<vmem>>, vector<16xi32>,
        %swap3A_362 = vector.shape_cast %swap3A_361 : vector<16xi32> to vector<16xi32>
        %swap3A_363 = vector.shape_cast %and3A_359 : vector<16xi32> to vector<16xi32>
        tpu.vector_store %arg12[%swap3A_360], %swap3A_363 {strides = array<i32>} : memref<64xi32, #tpu.memory_space<vmem>>, vector<16xi32>,
        %shift_right_arithmetic3A_364 = arith.constant 16 : i32
        %shift_right_arithmetic3A_365 = vector.broadcast %shift_right_arithmetic3A_364 : i32 to vector<16xi32>
        %shift_right_arithmetic3A_366 = arith.shrsi %get3A_356, %shift_right_arithmetic3A_365 : vector<16xi32>
        %swap3A_367 = arith.constant 0 : index
        %swap3A_368 = tpu.vector_load %arg13[%swap3A_367] {strides = array<i32>} : memref<64xi32, #tpu.memory_space<vmem>>, vector<16xi32>,
        %swap3A_369 = vector.shape_cast %swap3A_368 : vector<16xi32> to vector<16xi32>
        %swap3A_370 = vector.shape_cast %shift_right_arithmetic3A_366 : vector<16xi32> to vector<16xi32>
        tpu.vector_store %arg13[%swap3A_367], %swap3A_370 {strides = array<i32>} : memref<64xi32, #tpu.memory_space<vmem>>, vector<16xi32>,
        %get3A_371 = arith.index_cast %add3A_347 : i32 to index
        %get3A_372 = arith.constant 16 : index
        %get3A_373 = tpu.vector_load %arg5[%get3A_371, %get3A_372] {strides = array<i32>} : memref<157x64xi32, #tpu.memory_space<vmem>>, vector<1x16xi32>,
        %get3A_374 = vector.shape_cast %get3A_373 : vector<1x16xi32> to vector<16xi32>
        %and3A_375 = arith.constant 65535 : i32
        %and3A_376 = vector.broadcast %and3A_375 : i32 to vector<16xi32>
        %and3A_377 = arith.andi %get3A_374, %and3A_376 : vector<16xi32>
        %swap3A_378 = arith.constant 16 : index
        %swap3A_379 = tpu.vector_load %arg12[%swap3A_378] {strides = array<i32>} : memref<64xi32, #tpu.memory_space<vmem>>, vector<16xi32>,
        %swap3A_380 = vector.shape_cast %swap3A_379 : vector<16xi32> to vector<16xi32>
        %swap3A_381 = vector.shape_cast %and3A_377 : vector<16xi32> to vector<16xi32>
        tpu.vector_store %arg12[%swap3A_378], %swap3A_381 {strides = array<i32>} : memref<64xi32, #tpu.memory_space<vmem>>, vector<16xi32>,
        %shift_right_arithmetic3A_382 = arith.constant 16 : i32
        %shift_right_arithmetic3A_383 = vector.broadcast %shift_right_arithmetic3A_382 : i32 to vector<16xi32>
        %shift_right_arithmetic3A_384 = arith.shrsi %get3A_374, %shift_right_arithmetic3A_383 : vector<16xi32>
        %swap3A_385 = arith.constant 16 : index
        %swap3A_386 = tpu.vector_load %arg13[%swap3A_385] {strides = array<i32>} : memref<64xi32, #tpu.memory_space<vmem>>, vector<16xi32>,
        %swap3A_387 = vector.shape_cast %swap3A_386 : vector<16xi32> to vector<16xi32>
        %swap3A_388 = vector.shape_cast %shift_right_arithmetic3A_384 : vector<16xi32> to vector<16xi32>
        tpu.vector_store %arg13[%swap3A_385], %swap3A_388 {strides = array<i32>} : memref<64xi32, #tpu.memory_space<vmem>>, vector<16xi32>,
        %get3A_389 = arith.index_cast %add3A_347 : i32 to index
        %get3A_390 = arith.constant 32 : index
        %get3A_391 = tpu.vector_load %arg5[%get3A_389, %get3A_390] {strides = array<i32>} : memref<157x64xi32, #tpu.memory_space<vmem>>, vector<1x16xi32>,
        %get3A_392 = vector.shape_cast %get3A_391 : vector<1x16xi32> to vector<16xi32>
        %and3A_393 = arith.constant 65535 : i32
        %and3A_394 = vector.broadcast %and3A_393 : i32 to vector<16xi32>
        %and3A_395 = arith.andi %get3A_392, %and3A_394 : vector<16xi32>
        %swap3A_396 = arith.constant 32 : index
        %swap3A_397 = tpu.vector_load %arg12[%swap3A_396] {strides = array<i32>} : memref<64xi32, #tpu.memory_space<vmem>>, vector<16xi32>,
        %swap3A_398 = vector.shape_cast %swap3A_397 : vector<16xi32> to vector<16xi32>
        %swap3A_399 = vector.shape_cast %and3A_395 : vector<16xi32> to vector<16xi32>
        tpu.vector_store %arg12[%swap3A_396], %swap3A_399 {strides = array<i32>} : memref<64xi32, #tpu.memory_space<vmem>>, vector<16xi32>,
        %shift_right_arithmetic3A_400 = arith.constant 16 : i32
        %shift_right_arithmetic3A_401 = vector.broadcast %shift_right_arithmetic3A_400 : i32 to vector<16xi32>
        %shift_right_arithmetic3A_402 = arith.shrsi %get3A_392, %shift_right_arithmetic3A_401 : vector<16xi32>
        %swap3A_403 = arith.constant 32 : index
        %swap3A_404 = tpu.vector_load %arg13[%swap3A_403] {strides = array<i32>} : memref<64xi32, #tpu.memory_space<vmem>>, vector<16xi32>,
        %swap3A_405 = vector.shape_cast %swap3A_404 : vector<16xi32> to vector<16xi32>
        %swap3A_406 = vector.shape_cast %shift_right_arithmetic3A_402 : vector<16xi32> to vector<16xi32>
        tpu.vector_store %arg13[%swap3A_403], %swap3A_406 {strides = array<i32>} : memref<64xi32, #tpu.memory_space<vmem>>, vector<16xi32>,
        %get3A_407 = arith.index_cast %add3A_347 : i32 to index
        %get3A_408 = arith.constant 48 : index
        %get3A_409 = tpu.vector_load %arg5[%get3A_407, %get3A_408] {strides = array<i32>} : memref<157x64xi32, #tpu.memory_space<vmem>>, vector<1x16xi32>,
        %get3A_410 = vector.shape_cast %get3A_409 : vector<1x16xi32> to vector<16xi32>
        %and3A_411 = arith.constant 65535 : i32
        %and3A_412 = vector.broadcast %and3A_411 : i32 to vector<16xi32>
        %and3A_413 = arith.andi %get3A_410, %and3A_412 : vector<16xi32>
        %swap3A_414 = arith.constant 48 : index
        %swap3A_415 = tpu.vector_load %arg12[%swap3A_414] {strides = array<i32>} : memref<64xi32, #tpu.memory_space<vmem>>, vector<16xi32>,
        %swap3A_416 = vector.shape_cast %swap3A_415 : vector<16xi32> to vector<16xi32>
        %swap3A_417 = vector.shape_cast %and3A_413 : vector<16xi32> to vector<16xi32>
        tpu.vector_store %arg12[%swap3A_414], %swap3A_417 {strides = array<i32>} : memref<64xi32, #tpu.memory_space<vmem>>, vector<16xi32>,
        %shift_right_arithmetic3A_418 = arith.constant 16 : i32
        %shift_right_arithmetic3A_419 = vector.broadcast %shift_right_arithmetic3A_418 : i32 to vector<16xi32>
        %shift_right_arithmetic3A_420 = arith.shrsi %get3A_410, %shift_right_arithmetic3A_419 : vector<16xi32>
        %swap3A_421 = arith.constant 48 : index
        %swap3A_422 = tpu.vector_load %arg13[%swap3A_421] {strides = array<i32>} : memref<64xi32, #tpu.memory_space<vmem>>, vector<16xi32>,
        %swap3A_423 = vector.shape_cast %swap3A_422 : vector<16xi32> to vector<16xi32>
        %swap3A_424 = vector.shape_cast %shift_right_arithmetic3A_420 : vector<16xi32> to vector<16xi32>
        tpu.vector_store %arg13[%swap3A_421], %swap3A_424 {strides = array<i32>} : memref<64xi32, #tpu.memory_space<vmem>>, vector<16xi32>,
        %dma_start3A_425 = arith.constant 0 : i32
        %dma_start3A_426 = arith.constant 0 : i32
        %dma_start3A_427 = tpu.memref_slice %arg2[%dma_start3A_425, %dma_start3A_426] : memref<10000x128xf32, #tpu.memory_space<hbm>> -> memref<10000x128xf32, #tpu.memory_space<hbm>>
        tpu.enqueue_indirect_dma source(%dma_start3A_427 : memref<10000x128xf32, #tpu.memory_space<hbm>>) target(%arg14 : memref<64x128xf32, #tpu.memory_space<vmem>>) offsets(%arg12 : memref<64xi32, #tpu.memory_space<vmem>>) semaphore(%arg18 : memref<!tpu.dma_semaphore, #tpu.memory_space<semaphore_mem>>)
      } else {
      }
    }
    %scan3A_283 = arith.constant 52 : i32
    %dma_wait3A = arith.constant 0 : i32
    %dma_wait3A_284 = arith.constant 0 : i32
    %dma_wait3A_285 = tpu.memref_slice %arg2[%dma_wait3A, %dma_wait3A_284] : memref<10000x128xf32, #tpu.memory_space<hbm>> -> memref<10000x128xf32, #tpu.memory_space<hbm>>
    tpu.wait_indirect_dma semaphore(%arg16 : memref<!tpu.dma_semaphore, #tpu.memory_space<semaphore_mem>>) src(%dma_wait3A_285 : memref<10000x128xf32, #tpu.memory_space<hbm>>) dst(%arg8 : memref<64x128xf32, #tpu.memory_space<vmem>>)
    %dma_start3A_286 = arith.constant 0 : i32
    %dma_start3A_287 = arith.constant 0 : i32
    %dma_start3A_288 = tpu.memref_slice %arg15[%dma_start3A_286, %dma_start3A_287] : memref<10240x128xf32, #tpu.memory_space<vmem_shared>> -> memref<10240x128xf32, #tpu.memory_space<vmem_shared>>
    tpu.enqueue_indirect_dma source(%arg8 : memref<64x128xf32, #tpu.memory_space<vmem>>) target(%dma_start3A_288 : memref<10240x128xf32, #tpu.memory_space<vmem_shared>>) offsets(%arg7 : memref<64xi32, #tpu.memory_space<vmem>>) semaphore(%arg19 : memref<!tpu.dma_semaphore, #tpu.memory_space<semaphore_mem>>) {add = true}
    %dma_wait3A_289 = arith.constant 0 : i32
    %dma_wait3A_290 = arith.constant 0 : i32
    %dma_wait3A_291 = tpu.memref_slice %arg15[%dma_wait3A_289, %dma_wait3A_290] : memref<10240x128xf32, #tpu.memory_space<vmem_shared>> -> memref<10240x128xf32, #tpu.memory_space<vmem_shared>>
    tpu.wait_indirect_dma semaphore(%arg19 : memref<!tpu.dma_semaphore, #tpu.memory_space<semaphore_mem>>) src(%arg8 : memref<64x128xf32, #tpu.memory_space<vmem>>) dst(%dma_wait3A_291 : memref<10240x128xf32, #tpu.memory_space<vmem_shared>>)
    %barrier3A_292 = arith.constant 0 : index
    tpu.barrier barrier_id(%barrier3A_292)
    %mul3A_293 = arith.constant 640 : i32
    %mul3A_294 = arith.muli %arg1, %mul3A_293 : i32
    "tpu.region"() ({
      %run_scoped3A = tpu.sem_alloc : memref<!tpu.dma_semaphore, #tpu.memory_space<semaphore_mem>>
      %dma_start3A_295 = arith.constant 0 : i32
      %dma_start3A_296 = tpu.memref_slice %arg4[%arg0, %mul3A_294, %dma_start3A_295] : memref<2x10240x128xf32, #tpu.memory_space<hbm>> -> memref<1x640x128xf32, #tpu.memory_space<hbm>>
      %dma_start3A_297 = tpu.memref_squeeze %dma_start3A_296 : memref<1x640x128xf32, #tpu.memory_space<hbm>> -> memref<640x128xf32, #tpu.memory_space<hbm>>
      %dma_start3A_298 = arith.constant 0 : i32
      %dma_start3A_299 = tpu.memref_slice %arg15[%mul3A_294, %dma_start3A_298] : memref<10240x128xf32, #tpu.memory_space<vmem_shared>> -> memref<640x128xf32, #tpu.memory_space<vmem_shared>>
      tpu.enqueue_dma source(%dma_start3A_299 : memref<640x128xf32, #tpu.memory_space<vmem_shared>>) target(%dma_start3A_297 : memref<640x128xf32, #tpu.memory_space<hbm>>) target_semaphore(%run_scoped3A : memref<!tpu.dma_semaphore, #tpu.memory_space<semaphore_mem>>)
      %dma_wait3A_300 = arith.constant 0 : i32
      %dma_wait3A_301 = tpu.memref_slice %arg4[%arg0, %mul3A_294, %dma_wait3A_300] : memref<2x10240x128xf32, #tpu.memory_space<hbm>> -> memref<1x640x128xf32, #tpu.memory_space<hbm>>
      %dma_wait3A_302 = tpu.memref_squeeze %dma_wait3A_301 : memref<1x640x128xf32, #tpu.memory_space<hbm>> -> memref<640x128xf32, #tpu.memory_space<hbm>>
      %dma_wait3A_303 = arith.constant 0 : i32
      %dma_wait3A_304 = tpu.memref_slice %arg15[%mul3A_294, %dma_wait3A_303] : memref<10240x128xf32, #tpu.memory_space<vmem_shared>> -> memref<640x128xf32, #tpu.memory_space<vmem_shared>>
      tpu.wait_dma2 semaphore(%run_scoped3A : memref<!tpu.dma_semaphore, #tpu.memory_space<semaphore_mem>>) src(%dma_wait3A_304 : memref<640x128xf32, #tpu.memory_space<vmem_shared>>) dst(%dma_wait3A_302 : memref<640x128xf32, #tpu.memory_space<hbm>>)
      tpu.yield
    }) : () -> ()
    return
  }
}

#map = affine_map<(d0, d1) -> (0, 0, 0)>
#map1 = affine_map<(d0, d1) -> (0, 0)>
module attributes {stable_mosaic.version = 14 : i64} {
  func.func @deg_kernel(%arg0: i32, %arg1: i32, %arg2: memref<32x157x64xi32, #tpu.memory_space<hbm>>, %arg3: memref<2x10240xf32, #tpu.memory_space<hbm>>, %arg4: memref<157x64xi32, #tpu.memory_space<vmem>>, %arg5: memref<64xf32, #tpu.memory_space<vmem>>, %arg6: memref<640xf32, #tpu.memory_space<vmem>>, %arg7: memref<10240xf32, #tpu.memory_space<vmem_shared>>) attributes {dimension_semantics = [#tpu.dimension_semantics<core_parallel>, #tpu.dimension_semantics<subcore_parallel>], iteration_bounds = array<i64: 2, 16>, scalar_prefetch = 0 : i64, scratch_operands = 4 : i64, tpu.core_type = #tpu.core_type<sc_vector_subcore>, window_params = [{transform_indices = #map}, {transform_indices = #map1}]} {
    %mul3A = arith.constant 2 : i32
    %mul3A_0 = arith.muli %arg1, %mul3A : i32
    %add3A = arith.addi %mul3A_0, %arg0 : i32
    "tpu.region"() ({
      %run_scoped3A = tpu.sem_alloc : memref<!tpu.dma_semaphore, #tpu.memory_space<semaphore_mem>>
      %dma_start3A = arith.constant 0 : i32
      %dma_start3A_25 = arith.constant 0 : i32
      %dma_start3A_26 = tpu.memref_slice %arg2[%add3A, %dma_start3A, %dma_start3A_25] : memref<32x157x64xi32, #tpu.memory_space<hbm>> -> memref<1x157x64xi32, #tpu.memory_space<hbm>>
      %dma_start3A_27 = tpu.memref_squeeze %dma_start3A_26 : memref<1x157x64xi32, #tpu.memory_space<hbm>> -> memref<157x64xi32, #tpu.memory_space<hbm>>
      %dma_start3A_28 = arith.constant 0 : i32
      %dma_start3A_29 = arith.constant 0 : i32
      %dma_start3A_30 = tpu.memref_slice %arg2[%add3A, %dma_start3A_28, %dma_start3A_29] : memref<32x157x64xi32, #tpu.memory_space<hbm>> -> memref<1x157x64xi32, #tpu.memory_space<hbm>>
      %dma_start3A_31 = tpu.memref_squeeze %dma_start3A_30 : memref<1x157x64xi32, #tpu.memory_space<hbm>> -> memref<157x64xi32, #tpu.memory_space<hbm>>
      tpu.enqueue_dma source(%dma_start3A_31 : memref<157x64xi32, #tpu.memory_space<hbm>>) target(%arg4 : memref<157x64xi32, #tpu.memory_space<vmem>>) target_semaphore(%run_scoped3A : memref<!tpu.dma_semaphore, #tpu.memory_space<semaphore_mem>>)
      %dma_wait3A = arith.constant 0 : i32
      %dma_wait3A_32 = arith.constant 0 : i32
      %dma_wait3A_33 = tpu.memref_slice %arg2[%add3A, %dma_wait3A, %dma_wait3A_32] : memref<32x157x64xi32, #tpu.memory_space<hbm>> -> memref<1x157x64xi32, #tpu.memory_space<hbm>>
      %dma_wait3A_34 = tpu.memref_squeeze %dma_wait3A_33 : memref<1x157x64xi32, #tpu.memory_space<hbm>> -> memref<157x64xi32, #tpu.memory_space<hbm>>
      %dma_wait3A_35 = arith.constant 0 : i32
      %dma_wait3A_36 = arith.constant 0 : i32
      %dma_wait3A_37 = tpu.memref_slice %arg2[%add3A, %dma_wait3A_35, %dma_wait3A_36] : memref<32x157x64xi32, #tpu.memory_space<hbm>> -> memref<1x157x64xi32, #tpu.memory_space<hbm>>
      %dma_wait3A_38 = tpu.memref_squeeze %dma_wait3A_37 : memref<1x157x64xi32, #tpu.memory_space<hbm>> -> memref<157x64xi32, #tpu.memory_space<hbm>>
      tpu.wait_dma2 semaphore(%run_scoped3A : memref<!tpu.dma_semaphore, #tpu.memory_space<semaphore_mem>>) src(%dma_wait3A_38 : memref<157x64xi32, #tpu.memory_space<hbm>>) dst(%arg4 : memref<157x64xi32, #tpu.memory_space<vmem>>)
      tpu.yield
    }) : () -> ()
    %scan3A = arith.constant 0 : i32
    %scan3A_1 = arith.constant 0 : i32
    %scan3A_2 = arith.constant 4 : i32
    %scan3A_3 = arith.addi %scan3A_1, %scan3A_2 : i32
    %scan3A_4 = arith.constant 1 : i32
    scf.for %scan3A_25 = %scan3A_1 to %scan3A_3 step %scan3A_4  : i32 {
      %broadcast_in_dim3A = arith.constant 1.000000e+00 : f32
      %broadcast_in_dim3A_26 = vector.broadcast %broadcast_in_dim3A : f32 to vector<16xf32>
      %mul3A_27 = arith.constant 16 : i32
      %mul3A_28 = arith.muli %scan3A_25, %mul3A_27 : i32
      %swap3A = arith.index_cast %mul3A_28 : i32 to index
      %swap3A_29 = tpu.vector_load %arg5[%swap3A] {strides = array<i32>} : memref<64xf32, #tpu.memory_space<vmem>>, vector<16xf32>,
      %swap3A_30 = vector.shape_cast %swap3A_29 : vector<16xf32> to vector<16xf32>
      %swap3A_31 = vector.shape_cast %broadcast_in_dim3A_26 : vector<16xf32> to vector<16xf32>
      tpu.vector_store %arg5[%swap3A], %swap3A_31 {strides = array<i32>} : memref<64xf32, #tpu.memory_space<vmem>>, vector<16xf32>,
    }
    %scan3A_5 = arith.constant 4 : i32
    %scan3A_6 = arith.constant 0 : i32
    %scan3A_7 = arith.constant 0 : i32
    %scan3A_8 = arith.constant 40 : i32
    %scan3A_9 = arith.addi %scan3A_7, %scan3A_8 : i32
    %scan3A_10 = arith.constant 1 : i32
    scf.for %scan3A_25 = %scan3A_7 to %scan3A_9 step %scan3A_10  : i32 {
      %broadcast_in_dim3A = arith.constant 0.000000e+00 : f32
      %broadcast_in_dim3A_26 = vector.broadcast %broadcast_in_dim3A : f32 to vector<16xf32>
      %mul3A_27 = arith.constant 16 : i32
      %mul3A_28 = arith.muli %scan3A_25, %mul3A_27 : i32
      %swap3A = arith.index_cast %mul3A_28 : i32 to index
      %swap3A_29 = tpu.vector_load %arg6[%swap3A] {strides = array<i32>} : memref<640xf32, #tpu.memory_space<vmem>>, vector<16xf32>,
      %swap3A_30 = vector.shape_cast %swap3A_29 : vector<16xf32> to vector<16xf32>
      %swap3A_31 = vector.shape_cast %broadcast_in_dim3A_26 : vector<16xf32> to vector<16xf32>
      tpu.vector_store %arg6[%swap3A], %swap3A_31 {strides = array<i32>} : memref<640xf32, #tpu.memory_space<vmem>>, vector<16xf32>,
    }
    %scan3A_11 = arith.constant 40 : i32
    %mul3A_12 = arith.constant 640 : i32
    %mul3A_13 = arith.muli %arg1, %mul3A_12 : i32
    "tpu.region"() ({
      %run_scoped3A = tpu.sem_alloc : memref<!tpu.dma_semaphore, #tpu.memory_space<semaphore_mem>>
      %dma_start3A = tpu.memref_slice %arg7[%mul3A_13] : memref<10240xf32, #tpu.memory_space<vmem_shared>> -> memref<640xf32, #tpu.memory_space<vmem_shared>>
      %dma_start3A_25 = tpu.memref_slice %arg7[%mul3A_13] : memref<10240xf32, #tpu.memory_space<vmem_shared>> -> memref<640xf32, #tpu.memory_space<vmem_shared>>
      tpu.enqueue_dma source(%arg6 : memref<640xf32, #tpu.memory_space<vmem>>) target(%dma_start3A_25 : memref<640xf32, #tpu.memory_space<vmem_shared>>) target_semaphore(%run_scoped3A : memref<!tpu.dma_semaphore, #tpu.memory_space<semaphore_mem>>)
      %dma_wait3A = tpu.memref_slice %arg7[%mul3A_13] : memref<10240xf32, #tpu.memory_space<vmem_shared>> -> memref<640xf32, #tpu.memory_space<vmem_shared>>
      %dma_wait3A_26 = tpu.memref_slice %arg7[%mul3A_13] : memref<10240xf32, #tpu.memory_space<vmem_shared>> -> memref<640xf32, #tpu.memory_space<vmem_shared>>
      tpu.wait_dma2 semaphore(%run_scoped3A : memref<!tpu.dma_semaphore, #tpu.memory_space<semaphore_mem>>) src(%arg6 : memref<640xf32, #tpu.memory_space<vmem>>) dst(%dma_wait3A_26 : memref<640xf32, #tpu.memory_space<vmem_shared>>)
      tpu.yield
    }) : () -> ()
    %barrier3A = arith.constant 0 : index
    tpu.barrier barrier_id(%barrier3A)
    %scan3A_14 = arith.constant 0 : i32
    %scan3A_15 = arith.constant 0 : i32
    %scan3A_16 = arith.constant 157 : i32
    %scan3A_17 = arith.addi %scan3A_15, %scan3A_16 : i32
    %scan3A_18 = arith.constant 1 : i32
    scf.for %scan3A_25 = %scan3A_15 to %scan3A_17 step %scan3A_18  : i32 {
      "tpu.region"() ({
        %run_scoped3A = tpu.sem_alloc : memref<!tpu.dma_semaphore, #tpu.memory_space<semaphore_mem>>
        %dma_start3A = arith.constant 0 : i32
        %dma_start3A_26 = tpu.memref_slice %arg4[%scan3A_25, %dma_start3A] : memref<157x64xi32, #tpu.memory_space<vmem>> -> memref<1x64xi32, #tpu.memory_space<vmem>>
        %dma_start3A_27 = tpu.memref_squeeze %dma_start3A_26 : memref<1x64xi32, #tpu.memory_space<vmem>> -> memref<64xi32, #tpu.memory_space<vmem>>
        %dma_start3A_28 = arith.constant 0 : i32
        %dma_start3A_29 = tpu.memref_slice %arg7[%dma_start3A_28] : memref<10240xf32, #tpu.memory_space<vmem_shared>> -> memref<10240xf32, #tpu.memory_space<vmem_shared>>
        tpu.enqueue_indirect_dma source(%arg5 : memref<64xf32, #tpu.memory_space<vmem>>) target(%dma_start3A_29 : memref<10240xf32, #tpu.memory_space<vmem_shared>>) offsets(%dma_start3A_27 : memref<64xi32, #tpu.memory_space<vmem>>) semaphore(%run_scoped3A : memref<!tpu.dma_semaphore, #tpu.memory_space<semaphore_mem>>) {add = true}
        %dma_wait3A = arith.constant 0 : i32
        %dma_wait3A_30 = tpu.memref_slice %arg4[%scan3A_25, %dma_wait3A] : memref<157x64xi32, #tpu.memory_space<vmem>> -> memref<1x64xi32, #tpu.memory_space<vmem>>
        %dma_wait3A_31 = tpu.memref_squeeze %dma_wait3A_30 : memref<1x64xi32, #tpu.memory_space<vmem>> -> memref<64xi32, #tpu.memory_space<vmem>>
        %dma_wait3A_32 = arith.constant 0 : i32
        %dma_wait3A_33 = tpu.memref_slice %arg7[%dma_wait3A_32] : memref<10240xf32, #tpu.memory_space<vmem_shared>> -> memref<10240xf32, #tpu.memory_space<vmem_shared>>
        tpu.wait_indirect_dma semaphore(%run_scoped3A : memref<!tpu.dma_semaphore, #tpu.memory_space<semaphore_mem>>) src(%arg5 : memref<64xf32, #tpu.memory_space<vmem>>) dst(%dma_wait3A_33 : memref<10240xf32, #tpu.memory_space<vmem_shared>>)
        tpu.yield
      }) : () -> ()
    }
    %scan3A_19 = arith.constant 157 : i32
    %barrier3A_20 = arith.constant 0 : index
    tpu.barrier barrier_id(%barrier3A_20)
    %mul3A_21 = arith.constant 640 : i32
    %mul3A_22 = arith.muli %arg1, %mul3A_21 : i32
    "tpu.region"() ({
      %run_scoped3A = tpu.sem_alloc : memref<!tpu.dma_semaphore, #tpu.memory_space<semaphore_mem>>
      %dma_start3A = tpu.memref_slice %arg7[%mul3A_22] : memref<10240xf32, #tpu.memory_space<vmem_shared>> -> memref<640xf32, #tpu.memory_space<vmem_shared>>
      %dma_start3A_25 = tpu.memref_slice %arg7[%mul3A_22] : memref<10240xf32, #tpu.memory_space<vmem_shared>> -> memref<640xf32, #tpu.memory_space<vmem_shared>>
      tpu.enqueue_dma source(%dma_start3A_25 : memref<640xf32, #tpu.memory_space<vmem_shared>>) target(%arg6 : memref<640xf32, #tpu.memory_space<vmem>>) target_semaphore(%run_scoped3A : memref<!tpu.dma_semaphore, #tpu.memory_space<semaphore_mem>>)
      %dma_wait3A = tpu.memref_slice %arg7[%mul3A_22] : memref<10240xf32, #tpu.memory_space<vmem_shared>> -> memref<640xf32, #tpu.memory_space<vmem_shared>>
      %dma_wait3A_26 = tpu.memref_slice %arg7[%mul3A_22] : memref<10240xf32, #tpu.memory_space<vmem_shared>> -> memref<640xf32, #tpu.memory_space<vmem_shared>>
      tpu.wait_dma2 semaphore(%run_scoped3A : memref<!tpu.dma_semaphore, #tpu.memory_space<semaphore_mem>>) src(%dma_wait3A_26 : memref<640xf32, #tpu.memory_space<vmem_shared>>) dst(%arg6 : memref<640xf32, #tpu.memory_space<vmem>>)
      tpu.yield
    }) : () -> ()
    %mul3A_23 = arith.constant 640 : i32
    %mul3A_24 = arith.muli %arg1, %mul3A_23 : i32
    "tpu.region"() ({
      %run_scoped3A = tpu.sem_alloc : memref<!tpu.dma_semaphore, #tpu.memory_space<semaphore_mem>>
      %dma_start3A = tpu.memref_slice %arg3[%arg0, %mul3A_24] : memref<2x10240xf32, #tpu.memory_space<hbm>> -> memref<1x640xf32, #tpu.memory_space<hbm>>
      %dma_start3A_25 = tpu.memref_squeeze %dma_start3A : memref<1x640xf32, #tpu.memory_space<hbm>> -> memref<640xf32, #tpu.memory_space<hbm>>
      %dma_start3A_26 = tpu.memref_slice %arg3[%arg0, %mul3A_24] : memref<2x10240xf32, #tpu.memory_space<hbm>> -> memref<1x640xf32, #tpu.memory_space<hbm>>
      %dma_start3A_27 = tpu.memref_squeeze %dma_start3A_26 : memref<1x640xf32, #tpu.memory_space<hbm>> -> memref<640xf32, #tpu.memory_space<hbm>>
      tpu.enqueue_dma source(%arg6 : memref<640xf32, #tpu.memory_space<vmem>>) target(%dma_start3A_27 : memref<640xf32, #tpu.memory_space<hbm>>) target_semaphore(%run_scoped3A : memref<!tpu.dma_semaphore, #tpu.memory_space<semaphore_mem>>)
      %dma_wait3A = tpu.memref_slice %arg3[%arg0, %mul3A_24] : memref<2x10240xf32, #tpu.memory_space<hbm>> -> memref<1x640xf32, #tpu.memory_space<hbm>>
      %dma_wait3A_28 = tpu.memref_squeeze %dma_wait3A : memref<1x640xf32, #tpu.memory_space<hbm>> -> memref<640xf32, #tpu.memory_space<hbm>>
      %dma_wait3A_29 = tpu.memref_slice %arg3[%arg0, %mul3A_24] : memref<2x10240xf32, #tpu.memory_space<hbm>> -> memref<1x640xf32, #tpu.memory_space<hbm>>
      %dma_wait3A_30 = tpu.memref_squeeze %dma_wait3A_29 : memref<1x640xf32, #tpu.memory_space<hbm>> -> memref<640xf32, #tpu.memory_space<hbm>>
      tpu.wait_dma2 semaphore(%run_scoped3A : memref<!tpu.dma_semaphore, #tpu.memory_space<semaphore_mem>>) src(%arg6 : memref<640xf32, #tpu.memory_space<vmem>>) dst(%dma_wait3A_30 : memref<640xf32, #tpu.memory_space<hbm>>)
      tpu.yield
    }) : () -> ()
    return
  }
}

#map = affine_map<(d0, d1) -> (0, 0)>
#map1 = affine_map<(d0, d1) -> (0, 0, 0)>
module attributes {stable_mosaic.version = 14 : i64} {
  func.func @agg_kernel(%arg0: i32, %arg1: i32, %arg2: memref<10000x128xf32, #tpu.memory_space<hbm>>, %arg3: memref<32x157x64xi32, #tpu.memory_space<hbm>>, %arg4: memref<2x10240x128xf32, #tpu.memory_space<hbm>>, %arg5: memref<157x64xi32, #tpu.memory_space<vmem>>, %arg6: memref<64xi32, #tpu.memory_space<vmem>>, %arg7: memref<64xi32, #tpu.memory_space<vmem>>, %arg8: memref<64x128xf32, #tpu.memory_space<vmem>>, %arg9: memref<64xi32, #tpu.memory_space<vmem>>, %arg10: memref<64xi32, #tpu.memory_space<vmem>>, %arg11: memref<64x128xf32, #tpu.memory_space<vmem>>, %arg12: memref<64xi32, #tpu.memory_space<vmem>>, %arg13: memref<64xi32, #tpu.memory_space<vmem>>, %arg14: memref<64x128xf32, #tpu.memory_space<vmem>>, %arg15: memref<10240x128xf32, #tpu.memory_space<vmem_shared>>, %arg16: memref<!tpu.dma_semaphore, #tpu.memory_space<semaphore_mem>>, %arg17: memref<!tpu.dma_semaphore, #tpu.memory_space<semaphore_mem>>, %arg18: memref<!tpu.dma_semaphore, #tpu.memory_space<semaphore_mem>>, %arg19: memref<!tpu.dma_semaphore, #tpu.memory_space<semaphore_mem>>, %arg20: memref<!tpu.dma_semaphore, #tpu.memory_space<semaphore_mem>>, %arg21: memref<!tpu.dma_semaphore, #tpu.memory_space<semaphore_mem>>) attributes {dimension_semantics = [#tpu.dimension_semantics<core_parallel>, #tpu.dimension_semantics<subcore_parallel>], iteration_bounds = array<i64: 2, 16>, scalar_prefetch = 0 : i64, scratch_operands = 17 : i64, tpu.core_type = #tpu.core_type<sc_vector_subcore>, window_params = [{transform_indices = #map}, {transform_indices = #map1}, {transform_indices = #map1}]} {
    %mul3A = arith.constant 2 : i32
    %mul3A_0 = arith.muli %arg1, %mul3A : i32
    %add3A = arith.addi %mul3A_0, %arg0 : i32
    "tpu.region"() ({
      %run_scoped3A = tpu.sem_alloc : memref<!tpu.dma_semaphore, #tpu.memory_space<semaphore_mem>>
      %dma_start3A_295 = arith.constant 0 : i32
      %dma_start3A_296 = arith.constant 0 : i32
      %dma_start3A_297 = tpu.memref_slice %arg3[%add3A, %dma_start3A_295, %dma_start3A_296] : memref<32x157x64xi32, #tpu.memory_space<hbm>> -> memref<1x157x64xi32, #tpu.memory_space<hbm>>
      %dma_start3A_298 = tpu.memref_squeeze %dma_start3A_297 : memref<1x157x64xi32, #tpu.memory_space<hbm>> -> memref<157x64xi32, #tpu.memory_space<hbm>>
      %dma_start3A_299 = arith.constant 0 : i32
      %dma_start3A_300 = arith.constant 0 : i32
      %dma_start3A_301 = tpu.memref_slice %arg3[%add3A, %dma_start3A_299, %dma_start3A_300] : memref<32x157x64xi32, #tpu.memory_space<hbm>> -> memref<1x157x64xi32, #tpu.memory_space<hbm>>
      %dma_start3A_302 = tpu.memref_squeeze %dma_start3A_301 : memref<1x157x64xi32, #tpu.memory_space<hbm>> -> memref<157x64xi32, #tpu.memory_space<hbm>>
      tpu.enqueue_dma source(%dma_start3A_302 : memref<157x64xi32, #tpu.memory_space<hbm>>) target(%arg5 : memref<157x64xi32, #tpu.memory_space<vmem>>) target_semaphore(%run_scoped3A : memref<!tpu.dma_semaphore, #tpu.memory_space<semaphore_mem>>)
      %dma_wait3A_303 = arith.constant 0 : i32
      %dma_wait3A_304 = arith.constant 0 : i32
      %dma_wait3A_305 = tpu.memref_slice %arg3[%add3A, %dma_wait3A_303, %dma_wait3A_304] : memref<32x157x64xi32, #tpu.memory_space<hbm>> -> memref<1x157x64xi32, #tpu.memory_space<hbm>>
      %dma_wait3A_306 = tpu.memref_squeeze %dma_wait3A_305 : memref<1x157x64xi32, #tpu.memory_space<hbm>> -> memref<157x64xi32, #tpu.memory_space<hbm>>
      %dma_wait3A_307 = arith.constant 0 : i32
      %dma_wait3A_308 = arith.constant 0 : i32
      %dma_wait3A_309 = tpu.memref_slice %arg3[%add3A, %dma_wait3A_307, %dma_wait3A_308] : memref<32x157x64xi32, #tpu.memory_space<hbm>> -> memref<1x157x64xi32, #tpu.memory_space<hbm>>
      %dma_wait3A_310 = tpu.memref_squeeze %dma_wait3A_309 : memref<1x157x64xi32, #tpu.memory_space<hbm>> -> memref<157x64xi32, #tpu.memory_space<hbm>>
      tpu.wait_dma2 semaphore(%run_scoped3A : memref<!tpu.dma_semaphore, #tpu.memory_space<semaphore_mem>>) src(%dma_wait3A_310 : memref<157x64xi32, #tpu.memory_space<hbm>>) dst(%arg5 : memref<157x64xi32, #tpu.memory_space<vmem>>)
      tpu.yield
    }) : () -> ()
    %scan3A = arith.constant 0 : i32
    %scan3A_1 = arith.constant 0 : i32
    %scan3A_2 = arith.constant 512 : i32
    %scan3A_3 = arith.addi %scan3A_1, %scan3A_2 : i32
    %scan3A_4 = arith.constant 1 : i32
    scf.for %scan3A_295 = %scan3A_1 to %scan3A_3 step %scan3A_4  : i32 {
      %broadcast_in_dim3A = arith.constant 0.000000e+00 : f32
      %broadcast_in_dim3A_296 = vector.broadcast %broadcast_in_dim3A : f32 to vector<16xf32>
      %jit3A = arith.constant 8 : i32
      %div3A = arith.divsi %scan3A_295, %jit3A : i32
      %sign3A = arith.constant 0 : i32
      %sign3A_297 = arith.cmpi sgt, %scan3A_295, %sign3A : i32
      %sign3A_298 = arith.extui %sign3A_297 : i1 to i32
      %sign3A_299 = arith.constant 0 : i32
      %sign3A_300 = arith.cmpi slt, %scan3A_295, %sign3A_299 : i32
      %sign3A_301 = arith.extui %sign3A_300 : i1 to i32
      %sign3A_302 = arith.subi %sign3A_298, %sign3A_301 : i32
      %sign3A_303 = arith.constant 0 : i32
      %sign3A_304 = arith.cmpi sgt, %jit3A, %sign3A_303 : i32
      %sign3A_305 = arith.extui %sign3A_304 : i1 to i32
      %sign3A_306 = arith.constant 0 : i32
      %sign3A_307 = arith.cmpi slt, %jit3A, %sign3A_306 : i32
      %sign3A_308 = arith.extui %sign3A_307 : i1 to i32
      %sign3A_309 = arith.subi %sign3A_305, %sign3A_308 : i32
      %ne3A = arith.cmpi ne, %sign3A_302, %sign3A_309 : i32
      %rem3A = arith.remsi %scan3A_295, %jit3A : i32
      %ne3A_310 = arith.constant 0 : i32
      %ne3A_311 = arith.cmpi ne, %rem3A, %ne3A_310 : i32
      %and3A_312 = arith.andi %ne3A, %ne3A_311 : i1
      %sub3A = arith.constant 1 : i32
      %sub3A_313 = arith.subi %div3A, %sub3A : i32
      %select_n3A = arith.select %and3A_312, %sub3A_313, %div3A : i32
      %jit3A_314 = arith.constant 8 : i32
      %eq3A = arith.constant 0 : i32
      %eq3A_315 = arith.cmpi eq, %jit3A_314, %eq3A : i32
      %jit3A_316 = arith.constant 1 : i32
      %select_n3A_317 = arith.select %eq3A_315, %jit3A_316, %jit3A_314 : i32
      %rem3A_318 = arith.remsi %scan3A_295, %select_n3A_317 : i32
      %ne3A_319 = arith.constant 0 : i32
      %ne3A_320 = arith.cmpi ne, %rem3A_318, %ne3A_319 : i32
      %lt3A = arith.constant 0 : i32
      %lt3A_321 = arith.cmpi slt, %rem3A_318, %lt3A : i32
      %lt3A_322 = arith.constant 0 : i32
      %lt3A_323 = arith.cmpi slt, %select_n3A_317, %lt3A_322 : i32
      %ne3A_324 = arith.xori %lt3A_321, %lt3A_323 : i1
      %and3A_325 = arith.andi %ne3A_324, %ne3A_320 : i1
      %add3A_326 = arith.addi %rem3A_318, %select_n3A_317 : i32
      %select_n3A_327 = arith.select %and3A_325, %add3A_326, %rem3A_318 : i32
      %mul3A_328 = arith.constant 16 : i32
      %mul3A_329 = arith.muli %select_n3A_327, %mul3A_328 : i32
      %swap3A_330 = arith.index_cast %select_n3A : i32 to index
      %swap3A_331 = arith.index_cast %mul3A_329 : i32 to index
      %swap3A_332 = tpu.vector_load %arg8[%swap3A_330, %swap3A_331] {strides = array<i32>} : memref<64x128xf32, #tpu.memory_space<vmem>>, vector<1x16xf32>,
      %swap3A_333 = vector.shape_cast %swap3A_332 : vector<1x16xf32> to vector<16xf32>
      %swap3A_334 = vector.shape_cast %broadcast_in_dim3A_296 : vector<16xf32> to vector<1x16xf32>
      tpu.vector_store %arg8[%swap3A_330, %swap3A_331], %swap3A_334 {strides = array<i32>} : memref<64x128xf32, #tpu.memory_space<vmem>>, vector<1x16xf32>,
    }
    %scan3A_5 = arith.constant 512 : i32
    %mul3A_6 = arith.constant 640 : i32
    %mul3A_7 = arith.muli %arg1, %mul3A_6 : i32
    %add3A_8 = arith.constant 0 : i32
    %add3A_9 = arith.addi %mul3A_7, %add3A_8 : i32
    "tpu.region"() ({
      %run_scoped3A = tpu.sem_alloc : memref<!tpu.dma_semaphore, #tpu.memory_space<semaphore_mem>>
      %dma_start3A_295 = arith.constant 0 : i32
      %dma_start3A_296 = tpu.memref_slice %arg15[%add3A_9, %dma_start3A_295] : memref<10240x128xf32, #tpu.memory_space<vmem_shared>> -> memref<64x128xf32, #tpu.memory_space<vmem_shared>>
      %dma_start3A_297 = arith.constant 0 : i32
      %dma_start3A_298 = tpu.memref_slice %arg15[%add3A_9, %dma_start3A_297] : memref<10240x128xf32, #tpu.memory_space<vmem_shared>> -> memref<64x128xf32, #tpu.memory_space<vmem_shared>>
      tpu.enqueue_dma source(%arg8 : memref<64x128xf32, #tpu.memory_space<vmem>>) target(%dma_start3A_298 : memref<64x128xf32, #tpu.memory_space<vmem_shared>>) target_semaphore(%run_scoped3A : memref<!tpu.dma_semaphore, #tpu.memory_space<semaphore_mem>>)
      %dma_wait3A_299 = arith.constant 0 : i32
      %dma_wait3A_300 = tpu.memref_slice %arg15[%add3A_9, %dma_wait3A_299] : memref<10240x128xf32, #tpu.memory_space<vmem_shared>> -> memref<64x128xf32, #tpu.memory_space<vmem_shared>>
      %dma_wait3A_301 = arith.constant 0 : i32
      %dma_wait3A_302 = tpu.memref_slice %arg15[%add3A_9, %dma_wait3A_301] : memref<10240x128xf32, #tpu.memory_space<vmem_shared>> -> memref<64x128xf32, #tpu.memory_space<vmem_shared>>
      tpu.wait_dma2 semaphore(%run_scoped3A : memref<!tpu.dma_semaphore, #tpu.memory_space<semaphore_mem>>) src(%arg8 : memref<64x128xf32, #tpu.memory_space<vmem>>) dst(%dma_wait3A_302 : memref<64x128xf32, #tpu.memory_space<vmem_shared>>)
      tpu.yield
    }) : () -> ()
    %mul3A_10 = arith.constant 640 : i32
    %mul3A_11 = arith.muli %arg1, %mul3A_10 : i32
    %add3A_12 = arith.constant 64 : i32
    %add3A_13 = arith.addi %mul3A_11, %add3A_12 : i32
    "tpu.region"() ({
      %run_scoped3A = tpu.sem_alloc : memref<!tpu.dma_semaphore, #tpu.memory_space<semaphore_mem>>
      %dma_start3A_295 = arith.constant 0 : i32
      %dma_start3A_296 = tpu.memref_slice %arg15[%add3A_13, %dma_start3A_295] : memref<10240x128xf32, #tpu.memory_space<vmem_shared>> -> memref<64x128xf32, #tpu.memory_space<vmem_shared>>
      %dma_start3A_297 = arith.constant 0 : i32
      %dma_start3A_298 = tpu.memref_slice %arg15[%add3A_13, %dma_start3A_297] : memref<10240x128xf32, #tpu.memory_space<vmem_shared>> -> memref<64x128xf32, #tpu.memory_space<vmem_shared>>
      tpu.enqueue_dma source(%arg8 : memref<64x128xf32, #tpu.memory_space<vmem>>) target(%dma_start3A_298 : memref<64x128xf32, #tpu.memory_space<vmem_shared>>) target_semaphore(%run_scoped3A : memref<!tpu.dma_semaphore, #tpu.memory_space<semaphore_mem>>)
      %dma_wait3A_299 = arith.constant 0 : i32
      %dma_wait3A_300 = tpu.memref_slice %arg15[%add3A_13, %dma_wait3A_299] : memref<10240x128xf32, #tpu.memory_space<vmem_shared>> -> memref<64x128xf32, #tpu.memory_space<vmem_shared>>
      %dma_wait3A_301 = arith.constant 0 : i32
      %dma_wait3A_302 = tpu.memref_slice %arg15[%add3A_13, %dma_wait3A_301] : memref<10240x128xf32, #tpu.memory_space<vmem_shared>> -> memref<64x128xf32, #tpu.memory_space<vmem_shared>>
      tpu.wait_dma2 semaphore(%run_scoped3A : memref<!tpu.dma_semaphore, #tpu.memory_space<semaphore_mem>>) src(%arg8 : memref<64x128xf32, #tpu.memory_space<vmem>>) dst(%dma_wait3A_302 : memref<64x128xf32, #tpu.memory_space<vmem_shared>>)
      tpu.yield
    }) : () -> ()
    %mul3A_14 = arith.constant 640 : i32
    %mul3A_15 = arith.muli %arg1, %mul3A_14 : i32
    %add3A_16 = arith.constant 128 : i32
    %add3A_17 = arith.addi %mul3A_15, %add3A_16 : i32
    "tpu.region"() ({
      %run_scoped3A = tpu.sem_alloc : memref<!tpu.dma_semaphore, #tpu.memory_space<semaphore_mem>>
      %dma_start3A_295 = arith.constant 0 : i32
      %dma_start3A_296 = tpu.memref_slice %arg15[%add3A_17, %dma_start3A_295] : memref<10240x128xf32, #tpu.memory_space<vmem_shared>> -> memref<64x128xf32, #tpu.memory_space<vmem_shared>>
      %dma_start3A_297 = arith.constant 0 : i32
      %dma_start3A_298 = tpu.memref_slice %arg15[%add3A_17, %dma_start3A_297] : memref<10240x128xf32, #tpu.memory_space<vmem_shared>> -> memref<64x128xf32, #tpu.memory_space<vmem_shared>>
      tpu.enqueue_dma source(%arg8 : memref<64x128xf32, #tpu.memory_space<vmem>>) target(%dma_start3A_298 : memref<64x128xf32, #tpu.memory_space<vmem_shared>>) target_semaphore(%run_scoped3A : memref<!tpu.dma_semaphore, #tpu.memory_space<semaphore_mem>>)
      %dma_wait3A_299 = arith.constant 0 : i32
      %dma_wait3A_300 = tpu.memref_slice %arg15[%add3A_17, %dma_wait3A_299] : memref<10240x128xf32, #tpu.memory_space<vmem_shared>> -> memref<64x128xf32, #tpu.memory_space<vmem_shared>>
      %dma_wait3A_301 = arith.constant 0 : i32
      %dma_wait3A_302 = tpu.memref_slice %arg15[%add3A_17, %dma_wait3A_301] : memref<10240x128xf32, #tpu.memory_space<vmem_shared>> -> memref<64x128xf32, #tpu.memory_space<vmem_shared>>
      tpu.wait_dma2 semaphore(%run_scoped3A : memref<!tpu.dma_semaphore, #tpu.memory_space<semaphore_mem>>) src(%arg8 : memref<64x128xf32, #tpu.memory_space<vmem>>) dst(%dma_wait3A_302 : memref<64x128xf32, #tpu.memory_space<vmem_shared>>)
      tpu.yield
    }) : () -> ()
    %mul3A_18 = arith.constant 640 : i32
    %mul3A_19 = arith.muli %arg1, %mul3A_18 : i32
    %add3A_20 = arith.constant 192 : i32
    %add3A_21 = arith.addi %mul3A_19, %add3A_20 : i32
    "tpu.region"() ({
      %run_scoped3A = tpu.sem_alloc : memref<!tpu.dma_semaphore, #tpu.memory_space<semaphore_mem>>
      %dma_start3A_295 = arith.constant 0 : i32
      %dma_start3A_296 = tpu.memref_slice %arg15[%add3A_21, %dma_start3A_295] : memref<10240x128xf32, #tpu.memory_space<vmem_shared>> -> memref<64x128xf32, #tpu.memory_space<vmem_shared>>
      %dma_start3A_297 = arith.constant 0 : i32
      %dma_start3A_298 = tpu.memref_slice %arg15[%add3A_21, %dma_start3A_297] : memref<10240x128xf32, #tpu.memory_space<vmem_shared>> -> memref<64x128xf32, #tpu.memory_space<vmem_shared>>
      tpu.enqueue_dma source(%arg8 : memref<64x128xf32, #tpu.memory_space<vmem>>) target(%dma_start3A_298 : memref<64x128xf32, #tpu.memory_space<vmem_shared>>) target_semaphore(%run_scoped3A : memref<!tpu.dma_semaphore, #tpu.memory_space<semaphore_mem>>)
      %dma_wait3A_299 = arith.constant 0 : i32
      %dma_wait3A_300 = tpu.memref_slice %arg15[%add3A_21, %dma_wait3A_299] : memref<10240x128xf32, #tpu.memory_space<vmem_shared>> -> memref<64x128xf32, #tpu.memory_space<vmem_shared>>
      %dma_wait3A_301 = arith.constant 0 : i32
      %dma_wait3A_302 = tpu.memref_slice %arg15[%add3A_21, %dma_wait3A_301] : memref<10240x128xf32, #tpu.memory_space<vmem_shared>> -> memref<64x128xf32, #tpu.memory_space<vmem_shared>>
      tpu.wait_dma2 semaphore(%run_scoped3A : memref<!tpu.dma_semaphore, #tpu.memory_space<semaphore_mem>>) src(%arg8 : memref<64x128xf32, #tpu.memory_space<vmem>>) dst(%dma_wait3A_302 : memref<64x128xf32, #tpu.memory_space<vmem_shared>>)
      tpu.yield
    }) : () -> ()
    %mul3A_22 = arith.constant 640 : i32
    %mul3A_23 = arith.muli %arg1, %mul3A_22 : i32
    %add3A_24 = arith.constant 256 : i32
    %add3A_25 = arith.addi %mul3A_23, %add3A_24 : i32
    "tpu.region"() ({
      %run_scoped3A = tpu.sem_alloc : memref<!tpu.dma_semaphore, #tpu.memory_space<semaphore_mem>>
      %dma_start3A_295 = arith.constant 0 : i32
      %dma_start3A_296 = tpu.memref_slice %arg15[%add3A_25, %dma_start3A_295] : memref<10240x128xf32, #tpu.memory_space<vmem_shared>> -> memref<64x128xf32, #tpu.memory_space<vmem_shared>>
      %dma_start3A_297 = arith.constant 0 : i32
      %dma_start3A_298 = tpu.memref_slice %arg15[%add3A_25, %dma_start3A_297] : memref<10240x128xf32, #tpu.memory_space<vmem_shared>> -> memref<64x128xf32, #tpu.memory_space<vmem_shared>>
      tpu.enqueue_dma source(%arg8 : memref<64x128xf32, #tpu.memory_space<vmem>>) target(%dma_start3A_298 : memref<64x128xf32, #tpu.memory_space<vmem_shared>>) target_semaphore(%run_scoped3A : memref<!tpu.dma_semaphore, #tpu.memory_space<semaphore_mem>>)
      %dma_wait3A_299 = arith.constant 0 : i32
      %dma_wait3A_300 = tpu.memref_slice %arg15[%add3A_25, %dma_wait3A_299] : memref<10240x128xf32, #tpu.memory_space<vmem_shared>> -> memref<64x128xf32, #tpu.memory_space<vmem_shared>>
      %dma_wait3A_301 = arith.constant 0 : i32
      %dma_wait3A_302 = tpu.memref_slice %arg15[%add3A_25, %dma_wait3A_301] : memref<10240x128xf32, #tpu.memory_space<vmem_shared>> -> memref<64x128xf32, #tpu.memory_space<vmem_shared>>
      tpu.wait_dma2 semaphore(%run_scoped3A : memref<!tpu.dma_semaphore, #tpu.memory_space<semaphore_mem>>) src(%arg8 : memref<64x128xf32, #tpu.memory_space<vmem>>) dst(%dma_wait3A_302 : memref<64x128xf32, #tpu.memory_space<vmem_shared>>)
      tpu.yield
    }) : () -> ()
    %mul3A_26 = arith.constant 640 : i32
    %mul3A_27 = arith.muli %arg1, %mul3A_26 : i32
    %add3A_28 = arith.constant 320 : i32
    %add3A_29 = arith.addi %mul3A_27, %add3A_28 : i32
    "tpu.region"() ({
      %run_scoped3A = tpu.sem_alloc : memref<!tpu.dma_semaphore, #tpu.memory_space<semaphore_mem>>
      %dma_start3A_295 = arith.constant 0 : i32
      %dma_start3A_296 = tpu.memref_slice %arg15[%add3A_29, %dma_start3A_295] : memref<10240x128xf32, #tpu.memory_space<vmem_shared>> -> memref<64x128xf32, #tpu.memory_space<vmem_shared>>
      %dma_start3A_297 = arith.constant 0 : i32
      %dma_start3A_298 = tpu.memref_slice %arg15[%add3A_29, %dma_start3A_297] : memref<10240x128xf32, #tpu.memory_space<vmem_shared>> -> memref<64x128xf32, #tpu.memory_space<vmem_shared>>
      tpu.enqueue_dma source(%arg8 : memref<64x128xf32, #tpu.memory_space<vmem>>) target(%dma_start3A_298 : memref<64x128xf32, #tpu.memory_space<vmem_shared>>) target_semaphore(%run_scoped3A : memref<!tpu.dma_semaphore, #tpu.memory_space<semaphore_mem>>)
      %dma_wait3A_299 = arith.constant 0 : i32
      %dma_wait3A_300 = tpu.memref_slice %arg15[%add3A_29, %dma_wait3A_299] : memref<10240x128xf32, #tpu.memory_space<vmem_shared>> -> memref<64x128xf32, #tpu.memory_space<vmem_shared>>
      %dma_wait3A_301 = arith.constant 0 : i32
      %dma_wait3A_302 = tpu.memref_slice %arg15[%add3A_29, %dma_wait3A_301] : memref<10240x128xf32, #tpu.memory_space<vmem_shared>> -> memref<64x128xf32, #tpu.memory_space<vmem_shared>>
      tpu.wait_dma2 semaphore(%run_scoped3A : memref<!tpu.dma_semaphore, #tpu.memory_space<semaphore_mem>>) src(%arg8 : memref<64x128xf32, #tpu.memory_space<vmem>>) dst(%dma_wait3A_302 : memref<64x128xf32, #tpu.memory_space<vmem_shared>>)
      tpu.yield
    }) : () -> ()
    %mul3A_30 = arith.constant 640 : i32
    %mul3A_31 = arith.muli %arg1, %mul3A_30 : i32
    %add3A_32 = arith.constant 384 : i32
    %add3A_33 = arith.addi %mul3A_31, %add3A_32 : i32
    "tpu.region"() ({
      %run_scoped3A = tpu.sem_alloc : memref<!tpu.dma_semaphore, #tpu.memory_space<semaphore_mem>>
      %dma_start3A_295 = arith.constant 0 : i32
      %dma_start3A_296 = tpu.memref_slice %arg15[%add3A_33, %dma_start3A_295] : memref<10240x128xf32, #tpu.memory_space<vmem_shared>> -> memref<64x128xf32, #tpu.memory_space<vmem_shared>>
      %dma_start3A_297 = arith.constant 0 : i32
      %dma_start3A_298 = tpu.memref_slice %arg15[%add3A_33, %dma_start3A_297] : memref<10240x128xf32, #tpu.memory_space<vmem_shared>> -> memref<64x128xf32, #tpu.memory_space<vmem_shared>>
      tpu.enqueue_dma source(%arg8 : memref<64x128xf32, #tpu.memory_space<vmem>>) target(%dma_start3A_298 : memref<64x128xf32, #tpu.memory_space<vmem_shared>>) target_semaphore(%run_scoped3A : memref<!tpu.dma_semaphore, #tpu.memory_space<semaphore_mem>>)
      %dma_wait3A_299 = arith.constant 0 : i32
      %dma_wait3A_300 = tpu.memref_slice %arg15[%add3A_33, %dma_wait3A_299] : memref<10240x128xf32, #tpu.memory_space<vmem_shared>> -> memref<64x128xf32, #tpu.memory_space<vmem_shared>>
      %dma_wait3A_301 = arith.constant 0 : i32
      %dma_wait3A_302 = tpu.memref_slice %arg15[%add3A_33, %dma_wait3A_301] : memref<10240x128xf32, #tpu.memory_space<vmem_shared>> -> memref<64x128xf32, #tpu.memory_space<vmem_shared>>
      tpu.wait_dma2 semaphore(%run_scoped3A : memref<!tpu.dma_semaphore, #tpu.memory_space<semaphore_mem>>) src(%arg8 : memref<64x128xf32, #tpu.memory_space<vmem>>) dst(%dma_wait3A_302 : memref<64x128xf32, #tpu.memory_space<vmem_shared>>)
      tpu.yield
    }) : () -> ()
    %mul3A_34 = arith.constant 640 : i32
    %mul3A_35 = arith.muli %arg1, %mul3A_34 : i32
    %add3A_36 = arith.constant 448 : i32
    %add3A_37 = arith.addi %mul3A_35, %add3A_36 : i32
    "tpu.region"() ({
      %run_scoped3A = tpu.sem_alloc : memref<!tpu.dma_semaphore, #tpu.memory_space<semaphore_mem>>
      %dma_start3A_295 = arith.constant 0 : i32
      %dma_start3A_296 = tpu.memref_slice %arg15[%add3A_37, %dma_start3A_295] : memref<10240x128xf32, #tpu.memory_space<vmem_shared>> -> memref<64x128xf32, #tpu.memory_space<vmem_shared>>
      %dma_start3A_297 = arith.constant 0 : i32
      %dma_start3A_298 = tpu.memref_slice %arg15[%add3A_37, %dma_start3A_297] : memref<10240x128xf32, #tpu.memory_space<vmem_shared>> -> memref<64x128xf32, #tpu.memory_space<vmem_shared>>
      tpu.enqueue_dma source(%arg8 : memref<64x128xf32, #tpu.memory_space<vmem>>) target(%dma_start3A_298 : memref<64x128xf32, #tpu.memory_space<vmem_shared>>) target_semaphore(%run_scoped3A : memref<!tpu.dma_semaphore, #tpu.memory_space<semaphore_mem>>)
      %dma_wait3A_299 = arith.constant 0 : i32
      %dma_wait3A_300 = tpu.memref_slice %arg15[%add3A_37, %dma_wait3A_299] : memref<10240x128xf32, #tpu.memory_space<vmem_shared>> -> memref<64x128xf32, #tpu.memory_space<vmem_shared>>
      %dma_wait3A_301 = arith.constant 0 : i32
      %dma_wait3A_302 = tpu.memref_slice %arg15[%add3A_37, %dma_wait3A_301] : memref<10240x128xf32, #tpu.memory_space<vmem_shared>> -> memref<64x128xf32, #tpu.memory_space<vmem_shared>>
      tpu.wait_dma2 semaphore(%run_scoped3A : memref<!tpu.dma_semaphore, #tpu.memory_space<semaphore_mem>>) src(%arg8 : memref<64x128xf32, #tpu.memory_space<vmem>>) dst(%dma_wait3A_302 : memref<64x128xf32, #tpu.memory_space<vmem_shared>>)
      tpu.yield
    }) : () -> ()
    %mul3A_38 = arith.constant 640 : i32
    %mul3A_39 = arith.muli %arg1, %mul3A_38 : i32
    %add3A_40 = arith.constant 512 : i32
    %add3A_41 = arith.addi %mul3A_39, %add3A_40 : i32
    "tpu.region"() ({
      %run_scoped3A = tpu.sem_alloc : memref<!tpu.dma_semaphore, #tpu.memory_space<semaphore_mem>>
      %dma_start3A_295 = arith.constant 0 : i32
      %dma_start3A_296 = tpu.memref_slice %arg15[%add3A_41, %dma_start3A_295] : memref<10240x128xf32, #tpu.memory_space<vmem_shared>> -> memref<64x128xf32, #tpu.memory_space<vmem_shared>>
      %dma_start3A_297 = arith.constant 0 : i32
      %dma_start3A_298 = tpu.memref_slice %arg15[%add3A_41, %dma_start3A_297] : memref<10240x128xf32, #tpu.memory_space<vmem_shared>> -> memref<64x128xf32, #tpu.memory_space<vmem_shared>>
      tpu.enqueue_dma source(%arg8 : memref<64x128xf32, #tpu.memory_space<vmem>>) target(%dma_start3A_298 : memref<64x128xf32, #tpu.memory_space<vmem_shared>>) target_semaphore(%run_scoped3A : memref<!tpu.dma_semaphore, #tpu.memory_space<semaphore_mem>>)
      %dma_wait3A_299 = arith.constant 0 : i32
      %dma_wait3A_300 = tpu.memref_slice %arg15[%add3A_41, %dma_wait3A_299] : memref<10240x128xf32, #tpu.memory_space<vmem_shared>> -> memref<64x128xf32, #tpu.memory_space<vmem_shared>>
      %dma_wait3A_301 = arith.constant 0 : i32
      %dma_wait3A_302 = tpu.memref_slice %arg15[%add3A_41, %dma_wait3A_301] : memref<10240x128xf32, #tpu.memory_space<vmem_shared>> -> memref<64x128xf32, #tpu.memory_space<vmem_shared>>
      tpu.wait_dma2 semaphore(%run_scoped3A : memref<!tpu.dma_semaphore, #tpu.memory_space<semaphore_mem>>) src(%arg8 : memref<64x128xf32, #tpu.memory_space<vmem>>) dst(%dma_wait3A_302 : memref<64x128xf32, #tpu.memory_space<vmem_shared>>)
      tpu.yield
    }) : () -> ()
    %mul3A_42 = arith.constant 640 : i32
    %mul3A_43 = arith.muli %arg1, %mul3A_42 : i32
    %add3A_44 = arith.constant 576 : i32
    %add3A_45 = arith.addi %mul3A_43, %add3A_44 : i32
    "tpu.region"() ({
      %run_scoped3A = tpu.sem_alloc : memref<!tpu.dma_semaphore, #tpu.memory_space<semaphore_mem>>
      %dma_start3A_295 = arith.constant 0 : i32
      %dma_start3A_296 = tpu.memref_slice %arg15[%add3A_45, %dma_start3A_295] : memref<10240x128xf32, #tpu.memory_space<vmem_shared>> -> memref<64x128xf32, #tpu.memory_space<vmem_shared>>
      %dma_start3A_297 = arith.constant 0 : i32
      %dma_start3A_298 = tpu.memref_slice %arg15[%add3A_45, %dma_start3A_297] : memref<10240x128xf32, #tpu.memory_space<vmem_shared>> -> memref<64x128xf32, #tpu.memory_space<vmem_shared>>
      tpu.enqueue_dma source(%arg8 : memref<64x128xf32, #tpu.memory_space<vmem>>) target(%dma_start3A_298 : memref<64x128xf32, #tpu.memory_space<vmem_shared>>) target_semaphore(%run_scoped3A : memref<!tpu.dma_semaphore, #tpu.memory_space<semaphore_mem>>)
      %dma_wait3A_299 = arith.constant 0 : i32
      %dma_wait3A_300 = tpu.memref_slice %arg15[%add3A_45, %dma_wait3A_299] : memref<10240x128xf32, #tpu.memory_space<vmem_shared>> -> memref<64x128xf32, #tpu.memory_space<vmem_shared>>
      %dma_wait3A_301 = arith.constant 0 : i32
      %dma_wait3A_302 = tpu.memref_slice %arg15[%add3A_45, %dma_wait3A_301] : memref<10240x128xf32, #tpu.memory_space<vmem_shared>> -> memref<64x128xf32, #tpu.memory_space<vmem_shared>>
      tpu.wait_dma2 semaphore(%run_scoped3A : memref<!tpu.dma_semaphore, #tpu.memory_space<semaphore_mem>>) src(%arg8 : memref<64x128xf32, #tpu.memory_space<vmem>>) dst(%dma_wait3A_302 : memref<64x128xf32, #tpu.memory_space<vmem_shared>>)
      tpu.yield
    }) : () -> ()
    %barrier3A = arith.constant 0 : index
    tpu.barrier barrier_id(%barrier3A)
    %get3A = arith.constant 0 : i32
    %get3A_46 = arith.index_cast %get3A : i32 to index
    %get3A_47 = arith.constant 0 : index
    %get3A_48 = tpu.vector_load %arg5[%get3A_46, %get3A_47] {strides = array<i32>} : memref<157x64xi32, #tpu.memory_space<vmem>>, vector<1x16xi32>,
    %get3A_49 = vector.shape_cast %get3A_48 : vector<1x16xi32> to vector<16xi32>
    %and3A = arith.constant 65535 : i32
    %and3A_50 = vector.broadcast %and3A : i32 to vector<16xi32>
    %and3A_51 = arith.andi %get3A_49, %and3A_50 : vector<16xi32>
    %swap3A = arith.constant 0 : index
    %swap3A_52 = tpu.vector_load %arg6[%swap3A] {strides = array<i32>} : memref<64xi32, #tpu.memory_space<vmem>>, vector<16xi32>,
    %swap3A_53 = vector.shape_cast %swap3A_52 : vector<16xi32> to vector<16xi32>
    %swap3A_54 = vector.shape_cast %and3A_51 : vector<16xi32> to vector<16xi32>
    tpu.vector_store %arg6[%swap3A], %swap3A_54 {strides = array<i32>} : memref<64xi32, #tpu.memory_space<vmem>>, vector<16xi32>,
    %shift_right_arithmetic3A = arith.constant 16 : i32
    %shift_right_arithmetic3A_55 = vector.broadcast %shift_right_arithmetic3A : i32 to vector<16xi32>
    %shift_right_arithmetic3A_56 = arith.shrsi %get3A_49, %shift_right_arithmetic3A_55 : vector<16xi32>
    %swap3A_57 = arith.constant 0 : index
    %swap3A_58 = tpu.vector_load %arg7[%swap3A_57] {strides = array<i32>} : memref<64xi32, #tpu.memory_space<vmem>>, vector<16xi32>,
    %swap3A_59 = vector.shape_cast %swap3A_58 : vector<16xi32> to vector<16xi32>
    %swap3A_60 = vector.shape_cast %shift_right_arithmetic3A_56 : vector<16xi32> to vector<16xi32>
    tpu.vector_store %arg7[%swap3A_57], %swap3A_60 {strides = array<i32>} : memref<64xi32, #tpu.memory_space<vmem>>, vector<16xi32>,
    %get3A_61 = arith.constant 0 : i32
    %get3A_62 = arith.index_cast %get3A_61 : i32 to index
    %get3A_63 = arith.constant 16 : index
    %get3A_64 = tpu.vector_load %arg5[%get3A_62, %get3A_63] {strides = array<i32>} : memref<157x64xi32, #tpu.memory_space<vmem>>, vector<1x16xi32>,
    %get3A_65 = vector.shape_cast %get3A_64 : vector<1x16xi32> to vector<16xi32>
    %and3A_66 = arith.constant 65535 : i32
    %and3A_67 = vector.broadcast %and3A_66 : i32 to vector<16xi32>
    %and3A_68 = arith.andi %get3A_65, %and3A_67 : vector<16xi32>
    %swap3A_69 = arith.constant 16 : index
    %swap3A_70 = tpu.vector_load %arg6[%swap3A_69] {strides = array<i32>} : memref<64xi32, #tpu.memory_space<vmem>>, vector<16xi32>,
    %swap3A_71 = vector.shape_cast %swap3A_70 : vector<16xi32> to vector<16xi32>
    %swap3A_72 = vector.shape_cast %and3A_68 : vector<16xi32> to vector<16xi32>
    tpu.vector_store %arg6[%swap3A_69], %swap3A_72 {strides = array<i32>} : memref<64xi32, #tpu.memory_space<vmem>>, vector<16xi32>,
    %shift_right_arithmetic3A_73 = arith.constant 16 : i32
    %shift_right_arithmetic3A_74 = vector.broadcast %shift_right_arithmetic3A_73 : i32 to vector<16xi32>
    %shift_right_arithmetic3A_75 = arith.shrsi %get3A_65, %shift_right_arithmetic3A_74 : vector<16xi32>
    %swap3A_76 = arith.constant 16 : index
    %swap3A_77 = tpu.vector_load %arg7[%swap3A_76] {strides = array<i32>} : memref<64xi32, #tpu.memory_space<vmem>>, vector<16xi32>,
    %swap3A_78 = vector.shape_cast %swap3A_77 : vector<16xi32> to vector<16xi32>
    %swap3A_79 = vector.shape_cast %shift_right_arithmetic3A_75 : vector<16xi32> to vector<16xi32>
    tpu.vector_store %arg7[%swap3A_76], %swap3A_79 {strides = array<i32>} : memref<64xi32, #tpu.memory_space<vmem>>, vector<16xi32>,
    %get3A_80 = arith.constant 0 : i32
    %get3A_81 = arith.index_cast %get3A_80 : i32 to index
    %get3A_82 = arith.constant 32 : index
    %get3A_83 = tpu.vector_load %arg5[%get3A_81, %get3A_82] {strides = array<i32>} : memref<157x64xi32, #tpu.memory_space<vmem>>, vector<1x16xi32>,
    %get3A_84 = vector.shape_cast %get3A_83 : vector<1x16xi32> to vector<16xi32>
    %and3A_85 = arith.constant 65535 : i32
    %and3A_86 = vector.broadcast %and3A_85 : i32 to vector<16xi32>
    %and3A_87 = arith.andi %get3A_84, %and3A_86 : vector<16xi32>
    %swap3A_88 = arith.constant 32 : index
    %swap3A_89 = tpu.vector_load %arg6[%swap3A_88] {strides = array<i32>} : memref<64xi32, #tpu.memory_space<vmem>>, vector<16xi32>,
    %swap3A_90 = vector.shape_cast %swap3A_89 : vector<16xi32> to vector<16xi32>
    %swap3A_91 = vector.shape_cast %and3A_87 : vector<16xi32> to vector<16xi32>
    tpu.vector_store %arg6[%swap3A_88], %swap3A_91 {strides = array<i32>} : memref<64xi32, #tpu.memory_space<vmem>>, vector<16xi32>,
    %shift_right_arithmetic3A_92 = arith.constant 16 : i32
    %shift_right_arithmetic3A_93 = vector.broadcast %shift_right_arithmetic3A_92 : i32 to vector<16xi32>
    %shift_right_arithmetic3A_94 = arith.shrsi %get3A_84, %shift_right_arithmetic3A_93 : vector<16xi32>
    %swap3A_95 = arith.constant 32 : index
    %swap3A_96 = tpu.vector_load %arg7[%swap3A_95] {strides = array<i32>} : memref<64xi32, #tpu.memory_space<vmem>>, vector<16xi32>,
    %swap3A_97 = vector.shape_cast %swap3A_96 : vector<16xi32> to vector<16xi32>
    %swap3A_98 = vector.shape_cast %shift_right_arithmetic3A_94 : vector<16xi32> to vector<16xi32>
    tpu.vector_store %arg7[%swap3A_95], %swap3A_98 {strides = array<i32>} : memref<64xi32, #tpu.memory_space<vmem>>, vector<16xi32>,
    %get3A_99 = arith.constant 0 : i32
    %get3A_100 = arith.index_cast %get3A_99 : i32 to index
    %get3A_101 = arith.constant 48 : index
    %get3A_102 = tpu.vector_load %arg5[%get3A_100, %get3A_101] {strides = array<i32>} : memref<157x64xi32, #tpu.memory_space<vmem>>, vector<1x16xi32>,
    %get3A_103 = vector.shape_cast %get3A_102 : vector<1x16xi32> to vector<16xi32>
    %and3A_104 = arith.constant 65535 : i32
    %and3A_105 = vector.broadcast %and3A_104 : i32 to vector<16xi32>
    %and3A_106 = arith.andi %get3A_103, %and3A_105 : vector<16xi32>
    %swap3A_107 = arith.constant 48 : index
    %swap3A_108 = tpu.vector_load %arg6[%swap3A_107] {strides = array<i32>} : memref<64xi32, #tpu.memory_space<vmem>>, vector<16xi32>,
    %swap3A_109 = vector.shape_cast %swap3A_108 : vector<16xi32> to vector<16xi32>
    %swap3A_110 = vector.shape_cast %and3A_106 : vector<16xi32> to vector<16xi32>
    tpu.vector_store %arg6[%swap3A_107], %swap3A_110 {strides = array<i32>} : memref<64xi32, #tpu.memory_space<vmem>>, vector<16xi32>,
    %shift_right_arithmetic3A_111 = arith.constant 16 : i32
    %shift_right_arithmetic3A_112 = vector.broadcast %shift_right_arithmetic3A_111 : i32 to vector<16xi32>
    %shift_right_arithmetic3A_113 = arith.shrsi %get3A_103, %shift_right_arithmetic3A_112 : vector<16xi32>
    %swap3A_114 = arith.constant 48 : index
    %swap3A_115 = tpu.vector_load %arg7[%swap3A_114] {strides = array<i32>} : memref<64xi32, #tpu.memory_space<vmem>>, vector<16xi32>,
    %swap3A_116 = vector.shape_cast %swap3A_115 : vector<16xi32> to vector<16xi32>
    %swap3A_117 = vector.shape_cast %shift_right_arithmetic3A_113 : vector<16xi32> to vector<16xi32>
    tpu.vector_store %arg7[%swap3A_114], %swap3A_117 {strides = array<i32>} : memref<64xi32, #tpu.memory_space<vmem>>, vector<16xi32>,
    %dma_start3A = arith.constant 0 : i32
    %dma_start3A_118 = arith.constant 0 : i32
    %dma_start3A_119 = tpu.memref_slice %arg2[%dma_start3A, %dma_start3A_118] : memref<10000x128xf32, #tpu.memory_space<hbm>> -> memref<10000x128xf32, #tpu.memory_space<hbm>>
    tpu.enqueue_indirect_dma source(%dma_start3A_119 : memref<10000x128xf32, #tpu.memory_space<hbm>>) target(%arg8 : memref<64x128xf32, #tpu.memory_space<vmem>>) offsets(%arg6 : memref<64xi32, #tpu.memory_space<vmem>>) semaphore(%arg16 : memref<!tpu.dma_semaphore, #tpu.memory_space<semaphore_mem>>)
    %get3A_120 = arith.constant 1 : i32
    %get3A_121 = arith.index_cast %get3A_120 : i32 to index
    %get3A_122 = arith.constant 0 : index
    %get3A_123 = tpu.vector_load %arg5[%get3A_121, %get3A_122] {strides = array<i32>} : memref<157x64xi32, #tpu.memory_space<vmem>>, vector<1x16xi32>,
    %get3A_124 = vector.shape_cast %get3A_123 : vector<1x16xi32> to vector<16xi32>
    %and3A_125 = arith.constant 65535 : i32
    %and3A_126 = vector.broadcast %and3A_125 : i32 to vector<16xi32>
    %and3A_127 = arith.andi %get3A_124, %and3A_126 : vector<16xi32>
    %swap3A_128 = arith.constant 0 : index
    %swap3A_129 = tpu.vector_load %arg9[%swap3A_128] {strides = array<i32>} : memref<64xi32, #tpu.memory_space<vmem>>, vector<16xi32>,
    %swap3A_130 = vector.shape_cast %swap3A_129 : vector<16xi32> to vector<16xi32>
    %swap3A_131 = vector.shape_cast %and3A_127 : vector<16xi32> to vector<16xi32>
    tpu.vector_store %arg9[%swap3A_128], %swap3A_131 {strides = array<i32>} : memref<64xi32, #tpu.memory_space<vmem>>, vector<16xi32>,
    %shift_right_arithmetic3A_132 = arith.constant 16 : i32
    %shift_right_arithmetic3A_133 = vector.broadcast %shift_right_arithmetic3A_132 : i32 to vector<16xi32>
    %shift_right_arithmetic3A_134 = arith.shrsi %get3A_124, %shift_right_arithmetic3A_133 : vector<16xi32>
    %swap3A_135 = arith.constant 0 : index
    %swap3A_136 = tpu.vector_load %arg10[%swap3A_135] {strides = array<i32>} : memref<64xi32, #tpu.memory_space<vmem>>, vector<16xi32>,
    %swap3A_137 = vector.shape_cast %swap3A_136 : vector<16xi32> to vector<16xi32>
    %swap3A_138 = vector.shape_cast %shift_right_arithmetic3A_134 : vector<16xi32> to vector<16xi32>
    tpu.vector_store %arg10[%swap3A_135], %swap3A_138 {strides = array<i32>} : memref<64xi32, #tpu.memory_space<vmem>>, vector<16xi32>,
    %get3A_139 = arith.constant 1 : i32
    %get3A_140 = arith.index_cast %get3A_139 : i32 to index
    %get3A_141 = arith.constant 16 : index
    %get3A_142 = tpu.vector_load %arg5[%get3A_140, %get3A_141] {strides = array<i32>} : memref<157x64xi32, #tpu.memory_space<vmem>>, vector<1x16xi32>,
    %get3A_143 = vector.shape_cast %get3A_142 : vector<1x16xi32> to vector<16xi32>
    %and3A_144 = arith.constant 65535 : i32
    %and3A_145 = vector.broadcast %and3A_144 : i32 to vector<16xi32>
    %and3A_146 = arith.andi %get3A_143, %and3A_145 : vector<16xi32>
    %swap3A_147 = arith.constant 16 : index
    %swap3A_148 = tpu.vector_load %arg9[%swap3A_147] {strides = array<i32>} : memref<64xi32, #tpu.memory_space<vmem>>, vector<16xi32>,
    %swap3A_149 = vector.shape_cast %swap3A_148 : vector<16xi32> to vector<16xi32>
    %swap3A_150 = vector.shape_cast %and3A_146 : vector<16xi32> to vector<16xi32>
    tpu.vector_store %arg9[%swap3A_147], %swap3A_150 {strides = array<i32>} : memref<64xi32, #tpu.memory_space<vmem>>, vector<16xi32>,
    %shift_right_arithmetic3A_151 = arith.constant 16 : i32
    %shift_right_arithmetic3A_152 = vector.broadcast %shift_right_arithmetic3A_151 : i32 to vector<16xi32>
    %shift_right_arithmetic3A_153 = arith.shrsi %get3A_143, %shift_right_arithmetic3A_152 : vector<16xi32>
    %swap3A_154 = arith.constant 16 : index
    %swap3A_155 = tpu.vector_load %arg10[%swap3A_154] {strides = array<i32>} : memref<64xi32, #tpu.memory_space<vmem>>, vector<16xi32>,
    %swap3A_156 = vector.shape_cast %swap3A_155 : vector<16xi32> to vector<16xi32>
    %swap3A_157 = vector.shape_cast %shift_right_arithmetic3A_153 : vector<16xi32> to vector<16xi32>
    tpu.vector_store %arg10[%swap3A_154], %swap3A_157 {strides = array<i32>} : memref<64xi32, #tpu.memory_space<vmem>>, vector<16xi32>,
    %get3A_158 = arith.constant 1 : i32
    %get3A_159 = arith.index_cast %get3A_158 : i32 to index
    %get3A_160 = arith.constant 32 : index
    %get3A_161 = tpu.vector_load %arg5[%get3A_159, %get3A_160] {strides = array<i32>} : memref<157x64xi32, #tpu.memory_space<vmem>>, vector<1x16xi32>,
    %get3A_162 = vector.shape_cast %get3A_161 : vector<1x16xi32> to vector<16xi32>
    %and3A_163 = arith.constant 65535 : i32
    %and3A_164 = vector.broadcast %and3A_163 : i32 to vector<16xi32>
    %and3A_165 = arith.andi %get3A_162, %and3A_164 : vector<16xi32>
    %swap3A_166 = arith.constant 32 : index
    %swap3A_167 = tpu.vector_load %arg9[%swap3A_166] {strides = array<i32>} : memref<64xi32, #tpu.memory_space<vmem>>, vector<16xi32>,
    %swap3A_168 = vector.shape_cast %swap3A_167 : vector<16xi32> to vector<16xi32>
    %swap3A_169 = vector.shape_cast %and3A_165 : vector<16xi32> to vector<16xi32>
    tpu.vector_store %arg9[%swap3A_166], %swap3A_169 {strides = array<i32>} : memref<64xi32, #tpu.memory_space<vmem>>, vector<16xi32>,
    %shift_right_arithmetic3A_170 = arith.constant 16 : i32
    %shift_right_arithmetic3A_171 = vector.broadcast %shift_right_arithmetic3A_170 : i32 to vector<16xi32>
    %shift_right_arithmetic3A_172 = arith.shrsi %get3A_162, %shift_right_arithmetic3A_171 : vector<16xi32>
    %swap3A_173 = arith.constant 32 : index
    %swap3A_174 = tpu.vector_load %arg10[%swap3A_173] {strides = array<i32>} : memref<64xi32, #tpu.memory_space<vmem>>, vector<16xi32>,
    %swap3A_175 = vector.shape_cast %swap3A_174 : vector<16xi32> to vector<16xi32>
    %swap3A_176 = vector.shape_cast %shift_right_arithmetic3A_172 : vector<16xi32> to vector<16xi32>
    tpu.vector_store %arg10[%swap3A_173], %swap3A_176 {strides = array<i32>} : memref<64xi32, #tpu.memory_space<vmem>>, vector<16xi32>,
    %get3A_177 = arith.constant 1 : i32
    %get3A_178 = arith.index_cast %get3A_177 : i32 to index
    %get3A_179 = arith.constant 48 : index
    %get3A_180 = tpu.vector_load %arg5[%get3A_178, %get3A_179] {strides = array<i32>} : memref<157x64xi32, #tpu.memory_space<vmem>>, vector<1x16xi32>,
    %get3A_181 = vector.shape_cast %get3A_180 : vector<1x16xi32> to vector<16xi32>
    %and3A_182 = arith.constant 65535 : i32
    %and3A_183 = vector.broadcast %and3A_182 : i32 to vector<16xi32>
    %and3A_184 = arith.andi %get3A_181, %and3A_183 : vector<16xi32>
    %swap3A_185 = arith.constant 48 : index
    %swap3A_186 = tpu.vector_load %arg9[%swap3A_185] {strides = array<i32>} : memref<64xi32, #tpu.memory_space<vmem>>, vector<16xi32>,
    %swap3A_187 = vector.shape_cast %swap3A_186 : vector<16xi32> to vector<16xi32>
    %swap3A_188 = vector.shape_cast %and3A_184 : vector<16xi32> to vector<16xi32>
    tpu.vector_store %arg9[%swap3A_185], %swap3A_188 {strides = array<i32>} : memref<64xi32, #tpu.memory_space<vmem>>, vector<16xi32>,
    %shift_right_arithmetic3A_189 = arith.constant 16 : i32
    %shift_right_arithmetic3A_190 = vector.broadcast %shift_right_arithmetic3A_189 : i32 to vector<16xi32>
    %shift_right_arithmetic3A_191 = arith.shrsi %get3A_181, %shift_right_arithmetic3A_190 : vector<16xi32>
    %swap3A_192 = arith.constant 48 : index
    %swap3A_193 = tpu.vector_load %arg10[%swap3A_192] {strides = array<i32>} : memref<64xi32, #tpu.memory_space<vmem>>, vector<16xi32>,
    %swap3A_194 = vector.shape_cast %swap3A_193 : vector<16xi32> to vector<16xi32>
    %swap3A_195 = vector.shape_cast %shift_right_arithmetic3A_191 : vector<16xi32> to vector<16xi32>
    tpu.vector_store %arg10[%swap3A_192], %swap3A_195 {strides = array<i32>} : memref<64xi32, #tpu.memory_space<vmem>>, vector<16xi32>,
    %dma_start3A_196 = arith.constant 0 : i32
    %dma_start3A_197 = arith.constant 0 : i32
    %dma_start3A_198 = tpu.memref_slice %arg2[%dma_start3A_196, %dma_start3A_197] : memref<10000x128xf32, #tpu.memory_space<hbm>> -> memref<10000x128xf32, #tpu.memory_space<hbm>>
    tpu.enqueue_indirect_dma source(%dma_start3A_198 : memref<10000x128xf32, #tpu.memory_space<hbm>>) target(%arg11 : memref<64x128xf32, #tpu.memory_space<vmem>>) offsets(%arg9 : memref<64xi32, #tpu.memory_space<vmem>>) semaphore(%arg17 : memref<!tpu.dma_semaphore, #tpu.memory_space<semaphore_mem>>)
    %get3A_199 = arith.constant 2 : i32
    %get3A_200 = arith.index_cast %get3A_199 : i32 to index
    %get3A_201 = arith.constant 0 : index
    %get3A_202 = tpu.vector_load %arg5[%get3A_200, %get3A_201] {strides = array<i32>} : memref<157x64xi32, #tpu.memory_space<vmem>>, vector<1x16xi32>,
    %get3A_203 = vector.shape_cast %get3A_202 : vector<1x16xi32> to vector<16xi32>
    %and3A_204 = arith.constant 65535 : i32
    %and3A_205 = vector.broadcast %and3A_204 : i32 to vector<16xi32>
    %and3A_206 = arith.andi %get3A_203, %and3A_205 : vector<16xi32>
    %swap3A_207 = arith.constant 0 : index
    %swap3A_208 = tpu.vector_load %arg12[%swap3A_207] {strides = array<i32>} : memref<64xi32, #tpu.memory_space<vmem>>, vector<16xi32>,
    %swap3A_209 = vector.shape_cast %swap3A_208 : vector<16xi32> to vector<16xi32>
    %swap3A_210 = vector.shape_cast %and3A_206 : vector<16xi32> to vector<16xi32>
    tpu.vector_store %arg12[%swap3A_207], %swap3A_210 {strides = array<i32>} : memref<64xi32, #tpu.memory_space<vmem>>, vector<16xi32>,
    %shift_right_arithmetic3A_211 = arith.constant 16 : i32
    %shift_right_arithmetic3A_212 = vector.broadcast %shift_right_arithmetic3A_211 : i32 to vector<16xi32>
    %shift_right_arithmetic3A_213 = arith.shrsi %get3A_203, %shift_right_arithmetic3A_212 : vector<16xi32>
    %swap3A_214 = arith.constant 0 : index
    %swap3A_215 = tpu.vector_load %arg13[%swap3A_214] {strides = array<i32>} : memref<64xi32, #tpu.memory_space<vmem>>, vector<16xi32>,
    %swap3A_216 = vector.shape_cast %swap3A_215 : vector<16xi32> to vector<16xi32>
    %swap3A_217 = vector.shape_cast %shift_right_arithmetic3A_213 : vector<16xi32> to vector<16xi32>
    tpu.vector_store %arg13[%swap3A_214], %swap3A_217 {strides = array<i32>} : memref<64xi32, #tpu.memory_space<vmem>>, vector<16xi32>,
    %get3A_218 = arith.constant 2 : i32
    %get3A_219 = arith.index_cast %get3A_218 : i32 to index
    %get3A_220 = arith.constant 16 : index
    %get3A_221 = tpu.vector_load %arg5[%get3A_219, %get3A_220] {strides = array<i32>} : memref<157x64xi32, #tpu.memory_space<vmem>>, vector<1x16xi32>,
    %get3A_222 = vector.shape_cast %get3A_221 : vector<1x16xi32> to vector<16xi32>
    %and3A_223 = arith.constant 65535 : i32
    %and3A_224 = vector.broadcast %and3A_223 : i32 to vector<16xi32>
    %and3A_225 = arith.andi %get3A_222, %and3A_224 : vector<16xi32>
    %swap3A_226 = arith.constant 16 : index
    %swap3A_227 = tpu.vector_load %arg12[%swap3A_226] {strides = array<i32>} : memref<64xi32, #tpu.memory_space<vmem>>, vector<16xi32>,
    %swap3A_228 = vector.shape_cast %swap3A_227 : vector<16xi32> to vector<16xi32>
    %swap3A_229 = vector.shape_cast %and3A_225 : vector<16xi32> to vector<16xi32>
    tpu.vector_store %arg12[%swap3A_226], %swap3A_229 {strides = array<i32>} : memref<64xi32, #tpu.memory_space<vmem>>, vector<16xi32>,
    %shift_right_arithmetic3A_230 = arith.constant 16 : i32
    %shift_right_arithmetic3A_231 = vector.broadcast %shift_right_arithmetic3A_230 : i32 to vector<16xi32>
    %shift_right_arithmetic3A_232 = arith.shrsi %get3A_222, %shift_right_arithmetic3A_231 : vector<16xi32>
    %swap3A_233 = arith.constant 16 : index
    %swap3A_234 = tpu.vector_load %arg13[%swap3A_233] {strides = array<i32>} : memref<64xi32, #tpu.memory_space<vmem>>, vector<16xi32>,
    %swap3A_235 = vector.shape_cast %swap3A_234 : vector<16xi32> to vector<16xi32>
    %swap3A_236 = vector.shape_cast %shift_right_arithmetic3A_232 : vector<16xi32> to vector<16xi32>
    tpu.vector_store %arg13[%swap3A_233], %swap3A_236 {strides = array<i32>} : memref<64xi32, #tpu.memory_space<vmem>>, vector<16xi32>,
    %get3A_237 = arith.constant 2 : i32
    %get3A_238 = arith.index_cast %get3A_237 : i32 to index
    %get3A_239 = arith.constant 32 : index
    %get3A_240 = tpu.vector_load %arg5[%get3A_238, %get3A_239] {strides = array<i32>} : memref<157x64xi32, #tpu.memory_space<vmem>>, vector<1x16xi32>,
    %get3A_241 = vector.shape_cast %get3A_240 : vector<1x16xi32> to vector<16xi32>
    %and3A_242 = arith.constant 65535 : i32
    %and3A_243 = vector.broadcast %and3A_242 : i32 to vector<16xi32>
    %and3A_244 = arith.andi %get3A_241, %and3A_243 : vector<16xi32>
    %swap3A_245 = arith.constant 32 : index
    %swap3A_246 = tpu.vector_load %arg12[%swap3A_245] {strides = array<i32>} : memref<64xi32, #tpu.memory_space<vmem>>, vector<16xi32>,
    %swap3A_247 = vector.shape_cast %swap3A_246 : vector<16xi32> to vector<16xi32>
    %swap3A_248 = vector.shape_cast %and3A_244 : vector<16xi32> to vector<16xi32>
    tpu.vector_store %arg12[%swap3A_245], %swap3A_248 {strides = array<i32>} : memref<64xi32, #tpu.memory_space<vmem>>, vector<16xi32>,
    %shift_right_arithmetic3A_249 = arith.constant 16 : i32
    %shift_right_arithmetic3A_250 = vector.broadcast %shift_right_arithmetic3A_249 : i32 to vector<16xi32>
    %shift_right_arithmetic3A_251 = arith.shrsi %get3A_241, %shift_right_arithmetic3A_250 : vector<16xi32>
    %swap3A_252 = arith.constant 32 : index
    %swap3A_253 = tpu.vector_load %arg13[%swap3A_252] {strides = array<i32>} : memref<64xi32, #tpu.memory_space<vmem>>, vector<16xi32>,
    %swap3A_254 = vector.shape_cast %swap3A_253 : vector<16xi32> to vector<16xi32>
    %swap3A_255 = vector.shape_cast %shift_right_arithmetic3A_251 : vector<16xi32> to vector<16xi32>
    tpu.vector_store %arg13[%swap3A_252], %swap3A_255 {strides = array<i32>} : memref<64xi32, #tpu.memory_space<vmem>>, vector<16xi32>,
    %get3A_256 = arith.constant 2 : i32
    %get3A_257 = arith.index_cast %get3A_256 : i32 to index
    %get3A_258 = arith.constant 48 : index
    %get3A_259 = tpu.vector_load %arg5[%get3A_257, %get3A_258] {strides = array<i32>} : memref<157x64xi32, #tpu.memory_space<vmem>>, vector<1x16xi32>,
    %get3A_260 = vector.shape_cast %get3A_259 : vector<1x16xi32> to vector<16xi32>
    %and3A_261 = arith.constant 65535 : i32
    %and3A_262 = vector.broadcast %and3A_261 : i32 to vector<16xi32>
    %and3A_263 = arith.andi %get3A_260, %and3A_262 : vector<16xi32>
    %swap3A_264 = arith.constant 48 : index
    %swap3A_265 = tpu.vector_load %arg12[%swap3A_264] {strides = array<i32>} : memref<64xi32, #tpu.memory_space<vmem>>, vector<16xi32>,
    %swap3A_266 = vector.shape_cast %swap3A_265 : vector<16xi32> to vector<16xi32>
    %swap3A_267 = vector.shape_cast %and3A_263 : vector<16xi32> to vector<16xi32>
    tpu.vector_store %arg12[%swap3A_264], %swap3A_267 {strides = array<i32>} : memref<64xi32, #tpu.memory_space<vmem>>, vector<16xi32>,
    %shift_right_arithmetic3A_268 = arith.constant 16 : i32
    %shift_right_arithmetic3A_269 = vector.broadcast %shift_right_arithmetic3A_268 : i32 to vector<16xi32>
    %shift_right_arithmetic3A_270 = arith.shrsi %get3A_260, %shift_right_arithmetic3A_269 : vector<16xi32>
    %swap3A_271 = arith.constant 48 : index
    %swap3A_272 = tpu.vector_load %arg13[%swap3A_271] {strides = array<i32>} : memref<64xi32, #tpu.memory_space<vmem>>, vector<16xi32>,
    %swap3A_273 = vector.shape_cast %swap3A_272 : vector<16xi32> to vector<16xi32>
    %swap3A_274 = vector.shape_cast %shift_right_arithmetic3A_270 : vector<16xi32> to vector<16xi32>
    tpu.vector_store %arg13[%swap3A_271], %swap3A_274 {strides = array<i32>} : memref<64xi32, #tpu.memory_space<vmem>>, vector<16xi32>,
    %dma_start3A_275 = arith.constant 0 : i32
    %dma_start3A_276 = arith.constant 0 : i32
    %dma_start3A_277 = tpu.memref_slice %arg2[%dma_start3A_275, %dma_start3A_276] : memref<10000x128xf32, #tpu.memory_space<hbm>> -> memref<10000x128xf32, #tpu.memory_space<hbm>>
    tpu.enqueue_indirect_dma source(%dma_start3A_277 : memref<10000x128xf32, #tpu.memory_space<hbm>>) target(%arg14 : memref<64x128xf32, #tpu.memory_space<vmem>>) offsets(%arg12 : memref<64xi32, #tpu.memory_space<vmem>>) semaphore(%arg18 : memref<!tpu.dma_semaphore, #tpu.memory_space<semaphore_mem>>)
    %scan3A_278 = arith.constant 0 : i32
    %scan3A_279 = arith.constant 0 : i32
    %scan3A_280 = arith.constant 52 : i32
    %scan3A_281 = arith.addi %scan3A_279, %scan3A_280 : i32
    %scan3A_282 = arith.constant 1 : i32
    scf.for %scan3A_295 = %scan3A_279 to %scan3A_281 step %scan3A_282  : i32 {
      %dma_wait3A_296 = arith.constant 0 : i32
      %dma_wait3A_297 = arith.constant 0 : i32
      %dma_wait3A_298 = tpu.memref_slice %arg2[%dma_wait3A_296, %dma_wait3A_297] : memref<10000x128xf32, #tpu.memory_space<hbm>> -> memref<10000x128xf32, #tpu.memory_space<hbm>>
      tpu.wait_indirect_dma semaphore(%arg16 : memref<!tpu.dma_semaphore, #tpu.memory_space<semaphore_mem>>) src(%dma_wait3A_298 : memref<10000x128xf32, #tpu.memory_space<hbm>>) dst(%arg8 : memref<64x128xf32, #tpu.memory_space<vmem>>)
      %dma_start3A_299 = arith.constant 0 : i32
      %dma_start3A_300 = arith.constant 0 : i32
      %dma_start3A_301 = tpu.memref_slice %arg15[%dma_start3A_299, %dma_start3A_300] : memref<10240x128xf32, #tpu.memory_space<vmem_shared>> -> memref<10240x128xf32, #tpu.memory_space<vmem_shared>>
      tpu.enqueue_indirect_dma source(%arg8 : memref<64x128xf32, #tpu.memory_space<vmem>>) target(%dma_start3A_301 : memref<10240x128xf32, #tpu.memory_space<vmem_shared>>) offsets(%arg7 : memref<64xi32, #tpu.memory_space<vmem>>) semaphore(%arg19 : memref<!tpu.dma_semaphore, #tpu.memory_space<semaphore_mem>>) {add = true}
      %dma_wait3A_302 = arith.constant 0 : i32
      %dma_wait3A_303 = arith.constant 0 : i32
      %dma_wait3A_304 = tpu.memref_slice %arg15[%dma_wait3A_302, %dma_wait3A_303] : memref<10240x128xf32, #tpu.memory_space<vmem_shared>> -> memref<10240x128xf32, #tpu.memory_space<vmem_shared>>
      tpu.wait_indirect_dma semaphore(%arg19 : memref<!tpu.dma_semaphore, #tpu.memory_space<semaphore_mem>>) src(%arg8 : memref<64x128xf32, #tpu.memory_space<vmem>>) dst(%dma_wait3A_304 : memref<10240x128xf32, #tpu.memory_space<vmem_shared>>)
      %mul3A_305 = arith.constant 3 : i32
      %mul3A_306 = arith.muli %mul3A_305, %scan3A_295 : i32
      %add3A_307 = arith.constant 0 : i32
      %add3A_308 = arith.addi %mul3A_306, %add3A_307 : i32
      %add3A_309 = arith.constant 3 : i32
      %add3A_310 = arith.addi %add3A_308, %add3A_309 : i32
      %lt3A = arith.constant 157 : i32
      %lt3A_311 = arith.cmpi slt, %add3A_310, %lt3A : i32
      %convert_element_type3A = arith.extui %lt3A_311 : i1 to i32
      %cond3A = arith.constant 0 : i32
      %cond3A_312 = arith.cmpi ne, %convert_element_type3A, %cond3A : i32
      scf.if %cond3A_312 {
        %get3A_353 = arith.index_cast %add3A_310 : i32 to index
        %get3A_354 = arith.constant 0 : index
        %get3A_355 = tpu.vector_load %arg5[%get3A_353, %get3A_354] {strides = array<i32>} : memref<157x64xi32, #tpu.memory_space<vmem>>, vector<1x16xi32>,
        %get3A_356 = vector.shape_cast %get3A_355 : vector<1x16xi32> to vector<16xi32>
        %and3A_357 = arith.constant 65535 : i32
        %and3A_358 = vector.broadcast %and3A_357 : i32 to vector<16xi32>
        %and3A_359 = arith.andi %get3A_356, %and3A_358 : vector<16xi32>
        %swap3A_360 = arith.constant 0 : index
        %swap3A_361 = tpu.vector_load %arg6[%swap3A_360] {strides = array<i32>} : memref<64xi32, #tpu.memory_space<vmem>>, vector<16xi32>,
        %swap3A_362 = vector.shape_cast %swap3A_361 : vector<16xi32> to vector<16xi32>
        %swap3A_363 = vector.shape_cast %and3A_359 : vector<16xi32> to vector<16xi32>
        tpu.vector_store %arg6[%swap3A_360], %swap3A_363 {strides = array<i32>} : memref<64xi32, #tpu.memory_space<vmem>>, vector<16xi32>,
        %shift_right_arithmetic3A_364 = arith.constant 16 : i32
        %shift_right_arithmetic3A_365 = vector.broadcast %shift_right_arithmetic3A_364 : i32 to vector<16xi32>
        %shift_right_arithmetic3A_366 = arith.shrsi %get3A_356, %shift_right_arithmetic3A_365 : vector<16xi32>
        %swap3A_367 = arith.constant 0 : index
        %swap3A_368 = tpu.vector_load %arg7[%swap3A_367] {strides = array<i32>} : memref<64xi32, #tpu.memory_space<vmem>>, vector<16xi32>,
        %swap3A_369 = vector.shape_cast %swap3A_368 : vector<16xi32> to vector<16xi32>
        %swap3A_370 = vector.shape_cast %shift_right_arithmetic3A_366 : vector<16xi32> to vector<16xi32>
        tpu.vector_store %arg7[%swap3A_367], %swap3A_370 {strides = array<i32>} : memref<64xi32, #tpu.memory_space<vmem>>, vector<16xi32>,
        %get3A_371 = arith.index_cast %add3A_310 : i32 to index
        %get3A_372 = arith.constant 16 : index
        %get3A_373 = tpu.vector_load %arg5[%get3A_371, %get3A_372] {strides = array<i32>} : memref<157x64xi32, #tpu.memory_space<vmem>>, vector<1x16xi32>,
        %get3A_374 = vector.shape_cast %get3A_373 : vector<1x16xi32> to vector<16xi32>
        %and3A_375 = arith.constant 65535 : i32
        %and3A_376 = vector.broadcast %and3A_375 : i32 to vector<16xi32>
        %and3A_377 = arith.andi %get3A_374, %and3A_376 : vector<16xi32>
        %swap3A_378 = arith.constant 16 : index
        %swap3A_379 = tpu.vector_load %arg6[%swap3A_378] {strides = array<i32>} : memref<64xi32, #tpu.memory_space<vmem>>, vector<16xi32>,
        %swap3A_380 = vector.shape_cast %swap3A_379 : vector<16xi32> to vector<16xi32>
        %swap3A_381 = vector.shape_cast %and3A_377 : vector<16xi32> to vector<16xi32>
        tpu.vector_store %arg6[%swap3A_378], %swap3A_381 {strides = array<i32>} : memref<64xi32, #tpu.memory_space<vmem>>, vector<16xi32>,
        %shift_right_arithmetic3A_382 = arith.constant 16 : i32
        %shift_right_arithmetic3A_383 = vector.broadcast %shift_right_arithmetic3A_382 : i32 to vector<16xi32>
        %shift_right_arithmetic3A_384 = arith.shrsi %get3A_374, %shift_right_arithmetic3A_383 : vector<16xi32>
        %swap3A_385 = arith.constant 16 : index
        %swap3A_386 = tpu.vector_load %arg7[%swap3A_385] {strides = array<i32>} : memref<64xi32, #tpu.memory_space<vmem>>, vector<16xi32>,
        %swap3A_387 = vector.shape_cast %swap3A_386 : vector<16xi32> to vector<16xi32>
        %swap3A_388 = vector.shape_cast %shift_right_arithmetic3A_384 : vector<16xi32> to vector<16xi32>
        tpu.vector_store %arg7[%swap3A_385], %swap3A_388 {strides = array<i32>} : memref<64xi32, #tpu.memory_space<vmem>>, vector<16xi32>,
        %get3A_389 = arith.index_cast %add3A_310 : i32 to index
        %get3A_390 = arith.constant 32 : index
        %get3A_391 = tpu.vector_load %arg5[%get3A_389, %get3A_390] {strides = array<i32>} : memref<157x64xi32, #tpu.memory_space<vmem>>, vector<1x16xi32>,
        %get3A_392 = vector.shape_cast %get3A_391 : vector<1x16xi32> to vector<16xi32>
        %and3A_393 = arith.constant 65535 : i32
        %and3A_394 = vector.broadcast %and3A_393 : i32 to vector<16xi32>
        %and3A_395 = arith.andi %get3A_392, %and3A_394 : vector<16xi32>
        %swap3A_396 = arith.constant 32 : index
        %swap3A_397 = tpu.vector_load %arg6[%swap3A_396] {strides = array<i32>} : memref<64xi32, #tpu.memory_space<vmem>>, vector<16xi32>,
        %swap3A_398 = vector.shape_cast %swap3A_397 : vector<16xi32> to vector<16xi32>
        %swap3A_399 = vector.shape_cast %and3A_395 : vector<16xi32> to vector<16xi32>
        tpu.vector_store %arg6[%swap3A_396], %swap3A_399 {strides = array<i32>} : memref<64xi32, #tpu.memory_space<vmem>>, vector<16xi32>,
        %shift_right_arithmetic3A_400 = arith.constant 16 : i32
        %shift_right_arithmetic3A_401 = vector.broadcast %shift_right_arithmetic3A_400 : i32 to vector<16xi32>
        %shift_right_arithmetic3A_402 = arith.shrsi %get3A_392, %shift_right_arithmetic3A_401 : vector<16xi32>
        %swap3A_403 = arith.constant 32 : index
        %swap3A_404 = tpu.vector_load %arg7[%swap3A_403] {strides = array<i32>} : memref<64xi32, #tpu.memory_space<vmem>>, vector<16xi32>,
        %swap3A_405 = vector.shape_cast %swap3A_404 : vector<16xi32> to vector<16xi32>
        %swap3A_406 = vector.shape_cast %shift_right_arithmetic3A_402 : vector<16xi32> to vector<16xi32>
        tpu.vector_store %arg7[%swap3A_403], %swap3A_406 {strides = array<i32>} : memref<64xi32, #tpu.memory_space<vmem>>, vector<16xi32>,
        %get3A_407 = arith.index_cast %add3A_310 : i32 to index
        %get3A_408 = arith.constant 48 : index
        %get3A_409 = tpu.vector_load %arg5[%get3A_407, %get3A_408] {strides = array<i32>} : memref<157x64xi32, #tpu.memory_space<vmem>>, vector<1x16xi32>,
        %get3A_410 = vector.shape_cast %get3A_409 : vector<1x16xi32> to vector<16xi32>
        %and3A_411 = arith.constant 65535 : i32
        %and3A_412 = vector.broadcast %and3A_411 : i32 to vector<16xi32>
        %and3A_413 = arith.andi %get3A_410, %and3A_412 : vector<16xi32>
        %swap3A_414 = arith.constant 48 : index
        %swap3A_415 = tpu.vector_load %arg6[%swap3A_414] {strides = array<i32>} : memref<64xi32, #tpu.memory_space<vmem>>, vector<16xi32>,
        %swap3A_416 = vector.shape_cast %swap3A_415 : vector<16xi32> to vector<16xi32>
        %swap3A_417 = vector.shape_cast %and3A_413 : vector<16xi32> to vector<16xi32>
        tpu.vector_store %arg6[%swap3A_414], %swap3A_417 {strides = array<i32>} : memref<64xi32, #tpu.memory_space<vmem>>, vector<16xi32>,
        %shift_right_arithmetic3A_418 = arith.constant 16 : i32
        %shift_right_arithmetic3A_419 = vector.broadcast %shift_right_arithmetic3A_418 : i32 to vector<16xi32>
        %shift_right_arithmetic3A_420 = arith.shrsi %get3A_410, %shift_right_arithmetic3A_419 : vector<16xi32>
        %swap3A_421 = arith.constant 48 : index
        %swap3A_422 = tpu.vector_load %arg7[%swap3A_421] {strides = array<i32>} : memref<64xi32, #tpu.memory_space<vmem>>, vector<16xi32>,
        %swap3A_423 = vector.shape_cast %swap3A_422 : vector<16xi32> to vector<16xi32>
        %swap3A_424 = vector.shape_cast %shift_right_arithmetic3A_420 : vector<16xi32> to vector<16xi32>
        tpu.vector_store %arg7[%swap3A_421], %swap3A_424 {strides = array<i32>} : memref<64xi32, #tpu.memory_space<vmem>>, vector<16xi32>,
        %dma_start3A_425 = arith.constant 0 : i32
        %dma_start3A_426 = arith.constant 0 : i32
        %dma_start3A_427 = tpu.memref_slice %arg2[%dma_start3A_425, %dma_start3A_426] : memref<10000x128xf32, #tpu.memory_space<hbm>> -> memref<10000x128xf32, #tpu.memory_space<hbm>>
        tpu.enqueue_indirect_dma source(%dma_start3A_427 : memref<10000x128xf32, #tpu.memory_space<hbm>>) target(%arg8 : memref<64x128xf32, #tpu.memory_space<vmem>>) offsets(%arg6 : memref<64xi32, #tpu.memory_space<vmem>>) semaphore(%arg16 : memref<!tpu.dma_semaphore, #tpu.memory_space<semaphore_mem>>)
      } else {
      }
      %dma_wait3A_313 = arith.constant 0 : i32
      %dma_wait3A_314 = arith.constant 0 : i32
      %dma_wait3A_315 = tpu.memref_slice %arg2[%dma_wait3A_313, %dma_wait3A_314] : memref<10000x128xf32, #tpu.memory_space<hbm>> -> memref<10000x128xf32, #tpu.memory_space<hbm>>
      tpu.wait_indirect_dma semaphore(%arg17 : memref<!tpu.dma_semaphore, #tpu.memory_space<semaphore_mem>>) src(%dma_wait3A_315 : memref<10000x128xf32, #tpu.memory_space<hbm>>) dst(%arg11 : memref<64x128xf32, #tpu.memory_space<vmem>>)
      %dma_start3A_316 = arith.constant 0 : i32
      %dma_start3A_317 = arith.constant 0 : i32
      %dma_start3A_318 = tpu.memref_slice %arg15[%dma_start3A_316, %dma_start3A_317] : memref<10240x128xf32, #tpu.memory_space<vmem_shared>> -> memref<10240x128xf32, #tpu.memory_space<vmem_shared>>
      tpu.enqueue_indirect_dma source(%arg11 : memref<64x128xf32, #tpu.memory_space<vmem>>) target(%dma_start3A_318 : memref<10240x128xf32, #tpu.memory_space<vmem_shared>>) offsets(%arg10 : memref<64xi32, #tpu.memory_space<vmem>>) semaphore(%arg20 : memref<!tpu.dma_semaphore, #tpu.memory_space<semaphore_mem>>) {add = true}
      %dma_wait3A_319 = arith.constant 0 : i32
      %dma_wait3A_320 = arith.constant 0 : i32
      %dma_wait3A_321 = tpu.memref_slice %arg15[%dma_wait3A_319, %dma_wait3A_320] : memref<10240x128xf32, #tpu.memory_space<vmem_shared>> -> memref<10240x128xf32, #tpu.memory_space<vmem_shared>>
      tpu.wait_indirect_dma semaphore(%arg20 : memref<!tpu.dma_semaphore, #tpu.memory_space<semaphore_mem>>) src(%arg11 : memref<64x128xf32, #tpu.memory_space<vmem>>) dst(%dma_wait3A_321 : memref<10240x128xf32, #tpu.memory_space<vmem_shared>>)
      %mul3A_322 = arith.constant 3 : i32
      %mul3A_323 = arith.muli %mul3A_322, %scan3A_295 : i32
      %add3A_324 = arith.constant 1 : i32
      %add3A_325 = arith.addi %mul3A_323, %add3A_324 : i32
      %add3A_326 = arith.constant 3 : i32
      %add3A_327 = arith.addi %add3A_325, %add3A_326 : i32
      %lt3A_328 = arith.constant 157 : i32
      %lt3A_329 = arith.cmpi slt, %add3A_327, %lt3A_328 : i32
      %convert_element_type3A_330 = arith.extui %lt3A_329 : i1 to i32
      %cond3A_331 = arith.constant 0 : i32
      %cond3A_332 = arith.cmpi ne, %convert_element_type3A_330, %cond3A_331 : i32
      scf.if %cond3A_332 {
        %get3A_353 = arith.index_cast %add3A_327 : i32 to index
        %get3A_354 = arith.constant 0 : index
        %get3A_355 = tpu.vector_load %arg5[%get3A_353, %get3A_354] {strides = array<i32>} : memref<157x64xi32, #tpu.memory_space<vmem>>, vector<1x16xi32>,
        %get3A_356 = vector.shape_cast %get3A_355 : vector<1x16xi32> to vector<16xi32>
        %and3A_357 = arith.constant 65535 : i32
        %and3A_358 = vector.broadcast %and3A_357 : i32 to vector<16xi32>
        %and3A_359 = arith.andi %get3A_356, %and3A_358 : vector<16xi32>
        %swap3A_360 = arith.constant 0 : index
        %swap3A_361 = tpu.vector_load %arg9[%swap3A_360] {strides = array<i32>} : memref<64xi32, #tpu.memory_space<vmem>>, vector<16xi32>,
        %swap3A_362 = vector.shape_cast %swap3A_361 : vector<16xi32> to vector<16xi32>
        %swap3A_363 = vector.shape_cast %and3A_359 : vector<16xi32> to vector<16xi32>
        tpu.vector_store %arg9[%swap3A_360], %swap3A_363 {strides = array<i32>} : memref<64xi32, #tpu.memory_space<vmem>>, vector<16xi32>,
        %shift_right_arithmetic3A_364 = arith.constant 16 : i32
        %shift_right_arithmetic3A_365 = vector.broadcast %shift_right_arithmetic3A_364 : i32 to vector<16xi32>
        %shift_right_arithmetic3A_366 = arith.shrsi %get3A_356, %shift_right_arithmetic3A_365 : vector<16xi32>
        %swap3A_367 = arith.constant 0 : index
        %swap3A_368 = tpu.vector_load %arg10[%swap3A_367] {strides = array<i32>} : memref<64xi32, #tpu.memory_space<vmem>>, vector<16xi32>,
        %swap3A_369 = vector.shape_cast %swap3A_368 : vector<16xi32> to vector<16xi32>
        %swap3A_370 = vector.shape_cast %shift_right_arithmetic3A_366 : vector<16xi32> to vector<16xi32>
        tpu.vector_store %arg10[%swap3A_367], %swap3A_370 {strides = array<i32>} : memref<64xi32, #tpu.memory_space<vmem>>, vector<16xi32>,
        %get3A_371 = arith.index_cast %add3A_327 : i32 to index
        %get3A_372 = arith.constant 16 : index
        %get3A_373 = tpu.vector_load %arg5[%get3A_371, %get3A_372] {strides = array<i32>} : memref<157x64xi32, #tpu.memory_space<vmem>>, vector<1x16xi32>,
        %get3A_374 = vector.shape_cast %get3A_373 : vector<1x16xi32> to vector<16xi32>
        %and3A_375 = arith.constant 65535 : i32
        %and3A_376 = vector.broadcast %and3A_375 : i32 to vector<16xi32>
        %and3A_377 = arith.andi %get3A_374, %and3A_376 : vector<16xi32>
        %swap3A_378 = arith.constant 16 : index
        %swap3A_379 = tpu.vector_load %arg9[%swap3A_378] {strides = array<i32>} : memref<64xi32, #tpu.memory_space<vmem>>, vector<16xi32>,
        %swap3A_380 = vector.shape_cast %swap3A_379 : vector<16xi32> to vector<16xi32>
        %swap3A_381 = vector.shape_cast %and3A_377 : vector<16xi32> to vector<16xi32>
        tpu.vector_store %arg9[%swap3A_378], %swap3A_381 {strides = array<i32>} : memref<64xi32, #tpu.memory_space<vmem>>, vector<16xi32>,
        %shift_right_arithmetic3A_382 = arith.constant 16 : i32
        %shift_right_arithmetic3A_383 = vector.broadcast %shift_right_arithmetic3A_382 : i32 to vector<16xi32>
        %shift_right_arithmetic3A_384 = arith.shrsi %get3A_374, %shift_right_arithmetic3A_383 : vector<16xi32>
        %swap3A_385 = arith.constant 16 : index
        %swap3A_386 = tpu.vector_load %arg10[%swap3A_385] {strides = array<i32>} : memref<64xi32, #tpu.memory_space<vmem>>, vector<16xi32>,
        %swap3A_387 = vector.shape_cast %swap3A_386 : vector<16xi32> to vector<16xi32>
        %swap3A_388 = vector.shape_cast %shift_right_arithmetic3A_384 : vector<16xi32> to vector<16xi32>
        tpu.vector_store %arg10[%swap3A_385], %swap3A_388 {strides = array<i32>} : memref<64xi32, #tpu.memory_space<vmem>>, vector<16xi32>,
        %get3A_389 = arith.index_cast %add3A_327 : i32 to index
        %get3A_390 = arith.constant 32 : index
        %get3A_391 = tpu.vector_load %arg5[%get3A_389, %get3A_390] {strides = array<i32>} : memref<157x64xi32, #tpu.memory_space<vmem>>, vector<1x16xi32>,
        %get3A_392 = vector.shape_cast %get3A_391 : vector<1x16xi32> to vector<16xi32>
        %and3A_393 = arith.constant 65535 : i32
        %and3A_394 = vector.broadcast %and3A_393 : i32 to vector<16xi32>
        %and3A_395 = arith.andi %get3A_392, %and3A_394 : vector<16xi32>
        %swap3A_396 = arith.constant 32 : index
        %swap3A_397 = tpu.vector_load %arg9[%swap3A_396] {strides = array<i32>} : memref<64xi32, #tpu.memory_space<vmem>>, vector<16xi32>,
        %swap3A_398 = vector.shape_cast %swap3A_397 : vector<16xi32> to vector<16xi32>
        %swap3A_399 = vector.shape_cast %and3A_395 : vector<16xi32> to vector<16xi32>
        tpu.vector_store %arg9[%swap3A_396], %swap3A_399 {strides = array<i32>} : memref<64xi32, #tpu.memory_space<vmem>>, vector<16xi32>,
        %shift_right_arithmetic3A_400 = arith.constant 16 : i32
        %shift_right_arithmetic3A_401 = vector.broadcast %shift_right_arithmetic3A_400 : i32 to vector<16xi32>
        %shift_right_arithmetic3A_402 = arith.shrsi %get3A_392, %shift_right_arithmetic3A_401 : vector<16xi32>
        %swap3A_403 = arith.constant 32 : index
        %swap3A_404 = tpu.vector_load %arg10[%swap3A_403] {strides = array<i32>} : memref<64xi32, #tpu.memory_space<vmem>>, vector<16xi32>,
        %swap3A_405 = vector.shape_cast %swap3A_404 : vector<16xi32> to vector<16xi32>
        %swap3A_406 = vector.shape_cast %shift_right_arithmetic3A_402 : vector<16xi32> to vector<16xi32>
        tpu.vector_store %arg10[%swap3A_403], %swap3A_406 {strides = array<i32>} : memref<64xi32, #tpu.memory_space<vmem>>, vector<16xi32>,
        %get3A_407 = arith.index_cast %add3A_327 : i32 to index
        %get3A_408 = arith.constant 48 : index
        %get3A_409 = tpu.vector_load %arg5[%get3A_407, %get3A_408] {strides = array<i32>} : memref<157x64xi32, #tpu.memory_space<vmem>>, vector<1x16xi32>,
        %get3A_410 = vector.shape_cast %get3A_409 : vector<1x16xi32> to vector<16xi32>
        %and3A_411 = arith.constant 65535 : i32
        %and3A_412 = vector.broadcast %and3A_411 : i32 to vector<16xi32>
        %and3A_413 = arith.andi %get3A_410, %and3A_412 : vector<16xi32>
        %swap3A_414 = arith.constant 48 : index
        %swap3A_415 = tpu.vector_load %arg9[%swap3A_414] {strides = array<i32>} : memref<64xi32, #tpu.memory_space<vmem>>, vector<16xi32>,
        %swap3A_416 = vector.shape_cast %swap3A_415 : vector<16xi32> to vector<16xi32>
        %swap3A_417 = vector.shape_cast %and3A_413 : vector<16xi32> to vector<16xi32>
        tpu.vector_store %arg9[%swap3A_414], %swap3A_417 {strides = array<i32>} : memref<64xi32, #tpu.memory_space<vmem>>, vector<16xi32>,
        %shift_right_arithmetic3A_418 = arith.constant 16 : i32
        %shift_right_arithmetic3A_419 = vector.broadcast %shift_right_arithmetic3A_418 : i32 to vector<16xi32>
        %shift_right_arithmetic3A_420 = arith.shrsi %get3A_410, %shift_right_arithmetic3A_419 : vector<16xi32>
        %swap3A_421 = arith.constant 48 : index
        %swap3A_422 = tpu.vector_load %arg10[%swap3A_421] {strides = array<i32>} : memref<64xi32, #tpu.memory_space<vmem>>, vector<16xi32>,
        %swap3A_423 = vector.shape_cast %swap3A_422 : vector<16xi32> to vector<16xi32>
        %swap3A_424 = vector.shape_cast %shift_right_arithmetic3A_420 : vector<16xi32> to vector<16xi32>
        tpu.vector_store %arg10[%swap3A_421], %swap3A_424 {strides = array<i32>} : memref<64xi32, #tpu.memory_space<vmem>>, vector<16xi32>,
        %dma_start3A_425 = arith.constant 0 : i32
        %dma_start3A_426 = arith.constant 0 : i32
        %dma_start3A_427 = tpu.memref_slice %arg2[%dma_start3A_425, %dma_start3A_426] : memref<10000x128xf32, #tpu.memory_space<hbm>> -> memref<10000x128xf32, #tpu.memory_space<hbm>>
        tpu.enqueue_indirect_dma source(%dma_start3A_427 : memref<10000x128xf32, #tpu.memory_space<hbm>>) target(%arg11 : memref<64x128xf32, #tpu.memory_space<vmem>>) offsets(%arg9 : memref<64xi32, #tpu.memory_space<vmem>>) semaphore(%arg17 : memref<!tpu.dma_semaphore, #tpu.memory_space<semaphore_mem>>)
      } else {
      }
      %dma_wait3A_333 = arith.constant 0 : i32
      %dma_wait3A_334 = arith.constant 0 : i32
      %dma_wait3A_335 = tpu.memref_slice %arg2[%dma_wait3A_333, %dma_wait3A_334] : memref<10000x128xf32, #tpu.memory_space<hbm>> -> memref<10000x128xf32, #tpu.memory_space<hbm>>
      tpu.wait_indirect_dma semaphore(%arg18 : memref<!tpu.dma_semaphore, #tpu.memory_space<semaphore_mem>>) src(%dma_wait3A_335 : memref<10000x128xf32, #tpu.memory_space<hbm>>) dst(%arg14 : memref<64x128xf32, #tpu.memory_space<vmem>>)
      %dma_start3A_336 = arith.constant 0 : i32
      %dma_start3A_337 = arith.constant 0 : i32
      %dma_start3A_338 = tpu.memref_slice %arg15[%dma_start3A_336, %dma_start3A_337] : memref<10240x128xf32, #tpu.memory_space<vmem_shared>> -> memref<10240x128xf32, #tpu.memory_space<vmem_shared>>
      tpu.enqueue_indirect_dma source(%arg14 : memref<64x128xf32, #tpu.memory_space<vmem>>) target(%dma_start3A_338 : memref<10240x128xf32, #tpu.memory_space<vmem_shared>>) offsets(%arg13 : memref<64xi32, #tpu.memory_space<vmem>>) semaphore(%arg21 : memref<!tpu.dma_semaphore, #tpu.memory_space<semaphore_mem>>) {add = true}
      %dma_wait3A_339 = arith.constant 0 : i32
      %dma_wait3A_340 = arith.constant 0 : i32
      %dma_wait3A_341 = tpu.memref_slice %arg15[%dma_wait3A_339, %dma_wait3A_340] : memref<10240x128xf32, #tpu.memory_space<vmem_shared>> -> memref<10240x128xf32, #tpu.memory_space<vmem_shared>>
      tpu.wait_indirect_dma semaphore(%arg21 : memref<!tpu.dma_semaphore, #tpu.memory_space<semaphore_mem>>) src(%arg14 : memref<64x128xf32, #tpu.memory_space<vmem>>) dst(%dma_wait3A_341 : memref<10240x128xf32, #tpu.memory_space<vmem_shared>>)
      %mul3A_342 = arith.constant 3 : i32
      %mul3A_343 = arith.muli %mul3A_342, %scan3A_295 : i32
      %add3A_344 = arith.constant 2 : i32
      %add3A_345 = arith.addi %mul3A_343, %add3A_344 : i32
      %add3A_346 = arith.constant 3 : i32
      %add3A_347 = arith.addi %add3A_345, %add3A_346 : i32
      %lt3A_348 = arith.constant 157 : i32
      %lt3A_349 = arith.cmpi slt, %add3A_347, %lt3A_348 : i32
      %convert_element_type3A_350 = arith.extui %lt3A_349 : i1 to i32
      %cond3A_351 = arith.constant 0 : i32
      %cond3A_352 = arith.cmpi ne, %convert_element_type3A_350, %cond3A_351 : i32
      scf.if %cond3A_352 {
        %get3A_353 = arith.index_cast %add3A_347 : i32 to index
        %get3A_354 = arith.constant 0 : index
        %get3A_355 = tpu.vector_load %arg5[%get3A_353, %get3A_354] {strides = array<i32>} : memref<157x64xi32, #tpu.memory_space<vmem>>, vector<1x16xi32>,
        %get3A_356 = vector.shape_cast %get3A_355 : vector<1x16xi32> to vector<16xi32>
        %and3A_357 = arith.constant 65535 : i32
        %and3A_358 = vector.broadcast %and3A_357 : i32 to vector<16xi32>
        %and3A_359 = arith.andi %get3A_356, %and3A_358 : vector<16xi32>
        %swap3A_360 = arith.constant 0 : index
        %swap3A_361 = tpu.vector_load %arg12[%swap3A_360] {strides = array<i32>} : memref<64xi32, #tpu.memory_space<vmem>>, vector<16xi32>,
        %swap3A_362 = vector.shape_cast %swap3A_361 : vector<16xi32> to vector<16xi32>
        %swap3A_363 = vector.shape_cast %and3A_359 : vector<16xi32> to vector<16xi32>
        tpu.vector_store %arg12[%swap3A_360], %swap3A_363 {strides = array<i32>} : memref<64xi32, #tpu.memory_space<vmem>>, vector<16xi32>,
        %shift_right_arithmetic3A_364 = arith.constant 16 : i32
        %shift_right_arithmetic3A_365 = vector.broadcast %shift_right_arithmetic3A_364 : i32 to vector<16xi32>
        %shift_right_arithmetic3A_366 = arith.shrsi %get3A_356, %shift_right_arithmetic3A_365 : vector<16xi32>
        %swap3A_367 = arith.constant 0 : index
        %swap3A_368 = tpu.vector_load %arg13[%swap3A_367] {strides = array<i32>} : memref<64xi32, #tpu.memory_space<vmem>>, vector<16xi32>,
        %swap3A_369 = vector.shape_cast %swap3A_368 : vector<16xi32> to vector<16xi32>
        %swap3A_370 = vector.shape_cast %shift_right_arithmetic3A_366 : vector<16xi32> to vector<16xi32>
        tpu.vector_store %arg13[%swap3A_367], %swap3A_370 {strides = array<i32>} : memref<64xi32, #tpu.memory_space<vmem>>, vector<16xi32>,
        %get3A_371 = arith.index_cast %add3A_347 : i32 to index
        %get3A_372 = arith.constant 16 : index
        %get3A_373 = tpu.vector_load %arg5[%get3A_371, %get3A_372] {strides = array<i32>} : memref<157x64xi32, #tpu.memory_space<vmem>>, vector<1x16xi32>,
        %get3A_374 = vector.shape_cast %get3A_373 : vector<1x16xi32> to vector<16xi32>
        %and3A_375 = arith.constant 65535 : i32
        %and3A_376 = vector.broadcast %and3A_375 : i32 to vector<16xi32>
        %and3A_377 = arith.andi %get3A_374, %and3A_376 : vector<16xi32>
        %swap3A_378 = arith.constant 16 : index
        %swap3A_379 = tpu.vector_load %arg12[%swap3A_378] {strides = array<i32>} : memref<64xi32, #tpu.memory_space<vmem>>, vector<16xi32>,
        %swap3A_380 = vector.shape_cast %swap3A_379 : vector<16xi32> to vector<16xi32>
        %swap3A_381 = vector.shape_cast %and3A_377 : vector<16xi32> to vector<16xi32>
        tpu.vector_store %arg12[%swap3A_378], %swap3A_381 {strides = array<i32>} : memref<64xi32, #tpu.memory_space<vmem>>, vector<16xi32>,
        %shift_right_arithmetic3A_382 = arith.constant 16 : i32
        %shift_right_arithmetic3A_383 = vector.broadcast %shift_right_arithmetic3A_382 : i32 to vector<16xi32>
        %shift_right_arithmetic3A_384 = arith.shrsi %get3A_374, %shift_right_arithmetic3A_383 : vector<16xi32>
        %swap3A_385 = arith.constant 16 : index
        %swap3A_386 = tpu.vector_load %arg13[%swap3A_385] {strides = array<i32>} : memref<64xi32, #tpu.memory_space<vmem>>, vector<16xi32>,
        %swap3A_387 = vector.shape_cast %swap3A_386 : vector<16xi32> to vector<16xi32>
        %swap3A_388 = vector.shape_cast %shift_right_arithmetic3A_384 : vector<16xi32> to vector<16xi32>
        tpu.vector_store %arg13[%swap3A_385], %swap3A_388 {strides = array<i32>} : memref<64xi32, #tpu.memory_space<vmem>>, vector<16xi32>,
        %get3A_389 = arith.index_cast %add3A_347 : i32 to index
        %get3A_390 = arith.constant 32 : index
        %get3A_391 = tpu.vector_load %arg5[%get3A_389, %get3A_390] {strides = array<i32>} : memref<157x64xi32, #tpu.memory_space<vmem>>, vector<1x16xi32>,
        %get3A_392 = vector.shape_cast %get3A_391 : vector<1x16xi32> to vector<16xi32>
        %and3A_393 = arith.constant 65535 : i32
        %and3A_394 = vector.broadcast %and3A_393 : i32 to vector<16xi32>
        %and3A_395 = arith.andi %get3A_392, %and3A_394 : vector<16xi32>
        %swap3A_396 = arith.constant 32 : index
        %swap3A_397 = tpu.vector_load %arg12[%swap3A_396] {strides = array<i32>} : memref<64xi32, #tpu.memory_space<vmem>>, vector<16xi32>,
        %swap3A_398 = vector.shape_cast %swap3A_397 : vector<16xi32> to vector<16xi32>
        %swap3A_399 = vector.shape_cast %and3A_395 : vector<16xi32> to vector<16xi32>
        tpu.vector_store %arg12[%swap3A_396], %swap3A_399 {strides = array<i32>} : memref<64xi32, #tpu.memory_space<vmem>>, vector<16xi32>,
        %shift_right_arithmetic3A_400 = arith.constant 16 : i32
        %shift_right_arithmetic3A_401 = vector.broadcast %shift_right_arithmetic3A_400 : i32 to vector<16xi32>
        %shift_right_arithmetic3A_402 = arith.shrsi %get3A_392, %shift_right_arithmetic3A_401 : vector<16xi32>
        %swap3A_403 = arith.constant 32 : index
        %swap3A_404 = tpu.vector_load %arg13[%swap3A_403] {strides = array<i32>} : memref<64xi32, #tpu.memory_space<vmem>>, vector<16xi32>,
        %swap3A_405 = vector.shape_cast %swap3A_404 : vector<16xi32> to vector<16xi32>
        %swap3A_406 = vector.shape_cast %shift_right_arithmetic3A_402 : vector<16xi32> to vector<16xi32>
        tpu.vector_store %arg13[%swap3A_403], %swap3A_406 {strides = array<i32>} : memref<64xi32, #tpu.memory_space<vmem>>, vector<16xi32>,
        %get3A_407 = arith.index_cast %add3A_347 : i32 to index
        %get3A_408 = arith.constant 48 : index
        %get3A_409 = tpu.vector_load %arg5[%get3A_407, %get3A_408] {strides = array<i32>} : memref<157x64xi32, #tpu.memory_space<vmem>>, vector<1x16xi32>,
        %get3A_410 = vector.shape_cast %get3A_409 : vector<1x16xi32> to vector<16xi32>
        %and3A_411 = arith.constant 65535 : i32
        %and3A_412 = vector.broadcast %and3A_411 : i32 to vector<16xi32>
        %and3A_413 = arith.andi %get3A_410, %and3A_412 : vector<16xi32>
        %swap3A_414 = arith.constant 48 : index
        %swap3A_415 = tpu.vector_load %arg12[%swap3A_414] {strides = array<i32>} : memref<64xi32, #tpu.memory_space<vmem>>, vector<16xi32>,
        %swap3A_416 = vector.shape_cast %swap3A_415 : vector<16xi32> to vector<16xi32>
        %swap3A_417 = vector.shape_cast %and3A_413 : vector<16xi32> to vector<16xi32>
        tpu.vector_store %arg12[%swap3A_414], %swap3A_417 {strides = array<i32>} : memref<64xi32, #tpu.memory_space<vmem>>, vector<16xi32>,
        %shift_right_arithmetic3A_418 = arith.constant 16 : i32
        %shift_right_arithmetic3A_419 = vector.broadcast %shift_right_arithmetic3A_418 : i32 to vector<16xi32>
        %shift_right_arithmetic3A_420 = arith.shrsi %get3A_410, %shift_right_arithmetic3A_419 : vector<16xi32>
        %swap3A_421 = arith.constant 48 : index
        %swap3A_422 = tpu.vector_load %arg13[%swap3A_421] {strides = array<i32>} : memref<64xi32, #tpu.memory_space<vmem>>, vector<16xi32>,
        %swap3A_423 = vector.shape_cast %swap3A_422 : vector<16xi32> to vector<16xi32>
        %swap3A_424 = vector.shape_cast %shift_right_arithmetic3A_420 : vector<16xi32> to vector<16xi32>
        tpu.vector_store %arg13[%swap3A_421], %swap3A_424 {strides = array<i32>} : memref<64xi32, #tpu.memory_space<vmem>>, vector<16xi32>,
        %dma_start3A_425 = arith.constant 0 : i32
        %dma_start3A_426 = arith.constant 0 : i32
        %dma_start3A_427 = tpu.memref_slice %arg2[%dma_start3A_425, %dma_start3A_426] : memref<10000x128xf32, #tpu.memory_space<hbm>> -> memref<10000x128xf32, #tpu.memory_space<hbm>>
        tpu.enqueue_indirect_dma source(%dma_start3A_427 : memref<10000x128xf32, #tpu.memory_space<hbm>>) target(%arg14 : memref<64x128xf32, #tpu.memory_space<vmem>>) offsets(%arg12 : memref<64xi32, #tpu.memory_space<vmem>>) semaphore(%arg18 : memref<!tpu.dma_semaphore, #tpu.memory_space<semaphore_mem>>)
      } else {
      }
    }
    %scan3A_283 = arith.constant 52 : i32
    %dma_wait3A = arith.constant 0 : i32
    %dma_wait3A_284 = arith.constant 0 : i32
    %dma_wait3A_285 = tpu.memref_slice %arg2[%dma_wait3A, %dma_wait3A_284] : memref<10000x128xf32, #tpu.memory_space<hbm>> -> memref<10000x128xf32, #tpu.memory_space<hbm>>
    tpu.wait_indirect_dma semaphore(%arg16 : memref<!tpu.dma_semaphore, #tpu.memory_space<semaphore_mem>>) src(%dma_wait3A_285 : memref<10000x128xf32, #tpu.memory_space<hbm>>) dst(%arg8 : memref<64x128xf32, #tpu.memory_space<vmem>>)
    %dma_start3A_286 = arith.constant 0 : i32
    %dma_start3A_287 = arith.constant 0 : i32
    %dma_start3A_288 = tpu.memref_slice %arg15[%dma_start3A_286, %dma_start3A_287] : memref<10240x128xf32, #tpu.memory_space<vmem_shared>> -> memref<10240x128xf32, #tpu.memory_space<vmem_shared>>
    tpu.enqueue_indirect_dma source(%arg8 : memref<64x128xf32, #tpu.memory_space<vmem>>) target(%dma_start3A_288 : memref<10240x128xf32, #tpu.memory_space<vmem_shared>>) offsets(%arg7 : memref<64xi32, #tpu.memory_space<vmem>>) semaphore(%arg19 : memref<!tpu.dma_semaphore, #tpu.memory_space<semaphore_mem>>) {add = true}
    %dma_wait3A_289 = arith.constant 0 : i32
    %dma_wait3A_290 = arith.constant 0 : i32
    %dma_wait3A_291 = tpu.memref_slice %arg15[%dma_wait3A_289, %dma_wait3A_290] : memref<10240x128xf32, #tpu.memory_space<vmem_shared>> -> memref<10240x128xf32, #tpu.memory_space<vmem_shared>>
    tpu.wait_indirect_dma semaphore(%arg19 : memref<!tpu.dma_semaphore, #tpu.memory_space<semaphore_mem>>) src(%arg8 : memref<64x128xf32, #tpu.memory_space<vmem>>) dst(%dma_wait3A_291 : memref<10240x128xf32, #tpu.memory_space<vmem_shared>>)
    %barrier3A_292 = arith.constant 0 : index
    tpu.barrier barrier_id(%barrier3A_292)
    %mul3A_293 = arith.constant 640 : i32
    %mul3A_294 = arith.muli %arg1, %mul3A_293 : i32
    "tpu.region"() ({
      %run_scoped3A = tpu.sem_alloc : memref<!tpu.dma_semaphore, #tpu.memory_space<semaphore_mem>>
      %dma_start3A_295 = arith.constant 0 : i32
      %dma_start3A_296 = tpu.memref_slice %arg4[%arg0, %mul3A_294, %dma_start3A_295] : memref<2x10240x128xf32, #tpu.memory_space<hbm>> -> memref<1x640x128xf32, #tpu.memory_space<hbm>>
      %dma_start3A_297 = tpu.memref_squeeze %dma_start3A_296 : memref<1x640x128xf32, #tpu.memory_space<hbm>> -> memref<640x128xf32, #tpu.memory_space<hbm>>
      %dma_start3A_298 = arith.constant 0 : i32
      %dma_start3A_299 = tpu.memref_slice %arg15[%mul3A_294, %dma_start3A_298] : memref<10240x128xf32, #tpu.memory_space<vmem_shared>> -> memref<640x128xf32, #tpu.memory_space<vmem_shared>>
      tpu.enqueue_dma source(%dma_start3A_299 : memref<640x128xf32, #tpu.memory_space<vmem_shared>>) target(%dma_start3A_297 : memref<640x128xf32, #tpu.memory_space<hbm>>) target_semaphore(%run_scoped3A : memref<!tpu.dma_semaphore, #tpu.memory_space<semaphore_mem>>)
      %dma_wait3A_300 = arith.constant 0 : i32
      %dma_wait3A_301 = tpu.memref_slice %arg4[%arg0, %mul3A_294, %dma_wait3A_300] : memref<2x10240x128xf32, #tpu.memory_space<hbm>> -> memref<1x640x128xf32, #tpu.memory_space<hbm>>
      %dma_wait3A_302 = tpu.memref_squeeze %dma_wait3A_301 : memref<1x640x128xf32, #tpu.memory_space<hbm>> -> memref<640x128xf32, #tpu.memory_space<hbm>>
      %dma_wait3A_303 = arith.constant 0 : i32
      %dma_wait3A_304 = tpu.memref_slice %arg15[%mul3A_294, %dma_wait3A_303] : memref<10240x128xf32, #tpu.memory_space<vmem_shared>> -> memref<640x128xf32, #tpu.memory_space<vmem_shared>>
      tpu.wait_dma2 semaphore(%run_scoped3A : memref<!tpu.dma_semaphore, #tpu.memory_space<semaphore_mem>>) src(%dma_wait3A_304 : memref<640x128xf32, #tpu.memory_space<vmem_shared>>) dst(%dma_wait3A_302 : memref<640x128xf32, #tpu.memory_space<hbm>>)
      tpu.yield
    }) : () -> ()
    return
  }
}

#map = affine_map<(d0, d1) -> (0, 0)>
#map1 = affine_map<(d0, d1) -> (0, 0, 0)>
module attributes {stable_mosaic.version = 14 : i64} {
  func.func @agg_kernel(%arg0: i32, %arg1: i32, %arg2: memref<10000x128xf32, #tpu.memory_space<hbm>>, %arg3: memref<32x157x64xi32, #tpu.memory_space<hbm>>, %arg4: memref<2x10240x128xf32, #tpu.memory_space<hbm>>, %arg5: memref<157x64xi32, #tpu.memory_space<vmem>>, %arg6: memref<64xi32, #tpu.memory_space<vmem>>, %arg7: memref<64xi32, #tpu.memory_space<vmem>>, %arg8: memref<64x128xf32, #tpu.memory_space<vmem>>, %arg9: memref<64xi32, #tpu.memory_space<vmem>>, %arg10: memref<64xi32, #tpu.memory_space<vmem>>, %arg11: memref<64x128xf32, #tpu.memory_space<vmem>>, %arg12: memref<64xi32, #tpu.memory_space<vmem>>, %arg13: memref<64xi32, #tpu.memory_space<vmem>>, %arg14: memref<64x128xf32, #tpu.memory_space<vmem>>, %arg15: memref<10240x128xf32, #tpu.memory_space<vmem_shared>>, %arg16: memref<!tpu.dma_semaphore, #tpu.memory_space<semaphore_mem>>, %arg17: memref<!tpu.dma_semaphore, #tpu.memory_space<semaphore_mem>>, %arg18: memref<!tpu.dma_semaphore, #tpu.memory_space<semaphore_mem>>, %arg19: memref<!tpu.dma_semaphore, #tpu.memory_space<semaphore_mem>>, %arg20: memref<!tpu.dma_semaphore, #tpu.memory_space<semaphore_mem>>, %arg21: memref<!tpu.dma_semaphore, #tpu.memory_space<semaphore_mem>>) attributes {dimension_semantics = [#tpu.dimension_semantics<core_parallel>, #tpu.dimension_semantics<subcore_parallel>], iteration_bounds = array<i64: 2, 16>, scalar_prefetch = 0 : i64, scratch_operands = 17 : i64, tpu.core_type = #tpu.core_type<sc_vector_subcore>, window_params = [{transform_indices = #map}, {transform_indices = #map1}, {transform_indices = #map1}]} {
    %mul3A = arith.constant 2 : i32
    %mul3A_0 = arith.muli %arg1, %mul3A : i32
    %add3A = arith.addi %mul3A_0, %arg0 : i32
    "tpu.region"() ({
      %run_scoped3A = tpu.sem_alloc : memref<!tpu.dma_semaphore, #tpu.memory_space<semaphore_mem>>
      %dma_start3A_295 = arith.constant 0 : i32
      %dma_start3A_296 = arith.constant 0 : i32
      %dma_start3A_297 = tpu.memref_slice %arg3[%add3A, %dma_start3A_295, %dma_start3A_296] : memref<32x157x64xi32, #tpu.memory_space<hbm>> -> memref<1x157x64xi32, #tpu.memory_space<hbm>>
      %dma_start3A_298 = tpu.memref_squeeze %dma_start3A_297 : memref<1x157x64xi32, #tpu.memory_space<hbm>> -> memref<157x64xi32, #tpu.memory_space<hbm>>
      %dma_start3A_299 = arith.constant 0 : i32
      %dma_start3A_300 = arith.constant 0 : i32
      %dma_start3A_301 = tpu.memref_slice %arg3[%add3A, %dma_start3A_299, %dma_start3A_300] : memref<32x157x64xi32, #tpu.memory_space<hbm>> -> memref<1x157x64xi32, #tpu.memory_space<hbm>>
      %dma_start3A_302 = tpu.memref_squeeze %dma_start3A_301 : memref<1x157x64xi32, #tpu.memory_space<hbm>> -> memref<157x64xi32, #tpu.memory_space<hbm>>
      tpu.enqueue_dma source(%dma_start3A_302 : memref<157x64xi32, #tpu.memory_space<hbm>>) target(%arg5 : memref<157x64xi32, #tpu.memory_space<vmem>>) target_semaphore(%run_scoped3A : memref<!tpu.dma_semaphore, #tpu.memory_space<semaphore_mem>>)
      %dma_wait3A_303 = arith.constant 0 : i32
      %dma_wait3A_304 = arith.constant 0 : i32
      %dma_wait3A_305 = tpu.memref_slice %arg3[%add3A, %dma_wait3A_303, %dma_wait3A_304] : memref<32x157x64xi32, #tpu.memory_space<hbm>> -> memref<1x157x64xi32, #tpu.memory_space<hbm>>
      %dma_wait3A_306 = tpu.memref_squeeze %dma_wait3A_305 : memref<1x157x64xi32, #tpu.memory_space<hbm>> -> memref<157x64xi32, #tpu.memory_space<hbm>>
      %dma_wait3A_307 = arith.constant 0 : i32
      %dma_wait3A_308 = arith.constant 0 : i32
      %dma_wait3A_309 = tpu.memref_slice %arg3[%add3A, %dma_wait3A_307, %dma_wait3A_308] : memref<32x157x64xi32, #tpu.memory_space<hbm>> -> memref<1x157x64xi32, #tpu.memory_space<hbm>>
      %dma_wait3A_310 = tpu.memref_squeeze %dma_wait3A_309 : memref<1x157x64xi32, #tpu.memory_space<hbm>> -> memref<157x64xi32, #tpu.memory_space<hbm>>
      tpu.wait_dma2 semaphore(%run_scoped3A : memref<!tpu.dma_semaphore, #tpu.memory_space<semaphore_mem>>) src(%dma_wait3A_310 : memref<157x64xi32, #tpu.memory_space<hbm>>) dst(%arg5 : memref<157x64xi32, #tpu.memory_space<vmem>>)
      tpu.yield
    }) : () -> ()
    %scan3A = arith.constant 0 : i32
    %scan3A_1 = arith.constant 0 : i32
    %scan3A_2 = arith.constant 512 : i32
    %scan3A_3 = arith.addi %scan3A_1, %scan3A_2 : i32
    %scan3A_4 = arith.constant 1 : i32
    scf.for %scan3A_295 = %scan3A_1 to %scan3A_3 step %scan3A_4  : i32 {
      %broadcast_in_dim3A = arith.constant 0.000000e+00 : f32
      %broadcast_in_dim3A_296 = vector.broadcast %broadcast_in_dim3A : f32 to vector<16xf32>
      %jit3A = arith.constant 8 : i32
      %div3A = arith.divsi %scan3A_295, %jit3A : i32
      %sign3A = arith.constant 0 : i32
      %sign3A_297 = arith.cmpi sgt, %scan3A_295, %sign3A : i32
      %sign3A_298 = arith.extui %sign3A_297 : i1 to i32
      %sign3A_299 = arith.constant 0 : i32
      %sign3A_300 = arith.cmpi slt, %scan3A_295, %sign3A_299 : i32
      %sign3A_301 = arith.extui %sign3A_300 : i1 to i32
      %sign3A_302 = arith.subi %sign3A_298, %sign3A_301 : i32
      %sign3A_303 = arith.constant 0 : i32
      %sign3A_304 = arith.cmpi sgt, %jit3A, %sign3A_303 : i32
      %sign3A_305 = arith.extui %sign3A_304 : i1 to i32
      %sign3A_306 = arith.constant 0 : i32
      %sign3A_307 = arith.cmpi slt, %jit3A, %sign3A_306 : i32
      %sign3A_308 = arith.extui %sign3A_307 : i1 to i32
      %sign3A_309 = arith.subi %sign3A_305, %sign3A_308 : i32
      %ne3A = arith.cmpi ne, %sign3A_302, %sign3A_309 : i32
      %rem3A = arith.remsi %scan3A_295, %jit3A : i32
      %ne3A_310 = arith.constant 0 : i32
      %ne3A_311 = arith.cmpi ne, %rem3A, %ne3A_310 : i32
      %and3A_312 = arith.andi %ne3A, %ne3A_311 : i1
      %sub3A = arith.constant 1 : i32
      %sub3A_313 = arith.subi %div3A, %sub3A : i32
      %select_n3A = arith.select %and3A_312, %sub3A_313, %div3A : i32
      %jit3A_314 = arith.constant 8 : i32
      %eq3A = arith.constant 0 : i32
      %eq3A_315 = arith.cmpi eq, %jit3A_314, %eq3A : i32
      %jit3A_316 = arith.constant 1 : i32
      %select_n3A_317 = arith.select %eq3A_315, %jit3A_316, %jit3A_314 : i32
      %rem3A_318 = arith.remsi %scan3A_295, %select_n3A_317 : i32
      %ne3A_319 = arith.constant 0 : i32
      %ne3A_320 = arith.cmpi ne, %rem3A_318, %ne3A_319 : i32
      %lt3A = arith.constant 0 : i32
      %lt3A_321 = arith.cmpi slt, %rem3A_318, %lt3A : i32
      %lt3A_322 = arith.constant 0 : i32
      %lt3A_323 = arith.cmpi slt, %select_n3A_317, %lt3A_322 : i32
      %ne3A_324 = arith.xori %lt3A_321, %lt3A_323 : i1
      %and3A_325 = arith.andi %ne3A_324, %ne3A_320 : i1
      %add3A_326 = arith.addi %rem3A_318, %select_n3A_317 : i32
      %select_n3A_327 = arith.select %and3A_325, %add3A_326, %rem3A_318 : i32
      %mul3A_328 = arith.constant 16 : i32
      %mul3A_329 = arith.muli %select_n3A_327, %mul3A_328 : i32
      %swap3A_330 = arith.index_cast %select_n3A : i32 to index
      %swap3A_331 = arith.index_cast %mul3A_329 : i32 to index
      %swap3A_332 = tpu.vector_load %arg8[%swap3A_330, %swap3A_331] {strides = array<i32>} : memref<64x128xf32, #tpu.memory_space<vmem>>, vector<1x16xf32>,
      %swap3A_333 = vector.shape_cast %swap3A_332 : vector<1x16xf32> to vector<16xf32>
      %swap3A_334 = vector.shape_cast %broadcast_in_dim3A_296 : vector<16xf32> to vector<1x16xf32>
      tpu.vector_store %arg8[%swap3A_330, %swap3A_331], %swap3A_334 {strides = array<i32>} : memref<64x128xf32, #tpu.memory_space<vmem>>, vector<1x16xf32>,
    }
    %scan3A_5 = arith.constant 512 : i32
    %mul3A_6 = arith.constant 640 : i32
    %mul3A_7 = arith.muli %arg1, %mul3A_6 : i32
    %add3A_8 = arith.constant 0 : i32
    %add3A_9 = arith.addi %mul3A_7, %add3A_8 : i32
    "tpu.region"() ({
      %run_scoped3A = tpu.sem_alloc : memref<!tpu.dma_semaphore, #tpu.memory_space<semaphore_mem>>
      %dma_start3A_295 = arith.constant 0 : i32
      %dma_start3A_296 = tpu.memref_slice %arg15[%add3A_9, %dma_start3A_295] : memref<10240x128xf32, #tpu.memory_space<vmem_shared>> -> memref<64x128xf32, #tpu.memory_space<vmem_shared>>
      %dma_start3A_297 = arith.constant 0 : i32
      %dma_start3A_298 = tpu.memref_slice %arg15[%add3A_9, %dma_start3A_297] : memref<10240x128xf32, #tpu.memory_space<vmem_shared>> -> memref<64x128xf32, #tpu.memory_space<vmem_shared>>
      tpu.enqueue_dma source(%arg8 : memref<64x128xf32, #tpu.memory_space<vmem>>) target(%dma_start3A_298 : memref<64x128xf32, #tpu.memory_space<vmem_shared>>) target_semaphore(%run_scoped3A : memref<!tpu.dma_semaphore, #tpu.memory_space<semaphore_mem>>)
      %dma_wait3A_299 = arith.constant 0 : i32
      %dma_wait3A_300 = tpu.memref_slice %arg15[%add3A_9, %dma_wait3A_299] : memref<10240x128xf32, #tpu.memory_space<vmem_shared>> -> memref<64x128xf32, #tpu.memory_space<vmem_shared>>
      %dma_wait3A_301 = arith.constant 0 : i32
      %dma_wait3A_302 = tpu.memref_slice %arg15[%add3A_9, %dma_wait3A_301] : memref<10240x128xf32, #tpu.memory_space<vmem_shared>> -> memref<64x128xf32, #tpu.memory_space<vmem_shared>>
      tpu.wait_dma2 semaphore(%run_scoped3A : memref<!tpu.dma_semaphore, #tpu.memory_space<semaphore_mem>>) src(%arg8 : memref<64x128xf32, #tpu.memory_space<vmem>>) dst(%dma_wait3A_302 : memref<64x128xf32, #tpu.memory_space<vmem_shared>>)
      tpu.yield
    }) : () -> ()
    %mul3A_10 = arith.constant 640 : i32
    %mul3A_11 = arith.muli %arg1, %mul3A_10 : i32
    %add3A_12 = arith.constant 64 : i32
    %add3A_13 = arith.addi %mul3A_11, %add3A_12 : i32
    "tpu.region"() ({
      %run_scoped3A = tpu.sem_alloc : memref<!tpu.dma_semaphore, #tpu.memory_space<semaphore_mem>>
      %dma_start3A_295 = arith.constant 0 : i32
      %dma_start3A_296 = tpu.memref_slice %arg15[%add3A_13, %dma_start3A_295] : memref<10240x128xf32, #tpu.memory_space<vmem_shared>> -> memref<64x128xf32, #tpu.memory_space<vmem_shared>>
      %dma_start3A_297 = arith.constant 0 : i32
      %dma_start3A_298 = tpu.memref_slice %arg15[%add3A_13, %dma_start3A_297] : memref<10240x128xf32, #tpu.memory_space<vmem_shared>> -> memref<64x128xf32, #tpu.memory_space<vmem_shared>>
      tpu.enqueue_dma source(%arg8 : memref<64x128xf32, #tpu.memory_space<vmem>>) target(%dma_start3A_298 : memref<64x128xf32, #tpu.memory_space<vmem_shared>>) target_semaphore(%run_scoped3A : memref<!tpu.dma_semaphore, #tpu.memory_space<semaphore_mem>>)
      %dma_wait3A_299 = arith.constant 0 : i32
      %dma_wait3A_300 = tpu.memref_slice %arg15[%add3A_13, %dma_wait3A_299] : memref<10240x128xf32, #tpu.memory_space<vmem_shared>> -> memref<64x128xf32, #tpu.memory_space<vmem_shared>>
      %dma_wait3A_301 = arith.constant 0 : i32
      %dma_wait3A_302 = tpu.memref_slice %arg15[%add3A_13, %dma_wait3A_301] : memref<10240x128xf32, #tpu.memory_space<vmem_shared>> -> memref<64x128xf32, #tpu.memory_space<vmem_shared>>
      tpu.wait_dma2 semaphore(%run_scoped3A : memref<!tpu.dma_semaphore, #tpu.memory_space<semaphore_mem>>) src(%arg8 : memref<64x128xf32, #tpu.memory_space<vmem>>) dst(%dma_wait3A_302 : memref<64x128xf32, #tpu.memory_space<vmem_shared>>)
      tpu.yield
    }) : () -> ()
    %mul3A_14 = arith.constant 640 : i32
    %mul3A_15 = arith.muli %arg1, %mul3A_14 : i32
    %add3A_16 = arith.constant 128 : i32
    %add3A_17 = arith.addi %mul3A_15, %add3A_16 : i32
    "tpu.region"() ({
      %run_scoped3A = tpu.sem_alloc : memref<!tpu.dma_semaphore, #tpu.memory_space<semaphore_mem>>
      %dma_start3A_295 = arith.constant 0 : i32
      %dma_start3A_296 = tpu.memref_slice %arg15[%add3A_17, %dma_start3A_295] : memref<10240x128xf32, #tpu.memory_space<vmem_shared>> -> memref<64x128xf32, #tpu.memory_space<vmem_shared>>
      %dma_start3A_297 = arith.constant 0 : i32
      %dma_start3A_298 = tpu.memref_slice %arg15[%add3A_17, %dma_start3A_297] : memref<10240x128xf32, #tpu.memory_space<vmem_shared>> -> memref<64x128xf32, #tpu.memory_space<vmem_shared>>
      tpu.enqueue_dma source(%arg8 : memref<64x128xf32, #tpu.memory_space<vmem>>) target(%dma_start3A_298 : memref<64x128xf32, #tpu.memory_space<vmem_shared>>) target_semaphore(%run_scoped3A : memref<!tpu.dma_semaphore, #tpu.memory_space<semaphore_mem>>)
      %dma_wait3A_299 = arith.constant 0 : i32
      %dma_wait3A_300 = tpu.memref_slice %arg15[%add3A_17, %dma_wait3A_299] : memref<10240x128xf32, #tpu.memory_space<vmem_shared>> -> memref<64x128xf32, #tpu.memory_space<vmem_shared>>
      %dma_wait3A_301 = arith.constant 0 : i32
      %dma_wait3A_302 = tpu.memref_slice %arg15[%add3A_17, %dma_wait3A_301] : memref<10240x128xf32, #tpu.memory_space<vmem_shared>> -> memref<64x128xf32, #tpu.memory_space<vmem_shared>>
      tpu.wait_dma2 semaphore(%run_scoped3A : memref<!tpu.dma_semaphore, #tpu.memory_space<semaphore_mem>>) src(%arg8 : memref<64x128xf32, #tpu.memory_space<vmem>>) dst(%dma_wait3A_302 : memref<64x128xf32, #tpu.memory_space<vmem_shared>>)
      tpu.yield
    }) : () -> ()
    %mul3A_18 = arith.constant 640 : i32
    %mul3A_19 = arith.muli %arg1, %mul3A_18 : i32
    %add3A_20 = arith.constant 192 : i32
    %add3A_21 = arith.addi %mul3A_19, %add3A_20 : i32
    "tpu.region"() ({
      %run_scoped3A = tpu.sem_alloc : memref<!tpu.dma_semaphore, #tpu.memory_space<semaphore_mem>>
      %dma_start3A_295 = arith.constant 0 : i32
      %dma_start3A_296 = tpu.memref_slice %arg15[%add3A_21, %dma_start3A_295] : memref<10240x128xf32, #tpu.memory_space<vmem_shared>> -> memref<64x128xf32, #tpu.memory_space<vmem_shared>>
      %dma_start3A_297 = arith.constant 0 : i32
      %dma_start3A_298 = tpu.memref_slice %arg15[%add3A_21, %dma_start3A_297] : memref<10240x128xf32, #tpu.memory_space<vmem_shared>> -> memref<64x128xf32, #tpu.memory_space<vmem_shared>>
      tpu.enqueue_dma source(%arg8 : memref<64x128xf32, #tpu.memory_space<vmem>>) target(%dma_start3A_298 : memref<64x128xf32, #tpu.memory_space<vmem_shared>>) target_semaphore(%run_scoped3A : memref<!tpu.dma_semaphore, #tpu.memory_space<semaphore_mem>>)
      %dma_wait3A_299 = arith.constant 0 : i32
      %dma_wait3A_300 = tpu.memref_slice %arg15[%add3A_21, %dma_wait3A_299] : memref<10240x128xf32, #tpu.memory_space<vmem_shared>> -> memref<64x128xf32, #tpu.memory_space<vmem_shared>>
      %dma_wait3A_301 = arith.constant 0 : i32
      %dma_wait3A_302 = tpu.memref_slice %arg15[%add3A_21, %dma_wait3A_301] : memref<10240x128xf32, #tpu.memory_space<vmem_shared>> -> memref<64x128xf32, #tpu.memory_space<vmem_shared>>
      tpu.wait_dma2 semaphore(%run_scoped3A : memref<!tpu.dma_semaphore, #tpu.memory_space<semaphore_mem>>) src(%arg8 : memref<64x128xf32, #tpu.memory_space<vmem>>) dst(%dma_wait3A_302 : memref<64x128xf32, #tpu.memory_space<vmem_shared>>)
      tpu.yield
    }) : () -> ()
    %mul3A_22 = arith.constant 640 : i32
    %mul3A_23 = arith.muli %arg1, %mul3A_22 : i32
    %add3A_24 = arith.constant 256 : i32
    %add3A_25 = arith.addi %mul3A_23, %add3A_24 : i32
    "tpu.region"() ({
      %run_scoped3A = tpu.sem_alloc : memref<!tpu.dma_semaphore, #tpu.memory_space<semaphore_mem>>
      %dma_start3A_295 = arith.constant 0 : i32
      %dma_start3A_296 = tpu.memref_slice %arg15[%add3A_25, %dma_start3A_295] : memref<10240x128xf32, #tpu.memory_space<vmem_shared>> -> memref<64x128xf32, #tpu.memory_space<vmem_shared>>
      %dma_start3A_297 = arith.constant 0 : i32
      %dma_start3A_298 = tpu.memref_slice %arg15[%add3A_25, %dma_start3A_297] : memref<10240x128xf32, #tpu.memory_space<vmem_shared>> -> memref<64x128xf32, #tpu.memory_space<vmem_shared>>
      tpu.enqueue_dma source(%arg8 : memref<64x128xf32, #tpu.memory_space<vmem>>) target(%dma_start3A_298 : memref<64x128xf32, #tpu.memory_space<vmem_shared>>) target_semaphore(%run_scoped3A : memref<!tpu.dma_semaphore, #tpu.memory_space<semaphore_mem>>)
      %dma_wait3A_299 = arith.constant 0 : i32
      %dma_wait3A_300 = tpu.memref_slice %arg15[%add3A_25, %dma_wait3A_299] : memref<10240x128xf32, #tpu.memory_space<vmem_shared>> -> memref<64x128xf32, #tpu.memory_space<vmem_shared>>
      %dma_wait3A_301 = arith.constant 0 : i32
      %dma_wait3A_302 = tpu.memref_slice %arg15[%add3A_25, %dma_wait3A_301] : memref<10240x128xf32, #tpu.memory_space<vmem_shared>> -> memref<64x128xf32, #tpu.memory_space<vmem_shared>>
      tpu.wait_dma2 semaphore(%run_scoped3A : memref<!tpu.dma_semaphore, #tpu.memory_space<semaphore_mem>>) src(%arg8 : memref<64x128xf32, #tpu.memory_space<vmem>>) dst(%dma_wait3A_302 : memref<64x128xf32, #tpu.memory_space<vmem_shared>>)
      tpu.yield
    }) : () -> ()
    %mul3A_26 = arith.constant 640 : i32
    %mul3A_27 = arith.muli %arg1, %mul3A_26 : i32
    %add3A_28 = arith.constant 320 : i32
    %add3A_29 = arith.addi %mul3A_27, %add3A_28 : i32
    "tpu.region"() ({
      %run_scoped3A = tpu.sem_alloc : memref<!tpu.dma_semaphore, #tpu.memory_space<semaphore_mem>>
      %dma_start3A_295 = arith.constant 0 : i32
      %dma_start3A_296 = tpu.memref_slice %arg15[%add3A_29, %dma_start3A_295] : memref<10240x128xf32, #tpu.memory_space<vmem_shared>> -> memref<64x128xf32, #tpu.memory_space<vmem_shared>>
      %dma_start3A_297 = arith.constant 0 : i32
      %dma_start3A_298 = tpu.memref_slice %arg15[%add3A_29, %dma_start3A_297] : memref<10240x128xf32, #tpu.memory_space<vmem_shared>> -> memref<64x128xf32, #tpu.memory_space<vmem_shared>>
      tpu.enqueue_dma source(%arg8 : memref<64x128xf32, #tpu.memory_space<vmem>>) target(%dma_start3A_298 : memref<64x128xf32, #tpu.memory_space<vmem_shared>>) target_semaphore(%run_scoped3A : memref<!tpu.dma_semaphore, #tpu.memory_space<semaphore_mem>>)
      %dma_wait3A_299 = arith.constant 0 : i32
      %dma_wait3A_300 = tpu.memref_slice %arg15[%add3A_29, %dma_wait3A_299] : memref<10240x128xf32, #tpu.memory_space<vmem_shared>> -> memref<64x128xf32, #tpu.memory_space<vmem_shared>>
      %dma_wait3A_301 = arith.constant 0 : i32
      %dma_wait3A_302 = tpu.memref_slice %arg15[%add3A_29, %dma_wait3A_301] : memref<10240x128xf32, #tpu.memory_space<vmem_shared>> -> memref<64x128xf32, #tpu.memory_space<vmem_shared>>
      tpu.wait_dma2 semaphore(%run_scoped3A : memref<!tpu.dma_semaphore, #tpu.memory_space<semaphore_mem>>) src(%arg8 : memref<64x128xf32, #tpu.memory_space<vmem>>) dst(%dma_wait3A_302 : memref<64x128xf32, #tpu.memory_space<vmem_shared>>)
      tpu.yield
    }) : () -> ()
    %mul3A_30 = arith.constant 640 : i32
    %mul3A_31 = arith.muli %arg1, %mul3A_30 : i32
    %add3A_32 = arith.constant 384 : i32
    %add3A_33 = arith.addi %mul3A_31, %add3A_32 : i32
    "tpu.region"() ({
      %run_scoped3A = tpu.sem_alloc : memref<!tpu.dma_semaphore, #tpu.memory_space<semaphore_mem>>
      %dma_start3A_295 = arith.constant 0 : i32
      %dma_start3A_296 = tpu.memref_slice %arg15[%add3A_33, %dma_start3A_295] : memref<10240x128xf32, #tpu.memory_space<vmem_shared>> -> memref<64x128xf32, #tpu.memory_space<vmem_shared>>
      %dma_start3A_297 = arith.constant 0 : i32
      %dma_start3A_298 = tpu.memref_slice %arg15[%add3A_33, %dma_start3A_297] : memref<10240x128xf32, #tpu.memory_space<vmem_shared>> -> memref<64x128xf32, #tpu.memory_space<vmem_shared>>
      tpu.enqueue_dma source(%arg8 : memref<64x128xf32, #tpu.memory_space<vmem>>) target(%dma_start3A_298 : memref<64x128xf32, #tpu.memory_space<vmem_shared>>) target_semaphore(%run_scoped3A : memref<!tpu.dma_semaphore, #tpu.memory_space<semaphore_mem>>)
      %dma_wait3A_299 = arith.constant 0 : i32
      %dma_wait3A_300 = tpu.memref_slice %arg15[%add3A_33, %dma_wait3A_299] : memref<10240x128xf32, #tpu.memory_space<vmem_shared>> -> memref<64x128xf32, #tpu.memory_space<vmem_shared>>
      %dma_wait3A_301 = arith.constant 0 : i32
      %dma_wait3A_302 = tpu.memref_slice %arg15[%add3A_33, %dma_wait3A_301] : memref<10240x128xf32, #tpu.memory_space<vmem_shared>> -> memref<64x128xf32, #tpu.memory_space<vmem_shared>>
      tpu.wait_dma2 semaphore(%run_scoped3A : memref<!tpu.dma_semaphore, #tpu.memory_space<semaphore_mem>>) src(%arg8 : memref<64x128xf32, #tpu.memory_space<vmem>>) dst(%dma_wait3A_302 : memref<64x128xf32, #tpu.memory_space<vmem_shared>>)
      tpu.yield
    }) : () -> ()
    %mul3A_34 = arith.constant 640 : i32
    %mul3A_35 = arith.muli %arg1, %mul3A_34 : i32
    %add3A_36 = arith.constant 448 : i32
    %add3A_37 = arith.addi %mul3A_35, %add3A_36 : i32
    "tpu.region"() ({
      %run_scoped3A = tpu.sem_alloc : memref<!tpu.dma_semaphore, #tpu.memory_space<semaphore_mem>>
      %dma_start3A_295 = arith.constant 0 : i32
      %dma_start3A_296 = tpu.memref_slice %arg15[%add3A_37, %dma_start3A_295] : memref<10240x128xf32, #tpu.memory_space<vmem_shared>> -> memref<64x128xf32, #tpu.memory_space<vmem_shared>>
      %dma_start3A_297 = arith.constant 0 : i32
      %dma_start3A_298 = tpu.memref_slice %arg15[%add3A_37, %dma_start3A_297] : memref<10240x128xf32, #tpu.memory_space<vmem_shared>> -> memref<64x128xf32, #tpu.memory_space<vmem_shared>>
      tpu.enqueue_dma source(%arg8 : memref<64x128xf32, #tpu.memory_space<vmem>>) target(%dma_start3A_298 : memref<64x128xf32, #tpu.memory_space<vmem_shared>>) target_semaphore(%run_scoped3A : memref<!tpu.dma_semaphore, #tpu.memory_space<semaphore_mem>>)
      %dma_wait3A_299 = arith.constant 0 : i32
      %dma_wait3A_300 = tpu.memref_slice %arg15[%add3A_37, %dma_wait3A_299] : memref<10240x128xf32, #tpu.memory_space<vmem_shared>> -> memref<64x128xf32, #tpu.memory_space<vmem_shared>>
      %dma_wait3A_301 = arith.constant 0 : i32
      %dma_wait3A_302 = tpu.memref_slice %arg15[%add3A_37, %dma_wait3A_301] : memref<10240x128xf32, #tpu.memory_space<vmem_shared>> -> memref<64x128xf32, #tpu.memory_space<vmem_shared>>
      tpu.wait_dma2 semaphore(%run_scoped3A : memref<!tpu.dma_semaphore, #tpu.memory_space<semaphore_mem>>) src(%arg8 : memref<64x128xf32, #tpu.memory_space<vmem>>) dst(%dma_wait3A_302 : memref<64x128xf32, #tpu.memory_space<vmem_shared>>)
      tpu.yield
    }) : () -> ()
    %mul3A_38 = arith.constant 640 : i32
    %mul3A_39 = arith.muli %arg1, %mul3A_38 : i32
    %add3A_40 = arith.constant 512 : i32
    %add3A_41 = arith.addi %mul3A_39, %add3A_40 : i32
    "tpu.region"() ({
      %run_scoped3A = tpu.sem_alloc : memref<!tpu.dma_semaphore, #tpu.memory_space<semaphore_mem>>
      %dma_start3A_295 = arith.constant 0 : i32
      %dma_start3A_296 = tpu.memref_slice %arg15[%add3A_41, %dma_start3A_295] : memref<10240x128xf32, #tpu.memory_space<vmem_shared>> -> memref<64x128xf32, #tpu.memory_space<vmem_shared>>
      %dma_start3A_297 = arith.constant 0 : i32
      %dma_start3A_298 = tpu.memref_slice %arg15[%add3A_41, %dma_start3A_297] : memref<10240x128xf32, #tpu.memory_space<vmem_shared>> -> memref<64x128xf32, #tpu.memory_space<vmem_shared>>
      tpu.enqueue_dma source(%arg8 : memref<64x128xf32, #tpu.memory_space<vmem>>) target(%dma_start3A_298 : memref<64x128xf32, #tpu.memory_space<vmem_shared>>) target_semaphore(%run_scoped3A : memref<!tpu.dma_semaphore, #tpu.memory_space<semaphore_mem>>)
      %dma_wait3A_299 = arith.constant 0 : i32
      %dma_wait3A_300 = tpu.memref_slice %arg15[%add3A_41, %dma_wait3A_299] : memref<10240x128xf32, #tpu.memory_space<vmem_shared>> -> memref<64x128xf32, #tpu.memory_space<vmem_shared>>
      %dma_wait3A_301 = arith.constant 0 : i32
      %dma_wait3A_302 = tpu.memref_slice %arg15[%add3A_41, %dma_wait3A_301] : memref<10240x128xf32, #tpu.memory_space<vmem_shared>> -> memref<64x128xf32, #tpu.memory_space<vmem_shared>>
      tpu.wait_dma2 semaphore(%run_scoped3A : memref<!tpu.dma_semaphore, #tpu.memory_space<semaphore_mem>>) src(%arg8 : memref<64x128xf32, #tpu.memory_space<vmem>>) dst(%dma_wait3A_302 : memref<64x128xf32, #tpu.memory_space<vmem_shared>>)
      tpu.yield
    }) : () -> ()
    %mul3A_42 = arith.constant 640 : i32
    %mul3A_43 = arith.muli %arg1, %mul3A_42 : i32
    %add3A_44 = arith.constant 576 : i32
    %add3A_45 = arith.addi %mul3A_43, %add3A_44 : i32
    "tpu.region"() ({
      %run_scoped3A = tpu.sem_alloc : memref<!tpu.dma_semaphore, #tpu.memory_space<semaphore_mem>>
      %dma_start3A_295 = arith.constant 0 : i32
      %dma_start3A_296 = tpu.memref_slice %arg15[%add3A_45, %dma_start3A_295] : memref<10240x128xf32, #tpu.memory_space<vmem_shared>> -> memref<64x128xf32, #tpu.memory_space<vmem_shared>>
      %dma_start3A_297 = arith.constant 0 : i32
      %dma_start3A_298 = tpu.memref_slice %arg15[%add3A_45, %dma_start3A_297] : memref<10240x128xf32, #tpu.memory_space<vmem_shared>> -> memref<64x128xf32, #tpu.memory_space<vmem_shared>>
      tpu.enqueue_dma source(%arg8 : memref<64x128xf32, #tpu.memory_space<vmem>>) target(%dma_start3A_298 : memref<64x128xf32, #tpu.memory_space<vmem_shared>>) target_semaphore(%run_scoped3A : memref<!tpu.dma_semaphore, #tpu.memory_space<semaphore_mem>>)
      %dma_wait3A_299 = arith.constant 0 : i32
      %dma_wait3A_300 = tpu.memref_slice %arg15[%add3A_45, %dma_wait3A_299] : memref<10240x128xf32, #tpu.memory_space<vmem_shared>> -> memref<64x128xf32, #tpu.memory_space<vmem_shared>>
      %dma_wait3A_301 = arith.constant 0 : i32
      %dma_wait3A_302 = tpu.memref_slice %arg15[%add3A_45, %dma_wait3A_301] : memref<10240x128xf32, #tpu.memory_space<vmem_shared>> -> memref<64x128xf32, #tpu.memory_space<vmem_shared>>
      tpu.wait_dma2 semaphore(%run_scoped3A : memref<!tpu.dma_semaphore, #tpu.memory_space<semaphore_mem>>) src(%arg8 : memref<64x128xf32, #tpu.memory_space<vmem>>) dst(%dma_wait3A_302 : memref<64x128xf32, #tpu.memory_space<vmem_shared>>)
      tpu.yield
    }) : () -> ()
    %barrier3A = arith.constant 0 : index
    tpu.barrier barrier_id(%barrier3A)
    %get3A = arith.constant 0 : i32
    %get3A_46 = arith.index_cast %get3A : i32 to index
    %get3A_47 = arith.constant 0 : index
    %get3A_48 = tpu.vector_load %arg5[%get3A_46, %get3A_47] {strides = array<i32>} : memref<157x64xi32, #tpu.memory_space<vmem>>, vector<1x16xi32>,
    %get3A_49 = vector.shape_cast %get3A_48 : vector<1x16xi32> to vector<16xi32>
    %and3A = arith.constant 65535 : i32
    %and3A_50 = vector.broadcast %and3A : i32 to vector<16xi32>
    %and3A_51 = arith.andi %get3A_49, %and3A_50 : vector<16xi32>
    %swap3A = arith.constant 0 : index
    %swap3A_52 = tpu.vector_load %arg6[%swap3A] {strides = array<i32>} : memref<64xi32, #tpu.memory_space<vmem>>, vector<16xi32>,
    %swap3A_53 = vector.shape_cast %swap3A_52 : vector<16xi32> to vector<16xi32>
    %swap3A_54 = vector.shape_cast %and3A_51 : vector<16xi32> to vector<16xi32>
    tpu.vector_store %arg6[%swap3A], %swap3A_54 {strides = array<i32>} : memref<64xi32, #tpu.memory_space<vmem>>, vector<16xi32>,
    %shift_right_arithmetic3A = arith.constant 16 : i32
    %shift_right_arithmetic3A_55 = vector.broadcast %shift_right_arithmetic3A : i32 to vector<16xi32>
    %shift_right_arithmetic3A_56 = arith.shrsi %get3A_49, %shift_right_arithmetic3A_55 : vector<16xi32>
    %swap3A_57 = arith.constant 0 : index
    %swap3A_58 = tpu.vector_load %arg7[%swap3A_57] {strides = array<i32>} : memref<64xi32, #tpu.memory_space<vmem>>, vector<16xi32>,
    %swap3A_59 = vector.shape_cast %swap3A_58 : vector<16xi32> to vector<16xi32>
    %swap3A_60 = vector.shape_cast %shift_right_arithmetic3A_56 : vector<16xi32> to vector<16xi32>
    tpu.vector_store %arg7[%swap3A_57], %swap3A_60 {strides = array<i32>} : memref<64xi32, #tpu.memory_space<vmem>>, vector<16xi32>,
    %get3A_61 = arith.constant 0 : i32
    %get3A_62 = arith.index_cast %get3A_61 : i32 to index
    %get3A_63 = arith.constant 16 : index
    %get3A_64 = tpu.vector_load %arg5[%get3A_62, %get3A_63] {strides = array<i32>} : memref<157x64xi32, #tpu.memory_space<vmem>>, vector<1x16xi32>,
    %get3A_65 = vector.shape_cast %get3A_64 : vector<1x16xi32> to vector<16xi32>
    %and3A_66 = arith.constant 65535 : i32
    %and3A_67 = vector.broadcast %and3A_66 : i32 to vector<16xi32>
    %and3A_68 = arith.andi %get3A_65, %and3A_67 : vector<16xi32>
    %swap3A_69 = arith.constant 16 : index
    %swap3A_70 = tpu.vector_load %arg6[%swap3A_69] {strides = array<i32>} : memref<64xi32, #tpu.memory_space<vmem>>, vector<16xi32>,
    %swap3A_71 = vector.shape_cast %swap3A_70 : vector<16xi32> to vector<16xi32>
    %swap3A_72 = vector.shape_cast %and3A_68 : vector<16xi32> to vector<16xi32>
    tpu.vector_store %arg6[%swap3A_69], %swap3A_72 {strides = array<i32>} : memref<64xi32, #tpu.memory_space<vmem>>, vector<16xi32>,
    %shift_right_arithmetic3A_73 = arith.constant 16 : i32
    %shift_right_arithmetic3A_74 = vector.broadcast %shift_right_arithmetic3A_73 : i32 to vector<16xi32>
    %shift_right_arithmetic3A_75 = arith.shrsi %get3A_65, %shift_right_arithmetic3A_74 : vector<16xi32>
    %swap3A_76 = arith.constant 16 : index
    %swap3A_77 = tpu.vector_load %arg7[%swap3A_76] {strides = array<i32>} : memref<64xi32, #tpu.memory_space<vmem>>, vector<16xi32>,
    %swap3A_78 = vector.shape_cast %swap3A_77 : vector<16xi32> to vector<16xi32>
    %swap3A_79 = vector.shape_cast %shift_right_arithmetic3A_75 : vector<16xi32> to vector<16xi32>
    tpu.vector_store %arg7[%swap3A_76], %swap3A_79 {strides = array<i32>} : memref<64xi32, #tpu.memory_space<vmem>>, vector<16xi32>,
    %get3A_80 = arith.constant 0 : i32
    %get3A_81 = arith.index_cast %get3A_80 : i32 to index
    %get3A_82 = arith.constant 32 : index
    %get3A_83 = tpu.vector_load %arg5[%get3A_81, %get3A_82] {strides = array<i32>} : memref<157x64xi32, #tpu.memory_space<vmem>>, vector<1x16xi32>,
    %get3A_84 = vector.shape_cast %get3A_83 : vector<1x16xi32> to vector<16xi32>
    %and3A_85 = arith.constant 65535 : i32
    %and3A_86 = vector.broadcast %and3A_85 : i32 to vector<16xi32>
    %and3A_87 = arith.andi %get3A_84, %and3A_86 : vector<16xi32>
    %swap3A_88 = arith.constant 32 : index
    %swap3A_89 = tpu.vector_load %arg6[%swap3A_88] {strides = array<i32>} : memref<64xi32, #tpu.memory_space<vmem>>, vector<16xi32>,
    %swap3A_90 = vector.shape_cast %swap3A_89 : vector<16xi32> to vector<16xi32>
    %swap3A_91 = vector.shape_cast %and3A_87 : vector<16xi32> to vector<16xi32>
    tpu.vector_store %arg6[%swap3A_88], %swap3A_91 {strides = array<i32>} : memref<64xi32, #tpu.memory_space<vmem>>, vector<16xi32>,
    %shift_right_arithmetic3A_92 = arith.constant 16 : i32
    %shift_right_arithmetic3A_93 = vector.broadcast %shift_right_arithmetic3A_92 : i32 to vector<16xi32>
    %shift_right_arithmetic3A_94 = arith.shrsi %get3A_84, %shift_right_arithmetic3A_93 : vector<16xi32>
    %swap3A_95 = arith.constant 32 : index
    %swap3A_96 = tpu.vector_load %arg7[%swap3A_95] {strides = array<i32>} : memref<64xi32, #tpu.memory_space<vmem>>, vector<16xi32>,
    %swap3A_97 = vector.shape_cast %swap3A_96 : vector<16xi32> to vector<16xi32>
    %swap3A_98 = vector.shape_cast %shift_right_arithmetic3A_94 : vector<16xi32> to vector<16xi32>
    tpu.vector_store %arg7[%swap3A_95], %swap3A_98 {strides = array<i32>} : memref<64xi32, #tpu.memory_space<vmem>>, vector<16xi32>,
    %get3A_99 = arith.constant 0 : i32
    %get3A_100 = arith.index_cast %get3A_99 : i32 to index
    %get3A_101 = arith.constant 48 : index
    %get3A_102 = tpu.vector_load %arg5[%get3A_100, %get3A_101] {strides = array<i32>} : memref<157x64xi32, #tpu.memory_space<vmem>>, vector<1x16xi32>,
    %get3A_103 = vector.shape_cast %get3A_102 : vector<1x16xi32> to vector<16xi32>
    %and3A_104 = arith.constant 65535 : i32
    %and3A_105 = vector.broadcast %and3A_104 : i32 to vector<16xi32>
    %and3A_106 = arith.andi %get3A_103, %and3A_105 : vector<16xi32>
    %swap3A_107 = arith.constant 48 : index
    %swap3A_108 = tpu.vector_load %arg6[%swap3A_107] {strides = array<i32>} : memref<64xi32, #tpu.memory_space<vmem>>, vector<16xi32>,
    %swap3A_109 = vector.shape_cast %swap3A_108 : vector<16xi32> to vector<16xi32>
    %swap3A_110 = vector.shape_cast %and3A_106 : vector<16xi32> to vector<16xi32>
    tpu.vector_store %arg6[%swap3A_107], %swap3A_110 {strides = array<i32>} : memref<64xi32, #tpu.memory_space<vmem>>, vector<16xi32>,
    %shift_right_arithmetic3A_111 = arith.constant 16 : i32
    %shift_right_arithmetic3A_112 = vector.broadcast %shift_right_arithmetic3A_111 : i32 to vector<16xi32>
    %shift_right_arithmetic3A_113 = arith.shrsi %get3A_103, %shift_right_arithmetic3A_112 : vector<16xi32>
    %swap3A_114 = arith.constant 48 : index
    %swap3A_115 = tpu.vector_load %arg7[%swap3A_114] {strides = array<i32>} : memref<64xi32, #tpu.memory_space<vmem>>, vector<16xi32>,
    %swap3A_116 = vector.shape_cast %swap3A_115 : vector<16xi32> to vector<16xi32>
    %swap3A_117 = vector.shape_cast %shift_right_arithmetic3A_113 : vector<16xi32> to vector<16xi32>
    tpu.vector_store %arg7[%swap3A_114], %swap3A_117 {strides = array<i32>} : memref<64xi32, #tpu.memory_space<vmem>>, vector<16xi32>,
    %dma_start3A = arith.constant 0 : i32
    %dma_start3A_118 = arith.constant 0 : i32
    %dma_start3A_119 = tpu.memref_slice %arg2[%dma_start3A, %dma_start3A_118] : memref<10000x128xf32, #tpu.memory_space<hbm>> -> memref<10000x128xf32, #tpu.memory_space<hbm>>
    tpu.enqueue_indirect_dma source(%dma_start3A_119 : memref<10000x128xf32, #tpu.memory_space<hbm>>) target(%arg8 : memref<64x128xf32, #tpu.memory_space<vmem>>) offsets(%arg6 : memref<64xi32, #tpu.memory_space<vmem>>) semaphore(%arg16 : memref<!tpu.dma_semaphore, #tpu.memory_space<semaphore_mem>>)
    %get3A_120 = arith.constant 1 : i32
    %get3A_121 = arith.index_cast %get3A_120 : i32 to index
    %get3A_122 = arith.constant 0 : index
    %get3A_123 = tpu.vector_load %arg5[%get3A_121, %get3A_122] {strides = array<i32>} : memref<157x64xi32, #tpu.memory_space<vmem>>, vector<1x16xi32>,
    %get3A_124 = vector.shape_cast %get3A_123 : vector<1x16xi32> to vector<16xi32>
    %and3A_125 = arith.constant 65535 : i32
    %and3A_126 = vector.broadcast %and3A_125 : i32 to vector<16xi32>
    %and3A_127 = arith.andi %get3A_124, %and3A_126 : vector<16xi32>
    %swap3A_128 = arith.constant 0 : index
    %swap3A_129 = tpu.vector_load %arg9[%swap3A_128] {strides = array<i32>} : memref<64xi32, #tpu.memory_space<vmem>>, vector<16xi32>,
    %swap3A_130 = vector.shape_cast %swap3A_129 : vector<16xi32> to vector<16xi32>
    %swap3A_131 = vector.shape_cast %and3A_127 : vector<16xi32> to vector<16xi32>
    tpu.vector_store %arg9[%swap3A_128], %swap3A_131 {strides = array<i32>} : memref<64xi32, #tpu.memory_space<vmem>>, vector<16xi32>,
    %shift_right_arithmetic3A_132 = arith.constant 16 : i32
    %shift_right_arithmetic3A_133 = vector.broadcast %shift_right_arithmetic3A_132 : i32 to vector<16xi32>
    %shift_right_arithmetic3A_134 = arith.shrsi %get3A_124, %shift_right_arithmetic3A_133 : vector<16xi32>
    %swap3A_135 = arith.constant 0 : index
    %swap3A_136 = tpu.vector_load %arg10[%swap3A_135] {strides = array<i32>} : memref<64xi32, #tpu.memory_space<vmem>>, vector<16xi32>,
    %swap3A_137 = vector.shape_cast %swap3A_136 : vector<16xi32> to vector<16xi32>
    %swap3A_138 = vector.shape_cast %shift_right_arithmetic3A_134 : vector<16xi32> to vector<16xi32>
    tpu.vector_store %arg10[%swap3A_135], %swap3A_138 {strides = array<i32>} : memref<64xi32, #tpu.memory_space<vmem>>, vector<16xi32>,
    %get3A_139 = arith.constant 1 : i32
    %get3A_140 = arith.index_cast %get3A_139 : i32 to index
    %get3A_141 = arith.constant 16 : index
    %get3A_142 = tpu.vector_load %arg5[%get3A_140, %get3A_141] {strides = array<i32>} : memref<157x64xi32, #tpu.memory_space<vmem>>, vector<1x16xi32>,
    %get3A_143 = vector.shape_cast %get3A_142 : vector<1x16xi32> to vector<16xi32>
    %and3A_144 = arith.constant 65535 : i32
    %and3A_145 = vector.broadcast %and3A_144 : i32 to vector<16xi32>
    %and3A_146 = arith.andi %get3A_143, %and3A_145 : vector<16xi32>
    %swap3A_147 = arith.constant 16 : index
    %swap3A_148 = tpu.vector_load %arg9[%swap3A_147] {strides = array<i32>} : memref<64xi32, #tpu.memory_space<vmem>>, vector<16xi32>,
    %swap3A_149 = vector.shape_cast %swap3A_148 : vector<16xi32> to vector<16xi32>
    %swap3A_150 = vector.shape_cast %and3A_146 : vector<16xi32> to vector<16xi32>
    tpu.vector_store %arg9[%swap3A_147], %swap3A_150 {strides = array<i32>} : memref<64xi32, #tpu.memory_space<vmem>>, vector<16xi32>,
    %shift_right_arithmetic3A_151 = arith.constant 16 : i32
    %shift_right_arithmetic3A_152 = vector.broadcast %shift_right_arithmetic3A_151 : i32 to vector<16xi32>
    %shift_right_arithmetic3A_153 = arith.shrsi %get3A_143, %shift_right_arithmetic3A_152 : vector<16xi32>
    %swap3A_154 = arith.constant 16 : index
    %swap3A_155 = tpu.vector_load %arg10[%swap3A_154] {strides = array<i32>} : memref<64xi32, #tpu.memory_space<vmem>>, vector<16xi32>,
    %swap3A_156 = vector.shape_cast %swap3A_155 : vector<16xi32> to vector<16xi32>
    %swap3A_157 = vector.shape_cast %shift_right_arithmetic3A_153 : vector<16xi32> to vector<16xi32>
    tpu.vector_store %arg10[%swap3A_154], %swap3A_157 {strides = array<i32>} : memref<64xi32, #tpu.memory_space<vmem>>, vector<16xi32>,
    %get3A_158 = arith.constant 1 : i32
    %get3A_159 = arith.index_cast %get3A_158 : i32 to index
    %get3A_160 = arith.constant 32 : index
    %get3A_161 = tpu.vector_load %arg5[%get3A_159, %get3A_160] {strides = array<i32>} : memref<157x64xi32, #tpu.memory_space<vmem>>, vector<1x16xi32>,
    %get3A_162 = vector.shape_cast %get3A_161 : vector<1x16xi32> to vector<16xi32>
    %and3A_163 = arith.constant 65535 : i32
    %and3A_164 = vector.broadcast %and3A_163 : i32 to vector<16xi32>
    %and3A_165 = arith.andi %get3A_162, %and3A_164 : vector<16xi32>
    %swap3A_166 = arith.constant 32 : index
    %swap3A_167 = tpu.vector_load %arg9[%swap3A_166] {strides = array<i32>} : memref<64xi32, #tpu.memory_space<vmem>>, vector<16xi32>,
    %swap3A_168 = vector.shape_cast %swap3A_167 : vector<16xi32> to vector<16xi32>
    %swap3A_169 = vector.shape_cast %and3A_165 : vector<16xi32> to vector<16xi32>
    tpu.vector_store %arg9[%swap3A_166], %swap3A_169 {strides = array<i32>} : memref<64xi32, #tpu.memory_space<vmem>>, vector<16xi32>,
    %shift_right_arithmetic3A_170 = arith.constant 16 : i32
    %shift_right_arithmetic3A_171 = vector.broadcast %shift_right_arithmetic3A_170 : i32 to vector<16xi32>
    %shift_right_arithmetic3A_172 = arith.shrsi %get3A_162, %shift_right_arithmetic3A_171 : vector<16xi32>
    %swap3A_173 = arith.constant 32 : index
    %swap3A_174 = tpu.vector_load %arg10[%swap3A_173] {strides = array<i32>} : memref<64xi32, #tpu.memory_space<vmem>>, vector<16xi32>,
    %swap3A_175 = vector.shape_cast %swap3A_174 : vector<16xi32> to vector<16xi32>
    %swap3A_176 = vector.shape_cast %shift_right_arithmetic3A_172 : vector<16xi32> to vector<16xi32>
    tpu.vector_store %arg10[%swap3A_173], %swap3A_176 {strides = array<i32>} : memref<64xi32, #tpu.memory_space<vmem>>, vector<16xi32>,
    %get3A_177 = arith.constant 1 : i32
    %get3A_178 = arith.index_cast %get3A_177 : i32 to index
    %get3A_179 = arith.constant 48 : index
    %get3A_180 = tpu.vector_load %arg5[%get3A_178, %get3A_179] {strides = array<i32>} : memref<157x64xi32, #tpu.memory_space<vmem>>, vector<1x16xi32>,
    %get3A_181 = vector.shape_cast %get3A_180 : vector<1x16xi32> to vector<16xi32>
    %and3A_182 = arith.constant 65535 : i32
    %and3A_183 = vector.broadcast %and3A_182 : i32 to vector<16xi32>
    %and3A_184 = arith.andi %get3A_181, %and3A_183 : vector<16xi32>
    %swap3A_185 = arith.constant 48 : index
    %swap3A_186 = tpu.vector_load %arg9[%swap3A_185] {strides = array<i32>} : memref<64xi32, #tpu.memory_space<vmem>>, vector<16xi32>,
    %swap3A_187 = vector.shape_cast %swap3A_186 : vector<16xi32> to vector<16xi32>
    %swap3A_188 = vector.shape_cast %and3A_184 : vector<16xi32> to vector<16xi32>
    tpu.vector_store %arg9[%swap3A_185], %swap3A_188 {strides = array<i32>} : memref<64xi32, #tpu.memory_space<vmem>>, vector<16xi32>,
    %shift_right_arithmetic3A_189 = arith.constant 16 : i32
    %shift_right_arithmetic3A_190 = vector.broadcast %shift_right_arithmetic3A_189 : i32 to vector<16xi32>
    %shift_right_arithmetic3A_191 = arith.shrsi %get3A_181, %shift_right_arithmetic3A_190 : vector<16xi32>
    %swap3A_192 = arith.constant 48 : index
    %swap3A_193 = tpu.vector_load %arg10[%swap3A_192] {strides = array<i32>} : memref<64xi32, #tpu.memory_space<vmem>>, vector<16xi32>,
    %swap3A_194 = vector.shape_cast %swap3A_193 : vector<16xi32> to vector<16xi32>
    %swap3A_195 = vector.shape_cast %shift_right_arithmetic3A_191 : vector<16xi32> to vector<16xi32>
    tpu.vector_store %arg10[%swap3A_192], %swap3A_195 {strides = array<i32>} : memref<64xi32, #tpu.memory_space<vmem>>, vector<16xi32>,
    %dma_start3A_196 = arith.constant 0 : i32
    %dma_start3A_197 = arith.constant 0 : i32
    %dma_start3A_198 = tpu.memref_slice %arg2[%dma_start3A_196, %dma_start3A_197] : memref<10000x128xf32, #tpu.memory_space<hbm>> -> memref<10000x128xf32, #tpu.memory_space<hbm>>
    tpu.enqueue_indirect_dma source(%dma_start3A_198 : memref<10000x128xf32, #tpu.memory_space<hbm>>) target(%arg11 : memref<64x128xf32, #tpu.memory_space<vmem>>) offsets(%arg9 : memref<64xi32, #tpu.memory_space<vmem>>) semaphore(%arg17 : memref<!tpu.dma_semaphore, #tpu.memory_space<semaphore_mem>>)
    %get3A_199 = arith.constant 2 : i32
    %get3A_200 = arith.index_cast %get3A_199 : i32 to index
    %get3A_201 = arith.constant 0 : index
    %get3A_202 = tpu.vector_load %arg5[%get3A_200, %get3A_201] {strides = array<i32>} : memref<157x64xi32, #tpu.memory_space<vmem>>, vector<1x16xi32>,
    %get3A_203 = vector.shape_cast %get3A_202 : vector<1x16xi32> to vector<16xi32>
    %and3A_204 = arith.constant 65535 : i32
    %and3A_205 = vector.broadcast %and3A_204 : i32 to vector<16xi32>
    %and3A_206 = arith.andi %get3A_203, %and3A_205 : vector<16xi32>
    %swap3A_207 = arith.constant 0 : index
    %swap3A_208 = tpu.vector_load %arg12[%swap3A_207] {strides = array<i32>} : memref<64xi32, #tpu.memory_space<vmem>>, vector<16xi32>,
    %swap3A_209 = vector.shape_cast %swap3A_208 : vector<16xi32> to vector<16xi32>
    %swap3A_210 = vector.shape_cast %and3A_206 : vector<16xi32> to vector<16xi32>
    tpu.vector_store %arg12[%swap3A_207], %swap3A_210 {strides = array<i32>} : memref<64xi32, #tpu.memory_space<vmem>>, vector<16xi32>,
    %shift_right_arithmetic3A_211 = arith.constant 16 : i32
    %shift_right_arithmetic3A_212 = vector.broadcast %shift_right_arithmetic3A_211 : i32 to vector<16xi32>
    %shift_right_arithmetic3A_213 = arith.shrsi %get3A_203, %shift_right_arithmetic3A_212 : vector<16xi32>
    %swap3A_214 = arith.constant 0 : index
    %swap3A_215 = tpu.vector_load %arg13[%swap3A_214] {strides = array<i32>} : memref<64xi32, #tpu.memory_space<vmem>>, vector<16xi32>,
    %swap3A_216 = vector.shape_cast %swap3A_215 : vector<16xi32> to vector<16xi32>
    %swap3A_217 = vector.shape_cast %shift_right_arithmetic3A_213 : vector<16xi32> to vector<16xi32>
    tpu.vector_store %arg13[%swap3A_214], %swap3A_217 {strides = array<i32>} : memref<64xi32, #tpu.memory_space<vmem>>, vector<16xi32>,
    %get3A_218 = arith.constant 2 : i32
    %get3A_219 = arith.index_cast %get3A_218 : i32 to index
    %get3A_220 = arith.constant 16 : index
    %get3A_221 = tpu.vector_load %arg5[%get3A_219, %get3A_220] {strides = array<i32>} : memref<157x64xi32, #tpu.memory_space<vmem>>, vector<1x16xi32>,
    %get3A_222 = vector.shape_cast %get3A_221 : vector<1x16xi32> to vector<16xi32>
    %and3A_223 = arith.constant 65535 : i32
    %and3A_224 = vector.broadcast %and3A_223 : i32 to vector<16xi32>
    %and3A_225 = arith.andi %get3A_222, %and3A_224 : vector<16xi32>
    %swap3A_226 = arith.constant 16 : index
    %swap3A_227 = tpu.vector_load %arg12[%swap3A_226] {strides = array<i32>} : memref<64xi32, #tpu.memory_space<vmem>>, vector<16xi32>,
    %swap3A_228 = vector.shape_cast %swap3A_227 : vector<16xi32> to vector<16xi32>
    %swap3A_229 = vector.shape_cast %and3A_225 : vector<16xi32> to vector<16xi32>
    tpu.vector_store %arg12[%swap3A_226], %swap3A_229 {strides = array<i32>} : memref<64xi32, #tpu.memory_space<vmem>>, vector<16xi32>,
    %shift_right_arithmetic3A_230 = arith.constant 16 : i32
    %shift_right_arithmetic3A_231 = vector.broadcast %shift_right_arithmetic3A_230 : i32 to vector<16xi32>
    %shift_right_arithmetic3A_232 = arith.shrsi %get3A_222, %shift_right_arithmetic3A_231 : vector<16xi32>
    %swap3A_233 = arith.constant 16 : index
    %swap3A_234 = tpu.vector_load %arg13[%swap3A_233] {strides = array<i32>} : memref<64xi32, #tpu.memory_space<vmem>>, vector<16xi32>,
    %swap3A_235 = vector.shape_cast %swap3A_234 : vector<16xi32> to vector<16xi32>
    %swap3A_236 = vector.shape_cast %shift_right_arithmetic3A_232 : vector<16xi32> to vector<16xi32>
    tpu.vector_store %arg13[%swap3A_233], %swap3A_236 {strides = array<i32>} : memref<64xi32, #tpu.memory_space<vmem>>, vector<16xi32>,
    %get3A_237 = arith.constant 2 : i32
    %get3A_238 = arith.index_cast %get3A_237 : i32 to index
    %get3A_239 = arith.constant 32 : index
    %get3A_240 = tpu.vector_load %arg5[%get3A_238, %get3A_239] {strides = array<i32>} : memref<157x64xi32, #tpu.memory_space<vmem>>, vector<1x16xi32>,
    %get3A_241 = vector.shape_cast %get3A_240 : vector<1x16xi32> to vector<16xi32>
    %and3A_242 = arith.constant 65535 : i32
    %and3A_243 = vector.broadcast %and3A_242 : i32 to vector<16xi32>
    %and3A_244 = arith.andi %get3A_241, %and3A_243 : vector<16xi32>
    %swap3A_245 = arith.constant 32 : index
    %swap3A_246 = tpu.vector_load %arg12[%swap3A_245] {strides = array<i32>} : memref<64xi32, #tpu.memory_space<vmem>>, vector<16xi32>,
    %swap3A_247 = vector.shape_cast %swap3A_246 : vector<16xi32> to vector<16xi32>
    %swap3A_248 = vector.shape_cast %and3A_244 : vector<16xi32> to vector<16xi32>
    tpu.vector_store %arg12[%swap3A_245], %swap3A_248 {strides = array<i32>} : memref<64xi32, #tpu.memory_space<vmem>>, vector<16xi32>,
    %shift_right_arithmetic3A_249 = arith.constant 16 : i32
    %shift_right_arithmetic3A_250 = vector.broadcast %shift_right_arithmetic3A_249 : i32 to vector<16xi32>
    %shift_right_arithmetic3A_251 = arith.shrsi %get3A_241, %shift_right_arithmetic3A_250 : vector<16xi32>
    %swap3A_252 = arith.constant 32 : index
    %swap3A_253 = tpu.vector_load %arg13[%swap3A_252] {strides = array<i32>} : memref<64xi32, #tpu.memory_space<vmem>>, vector<16xi32>,
    %swap3A_254 = vector.shape_cast %swap3A_253 : vector<16xi32> to vector<16xi32>
    %swap3A_255 = vector.shape_cast %shift_right_arithmetic3A_251 : vector<16xi32> to vector<16xi32>
    tpu.vector_store %arg13[%swap3A_252], %swap3A_255 {strides = array<i32>} : memref<64xi32, #tpu.memory_space<vmem>>, vector<16xi32>,
    %get3A_256 = arith.constant 2 : i32
    %get3A_257 = arith.index_cast %get3A_256 : i32 to index
    %get3A_258 = arith.constant 48 : index
    %get3A_259 = tpu.vector_load %arg5[%get3A_257, %get3A_258] {strides = array<i32>} : memref<157x64xi32, #tpu.memory_space<vmem>>, vector<1x16xi32>,
    %get3A_260 = vector.shape_cast %get3A_259 : vector<1x16xi32> to vector<16xi32>
    %and3A_261 = arith.constant 65535 : i32
    %and3A_262 = vector.broadcast %and3A_261 : i32 to vector<16xi32>
    %and3A_263 = arith.andi %get3A_260, %and3A_262 : vector<16xi32>
    %swap3A_264 = arith.constant 48 : index
    %swap3A_265 = tpu.vector_load %arg12[%swap3A_264] {strides = array<i32>} : memref<64xi32, #tpu.memory_space<vmem>>, vector<16xi32>,
    %swap3A_266 = vector.shape_cast %swap3A_265 : vector<16xi32> to vector<16xi32>
    %swap3A_267 = vector.shape_cast %and3A_263 : vector<16xi32> to vector<16xi32>
    tpu.vector_store %arg12[%swap3A_264], %swap3A_267 {strides = array<i32>} : memref<64xi32, #tpu.memory_space<vmem>>, vector<16xi32>,
    %shift_right_arithmetic3A_268 = arith.constant 16 : i32
    %shift_right_arithmetic3A_269 = vector.broadcast %shift_right_arithmetic3A_268 : i32 to vector<16xi32>
    %shift_right_arithmetic3A_270 = arith.shrsi %get3A_260, %shift_right_arithmetic3A_269 : vector<16xi32>
    %swap3A_271 = arith.constant 48 : index
    %swap3A_272 = tpu.vector_load %arg13[%swap3A_271] {strides = array<i32>} : memref<64xi32, #tpu.memory_space<vmem>>, vector<16xi32>,
    %swap3A_273 = vector.shape_cast %swap3A_272 : vector<16xi32> to vector<16xi32>
    %swap3A_274 = vector.shape_cast %shift_right_arithmetic3A_270 : vector<16xi32> to vector<16xi32>
    tpu.vector_store %arg13[%swap3A_271], %swap3A_274 {strides = array<i32>} : memref<64xi32, #tpu.memory_space<vmem>>, vector<16xi32>,
    %dma_start3A_275 = arith.constant 0 : i32
    %dma_start3A_276 = arith.constant 0 : i32
    %dma_start3A_277 = tpu.memref_slice %arg2[%dma_start3A_275, %dma_start3A_276] : memref<10000x128xf32, #tpu.memory_space<hbm>> -> memref<10000x128xf32, #tpu.memory_space<hbm>>
    tpu.enqueue_indirect_dma source(%dma_start3A_277 : memref<10000x128xf32, #tpu.memory_space<hbm>>) target(%arg14 : memref<64x128xf32, #tpu.memory_space<vmem>>) offsets(%arg12 : memref<64xi32, #tpu.memory_space<vmem>>) semaphore(%arg18 : memref<!tpu.dma_semaphore, #tpu.memory_space<semaphore_mem>>)
    %scan3A_278 = arith.constant 0 : i32
    %scan3A_279 = arith.constant 0 : i32
    %scan3A_280 = arith.constant 52 : i32
    %scan3A_281 = arith.addi %scan3A_279, %scan3A_280 : i32
    %scan3A_282 = arith.constant 1 : i32
    scf.for %scan3A_295 = %scan3A_279 to %scan3A_281 step %scan3A_282  : i32 {
      %dma_wait3A_296 = arith.constant 0 : i32
      %dma_wait3A_297 = arith.constant 0 : i32
      %dma_wait3A_298 = tpu.memref_slice %arg2[%dma_wait3A_296, %dma_wait3A_297] : memref<10000x128xf32, #tpu.memory_space<hbm>> -> memref<10000x128xf32, #tpu.memory_space<hbm>>
      tpu.wait_indirect_dma semaphore(%arg16 : memref<!tpu.dma_semaphore, #tpu.memory_space<semaphore_mem>>) src(%dma_wait3A_298 : memref<10000x128xf32, #tpu.memory_space<hbm>>) dst(%arg8 : memref<64x128xf32, #tpu.memory_space<vmem>>)
      %dma_start3A_299 = arith.constant 0 : i32
      %dma_start3A_300 = arith.constant 0 : i32
      %dma_start3A_301 = tpu.memref_slice %arg15[%dma_start3A_299, %dma_start3A_300] : memref<10240x128xf32, #tpu.memory_space<vmem_shared>> -> memref<10240x128xf32, #tpu.memory_space<vmem_shared>>
      tpu.enqueue_indirect_dma source(%arg8 : memref<64x128xf32, #tpu.memory_space<vmem>>) target(%dma_start3A_301 : memref<10240x128xf32, #tpu.memory_space<vmem_shared>>) offsets(%arg7 : memref<64xi32, #tpu.memory_space<vmem>>) semaphore(%arg19 : memref<!tpu.dma_semaphore, #tpu.memory_space<semaphore_mem>>) {add = true}
      %dma_wait3A_302 = arith.constant 0 : i32
      %dma_wait3A_303 = arith.constant 0 : i32
      %dma_wait3A_304 = tpu.memref_slice %arg15[%dma_wait3A_302, %dma_wait3A_303] : memref<10240x128xf32, #tpu.memory_space<vmem_shared>> -> memref<10240x128xf32, #tpu.memory_space<vmem_shared>>
      tpu.wait_indirect_dma semaphore(%arg19 : memref<!tpu.dma_semaphore, #tpu.memory_space<semaphore_mem>>) src(%arg8 : memref<64x128xf32, #tpu.memory_space<vmem>>) dst(%dma_wait3A_304 : memref<10240x128xf32, #tpu.memory_space<vmem_shared>>)
      %mul3A_305 = arith.constant 3 : i32
      %mul3A_306 = arith.muli %mul3A_305, %scan3A_295 : i32
      %add3A_307 = arith.constant 0 : i32
      %add3A_308 = arith.addi %mul3A_306, %add3A_307 : i32
      %add3A_309 = arith.constant 3 : i32
      %add3A_310 = arith.addi %add3A_308, %add3A_309 : i32
      %lt3A = arith.constant 157 : i32
      %lt3A_311 = arith.cmpi slt, %add3A_310, %lt3A : i32
      %convert_element_type3A = arith.extui %lt3A_311 : i1 to i32
      %cond3A = arith.constant 0 : i32
      %cond3A_312 = arith.cmpi ne, %convert_element_type3A, %cond3A : i32
      scf.if %cond3A_312 {
        %get3A_353 = arith.index_cast %add3A_310 : i32 to index
        %get3A_354 = arith.constant 0 : index
        %get3A_355 = tpu.vector_load %arg5[%get3A_353, %get3A_354] {strides = array<i32>} : memref<157x64xi32, #tpu.memory_space<vmem>>, vector<1x16xi32>,
        %get3A_356 = vector.shape_cast %get3A_355 : vector<1x16xi32> to vector<16xi32>
        %and3A_357 = arith.constant 65535 : i32
        %and3A_358 = vector.broadcast %and3A_357 : i32 to vector<16xi32>
        %and3A_359 = arith.andi %get3A_356, %and3A_358 : vector<16xi32>
        %swap3A_360 = arith.constant 0 : index
        %swap3A_361 = tpu.vector_load %arg6[%swap3A_360] {strides = array<i32>} : memref<64xi32, #tpu.memory_space<vmem>>, vector<16xi32>,
        %swap3A_362 = vector.shape_cast %swap3A_361 : vector<16xi32> to vector<16xi32>
        %swap3A_363 = vector.shape_cast %and3A_359 : vector<16xi32> to vector<16xi32>
        tpu.vector_store %arg6[%swap3A_360], %swap3A_363 {strides = array<i32>} : memref<64xi32, #tpu.memory_space<vmem>>, vector<16xi32>,
        %shift_right_arithmetic3A_364 = arith.constant 16 : i32
        %shift_right_arithmetic3A_365 = vector.broadcast %shift_right_arithmetic3A_364 : i32 to vector<16xi32>
        %shift_right_arithmetic3A_366 = arith.shrsi %get3A_356, %shift_right_arithmetic3A_365 : vector<16xi32>
        %swap3A_367 = arith.constant 0 : index
        %swap3A_368 = tpu.vector_load %arg7[%swap3A_367] {strides = array<i32>} : memref<64xi32, #tpu.memory_space<vmem>>, vector<16xi32>,
        %swap3A_369 = vector.shape_cast %swap3A_368 : vector<16xi32> to vector<16xi32>
        %swap3A_370 = vector.shape_cast %shift_right_arithmetic3A_366 : vector<16xi32> to vector<16xi32>
        tpu.vector_store %arg7[%swap3A_367], %swap3A_370 {strides = array<i32>} : memref<64xi32, #tpu.memory_space<vmem>>, vector<16xi32>,
        %get3A_371 = arith.index_cast %add3A_310 : i32 to index
        %get3A_372 = arith.constant 16 : index
        %get3A_373 = tpu.vector_load %arg5[%get3A_371, %get3A_372] {strides = array<i32>} : memref<157x64xi32, #tpu.memory_space<vmem>>, vector<1x16xi32>,
        %get3A_374 = vector.shape_cast %get3A_373 : vector<1x16xi32> to vector<16xi32>
        %and3A_375 = arith.constant 65535 : i32
        %and3A_376 = vector.broadcast %and3A_375 : i32 to vector<16xi32>
        %and3A_377 = arith.andi %get3A_374, %and3A_376 : vector<16xi32>
        %swap3A_378 = arith.constant 16 : index
        %swap3A_379 = tpu.vector_load %arg6[%swap3A_378] {strides = array<i32>} : memref<64xi32, #tpu.memory_space<vmem>>, vector<16xi32>,
        %swap3A_380 = vector.shape_cast %swap3A_379 : vector<16xi32> to vector<16xi32>
        %swap3A_381 = vector.shape_cast %and3A_377 : vector<16xi32> to vector<16xi32>
        tpu.vector_store %arg6[%swap3A_378], %swap3A_381 {strides = array<i32>} : memref<64xi32, #tpu.memory_space<vmem>>, vector<16xi32>,
        %shift_right_arithmetic3A_382 = arith.constant 16 : i32
        %shift_right_arithmetic3A_383 = vector.broadcast %shift_right_arithmetic3A_382 : i32 to vector<16xi32>
        %shift_right_arithmetic3A_384 = arith.shrsi %get3A_374, %shift_right_arithmetic3A_383 : vector<16xi32>
        %swap3A_385 = arith.constant 16 : index
        %swap3A_386 = tpu.vector_load %arg7[%swap3A_385] {strides = array<i32>} : memref<64xi32, #tpu.memory_space<vmem>>, vector<16xi32>,
        %swap3A_387 = vector.shape_cast %swap3A_386 : vector<16xi32> to vector<16xi32>
        %swap3A_388 = vector.shape_cast %shift_right_arithmetic3A_384 : vector<16xi32> to vector<16xi32>
        tpu.vector_store %arg7[%swap3A_385], %swap3A_388 {strides = array<i32>} : memref<64xi32, #tpu.memory_space<vmem>>, vector<16xi32>,
        %get3A_389 = arith.index_cast %add3A_310 : i32 to index
        %get3A_390 = arith.constant 32 : index
        %get3A_391 = tpu.vector_load %arg5[%get3A_389, %get3A_390] {strides = array<i32>} : memref<157x64xi32, #tpu.memory_space<vmem>>, vector<1x16xi32>,
        %get3A_392 = vector.shape_cast %get3A_391 : vector<1x16xi32> to vector<16xi32>
        %and3A_393 = arith.constant 65535 : i32
        %and3A_394 = vector.broadcast %and3A_393 : i32 to vector<16xi32>
        %and3A_395 = arith.andi %get3A_392, %and3A_394 : vector<16xi32>
        %swap3A_396 = arith.constant 32 : index
        %swap3A_397 = tpu.vector_load %arg6[%swap3A_396] {strides = array<i32>} : memref<64xi32, #tpu.memory_space<vmem>>, vector<16xi32>,
        %swap3A_398 = vector.shape_cast %swap3A_397 : vector<16xi32> to vector<16xi32>
        %swap3A_399 = vector.shape_cast %and3A_395 : vector<16xi32> to vector<16xi32>
        tpu.vector_store %arg6[%swap3A_396], %swap3A_399 {strides = array<i32>} : memref<64xi32, #tpu.memory_space<vmem>>, vector<16xi32>,
        %shift_right_arithmetic3A_400 = arith.constant 16 : i32
        %shift_right_arithmetic3A_401 = vector.broadcast %shift_right_arithmetic3A_400 : i32 to vector<16xi32>
        %shift_right_arithmetic3A_402 = arith.shrsi %get3A_392, %shift_right_arithmetic3A_401 : vector<16xi32>
        %swap3A_403 = arith.constant 32 : index
        %swap3A_404 = tpu.vector_load %arg7[%swap3A_403] {strides = array<i32>} : memref<64xi32, #tpu.memory_space<vmem>>, vector<16xi32>,
        %swap3A_405 = vector.shape_cast %swap3A_404 : vector<16xi32> to vector<16xi32>
        %swap3A_406 = vector.shape_cast %shift_right_arithmetic3A_402 : vector<16xi32> to vector<16xi32>
        tpu.vector_store %arg7[%swap3A_403], %swap3A_406 {strides = array<i32>} : memref<64xi32, #tpu.memory_space<vmem>>, vector<16xi32>,
        %get3A_407 = arith.index_cast %add3A_310 : i32 to index
        %get3A_408 = arith.constant 48 : index
        %get3A_409 = tpu.vector_load %arg5[%get3A_407, %get3A_408] {strides = array<i32>} : memref<157x64xi32, #tpu.memory_space<vmem>>, vector<1x16xi32>,
        %get3A_410 = vector.shape_cast %get3A_409 : vector<1x16xi32> to vector<16xi32>
        %and3A_411 = arith.constant 65535 : i32
        %and3A_412 = vector.broadcast %and3A_411 : i32 to vector<16xi32>
        %and3A_413 = arith.andi %get3A_410, %and3A_412 : vector<16xi32>
        %swap3A_414 = arith.constant 48 : index
        %swap3A_415 = tpu.vector_load %arg6[%swap3A_414] {strides = array<i32>} : memref<64xi32, #tpu.memory_space<vmem>>, vector<16xi32>,
        %swap3A_416 = vector.shape_cast %swap3A_415 : vector<16xi32> to vector<16xi32>
        %swap3A_417 = vector.shape_cast %and3A_413 : vector<16xi32> to vector<16xi32>
        tpu.vector_store %arg6[%swap3A_414], %swap3A_417 {strides = array<i32>} : memref<64xi32, #tpu.memory_space<vmem>>, vector<16xi32>,
        %shift_right_arithmetic3A_418 = arith.constant 16 : i32
        %shift_right_arithmetic3A_419 = vector.broadcast %shift_right_arithmetic3A_418 : i32 to vector<16xi32>
        %shift_right_arithmetic3A_420 = arith.shrsi %get3A_410, %shift_right_arithmetic3A_419 : vector<16xi32>
        %swap3A_421 = arith.constant 48 : index
        %swap3A_422 = tpu.vector_load %arg7[%swap3A_421] {strides = array<i32>} : memref<64xi32, #tpu.memory_space<vmem>>, vector<16xi32>,
        %swap3A_423 = vector.shape_cast %swap3A_422 : vector<16xi32> to vector<16xi32>
        %swap3A_424 = vector.shape_cast %shift_right_arithmetic3A_420 : vector<16xi32> to vector<16xi32>
        tpu.vector_store %arg7[%swap3A_421], %swap3A_424 {strides = array<i32>} : memref<64xi32, #tpu.memory_space<vmem>>, vector<16xi32>,
        %dma_start3A_425 = arith.constant 0 : i32
        %dma_start3A_426 = arith.constant 0 : i32
        %dma_start3A_427 = tpu.memref_slice %arg2[%dma_start3A_425, %dma_start3A_426] : memref<10000x128xf32, #tpu.memory_space<hbm>> -> memref<10000x128xf32, #tpu.memory_space<hbm>>
        tpu.enqueue_indirect_dma source(%dma_start3A_427 : memref<10000x128xf32, #tpu.memory_space<hbm>>) target(%arg8 : memref<64x128xf32, #tpu.memory_space<vmem>>) offsets(%arg6 : memref<64xi32, #tpu.memory_space<vmem>>) semaphore(%arg16 : memref<!tpu.dma_semaphore, #tpu.memory_space<semaphore_mem>>)
      } else {
      }
      %dma_wait3A_313 = arith.constant 0 : i32
      %dma_wait3A_314 = arith.constant 0 : i32
      %dma_wait3A_315 = tpu.memref_slice %arg2[%dma_wait3A_313, %dma_wait3A_314] : memref<10000x128xf32, #tpu.memory_space<hbm>> -> memref<10000x128xf32, #tpu.memory_space<hbm>>
      tpu.wait_indirect_dma semaphore(%arg17 : memref<!tpu.dma_semaphore, #tpu.memory_space<semaphore_mem>>) src(%dma_wait3A_315 : memref<10000x128xf32, #tpu.memory_space<hbm>>) dst(%arg11 : memref<64x128xf32, #tpu.memory_space<vmem>>)
      %dma_start3A_316 = arith.constant 0 : i32
      %dma_start3A_317 = arith.constant 0 : i32
      %dma_start3A_318 = tpu.memref_slice %arg15[%dma_start3A_316, %dma_start3A_317] : memref<10240x128xf32, #tpu.memory_space<vmem_shared>> -> memref<10240x128xf32, #tpu.memory_space<vmem_shared>>
      tpu.enqueue_indirect_dma source(%arg11 : memref<64x128xf32, #tpu.memory_space<vmem>>) target(%dma_start3A_318 : memref<10240x128xf32, #tpu.memory_space<vmem_shared>>) offsets(%arg10 : memref<64xi32, #tpu.memory_space<vmem>>) semaphore(%arg20 : memref<!tpu.dma_semaphore, #tpu.memory_space<semaphore_mem>>) {add = true}
      %dma_wait3A_319 = arith.constant 0 : i32
      %dma_wait3A_320 = arith.constant 0 : i32
      %dma_wait3A_321 = tpu.memref_slice %arg15[%dma_wait3A_319, %dma_wait3A_320] : memref<10240x128xf32, #tpu.memory_space<vmem_shared>> -> memref<10240x128xf32, #tpu.memory_space<vmem_shared>>
      tpu.wait_indirect_dma semaphore(%arg20 : memref<!tpu.dma_semaphore, #tpu.memory_space<semaphore_mem>>) src(%arg11 : memref<64x128xf32, #tpu.memory_space<vmem>>) dst(%dma_wait3A_321 : memref<10240x128xf32, #tpu.memory_space<vmem_shared>>)
      %mul3A_322 = arith.constant 3 : i32
      %mul3A_323 = arith.muli %mul3A_322, %scan3A_295 : i32
      %add3A_324 = arith.constant 1 : i32
      %add3A_325 = arith.addi %mul3A_323, %add3A_324 : i32
      %add3A_326 = arith.constant 3 : i32
      %add3A_327 = arith.addi %add3A_325, %add3A_326 : i32
      %lt3A_328 = arith.constant 157 : i32
      %lt3A_329 = arith.cmpi slt, %add3A_327, %lt3A_328 : i32
      %convert_element_type3A_330 = arith.extui %lt3A_329 : i1 to i32
      %cond3A_331 = arith.constant 0 : i32
      %cond3A_332 = arith.cmpi ne, %convert_element_type3A_330, %cond3A_331 : i32
      scf.if %cond3A_332 {
        %get3A_353 = arith.index_cast %add3A_327 : i32 to index
        %get3A_354 = arith.constant 0 : index
        %get3A_355 = tpu.vector_load %arg5[%get3A_353, %get3A_354] {strides = array<i32>} : memref<157x64xi32, #tpu.memory_space<vmem>>, vector<1x16xi32>,
        %get3A_356 = vector.shape_cast %get3A_355 : vector<1x16xi32> to vector<16xi32>
        %and3A_357 = arith.constant 65535 : i32
        %and3A_358 = vector.broadcast %and3A_357 : i32 to vector<16xi32>
        %and3A_359 = arith.andi %get3A_356, %and3A_358 : vector<16xi32>
        %swap3A_360 = arith.constant 0 : index
        %swap3A_361 = tpu.vector_load %arg9[%swap3A_360] {strides = array<i32>} : memref<64xi32, #tpu.memory_space<vmem>>, vector<16xi32>,
        %swap3A_362 = vector.shape_cast %swap3A_361 : vector<16xi32> to vector<16xi32>
        %swap3A_363 = vector.shape_cast %and3A_359 : vector<16xi32> to vector<16xi32>
        tpu.vector_store %arg9[%swap3A_360], %swap3A_363 {strides = array<i32>} : memref<64xi32, #tpu.memory_space<vmem>>, vector<16xi32>,
        %shift_right_arithmetic3A_364 = arith.constant 16 : i32
        %shift_right_arithmetic3A_365 = vector.broadcast %shift_right_arithmetic3A_364 : i32 to vector<16xi32>
        %shift_right_arithmetic3A_366 = arith.shrsi %get3A_356, %shift_right_arithmetic3A_365 : vector<16xi32>
        %swap3A_367 = arith.constant 0 : index
        %swap3A_368 = tpu.vector_load %arg10[%swap3A_367] {strides = array<i32>} : memref<64xi32, #tpu.memory_space<vmem>>, vector<16xi32>,
        %swap3A_369 = vector.shape_cast %swap3A_368 : vector<16xi32> to vector<16xi32>
        %swap3A_370 = vector.shape_cast %shift_right_arithmetic3A_366 : vector<16xi32> to vector<16xi32>
        tpu.vector_store %arg10[%swap3A_367], %swap3A_370 {strides = array<i32>} : memref<64xi32, #tpu.memory_space<vmem>>, vector<16xi32>,
        %get3A_371 = arith.index_cast %add3A_327 : i32 to index
        %get3A_372 = arith.constant 16 : index
        %get3A_373 = tpu.vector_load %arg5[%get3A_371, %get3A_372] {strides = array<i32>} : memref<157x64xi32, #tpu.memory_space<vmem>>, vector<1x16xi32>,
        %get3A_374 = vector.shape_cast %get3A_373 : vector<1x16xi32> to vector<16xi32>
        %and3A_375 = arith.constant 65535 : i32
        %and3A_376 = vector.broadcast %and3A_375 : i32 to vector<16xi32>
        %and3A_377 = arith.andi %get3A_374, %and3A_376 : vector<16xi32>
        %swap3A_378 = arith.constant 16 : index
        %swap3A_379 = tpu.vector_load %arg9[%swap3A_378] {strides = array<i32>} : memref<64xi32, #tpu.memory_space<vmem>>, vector<16xi32>,
        %swap3A_380 = vector.shape_cast %swap3A_379 : vector<16xi32> to vector<16xi32>
        %swap3A_381 = vector.shape_cast %and3A_377 : vector<16xi32> to vector<16xi32>
        tpu.vector_store %arg9[%swap3A_378], %swap3A_381 {strides = array<i32>} : memref<64xi32, #tpu.memory_space<vmem>>, vector<16xi32>,
        %shift_right_arithmetic3A_382 = arith.constant 16 : i32
        %shift_right_arithmetic3A_383 = vector.broadcast %shift_right_arithmetic3A_382 : i32 to vector<16xi32>
        %shift_right_arithmetic3A_384 = arith.shrsi %get3A_374, %shift_right_arithmetic3A_383 : vector<16xi32>
        %swap3A_385 = arith.constant 16 : index
        %swap3A_386 = tpu.vector_load %arg10[%swap3A_385] {strides = array<i32>} : memref<64xi32, #tpu.memory_space<vmem>>, vector<16xi32>,
        %swap3A_387 = vector.shape_cast %swap3A_386 : vector<16xi32> to vector<16xi32>
        %swap3A_388 = vector.shape_cast %shift_right_arithmetic3A_384 : vector<16xi32> to vector<16xi32>
        tpu.vector_store %arg10[%swap3A_385], %swap3A_388 {strides = array<i32>} : memref<64xi32, #tpu.memory_space<vmem>>, vector<16xi32>,
        %get3A_389 = arith.index_cast %add3A_327 : i32 to index
        %get3A_390 = arith.constant 32 : index
        %get3A_391 = tpu.vector_load %arg5[%get3A_389, %get3A_390] {strides = array<i32>} : memref<157x64xi32, #tpu.memory_space<vmem>>, vector<1x16xi32>,
        %get3A_392 = vector.shape_cast %get3A_391 : vector<1x16xi32> to vector<16xi32>
        %and3A_393 = arith.constant 65535 : i32
        %and3A_394 = vector.broadcast %and3A_393 : i32 to vector<16xi32>
        %and3A_395 = arith.andi %get3A_392, %and3A_394 : vector<16xi32>
        %swap3A_396 = arith.constant 32 : index
        %swap3A_397 = tpu.vector_load %arg9[%swap3A_396] {strides = array<i32>} : memref<64xi32, #tpu.memory_space<vmem>>, vector<16xi32>,
        %swap3A_398 = vector.shape_cast %swap3A_397 : vector<16xi32> to vector<16xi32>
        %swap3A_399 = vector.shape_cast %and3A_395 : vector<16xi32> to vector<16xi32>
        tpu.vector_store %arg9[%swap3A_396], %swap3A_399 {strides = array<i32>} : memref<64xi32, #tpu.memory_space<vmem>>, vector<16xi32>,
        %shift_right_arithmetic3A_400 = arith.constant 16 : i32
        %shift_right_arithmetic3A_401 = vector.broadcast %shift_right_arithmetic3A_400 : i32 to vector<16xi32>
        %shift_right_arithmetic3A_402 = arith.shrsi %get3A_392, %shift_right_arithmetic3A_401 : vector<16xi32>
        %swap3A_403 = arith.constant 32 : index
        %swap3A_404 = tpu.vector_load %arg10[%swap3A_403] {strides = array<i32>} : memref<64xi32, #tpu.memory_space<vmem>>, vector<16xi32>,
        %swap3A_405 = vector.shape_cast %swap3A_404 : vector<16xi32> to vector<16xi32>
        %swap3A_406 = vector.shape_cast %shift_right_arithmetic3A_402 : vector<16xi32> to vector<16xi32>
        tpu.vector_store %arg10[%swap3A_403], %swap3A_406 {strides = array<i32>} : memref<64xi32, #tpu.memory_space<vmem>>, vector<16xi32>,
        %get3A_407 = arith.index_cast %add3A_327 : i32 to index
        %get3A_408 = arith.constant 48 : index
        %get3A_409 = tpu.vector_load %arg5[%get3A_407, %get3A_408] {strides = array<i32>} : memref<157x64xi32, #tpu.memory_space<vmem>>, vector<1x16xi32>,
        %get3A_410 = vector.shape_cast %get3A_409 : vector<1x16xi32> to vector<16xi32>
        %and3A_411 = arith.constant 65535 : i32
        %and3A_412 = vector.broadcast %and3A_411 : i32 to vector<16xi32>
        %and3A_413 = arith.andi %get3A_410, %and3A_412 : vector<16xi32>
        %swap3A_414 = arith.constant 48 : index
        %swap3A_415 = tpu.vector_load %arg9[%swap3A_414] {strides = array<i32>} : memref<64xi32, #tpu.memory_space<vmem>>, vector<16xi32>,
        %swap3A_416 = vector.shape_cast %swap3A_415 : vector<16xi32> to vector<16xi32>
        %swap3A_417 = vector.shape_cast %and3A_413 : vector<16xi32> to vector<16xi32>
        tpu.vector_store %arg9[%swap3A_414], %swap3A_417 {strides = array<i32>} : memref<64xi32, #tpu.memory_space<vmem>>, vector<16xi32>,
        %shift_right_arithmetic3A_418 = arith.constant 16 : i32
        %shift_right_arithmetic3A_419 = vector.broadcast %shift_right_arithmetic3A_418 : i32 to vector<16xi32>
        %shift_right_arithmetic3A_420 = arith.shrsi %get3A_410, %shift_right_arithmetic3A_419 : vector<16xi32>
        %swap3A_421 = arith.constant 48 : index
        %swap3A_422 = tpu.vector_load %arg10[%swap3A_421] {strides = array<i32>} : memref<64xi32, #tpu.memory_space<vmem>>, vector<16xi32>,
        %swap3A_423 = vector.shape_cast %swap3A_422 : vector<16xi32> to vector<16xi32>
        %swap3A_424 = vector.shape_cast %shift_right_arithmetic3A_420 : vector<16xi32> to vector<16xi32>
        tpu.vector_store %arg10[%swap3A_421], %swap3A_424 {strides = array<i32>} : memref<64xi32, #tpu.memory_space<vmem>>, vector<16xi32>,
        %dma_start3A_425 = arith.constant 0 : i32
        %dma_start3A_426 = arith.constant 0 : i32
        %dma_start3A_427 = tpu.memref_slice %arg2[%dma_start3A_425, %dma_start3A_426] : memref<10000x128xf32, #tpu.memory_space<hbm>> -> memref<10000x128xf32, #tpu.memory_space<hbm>>
        tpu.enqueue_indirect_dma source(%dma_start3A_427 : memref<10000x128xf32, #tpu.memory_space<hbm>>) target(%arg11 : memref<64x128xf32, #tpu.memory_space<vmem>>) offsets(%arg9 : memref<64xi32, #tpu.memory_space<vmem>>) semaphore(%arg17 : memref<!tpu.dma_semaphore, #tpu.memory_space<semaphore_mem>>)
      } else {
      }
      %dma_wait3A_333 = arith.constant 0 : i32
      %dma_wait3A_334 = arith.constant 0 : i32
      %dma_wait3A_335 = tpu.memref_slice %arg2[%dma_wait3A_333, %dma_wait3A_334] : memref<10000x128xf32, #tpu.memory_space<hbm>> -> memref<10000x128xf32, #tpu.memory_space<hbm>>
      tpu.wait_indirect_dma semaphore(%arg18 : memref<!tpu.dma_semaphore, #tpu.memory_space<semaphore_mem>>) src(%dma_wait3A_335 : memref<10000x128xf32, #tpu.memory_space<hbm>>) dst(%arg14 : memref<64x128xf32, #tpu.memory_space<vmem>>)
      %dma_start3A_336 = arith.constant 0 : i32
      %dma_start3A_337 = arith.constant 0 : i32
      %dma_start3A_338 = tpu.memref_slice %arg15[%dma_start3A_336, %dma_start3A_337] : memref<10240x128xf32, #tpu.memory_space<vmem_shared>> -> memref<10240x128xf32, #tpu.memory_space<vmem_shared>>
      tpu.enqueue_indirect_dma source(%arg14 : memref<64x128xf32, #tpu.memory_space<vmem>>) target(%dma_start3A_338 : memref<10240x128xf32, #tpu.memory_space<vmem_shared>>) offsets(%arg13 : memref<64xi32, #tpu.memory_space<vmem>>) semaphore(%arg21 : memref<!tpu.dma_semaphore, #tpu.memory_space<semaphore_mem>>) {add = true}
      %dma_wait3A_339 = arith.constant 0 : i32
      %dma_wait3A_340 = arith.constant 0 : i32
      %dma_wait3A_341 = tpu.memref_slice %arg15[%dma_wait3A_339, %dma_wait3A_340] : memref<10240x128xf32, #tpu.memory_space<vmem_shared>> -> memref<10240x128xf32, #tpu.memory_space<vmem_shared>>
      tpu.wait_indirect_dma semaphore(%arg21 : memref<!tpu.dma_semaphore, #tpu.memory_space<semaphore_mem>>) src(%arg14 : memref<64x128xf32, #tpu.memory_space<vmem>>) dst(%dma_wait3A_341 : memref<10240x128xf32, #tpu.memory_space<vmem_shared>>)
      %mul3A_342 = arith.constant 3 : i32
      %mul3A_343 = arith.muli %mul3A_342, %scan3A_295 : i32
      %add3A_344 = arith.constant 2 : i32
      %add3A_345 = arith.addi %mul3A_343, %add3A_344 : i32
      %add3A_346 = arith.constant 3 : i32
      %add3A_347 = arith.addi %add3A_345, %add3A_346 : i32
      %lt3A_348 = arith.constant 157 : i32
      %lt3A_349 = arith.cmpi slt, %add3A_347, %lt3A_348 : i32
      %convert_element_type3A_350 = arith.extui %lt3A_349 : i1 to i32
      %cond3A_351 = arith.constant 0 : i32
      %cond3A_352 = arith.cmpi ne, %convert_element_type3A_350, %cond3A_351 : i32
      scf.if %cond3A_352 {
        %get3A_353 = arith.index_cast %add3A_347 : i32 to index
        %get3A_354 = arith.constant 0 : index
        %get3A_355 = tpu.vector_load %arg5[%get3A_353, %get3A_354] {strides = array<i32>} : memref<157x64xi32, #tpu.memory_space<vmem>>, vector<1x16xi32>,
        %get3A_356 = vector.shape_cast %get3A_355 : vector<1x16xi32> to vector<16xi32>
        %and3A_357 = arith.constant 65535 : i32
        %and3A_358 = vector.broadcast %and3A_357 : i32 to vector<16xi32>
        %and3A_359 = arith.andi %get3A_356, %and3A_358 : vector<16xi32>
        %swap3A_360 = arith.constant 0 : index
        %swap3A_361 = tpu.vector_load %arg12[%swap3A_360] {strides = array<i32>} : memref<64xi32, #tpu.memory_space<vmem>>, vector<16xi32>,
        %swap3A_362 = vector.shape_cast %swap3A_361 : vector<16xi32> to vector<16xi32>
        %swap3A_363 = vector.shape_cast %and3A_359 : vector<16xi32> to vector<16xi32>
        tpu.vector_store %arg12[%swap3A_360], %swap3A_363 {strides = array<i32>} : memref<64xi32, #tpu.memory_space<vmem>>, vector<16xi32>,
        %shift_right_arithmetic3A_364 = arith.constant 16 : i32
        %shift_right_arithmetic3A_365 = vector.broadcast %shift_right_arithmetic3A_364 : i32 to vector<16xi32>
        %shift_right_arithmetic3A_366 = arith.shrsi %get3A_356, %shift_right_arithmetic3A_365 : vector<16xi32>
        %swap3A_367 = arith.constant 0 : index
        %swap3A_368 = tpu.vector_load %arg13[%swap3A_367] {strides = array<i32>} : memref<64xi32, #tpu.memory_space<vmem>>, vector<16xi32>,
        %swap3A_369 = vector.shape_cast %swap3A_368 : vector<16xi32> to vector<16xi32>
        %swap3A_370 = vector.shape_cast %shift_right_arithmetic3A_366 : vector<16xi32> to vector<16xi32>
        tpu.vector_store %arg13[%swap3A_367], %swap3A_370 {strides = array<i32>} : memref<64xi32, #tpu.memory_space<vmem>>, vector<16xi32>,
        %get3A_371 = arith.index_cast %add3A_347 : i32 to index
        %get3A_372 = arith.constant 16 : index
        %get3A_373 = tpu.vector_load %arg5[%get3A_371, %get3A_372] {strides = array<i32>} : memref<157x64xi32, #tpu.memory_space<vmem>>, vector<1x16xi32>,
        %get3A_374 = vector.shape_cast %get3A_373 : vector<1x16xi32> to vector<16xi32>
        %and3A_375 = arith.constant 65535 : i32
        %and3A_376 = vector.broadcast %and3A_375 : i32 to vector<16xi32>
        %and3A_377 = arith.andi %get3A_374, %and3A_376 : vector<16xi32>
        %swap3A_378 = arith.constant 16 : index
        %swap3A_379 = tpu.vector_load %arg12[%swap3A_378] {strides = array<i32>} : memref<64xi32, #tpu.memory_space<vmem>>, vector<16xi32>,
        %swap3A_380 = vector.shape_cast %swap3A_379 : vector<16xi32> to vector<16xi32>
        %swap3A_381 = vector.shape_cast %and3A_377 : vector<16xi32> to vector<16xi32>
        tpu.vector_store %arg12[%swap3A_378], %swap3A_381 {strides = array<i32>} : memref<64xi32, #tpu.memory_space<vmem>>, vector<16xi32>,
        %shift_right_arithmetic3A_382 = arith.constant 16 : i32
        %shift_right_arithmetic3A_383 = vector.broadcast %shift_right_arithmetic3A_382 : i32 to vector<16xi32>
        %shift_right_arithmetic3A_384 = arith.shrsi %get3A_374, %shift_right_arithmetic3A_383 : vector<16xi32>
        %swap3A_385 = arith.constant 16 : index
        %swap3A_386 = tpu.vector_load %arg13[%swap3A_385] {strides = array<i32>} : memref<64xi32, #tpu.memory_space<vmem>>, vector<16xi32>,
        %swap3A_387 = vector.shape_cast %swap3A_386 : vector<16xi32> to vector<16xi32>
        %swap3A_388 = vector.shape_cast %shift_right_arithmetic3A_384 : vector<16xi32> to vector<16xi32>
        tpu.vector_store %arg13[%swap3A_385], %swap3A_388 {strides = array<i32>} : memref<64xi32, #tpu.memory_space<vmem>>, vector<16xi32>,
        %get3A_389 = arith.index_cast %add3A_347 : i32 to index
        %get3A_390 = arith.constant 32 : index
        %get3A_391 = tpu.vector_load %arg5[%get3A_389, %get3A_390] {strides = array<i32>} : memref<157x64xi32, #tpu.memory_space<vmem>>, vector<1x16xi32>,
        %get3A_392 = vector.shape_cast %get3A_391 : vector<1x16xi32> to vector<16xi32>
        %and3A_393 = arith.constant 65535 : i32
        %and3A_394 = vector.broadcast %and3A_393 : i32 to vector<16xi32>
        %and3A_395 = arith.andi %get3A_392, %and3A_394 : vector<16xi32>
        %swap3A_396 = arith.constant 32 : index
        %swap3A_397 = tpu.vector_load %arg12[%swap3A_396] {strides = array<i32>} : memref<64xi32, #tpu.memory_space<vmem>>, vector<16xi32>,
        %swap3A_398 = vector.shape_cast %swap3A_397 : vector<16xi32> to vector<16xi32>
        %swap3A_399 = vector.shape_cast %and3A_395 : vector<16xi32> to vector<16xi32>
        tpu.vector_store %arg12[%swap3A_396], %swap3A_399 {strides = array<i32>} : memref<64xi32, #tpu.memory_space<vmem>>, vector<16xi32>,
        %shift_right_arithmetic3A_400 = arith.constant 16 : i32
        %shift_right_arithmetic3A_401 = vector.broadcast %shift_right_arithmetic3A_400 : i32 to vector<16xi32>
        %shift_right_arithmetic3A_402 = arith.shrsi %get3A_392, %shift_right_arithmetic3A_401 : vector<16xi32>
        %swap3A_403 = arith.constant 32 : index
        %swap3A_404 = tpu.vector_load %arg13[%swap3A_403] {strides = array<i32>} : memref<64xi32, #tpu.memory_space<vmem>>, vector<16xi32>,
        %swap3A_405 = vector.shape_cast %swap3A_404 : vector<16xi32> to vector<16xi32>
        %swap3A_406 = vector.shape_cast %shift_right_arithmetic3A_402 : vector<16xi32> to vector<16xi32>
        tpu.vector_store %arg13[%swap3A_403], %swap3A_406 {strides = array<i32>} : memref<64xi32, #tpu.memory_space<vmem>>, vector<16xi32>,
        %get3A_407 = arith.index_cast %add3A_347 : i32 to index
        %get3A_408 = arith.constant 48 : index
        %get3A_409 = tpu.vector_load %arg5[%get3A_407, %get3A_408] {strides = array<i32>} : memref<157x64xi32, #tpu.memory_space<vmem>>, vector<1x16xi32>,
        %get3A_410 = vector.shape_cast %get3A_409 : vector<1x16xi32> to vector<16xi32>
        %and3A_411 = arith.constant 65535 : i32
        %and3A_412 = vector.broadcast %and3A_411 : i32 to vector<16xi32>
        %and3A_413 = arith.andi %get3A_410, %and3A_412 : vector<16xi32>
        %swap3A_414 = arith.constant 48 : index
        %swap3A_415 = tpu.vector_load %arg12[%swap3A_414] {strides = array<i32>} : memref<64xi32, #tpu.memory_space<vmem>>, vector<16xi32>,
        %swap3A_416 = vector.shape_cast %swap3A_415 : vector<16xi32> to vector<16xi32>
        %swap3A_417 = vector.shape_cast %and3A_413 : vector<16xi32> to vector<16xi32>
        tpu.vector_store %arg12[%swap3A_414], %swap3A_417 {strides = array<i32>} : memref<64xi32, #tpu.memory_space<vmem>>, vector<16xi32>,
        %shift_right_arithmetic3A_418 = arith.constant 16 : i32
        %shift_right_arithmetic3A_419 = vector.broadcast %shift_right_arithmetic3A_418 : i32 to vector<16xi32>
        %shift_right_arithmetic3A_420 = arith.shrsi %get3A_410, %shift_right_arithmetic3A_419 : vector<16xi32>
        %swap3A_421 = arith.constant 48 : index
        %swap3A_422 = tpu.vector_load %arg13[%swap3A_421] {strides = array<i32>} : memref<64xi32, #tpu.memory_space<vmem>>, vector<16xi32>,
        %swap3A_423 = vector.shape_cast %swap3A_422 : vector<16xi32> to vector<16xi32>
        %swap3A_424 = vector.shape_cast %shift_right_arithmetic3A_420 : vector<16xi32> to vector<16xi32>
        tpu.vector_store %arg13[%swap3A_421], %swap3A_424 {strides = array<i32>} : memref<64xi32, #tpu.memory_space<vmem>>, vector<16xi32>,
        %dma_start3A_425 = arith.constant 0 : i32
        %dma_start3A_426 = arith.constant 0 : i32
        %dma_start3A_427 = tpu.memref_slice %arg2[%dma_start3A_425, %dma_start3A_426] : memref<10000x128xf32, #tpu.memory_space<hbm>> -> memref<10000x128xf32, #tpu.memory_space<hbm>>
        tpu.enqueue_indirect_dma source(%dma_start3A_427 : memref<10000x128xf32, #tpu.memory_space<hbm>>) target(%arg14 : memref<64x128xf32, #tpu.memory_space<vmem>>) offsets(%arg12 : memref<64xi32, #tpu.memory_space<vmem>>) semaphore(%arg18 : memref<!tpu.dma_semaphore, #tpu.memory_space<semaphore_mem>>)
      } else {
      }
    }
    %scan3A_283 = arith.constant 52 : i32
    %dma_wait3A = arith.constant 0 : i32
    %dma_wait3A_284 = arith.constant 0 : i32
    %dma_wait3A_285 = tpu.memref_slice %arg2[%dma_wait3A, %dma_wait3A_284] : memref<10000x128xf32, #tpu.memory_space<hbm>> -> memref<10000x128xf32, #tpu.memory_space<hbm>>
    tpu.wait_indirect_dma semaphore(%arg16 : memref<!tpu.dma_semaphore, #tpu.memory_space<semaphore_mem>>) src(%dma_wait3A_285 : memref<10000x128xf32, #tpu.memory_space<hbm>>) dst(%arg8 : memref<64x128xf32, #tpu.memory_space<vmem>>)
    %dma_start3A_286 = arith.constant 0 : i32
    %dma_start3A_287 = arith.constant 0 : i32
    %dma_start3A_288 = tpu.memref_slice %arg15[%dma_start3A_286, %dma_start3A_287] : memref<10240x128xf32, #tpu.memory_space<vmem_shared>> -> memref<10240x128xf32, #tpu.memory_space<vmem_shared>>
    tpu.enqueue_indirect_dma source(%arg8 : memref<64x128xf32, #tpu.memory_space<vmem>>) target(%dma_start3A_288 : memref<10240x128xf32, #tpu.memory_space<vmem_shared>>) offsets(%arg7 : memref<64xi32, #tpu.memory_space<vmem>>) semaphore(%arg19 : memref<!tpu.dma_semaphore, #tpu.memory_space<semaphore_mem>>) {add = true}
    %dma_wait3A_289 = arith.constant 0 : i32
    %dma_wait3A_290 = arith.constant 0 : i32
    %dma_wait3A_291 = tpu.memref_slice %arg15[%dma_wait3A_289, %dma_wait3A_290] : memref<10240x128xf32, #tpu.memory_space<vmem_shared>> -> memref<10240x128xf32, #tpu.memory_space<vmem_shared>>
    tpu.wait_indirect_dma semaphore(%arg19 : memref<!tpu.dma_semaphore, #tpu.memory_space<semaphore_mem>>) src(%arg8 : memref<64x128xf32, #tpu.memory_space<vmem>>) dst(%dma_wait3A_291 : memref<10240x128xf32, #tpu.memory_space<vmem_shared>>)
    %barrier3A_292 = arith.constant 0 : index
    tpu.barrier barrier_id(%barrier3A_292)
    %mul3A_293 = arith.constant 640 : i32
    %mul3A_294 = arith.muli %arg1, %mul3A_293 : i32
    "tpu.region"() ({
      %run_scoped3A = tpu.sem_alloc : memref<!tpu.dma_semaphore, #tpu.memory_space<semaphore_mem>>
      %dma_start3A_295 = arith.constant 0 : i32
      %dma_start3A_296 = tpu.memref_slice %arg4[%arg0, %mul3A_294, %dma_start3A_295] : memref<2x10240x128xf32, #tpu.memory_space<hbm>> -> memref<1x640x128xf32, #tpu.memory_space<hbm>>
      %dma_start3A_297 = tpu.memref_squeeze %dma_start3A_296 : memref<1x640x128xf32, #tpu.memory_space<hbm>> -> memref<640x128xf32, #tpu.memory_space<hbm>>
      %dma_start3A_298 = arith.constant 0 : i32
      %dma_start3A_299 = tpu.memref_slice %arg15[%mul3A_294, %dma_start3A_298] : memref<10240x128xf32, #tpu.memory_space<vmem_shared>> -> memref<640x128xf32, #tpu.memory_space<vmem_shared>>
      tpu.enqueue_dma source(%dma_start3A_299 : memref<640x128xf32, #tpu.memory_space<vmem_shared>>) target(%dma_start3A_297 : memref<640x128xf32, #tpu.memory_space<hbm>>) target_semaphore(%run_scoped3A : memref<!tpu.dma_semaphore, #tpu.memory_space<semaphore_mem>>)
      %dma_wait3A_300 = arith.constant 0 : i32
      %dma_wait3A_301 = tpu.memref_slice %arg4[%arg0, %mul3A_294, %dma_wait3A_300] : memref<2x10240x128xf32, #tpu.memory_space<hbm>> -> memref<1x640x128xf32, #tpu.memory_space<hbm>>
      %dma_wait3A_302 = tpu.memref_squeeze %dma_wait3A_301 : memref<1x640x128xf32, #tpu.memory_space<hbm>> -> memref<640x128xf32, #tpu.memory_space<hbm>>
      %dma_wait3A_303 = arith.constant 0 : i32
      %dma_wait3A_304 = tpu.memref_slice %arg15[%mul3A_294, %dma_wait3A_303] : memref<10240x128xf32, #tpu.memory_space<vmem_shared>> -> memref<640x128xf32, #tpu.memory_space<vmem_shared>>
      tpu.wait_dma2 semaphore(%run_scoped3A : memref<!tpu.dma_semaphore, #tpu.memory_space<semaphore_mem>>) src(%dma_wait3A_304 : memref<640x128xf32, #tpu.memory_space<vmem_shared>>) dst(%dma_wait3A_302 : memref<640x128xf32, #tpu.memory_space<hbm>>)
      tpu.yield
    }) : () -> ()
    return
  }
}

module attributes {stable_mosaic.version = 14 : i64} {
  func.func @body(%arg0: memref<32x157x64xi32, #tpu.memory_space<vmem>>, %arg1: memref<32x157x64xi32, #tpu.memory_space<vmem>>, %arg2: memref<32x157x64xi32, #tpu.memory_space<vmem>>) attributes {dimension_semantics = [], scalar_prefetch = 0 : i64, scratch_operands = 0 : i64, tpu.core_type = #tpu.core_type<tc>} {
    %get3A = arith.constant 0 : index
    %get3A_0 = arith.constant 0 : index
    %get3A_1 = arith.constant 0 : index
    %get3A_2 = vector.load %arg0[%get3A, %get3A_0, %get3A_1] : memref<32x157x64xi32, #tpu.memory_space<vmem>>, vector<32x157x64xi32>
    %get3A_3 = arith.constant 0 : index
    %get3A_4 = arith.constant 0 : index
    %get3A_5 = arith.constant 0 : index
    %get3A_6 = vector.load %arg1[%get3A_3, %get3A_4, %get3A_5] : memref<32x157x64xi32, #tpu.memory_space<vmem>>, vector<32x157x64xi32>
    %shift_left3A = arith.constant 16 : i32
    %shift_left3A_7 = vector.broadcast %shift_left3A : i32 to vector<32x157x64xi32>
    %shift_left3A_8 = arith.shli %get3A_6, %shift_left3A_7 : vector<32x157x64xi32>
    %or3A = arith.ori %get3A_2, %shift_left3A_8 : vector<32x157x64xi32>
    %swap3A = arith.constant 0 : index
    %swap3A_9 = arith.constant 0 : index
    %swap3A_10 = arith.constant 0 : index
    %swap3A_11 = vector.load %arg2[%swap3A, %swap3A_9, %swap3A_10] : memref<32x157x64xi32, #tpu.memory_space<vmem>>, vector<32x157x64xi32>
    tpu.vector_store %arg2[%swap3A, %swap3A_9, %swap3A_10], %or3A {strides = array<i32>} : memref<32x157x64xi32, #tpu.memory_space<vmem>>, vector<32x157x64xi32>,
    return
  }
}

module attributes {stable_mosaic.version = 14 : i64} {
  func.func @body(%arg0: i32, %arg1: memref<2000x2xf32, #tpu.memory_space<vmem>>, %arg2: memref<2000x128xf32, #tpu.memory_space<vmem>>, %arg3: memref<128x128xf32, #tpu.memory_space<vmem>>, %arg4: memref<2000x1xf32, #tpu.memory_space<vmem>>, %arg5: memref<2000x128xf32, #tpu.memory_space<vmem>>) attributes {dimension_semantics = [#tpu.dimension_semantics<arbitrary>], iteration_bounds = array<i64: 5>, scalar_prefetch = 0 : i64, scratch_operands = 0 : i64, tpu.core_type = #tpu.core_type<tc>, window_params = [{transform_indices = @transform_0, window_bounds = array<i64: 2000, 2>}, {transform_indices = @transform_1, window_bounds = array<i64: 2000, 128>}, {pipeline_mode = #tpu.pipeline_mode<synchronous>, transform_indices = @transform_2, window_bounds = array<i64: 128, 128>}, {transform_indices = @transform_3, window_bounds = array<i64: 2000, 1>}, {transform_indices = @transform_4, window_bounds = array<i64: 2000, 128>}]} {
    %get3A = arith.constant 0 : index
    %get3A_0 = arith.constant 0 : index
    %get3A_1 = vector.load %arg1[%get3A, %get3A_0] : memref<2000x2xf32, #tpu.memory_space<vmem>>, vector<2000x1xf32>
    %get3A_2 = arith.constant 0 : index
    %get3A_3 = arith.constant 1 : index
    %get3A_4 = vector.load %arg1[%get3A_2, %get3A_3] : memref<2000x2xf32, #tpu.memory_space<vmem>>, vector<2000x1xf32>
    %add3A = arith.addf %get3A_1, %get3A_4 : vector<2000x1xf32>
    %add3A_5 = arith.constant 1.000000e+00 : f32
    %add3A_6 = vector.broadcast %add3A_5 : f32 to vector<2000x1xf32>
    %add3A_7 = arith.addf %add3A, %add3A_6 : vector<2000x1xf32>
    %rsqrt3A = math.rsqrt %add3A_7 : vector<2000x1xf32>
    %get3A_8 = arith.constant 0 : index
    %get3A_9 = arith.constant 0 : index
    %get3A_10 = vector.load %arg2[%get3A_8, %get3A_9] : memref<2000x128xf32, #tpu.memory_space<vmem>>, vector<2000x128xf32>
    %get3A_11 = arith.constant 0 : index
    %get3A_12 = arith.constant 0 : index
    %get3A_13 = vector.load %arg3[%get3A_11, %get3A_12] : memref<128x128xf32, #tpu.memory_space<vmem>>, vector<128x128xf32>
    %dot_general3A = arith.constant dense<0.000000e+00> : vector<2000x128xf32>
    %dot_general3A_14 = tpu.matmul %get3A_10, %get3A_13, %dot_general3A {dimension_numbers = #tpu.dot_dimension_numbers<[1], [1], [0], [0], [0, 0, 1, 0], [], []>, precision = #tpu.contract_precision<fp32>, transpose_lhs_hint = false} : vector<2000x128xf32>, vector<128x128xf32>, vector<2000x128xf32> -> vector<2000x128xf32>
    %swap3A = arith.constant 0 : index
    %swap3A_15 = arith.constant 0 : index
    %swap3A_16 = vector.load %arg4[%swap3A, %swap3A_15] : memref<2000x1xf32, #tpu.memory_space<vmem>>, vector<2000x1xf32>
    tpu.vector_store %arg4[%swap3A, %swap3A_15], %rsqrt3A {strides = array<i32>} : memref<2000x1xf32, #tpu.memory_space<vmem>>, vector<2000x1xf32>,
    %mul3A = vector.broadcast %rsqrt3A : vector<2000x1xf32> to vector<2000x128xf32>
    %mul3A_17 = arith.mulf %mul3A, %dot_general3A_14 : vector<2000x128xf32>
    %swap3A_18 = arith.constant 0 : index
    %swap3A_19 = arith.constant 0 : index
    %swap3A_20 = vector.load %arg5[%swap3A_18, %swap3A_19] : memref<2000x128xf32, #tpu.memory_space<vmem>>, vector<2000x128xf32>
    tpu.vector_store %arg5[%swap3A_18, %swap3A_19], %mul3A_17 {strides = array<i32>} : memref<2000x128xf32, #tpu.memory_space<vmem>>, vector<2000x128xf32>,
    return
  }
  func.func @transform_0(%arg0: i32) -> (i32, i32) {
    %c0_i32 = arith.constant 0 : i32
    %c0_i32_0 = arith.constant 0 : i32
    return %arg0, %c0_i32 : i32, i32
  }
  func.func @transform_1(%arg0: i32) -> (i32, i32) {
    %c0_i32 = arith.constant 0 : i32
    %c0_i32_0 = arith.constant 0 : i32
    return %arg0, %c0_i32 : i32, i32
  }
  func.func @transform_2(%arg0: i32) -> (i32, i32) {
    %c0_i32 = arith.constant 0 : i32
    %c0_i32_0 = arith.constant 0 : i32
    %c0_i32_1 = arith.constant 0 : i32
    return %c0_i32, %c0_i32_0 : i32, i32
  }
  func.func @transform_3(%arg0: i32) -> (i32, i32) {
    %c0_i32 = arith.constant 0 : i32
    %c0_i32_0 = arith.constant 0 : i32
    return %arg0, %c0_i32 : i32, i32
  }
  func.func @transform_4(%arg0: i32) -> (i32, i32) {
    %c0_i32 = arith.constant 0 : i32
    %c0_i32_0 = arith.constant 0 : i32
    return %arg0, %c0_i32 : i32, i32
  }
}

module attributes {stable_mosaic.version = 14 : i64} {
  func.func @body(%arg0: i32, %arg1: memref<2x2000x128xf32, #tpu.memory_space<vmem>>, %arg2: memref<2000x128xf32, #tpu.memory_space<vmem>>, %arg3: memref<2000x1xf32, #tpu.memory_space<vmem>>, %arg4: memref<1x128xf32, #tpu.memory_space<vmem>>, %arg5: memref<128x128xf32, #tpu.memory_space<vmem>>, %arg6: memref<2000x128xf32, #tpu.memory_space<vmem>>, %arg7: memref<2000x128xf32, #tpu.memory_space<vmem>>) attributes {dimension_semantics = [#tpu.dimension_semantics<arbitrary>], iteration_bounds = array<i64: 5>, scalar_prefetch = 0 : i64, scratch_operands = 0 : i64, tpu.core_type = #tpu.core_type<tc>, window_params = [{transform_indices = @transform_0, window_bounds = array<i64: 2, 2000, 128>}, {transform_indices = @transform_1, window_bounds = array<i64: 2000, 128>}, {transform_indices = @transform_2, window_bounds = array<i64: 2000, 1>}, {pipeline_mode = #tpu.pipeline_mode<synchronous>, transform_indices = @transform_3, window_bounds = array<i64: 1, 128>}, {pipeline_mode = #tpu.pipeline_mode<synchronous>, transform_indices = @transform_4, window_bounds = array<i64: 128, 128>}, {transform_indices = @transform_5, window_bounds = array<i64: 2000, 128>}, {transform_indices = @transform_6, window_bounds = array<i64: 2000, 128>}]} {
    %get3A = arith.constant 0 : index
    %get3A_0 = arith.constant 0 : index
    %get3A_1 = vector.load %arg3[%get3A, %get3A_0] : memref<2000x1xf32, #tpu.memory_space<vmem>>, vector<2000x1xf32>
    %get3A_2 = arith.constant 0 : index
    %get3A_3 = arith.constant 0 : index
    %get3A_4 = arith.constant 0 : index
    %get3A_5 = vector.load %arg1[%get3A_2, %get3A_3, %get3A_4] : memref<2x2000x128xf32, #tpu.memory_space<vmem>>, vector<1x2000x128xf32>
    %get3A_6 = vector.shape_cast %get3A_5 : vector<1x2000x128xf32> to vector<2000x128xf32>
    %get3A_7 = arith.constant 1 : index
    %get3A_8 = arith.constant 0 : index
    %get3A_9 = arith.constant 0 : index
    %get3A_10 = vector.load %arg1[%get3A_7, %get3A_8, %get3A_9] : memref<2x2000x128xf32, #tpu.memory_space<vmem>>, vector<1x2000x128xf32>
    %get3A_11 = vector.shape_cast %get3A_10 : vector<1x2000x128xf32> to vector<2000x128xf32>
    %add3A = arith.addf %get3A_6, %get3A_11 : vector<2000x128xf32>
    %get3A_12 = arith.constant 0 : index
    %get3A_13 = arith.constant 0 : index
    %get3A_14 = vector.load %arg2[%get3A_12, %get3A_13] : memref<2000x128xf32, #tpu.memory_space<vmem>>, vector<2000x128xf32>
    %add3A_15 = arith.addf %add3A, %get3A_14 : vector<2000x128xf32>
    %mul3A = vector.broadcast %get3A_1 : vector<2000x1xf32> to vector<2000x128xf32>
    %mul3A_16 = arith.mulf %mul3A, %add3A_15 : vector<2000x128xf32>
    %get3A_17 = arith.constant 0 : index
    %get3A_18 = arith.constant 0 : index
    %get3A_19 = vector.load %arg4[%get3A_17, %get3A_18] : memref<1x128xf32, #tpu.memory_space<vmem>>, vector<1x128xf32>
    %add3A_20 = vector.broadcast %get3A_19 : vector<1x128xf32> to vector<2000x128xf32>
    %add3A_21 = arith.addf %mul3A_16, %add3A_20 : vector<2000x128xf32>
    %max3A = arith.constant 0.000000e+00 : f32
    %max3A_22 = vector.broadcast %max3A : f32 to vector<2000x128xf32>
    %max3A_23 = arith.maximumf %add3A_21, %max3A_22 : vector<2000x128xf32>
    %swap3A = arith.constant 0 : index
    %swap3A_24 = arith.constant 0 : index
    %swap3A_25 = vector.load %arg6[%swap3A, %swap3A_24] : memref<2000x128xf32, #tpu.memory_space<vmem>>, vector<2000x128xf32>
    tpu.vector_store %arg6[%swap3A, %swap3A_24], %max3A_23 {strides = array<i32>} : memref<2000x128xf32, #tpu.memory_space<vmem>>, vector<2000x128xf32>,
    %get3A_26 = arith.constant 0 : index
    %get3A_27 = arith.constant 0 : index
    %get3A_28 = vector.load %arg5[%get3A_26, %get3A_27] : memref<128x128xf32, #tpu.memory_space<vmem>>, vector<128x128xf32>
    %dot_general3A = arith.constant dense<0.000000e+00> : vector<2000x128xf32>
    %dot_general3A_29 = tpu.matmul %max3A_23, %get3A_28, %dot_general3A {dimension_numbers = #tpu.dot_dimension_numbers<[1], [1], [0], [0], [0, 0, 1, 0], [], []>, precision = #tpu.contract_precision<fp32>, transpose_lhs_hint = false} : vector<2000x128xf32>, vector<128x128xf32>, vector<2000x128xf32> -> vector<2000x128xf32>
    %mul3A_30 = vector.broadcast %get3A_1 : vector<2000x1xf32> to vector<2000x128xf32>
    %mul3A_31 = arith.mulf %mul3A_30, %dot_general3A_29 : vector<2000x128xf32>
    %swap3A_32 = arith.constant 0 : index
    %swap3A_33 = arith.constant 0 : index
    %swap3A_34 = vector.load %arg7[%swap3A_32, %swap3A_33] : memref<2000x128xf32, #tpu.memory_space<vmem>>, vector<2000x128xf32>
    tpu.vector_store %arg7[%swap3A_32, %swap3A_33], %mul3A_31 {strides = array<i32>} : memref<2000x128xf32, #tpu.memory_space<vmem>>, vector<2000x128xf32>,
    return
  }
  func.func @transform_0(%arg0: i32) -> (i32, i32, i32) {
    %c0_i32 = arith.constant 0 : i32
    %c0_i32_0 = arith.constant 0 : i32
    %c0_i32_1 = arith.constant 0 : i32
    return %c0_i32, %arg0, %c0_i32_0 : i32, i32, i32
  }
  func.func @transform_1(%arg0: i32) -> (i32, i32) {
    %c0_i32 = arith.constant 0 : i32
    %c0_i32_0 = arith.constant 0 : i32
    return %arg0, %c0_i32 : i32, i32
  }
  func.func @transform_2(%arg0: i32) -> (i32, i32) {
    %c0_i32 = arith.constant 0 : i32
    %c0_i32_0 = arith.constant 0 : i32
    return %arg0, %c0_i32 : i32, i32
  }
  func.func @transform_3(%arg0: i32) -> (i32, i32) {
    %c0_i32 = arith.constant 0 : i32
    %c0_i32_0 = arith.constant 0 : i32
    %c0_i32_1 = arith.constant 0 : i32
    return %c0_i32, %c0_i32_0 : i32, i32
  }
  func.func @transform_4(%arg0: i32) -> (i32, i32) {
    %c0_i32 = arith.constant 0 : i32
    %c0_i32_0 = arith.constant 0 : i32
    %c0_i32_1 = arith.constant 0 : i32
    return %c0_i32, %c0_i32_0 : i32, i32
  }
  func.func @transform_5(%arg0: i32) -> (i32, i32) {
    %c0_i32 = arith.constant 0 : i32
    %c0_i32_0 = arith.constant 0 : i32
    return %arg0, %c0_i32 : i32, i32
  }
  func.func @transform_6(%arg0: i32) -> (i32, i32) {
    %c0_i32 = arith.constant 0 : i32
    %c0_i32_0 = arith.constant 0 : i32
    return %arg0, %c0_i32 : i32, i32
  }
}

module attributes {stable_mosaic.version = 14 : i64} {
  func.func @body(%arg0: i32, %arg1: memref<2x2000x128xf32, #tpu.memory_space<vmem>>, %arg2: memref<2000x128xf32, #tpu.memory_space<vmem>>, %arg3: memref<2000x1xf32, #tpu.memory_space<vmem>>, %arg4: memref<1x128xf32, #tpu.memory_space<vmem>>, %arg5: memref<2000x128xf32, #tpu.memory_space<vmem>>, %arg6: memref<1x1xf32, #tpu.memory_space<vmem>>, %arg7: memref<128x128xf32, #tpu.memory_space<vmem>>, %arg8: memref<2000x128xf32, #tpu.memory_space<vmem>>, %arg9: memref<2000x128xf32, #tpu.memory_space<vmem>>) attributes {dimension_semantics = [#tpu.dimension_semantics<arbitrary>], iteration_bounds = array<i64: 5>, scalar_prefetch = 0 : i64, scratch_operands = 0 : i64, tpu.core_type = #tpu.core_type<tc>, window_params = [{transform_indices = @transform_0, window_bounds = array<i64: 2, 2000, 128>}, {transform_indices = @transform_1, window_bounds = array<i64: 2000, 128>}, {transform_indices = @transform_2, window_bounds = array<i64: 2000, 1>}, {pipeline_mode = #tpu.pipeline_mode<synchronous>, transform_indices = @transform_3, window_bounds = array<i64: 1, 128>}, {transform_indices = @transform_4, window_bounds = array<i64: 2000, 128>}, {pipeline_mode = #tpu.pipeline_mode<synchronous>, transform_indices = @transform_5, window_bounds = array<i64: 1, 1>}, {pipeline_mode = #tpu.pipeline_mode<synchronous>, transform_indices = @transform_6, window_bounds = array<i64: 128, 128>}, {transform_indices = @transform_7, window_bounds = array<i64: 2000, 128>}, {transform_indices = @transform_8, window_bounds = array<i64: 2000, 128>}]} {
    %get3A = arith.constant 0 : index
    %get3A_0 = arith.constant 0 : index
    %get3A_1 = vector.load %arg3[%get3A, %get3A_0] : memref<2000x1xf32, #tpu.memory_space<vmem>>, vector<2000x1xf32>
    %get3A_2 = arith.constant 0 : index
    %get3A_3 = arith.constant 0 : index
    %get3A_4 = arith.constant 0 : index
    %get3A_5 = vector.load %arg1[%get3A_2, %get3A_3, %get3A_4] : memref<2x2000x128xf32, #tpu.memory_space<vmem>>, vector<1x2000x128xf32>
    %get3A_6 = vector.shape_cast %get3A_5 : vector<1x2000x128xf32> to vector<2000x128xf32>
    %get3A_7 = arith.constant 1 : index
    %get3A_8 = arith.constant 0 : index
    %get3A_9 = arith.constant 0 : index
    %get3A_10 = vector.load %arg1[%get3A_7, %get3A_8, %get3A_9] : memref<2x2000x128xf32, #tpu.memory_space<vmem>>, vector<1x2000x128xf32>
    %get3A_11 = vector.shape_cast %get3A_10 : vector<1x2000x128xf32> to vector<2000x128xf32>
    %add3A = arith.addf %get3A_6, %get3A_11 : vector<2000x128xf32>
    %get3A_12 = arith.constant 0 : index
    %get3A_13 = arith.constant 0 : index
    %get3A_14 = vector.load %arg2[%get3A_12, %get3A_13] : memref<2000x128xf32, #tpu.memory_space<vmem>>, vector<2000x128xf32>
    %add3A_15 = arith.addf %add3A, %get3A_14 : vector<2000x128xf32>
    %mul3A = vector.broadcast %get3A_1 : vector<2000x1xf32> to vector<2000x128xf32>
    %mul3A_16 = arith.mulf %mul3A, %add3A_15 : vector<2000x128xf32>
    %get3A_17 = arith.constant 0 : index
    %get3A_18 = arith.constant 0 : index
    %get3A_19 = vector.load %arg4[%get3A_17, %get3A_18] : memref<1x128xf32, #tpu.memory_space<vmem>>, vector<1x128xf32>
    %add3A_20 = vector.broadcast %get3A_19 : vector<1x128xf32> to vector<2000x128xf32>
    %add3A_21 = arith.addf %mul3A_16, %add3A_20 : vector<2000x128xf32>
    %max3A = arith.constant 0.000000e+00 : f32
    %max3A_22 = vector.broadcast %max3A : f32 to vector<2000x128xf32>
    %max3A_23 = arith.maximumf %add3A_21, %max3A_22 : vector<2000x128xf32>
    %get3A_24 = arith.constant 0 : index
    %get3A_25 = arith.constant 0 : index
    %get3A_26 = vector.load %arg6[%get3A_24, %get3A_25] : memref<1x1xf32, #tpu.memory_space<vmem>>, vector<1x1xf32>
    %get3A_27 = vector.extract %get3A_26[0, 0] : f32 from vector<1x1xf32>
    %get3A_28 = arith.constant 0 : index
    %get3A_29 = arith.constant 0 : index
    %get3A_30 = vector.load %arg5[%get3A_28, %get3A_29] : memref<2000x128xf32, #tpu.memory_space<vmem>>, vector<2000x128xf32>
    %mul3A_31 = vector.broadcast %get3A_27 : f32 to vector<2000x128xf32>
    %mul3A_32 = arith.mulf %mul3A_31, %get3A_30 : vector<2000x128xf32>
    %add3A_33 = arith.addf %max3A_23, %mul3A_32 : vector<2000x128xf32>
    %swap3A = arith.constant 0 : index
    %swap3A_34 = arith.constant 0 : index
    %swap3A_35 = vector.load %arg8[%swap3A, %swap3A_34] : memref<2000x128xf32, #tpu.memory_space<vmem>>, vector<2000x128xf32>
    tpu.vector_store %arg8[%swap3A, %swap3A_34], %add3A_33 {strides = array<i32>} : memref<2000x128xf32, #tpu.memory_space<vmem>>, vector<2000x128xf32>,
    %get3A_36 = arith.constant 0 : index
    %get3A_37 = arith.constant 0 : index
    %get3A_38 = vector.load %arg7[%get3A_36, %get3A_37] : memref<128x128xf32, #tpu.memory_space<vmem>>, vector<128x128xf32>
    %dot_general3A = arith.constant dense<0.000000e+00> : vector<2000x128xf32>
    %dot_general3A_39 = tpu.matmul %add3A_33, %get3A_38, %dot_general3A {dimension_numbers = #tpu.dot_dimension_numbers<[1], [1], [0], [0], [0, 0, 1, 0], [], []>, precision = #tpu.contract_precision<fp32>, transpose_lhs_hint = false} : vector<2000x128xf32>, vector<128x128xf32>, vector<2000x128xf32> -> vector<2000x128xf32>
    %mul3A_40 = vector.broadcast %get3A_1 : vector<2000x1xf32> to vector<2000x128xf32>
    %mul3A_41 = arith.mulf %mul3A_40, %dot_general3A_39 : vector<2000x128xf32>
    %swap3A_42 = arith.constant 0 : index
    %swap3A_43 = arith.constant 0 : index
    %swap3A_44 = vector.load %arg9[%swap3A_42, %swap3A_43] : memref<2000x128xf32, #tpu.memory_space<vmem>>, vector<2000x128xf32>
    tpu.vector_store %arg9[%swap3A_42, %swap3A_43], %mul3A_41 {strides = array<i32>} : memref<2000x128xf32, #tpu.memory_space<vmem>>, vector<2000x128xf32>,
    return
  }
  func.func @transform_0(%arg0: i32) -> (i32, i32, i32) {
    %c0_i32 = arith.constant 0 : i32
    %c0_i32_0 = arith.constant 0 : i32
    %c0_i32_1 = arith.constant 0 : i32
    return %c0_i32, %arg0, %c0_i32_0 : i32, i32, i32
  }
  func.func @transform_1(%arg0: i32) -> (i32, i32) {
    %c0_i32 = arith.constant 0 : i32
    %c0_i32_0 = arith.constant 0 : i32
    return %arg0, %c0_i32 : i32, i32
  }
  func.func @transform_2(%arg0: i32) -> (i32, i32) {
    %c0_i32 = arith.constant 0 : i32
    %c0_i32_0 = arith.constant 0 : i32
    return %arg0, %c0_i32 : i32, i32
  }
  func.func @transform_3(%arg0: i32) -> (i32, i32) {
    %c0_i32 = arith.constant 0 : i32
    %c0_i32_0 = arith.constant 0 : i32
    %c0_i32_1 = arith.constant 0 : i32
    return %c0_i32, %c0_i32_0 : i32, i32
  }
  func.func @transform_4(%arg0: i32) -> (i32, i32) {
    %c0_i32 = arith.constant 0 : i32
    %c0_i32_0 = arith.constant 0 : i32
    return %arg0, %c0_i32 : i32, i32
  }
  func.func @transform_5(%arg0: i32) -> (i32, i32) {
    %c0_i32 = arith.constant 0 : i32
    %c0_i32_0 = arith.constant 0 : i32
    %c0_i32_1 = arith.constant 0 : i32
    return %c0_i32, %c0_i32_0 : i32, i32
  }
  func.func @transform_6(%arg0: i32) -> (i32, i32) {
    %c0_i32 = arith.constant 0 : i32
    %c0_i32_0 = arith.constant 0 : i32
    %c0_i32_1 = arith.constant 0 : i32
    return %c0_i32, %c0_i32_0 : i32, i32
  }
  func.func @transform_7(%arg0: i32) -> (i32, i32) {
    %c0_i32 = arith.constant 0 : i32
    %c0_i32_0 = arith.constant 0 : i32
    return %arg0, %c0_i32 : i32, i32
  }
  func.func @transform_8(%arg0: i32) -> (i32, i32) {
    %c0_i32 = arith.constant 0 : i32
    %c0_i32_0 = arith.constant 0 : i32
    return %arg0, %c0_i32 : i32, i32
  }
}

module attributes {stable_mosaic.version = 14 : i64} {
  func.func @body(%arg0: i32, %arg1: memref<2x2000x128xf32, #tpu.memory_space<vmem>>, %arg2: memref<2000x128xf32, #tpu.memory_space<vmem>>, %arg3: memref<2000x1xf32, #tpu.memory_space<vmem>>, %arg4: memref<1x128xf32, #tpu.memory_space<vmem>>, %arg5: memref<64x128xf32, #tpu.memory_space<vmem>>, %arg6: memref<1x64xf32, #tpu.memory_space<vmem>>, %arg7: memref<2000x64xf32, #tpu.memory_space<vmem>>) attributes {dimension_semantics = [#tpu.dimension_semantics<arbitrary>], iteration_bounds = array<i64: 5>, scalar_prefetch = 0 : i64, scratch_operands = 0 : i64, tpu.core_type = #tpu.core_type<tc>, window_params = [{transform_indices = @transform_0, window_bounds = array<i64: 2, 2000, 128>}, {transform_indices = @transform_1, window_bounds = array<i64: 2000, 128>}, {transform_indices = @transform_2, window_bounds = array<i64: 2000, 1>}, {pipeline_mode = #tpu.pipeline_mode<synchronous>, transform_indices = @transform_3, window_bounds = array<i64: 1, 128>}, {pipeline_mode = #tpu.pipeline_mode<synchronous>, transform_indices = @transform_4, window_bounds = array<i64: 64, 128>}, {pipeline_mode = #tpu.pipeline_mode<synchronous>, transform_indices = @transform_5, window_bounds = array<i64: 1, 64>}, {transform_indices = @transform_6, window_bounds = array<i64: 2000, 64>}]} {
    %get3A = arith.constant 0 : index
    %get3A_0 = arith.constant 0 : index
    %get3A_1 = vector.load %arg3[%get3A, %get3A_0] : memref<2000x1xf32, #tpu.memory_space<vmem>>, vector<2000x1xf32>
    %get3A_2 = arith.constant 0 : index
    %get3A_3 = arith.constant 0 : index
    %get3A_4 = arith.constant 0 : index
    %get3A_5 = vector.load %arg1[%get3A_2, %get3A_3, %get3A_4] : memref<2x2000x128xf32, #tpu.memory_space<vmem>>, vector<1x2000x128xf32>
    %get3A_6 = vector.shape_cast %get3A_5 : vector<1x2000x128xf32> to vector<2000x128xf32>
    %get3A_7 = arith.constant 1 : index
    %get3A_8 = arith.constant 0 : index
    %get3A_9 = arith.constant 0 : index
    %get3A_10 = vector.load %arg1[%get3A_7, %get3A_8, %get3A_9] : memref<2x2000x128xf32, #tpu.memory_space<vmem>>, vector<1x2000x128xf32>
    %get3A_11 = vector.shape_cast %get3A_10 : vector<1x2000x128xf32> to vector<2000x128xf32>
    %add3A = arith.addf %get3A_6, %get3A_11 : vector<2000x128xf32>
    %get3A_12 = arith.constant 0 : index
    %get3A_13 = arith.constant 0 : index
    %get3A_14 = vector.load %arg2[%get3A_12, %get3A_13] : memref<2000x128xf32, #tpu.memory_space<vmem>>, vector<2000x128xf32>
    %add3A_15 = arith.addf %add3A, %get3A_14 : vector<2000x128xf32>
    %mul3A = vector.broadcast %get3A_1 : vector<2000x1xf32> to vector<2000x128xf32>
    %mul3A_16 = arith.mulf %mul3A, %add3A_15 : vector<2000x128xf32>
    %get3A_17 = arith.constant 0 : index
    %get3A_18 = arith.constant 0 : index
    %get3A_19 = vector.load %arg4[%get3A_17, %get3A_18] : memref<1x128xf32, #tpu.memory_space<vmem>>, vector<1x128xf32>
    %add3A_20 = vector.broadcast %get3A_19 : vector<1x128xf32> to vector<2000x128xf32>
    %add3A_21 = arith.addf %mul3A_16, %add3A_20 : vector<2000x128xf32>
    %get3A_22 = arith.constant 0 : index
    %get3A_23 = arith.constant 0 : index
    %get3A_24 = vector.load %arg5[%get3A_22, %get3A_23] : memref<64x128xf32, #tpu.memory_space<vmem>>, vector<64x128xf32>
    %dot_general3A = arith.constant dense<0.000000e+00> : vector<2000x64xf32>
    %dot_general3A_25 = tpu.matmul %add3A_21, %get3A_24, %dot_general3A {dimension_numbers = #tpu.dot_dimension_numbers<[1], [1], [0], [0], [0, 0, 1, 0], [], []>, precision = #tpu.contract_precision<fp32>, transpose_lhs_hint = false} : vector<2000x128xf32>, vector<64x128xf32>, vector<2000x64xf32> -> vector<2000x64xf32>
    %get3A_26 = arith.constant 0 : index
    %get3A_27 = arith.constant 0 : index
    %get3A_28 = vector.load %arg6[%get3A_26, %get3A_27] : memref<1x64xf32, #tpu.memory_space<vmem>>, vector<1x64xf32>
    %add3A_29 = vector.broadcast %get3A_28 : vector<1x64xf32> to vector<2000x64xf32>
    %add3A_30 = arith.addf %dot_general3A_25, %add3A_29 : vector<2000x64xf32>
    %swap3A = arith.constant 0 : index
    %swap3A_31 = arith.constant 0 : index
    %swap3A_32 = vector.load %arg7[%swap3A, %swap3A_31] : memref<2000x64xf32, #tpu.memory_space<vmem>>, vector<2000x64xf32>
    tpu.vector_store %arg7[%swap3A, %swap3A_31], %add3A_30 {strides = array<i32>} : memref<2000x64xf32, #tpu.memory_space<vmem>>, vector<2000x64xf32>,
    return
  }
  func.func @transform_0(%arg0: i32) -> (i32, i32, i32) {
    %c0_i32 = arith.constant 0 : i32
    %c0_i32_0 = arith.constant 0 : i32
    %c0_i32_1 = arith.constant 0 : i32
    return %c0_i32, %arg0, %c0_i32_0 : i32, i32, i32
  }
  func.func @transform_1(%arg0: i32) -> (i32, i32) {
    %c0_i32 = arith.constant 0 : i32
    %c0_i32_0 = arith.constant 0 : i32
    return %arg0, %c0_i32 : i32, i32
  }
  func.func @transform_2(%arg0: i32) -> (i32, i32) {
    %c0_i32 = arith.constant 0 : i32
    %c0_i32_0 = arith.constant 0 : i32
    return %arg0, %c0_i32 : i32, i32
  }
  func.func @transform_3(%arg0: i32) -> (i32, i32) {
    %c0_i32 = arith.constant 0 : i32
    %c0_i32_0 = arith.constant 0 : i32
    %c0_i32_1 = arith.constant 0 : i32
    return %c0_i32, %c0_i32_0 : i32, i32
  }
  func.func @transform_4(%arg0: i32) -> (i32, i32) {
    %c0_i32 = arith.constant 0 : i32
    %c0_i32_0 = arith.constant 0 : i32
    %c0_i32_1 = arith.constant 0 : i32
    return %c0_i32, %c0_i32_0 : i32, i32
  }
  func.func @transform_5(%arg0: i32) -> (i32, i32) {
    %c0_i32 = arith.constant 0 : i32
    %c0_i32_0 = arith.constant 0 : i32
    %c0_i32_1 = arith.constant 0 : i32
    return %c0_i32, %c0_i32_0 : i32, i32
  }
  func.func @transform_6(%arg0: i32) -> (i32, i32) {
    %c0_i32 = arith.constant 0 : i32
    %c0_i32_0 = arith.constant 0 : i32
    return %arg0, %c0_i32 : i32, i32
  }
}

</mosaic_0001>

<sc_bundles>
// kernel: kernel.11.cloned.1.call-start
scs
__scs_entry_jumppad:
0x0: {  	(pc) =	sbr.rel $0x88, $3  }
0x1: {  	(tag) =	ssettag $0x0;
	lr =	simm.s32 $0x1  }
0x2: {  	[smem:$0x3F96] =	sst lr;
	_ =	strace $0xD0000000  }
0x3: {  	_ = 	snop  }
0x4: {  	_ = 	snop  }
0x5: {  	_ = 	snop  }
0x6: {  	_ = 	snop  }
0x7: {  	_ = 	snop  }
__scs_overlays_trampoline_lowered:
0x8: {  	[smem:$0x3FA5] =	sst s0  }
0x9: {  	[smem:$0x3FA6] =	sst s1  }
0xa: {  	[smem:$0x3FA7] =	sst s2  }
0xb: {  	[smem:$0x3FA8] =	sst s3  }
0xc: {  	[smem:$0x3FA9] =	sst s4  }
0xd: {  	[smem:$0x3FAA] =	sst s5  }
0xe: {  	[smem:$0x3FAB] =	sst s6  }
0xf: {  	[smem:$0x3FAC] =	sst s7  }
0x10: {  	[smem:$0x3FAD] =	sst s8  }
0x11: {  	[smem:$0x3FAE] =	sst s9;
	s0 =	simm.s32 @!p0 $0x0  }
0x12: {  	s1 =	sld [smem:$0x3F94];
	s0 =	simm.s32 @p0 $0x1  }
0x13: {  	[smem:$0x3FAF] =	sst s0;
	s0 =	simm.s32 @!p1 $0x0  }
0x14: {  	s2 =	sld [smem:$0x3F93];
	s0 =	simm.s32 @p1 $0x1  }
0x15: {  	[smem:$0x3FB0] =	sst s0;
	s0 =	simm.s32 @!p2 $0x0  }
0x16: {  	s3 =	sld [smem:$0x3FDB];
	s0 =	simm.s32 @p2 $0x1  }
0x17: {  	s4 =	simm.s32 $0x1BF5;
	[smem:$0x3FB2] =	sst s0  }
0x18: {  	s0 =	sld [smem:$0x3F95];
	_ =	swait.ge [sflag:s4], $0x0  }
0x19: {  	s7 =	sld [smem:$0x3F96]  }
0x1a: {  	s8 =	sadd.s32 $0xFFFFE003, lr  }
0x1b: {  	s9 =	sadd.s32 $0xFFFFFEF7, lr;
	s5 =	simm.s32 $0xFFFFFFFF;
	p2 =	slt.u32 s8, $0xFFFFF086  }
0x1c: {  	p1 =	slt.u32 s9, $0xF7A;
	s5 =	simm.s32 @!p2 $0x0  }
0x1d: {  	s5 =	simm.s32 @p1 $0x1;
	p0 =	seq.s32 s7, s2  }
0x1e: {  	s7 =	smul.u32 @!p0 $0xF7A, s2;
	p2 =	seq.s32 @!p0 s5, $0x0  }
0x1f: {  	s9 =	smul.u32 $0xF7A, s1;
	s8 =	simm.s32 @!p0 $0x1BF5;
	p2 =	por !p2, p0  }
0x20: {  	[sflag:s8] =	ssyncset.s32 @!p0 $0xFFFFF086;
	s6 =	sadd.s32 @!p0 s3, s7;
	s7 =	simm.s32 @!p0 $0x108  }
0x21: {  	s3 =	sadd.s32 s3, s9;
	s6 =	sadd.s32 @!p0 $0x88, s6;
	s7 =	simm.s32 @p2 $0x1082  }
0x22: {  	[simem:s7], [sflag:s8] =	dma.local @!p0 [hbm:s6], $0xF7A  }
0x23: {  	s9 =	sor.u32 $0xD0000000, s2;
	s6 =	simm.s32 $0x108;
	_ =	swait.ge @!p0 [sflag:s8], $0x0  }
0x24: {  	s3 =	sadd.s32 $0x88, s3;
	s6 =	simm.s32 @!p1 $0x1082;
	[sflag:s4] =	ssyncset.s32 $0xFFFFF086  }
0x25: {  	[simem:s6], [sflag:s4] =	dma.local [hbm:s3], $0xF7A  }
0x26: {  	[smem:$0x3F96] =	sst s1;
	(tag) =	ssettag s2;
	_ =	strace s9  }
0x27: {  	s1 =	sld [smem:$0x3FA6]  }
0x28: {  	s2 =	sld [smem:$0x3FA7]  }
0x29: {  	s4 =	sld [smem:$0x3FA9]  }
0x2a: {  	p0 =	seq.s32 s5, $0x0;
	s5 =	sld [smem:$0x3FAA]  }
0x2b: {  	s6 =	sld [smem:$0x3FAB]  }
0x2c: {  	s7 =	sld [smem:$0x3FAC]  }
0x2d: {  	s3 =	simm.s32 $0x108;
	s8 =	sld [smem:$0x3FAD]  }
0x2e: {  	s3 =	simm.s32 @!p0 $0x1082;
	s9 =	sld [smem:$0x3FAE]  }
0x2f: {  	lr =	sadd.s32 s0, s3;
	s0 =	sld [smem:$0x3FA5]  }
0x30: {  	s3 =	sld [smem:$0x3FA8]  }
0x31: {  	[smem:$0x3FB1] =	sst s10  }
0x32: {  	s10 =	sld [smem:$0x3FAF];
	_ =	sdelay $0x3  }
0x33: {  	p0 =	seq.s32 s10, $0x1;
	s10 =	sld [smem:$0x3FB1];
	_ =	sdelay $0x3  }
0x34: {  	[smem:$0x3FB1] =	sst s10  }
0x35: {  	s10 =	sld [smem:$0x3FB0];
	_ =	sdelay $0x3  }
0x36: {  	p1 =	seq.s32 s10, $0x1;
	s10 =	sld [smem:$0x3FB1];
	_ =	sdelay $0x3  }
0x37: {  	[smem:$0x3FB1] =	sst s10  }
0x38: {  	s10 =	sld [smem:$0x3FB2]  }
0x39: {  	_ = 	snop;
	(pc) =	sbr.ind lr, $3  }
0x3a: {  	_ = 	snop  }
0x3b: {  	_ = 	snop  }
0x3c: {  	p2 =	seq.s32 s10, $0x1;
	s10 =	sld [smem:$0x3FB1]  }
0x3d: {  	_ =	shalt  }
0x3e: {  	_ =	shalt  }
0x3f: {  	_ =	shalt  }
0x40: {  	_ =	shalt  }
0x41: {  	_ =	shalt  }
0x42: {  	_ =	shalt  }
0x43: {  	_ =	shalt  }
0x44: {  	_ =	shalt  }
0x45: {  	_ =	shalt  }
0x46: {  	_ =	shalt  }
0x47: {  	_ =	shalt  }
0x48: {  	_ =	shalt  }
0x49: {  	_ =	shalt  }
0x4a: {  	_ =	shalt  }
0x4b: {  	_ =	shalt  }
0x4c: {  	_ =	shalt  }
0x4d: {  	_ =	shalt  }
0x4e: {  	_ =	shalt  }
0x4f: {  	_ =	shalt  }
0x50: {  	_ =	shalt  }
0x51: {  	_ =	shalt  }
0x52: {  	_ =	shalt  }
0x53: {  	_ =	shalt  }
0x54: {  	_ =	shalt  }
0x55: {  	_ =	shalt  }
0x56: {  	_ =	shalt  }
0x57: {  	_ =	shalt  }
0x58: {  	_ =	shalt  }
0x59: {  	_ =	shalt  }
0x5a: {  	_ =	shalt  }
0x5b: {  	_ =	shalt  }
0x5c: {  	_ =	shalt  }
0x5d: {  	_ =	shalt  }
0x5e: {  	_ =	shalt  }
0x5f: {  	_ =	shalt  }
0x60: {  	_ =	shalt  }
0x61: {  	_ =	shalt  }
0x62: {  	_ =	shalt  }
0x63: {  	_ =	shalt  }
0x64: {  	_ =	shalt  }
0x65: {  	_ =	shalt  }
0x66: {  	_ =	shalt  }
0x67: {  	_ =	shalt  }
0x68: {  	_ =	shalt  }
0x69: {  	_ =	shalt  }
0x6a: {  	_ =	shalt  }
0x6b: {  	_ =	shalt  }
0x6c: {  	_ =	shalt  }
0x6d: {  	_ =	shalt  }
0x6e: {  	_ =	shalt  }
0x6f: {  	_ =	shalt  }
0x70: {  	_ =	shalt  }
0x71: {  	_ =	shalt  }
0x72: {  	_ =	shalt  }
0x73: {  	_ =	shalt  }
0x74: {  	_ =	shalt  }
0x75: {  	_ =	shalt  }
0x76: {  	_ =	shalt  }
0x77: {  	_ =	shalt  }
0x78: {  	_ =	shalt  }
0x79: {  	_ =	shalt  }
0x7a: {  	_ =	shalt  }
0x7b: {  	_ =	shalt  }
0x7c: {  	_ =	shalt  }
0x7d: {  	_ =	shalt  }
0x7e: {  	_ =	shalt  }
0x7f: {  	_ =	shalt  }
0x80: {  	_ =	shalt  }
0x81: {  	_ =	shalt  }
0x82: {  	_ =	shalt  }
0x83: {  	_ =	shalt  }
0x84: {  	_ =	shalt  }
0x85: {  	_ =	shalt  }
0x86: {  	_ =	shalt  }
0x87: {  	_ =	shalt  }
.Lfunc_end0:
.L_simem_size_0:
called_computation_lowered:
.L_overlay_start_0:
0x88: {  	s2 =	sld [smem:$0x3FD9]  }
0x89: {  	s3 =	sld [smem:$0x3FFE];
	_ =	sdelay $0x1  }
0x8a: {  	s1 =	srdreg.scid  }
0x8b: {  	s0 =	sand.u32 $0x1, s1  }
0x8c: {  	s17 =	sshll.u32 s0, $0xA;
	s2 =	sadd.s32 s3, s2  }
0x8d: {  	s2 =	sadd.s32 s2, s17  }
0x8e: {  	[smem:$0x3FBD] =	sst s2  }
0x8f: {  	_ = 	snop  }
0x90: {  	s2 =	sld [smem:$0x3FD0];
	(tm) =	ssettm $0x1  }
0x91: {  	s18 =	sld [smem:$0x3FFB];
	_ =	sdelay $0x3  }
0x92: {  	_ =	strace s18  }
0x93: {  	s3 =	sld [smem:$0x3FFC];
	_ =	sdelay $0x3  }
0x94: {  	_ =	strace s3  }
0x95: {  	s3 =	sld [smem:$0x3FFD];
	_ =	sdelay $0x3  }
0x96: {  	_ =	strace s3  }
0x97: {  	_ =	strace $0x8FFFFFFF  }
0x98: {  	s19 =	sld [smem:$0x3FDB];
	_ =	sdelay $0x1  }
0x99: {  	s4 =	simm.s32 $_scs_section_size  }
0x9a: {  	s5 =	simm.s32 $_size__tile_overlayer_lowered;
	s6 =	simm.s32 $_tile_overlayer_lowered  }
0x9b: {  	s22 =	simm.s32 $0x1BFF;
	s21 =	sshll.u32 s6, $0x1;
	s3 =	sadd.s32 s4, s19  }
0x9c: {  	s7 =	simm.s32 $0x0;
	s20 =	sshll.u32 s5, $0x1;
	s5 =	sadd.s32 s21, s3  }
0x9d: {  	[timem:s7], [sflag:s22] =	dma.local [hbm:s5], s20  }
0x9e: {  	_ =	swait.ge [sflag:s22], s20  }
0x9f: {  	s4 =	ssub.s32 $0x0, s20;
	[sflag:s22] =	ssyncset.done $0x0  }
0xa0: {  	[sflag:s22] =	ssyncadd.s32 s4;
	_ =	sdelay $0x1  }
0xa1: {  	s23 =	simm.s32 $0x1B8B  }
0xa2: {  	_ =	swait.ge [sflag:s23], $0x1  }
0xa3: {  	[sflag:s23] =	ssyncset.done $0x0  }
0xa4: {  	s25 =	simm.s32 $0x1B8E;
	s24 =	sld [smem:$0x3FFE];
	[sflag:s23] =	ssyncadd.s32 $0xFFFFFFFF  }
0xa5: {  	s26 =	simm.s32 $execute0_lowered;
	[smem:$0x3FD2] =	sst s25  }
0xa6: {  	s5 =	sshll.u32 s26, $0x1;
	_ =	strace $0x80000046;
	[dreg:$0x1] =	wrdreg $0xFFFFFFFF  }
0xa7: {  	s28 =	simm.s32 $_size_execute0_lowered;
	s3 =	sadd.s32 s3, s5;
	[dreg:$0x0] =	wrdreg $0x0  }
0xa8: {  	s5 =	sshll.u32 s28, $0x1;
	[dreg:$0x2] =	wrdreg s3  }
0xa9: {  	[dreg:$0x3] =	wrdreg s5  }
0xaa: {  	[dreg:$0x4] =	wrdreg $0xC0  }
0xab: {  	_ =	task [dreg:s7], $0x5FFFF  }
0xac: {  	[dreg:$0x1] =	wrdreg $0xFFFFFFFF  }
0xad: {  	[dreg:$0x0] =	wrdreg $0x60  }
0xae: {  	[dreg:$0x2] =	wrdreg s24  }
0xaf: {  	[dreg:$0x3] =	wrdreg s2  }
0xb0: {  	[dreg:$0x4] =	wrdreg $0x53000  }
0xb1: {  	[dreg:$0x5] =	wrdreg $0x9  }
0xb2: {  	_ =	task.clear_ibuf [dreg:s7], $0x6FFFF;
	_ =	strace $0x90000046  }
0xb3: {  	s29 =	simm.s32 $0x9;
	_ =	strace $0x80000048  }
0xb4: {  	_ =	swait.ge [sflag:s29], $0x1  }
0xb5: {  	[sflag:s29] =	ssyncadd.s32 $0xFFFFFFFF  }
0xb6: {  	_ =	strace $0x90000048  }
0xb7: {  	_ =	sfence  }
0xb8: {  	s30 =	sld [smem:$0x0];
	_ =	sdelay $0x2  }
0xb9: {  	s31 =	sshll.u32 s1, $0xD;
	s1 =	sshrl.u32 s1, $0x2  }
0xba: {  	s3 =	sand.u32 $0x4000, s31;
	s1 =	sadd.s32 s1, s30  }
0xbb: {  	s0 =	sor.u32 s3, s0;
	s1 =	sshll.u32 s1, $0x11  }
0xbc: {  	s0 =	sor.u32 s1, s0  }
0xbd: {  	s0 =	sadd.s32 $0x8F2B, s0  }
0xbe: {  	[sflag:s0] =	ssyncadd.remote.s32 $0x1  }
0xbf: {  	_ =	sfence.sel $0xFFFF  }
0xc0: {  	[dreg:$0x0] =	wrdreg $0xFFFFFFFF;
	(pc) =	sbr.abs _section_cstart, $3  }
0xc1: {  	[dreg:$0x1] =	wrdreg $0xFFFFFFFF  }
0xc2: {  	_ =	task.clear_ibuf [dreg:s7], $0x2FFFF;
	_ =	strace $0x9FFFFFFF  }
0xc3: {  	(tm) =	ssettm $0x7FFFFFFF  }
tec
execute0_lowered:
.L_overlay_start_1:
0x0: {  	(tag) =	ssettag $0x1  }
0x1: {  	s4 =	rddreg [dreg:$0x0];
	s1 =	srdreg.scid  }
0x2: {  	s0 =	stileid.u32;
	s6 =	rddreg [dreg:$0x1]  }
0x3: {  	s2 =	rddreg [dreg:$0x2];
	s3 =	simm.s32 $0x0;
	s11 =	simm.s32 $0x5000  }
0x4: {  	s12 =	simm.s32 $0x80;
	s13 =	simm.s32 $0x100;
	s14 =	simm.s32 $0x0  }
0x5: {  	s5 =	sand.u32 $0x1, s1;
	s1 =	rddreg [dreg:$0x3];
	s8 =	smul.u32 $0xA00, s0  }
0x6: {  	s28 =	sshll.u32 s0, $0x1;
	[smem:$0x7FF] =	sst s3;
	s10 =	smul.u32 $0x500, s0  }
0x7: {  	s7 =	sor.u32 s5, s28;
	_ =	strace $0x80000047;
	s9 =	ssub.s32 $0x2, s5  }
0x8: {  	s5 =	sshll.u32 s5, $0x7;
	s7 =	smul.u32 $0xA00, s7;
	s29 =	sshrl.u32 s9, $0x1  }
0x9: {  	s8 =	sshrl.u32 s8, $0x2;
	s30 =	sor.u32 s5, s10;
	s10 =	simm.s32 $0x40  }
0xa: {  	s5 =	sadd.s32 s8, s2;
	s31 =	sshrl.u32 s30, $0x3;
	s8 =	simm.s32 $0x1  }
0xb: {  	s4 =	sadd.s32 s7, s4;
	s7 =	ssub.s32 s9, s29;
	s6 =	sadd.s32 s6, s31  }
0xc: {  	v0 =	vimm.f32 $1.000000000e+00;
	v1 =	vimm.f32 $0.0e+00;
	s9 =	simm.s32 $0x5080;
	s4 =	sadd.s32 $0x4A00, s4;
	s7 =	smax.u32 s7, $0x1  }
.LBB2_1:
0xd: {  	[tilespmem:s3], [sflag:$0x1] =	stream.linear.gather [hbm4b:s4+s3], $0x4E80, $0x38;
	[tilespmem:$0x5580] =	vst v63  }
0xe: {  	_ =	swait.ge [sflag:s8], $0x4E80  }
0xf: {  	[sflag:s8] =	ssyncset.done $0x0  }
0x10: {  	[sflag:s8] =	ssyncadd.s32 $0xFFFFB180  }
0x11: {  	[tilespmem:$0x5000] =	vst v0  }
0x12: {  	[tilespmem:$0x5010] =	vst v0  }
0x13: {  	[tilespmem:$0x5020] =	vst v0  }
0x14: {  	[tilespmem:$0x5030] =	vst v0  }
0x15: {  	[tilespmem:$0x5080] =	vst v1  }
0x16: {  	[tilespmem:$0x5090] =	vst v1  }
0x17: {  	[tilespmem:$0x50A0] =	vst v1  }
0x18: {  	[tilespmem:$0x50B0] =	vst v1  }
0x19: {  	[tilespmem:$0x50C0] =	vst v1  }
0x1a: {  	[tilespmem:$0x50D0] =	vst v1  }
0x1b: {  	[tilespmem:$0x50E0] =	vst v1  }
0x1c: {  	[tilespmem:$0x50F0] =	vst v1  }
0x1d: {  	[tilespmem:$0x5100] =	vst v1  }
0x1e: {  	[tilespmem:$0x5110] =	vst v1  }
0x1f: {  	[tilespmem:$0x5120] =	vst v1  }
0x20: {  	[tilespmem:$0x5130] =	vst v1  }
0x21: {  	[tilespmem:$0x5140] =	vst v1  }
0x22: {  	[tilespmem:$0x5150] =	vst v1  }
0x23: {  	[tilespmem:$0x5160] =	vst v1  }
0x24: {  	[tilespmem:$0x5170] =	vst v1  }
0x25: {  	[tilespmem:$0x5180] =	vst v1  }
0x26: {  	[tilespmem:$0x5190] =	vst v1  }
0x27: {  	[tilespmem:$0x51A0] =	vst v1  }
0x28: {  	[tilespmem:$0x51B0] =	vst v1  }
0x29: {  	[tilespmem:$0x51C0] =	vst v1  }
0x2a: {  	[tilespmem:$0x51D0] =	vst v1  }
0x2b: {  	[tilespmem:$0x51E0] =	vst v1  }
0x2c: {  	[tilespmem:$0x51F0] =	vst v1  }
0x2d: {  	[tilespmem:$0x5200] =	vst v1  }
0x2e: {  	[tilespmem:$0x5210] =	vst v1  }
0x2f: {  	[tilespmem:$0x5220] =	vst v1  }
0x30: {  	[tilespmem:$0x5230] =	vst v1  }
0x31: {  	[tilespmem:$0x5240] =	vst v1  }
0x32: {  	[tilespmem:$0x5250] =	vst v1  }
0x33: {  	[tilespmem:$0x5260] =	vst v1  }
0x34: {  	[tilespmem:$0x5270] =	vst v1  }
0x35: {  	[tilespmem:$0x5280] =	vst v1  }
0x36: {  	[tilespmem:$0x5290] =	vst v1  }
0x37: {  	[tilespmem:$0x52A0] =	vst v1  }
0x38: {  	[tilespmem:$0x52B0] =	vst v1  }
0x39: {  	[tilespmem:$0x52C0] =	vst v1  }
0x3a: {  	[tilespmem:$0x52D0] =	vst v1  }
0x3b: {  	[tilespmem:$0x52E0] =	vst v1  }
0x3c: {  	[tilespmem:$0x52F0] =	vst v1  }
0x3d: {  	[spmem:s5] =	stream.linear.scatter [tilespmem:s9], [sflag:$0x1], $0x280, $0x38;
	[tilespmem:$0x5580] =	vst v63  }
0x3e: {  	_ =	swait.ge [sflag:s8], $0x280  }
0x3f: {  	[sflag:s8] =	ssyncset.done $0x0  }
0x40: {  	[sflag:s8] =	ssyncadd.s32 $0xFFFFFD80  }
0x41: {  	s15 =	simm.s32 $0x0;
	[bflag:$0x0] =	sbarrier.arrive $0xFFFF  }
0x42: {  	[spmem:s2] =	stream.indirect.scatter.add.f32 [tilespmem:s11], [sflag:$0x1], $0x1, s15, s10, $0xb8;
	[tilespmem:$0x5580] =	vst v63  }
0x43: {  	_ =	swait.ge [sflag:s8], $0x40  }
0x44: {  	s15 =	simm.s32 $0x200;
	[sflag:s8] =	ssyncset.done $0x0  }
.LBB2_2:
0x45: {  	s16 =	sshra.s32 s15, $0x2;
	[sflag:s8] =	ssyncadd.s32 $0xFFFFFFC0;
	p0 =	sne.s32 s15, $0x13800  }
0x46: {  	[spmem:s2] =	stream.indirect.scatter.add.f32 [tilespmem:s11], [sflag:$0x1], $0x1, s16, s10, $0xb8;
	[tilespmem:$0x5580] =	vst v63  }
.Ltmp0:
0x47: {  	_ = 	snop;
	(pc) =	sbr.rel @p0 .LBB2_2-.Ltmp0, $4  }
0x48: {  	_ = 	snop  }
0x49: {  	s15 =	sadd.s32 $0x200, s15  }
0x4a: {  	_ =	swait.ge [sflag:s8], $0x40  }
0x4b: {  	[sflag:s8] =	ssyncset.done $0x0  }
0x4c: {  	[sflag:s8] =	ssyncadd.s32 $0xFFFFFFC0  }
0x4d: {  	[bflag:$0x0] =	sbarrier.arrive $0xFFFF  }
0x4e: {  	[tilespmem:s9], [sflag:$0x1] =	stream.linear.gather [spmem:s5], $0x280, $0x38;
	[tilespmem:$0x5580] =	vst v63  }
0x4f: {  	s14 =	sadd.s32 $0x1, s14;
	_ =	swait.ge [sflag:s8], $0x280  }
0x50: {  	p0 =	sne.s32 s14, s7;
	[sflag:s8] =	ssyncset.done $0x0  }
.Ltmp1:
0x51: {  	[sflag:s8] =	ssyncadd.s32 $0xFFFFFD80;
	(pc) =	sbr.rel @p0 .LBB2_1-.Ltmp1, $4  }
0x52: {  	[hbm4b:s6+s12] =	stream.strided.scatter [tilespmem:s9], [sflag:$0x1], $0x280, s13, s12, $0x38;
	[tilespmem:$0x5580] =	vst v63  }
0x53: {  	_ =	swait.ge [sflag:s8], $0x280  }
0x54: {  	[sflag:s8] =	ssyncset.done $0x0  }
0x55: {  	[sflag:s8] =	ssyncadd.s32 $0xFFFFFD80  }
0x56: {  	_ =	sfence.sel $0x180000  }
0x57: {  	[bflag:$0x0] =	sbarrier.arrive $0xFFFF  }
0x58: {  	p0 =	sne.s32 s0, $0x0;
	_ =	strace $0x90000047  }
0x59: {  	s0 =	sadd.s32 @!p0 $0x100000, s1;
	[bflag:$0x2] =	sbarrier.arrive $0xFFFF  }
0x5a: {  	[sflag:s0] =	ssyncadd.tile.s32 @!p0 $0x1;
	_ =	shalt  }
.Lfunc_end2:
_tile_overlayer_lowered:
.L_overlay_start_2:
0x5b: {  	(tag) =	ssettag $0x2  }
0x5c: {  	s0 =	rddreg [dreg:$0x0];
	s2 =	stileid.u32  }
0x5d: {  	s1 =	rddreg [dreg:$0x1];
	p0 =	sne.s32 s2, $0x0  }
0x5e: {  	s3 =	rddreg [dreg:$0x2];
	[bflag:$0x3] =	sbarrier.arrive $0xFFFF;
	s2 =	simm.s32 @!p0 $0x1C01  }
0x5f: {  	[timem:s3], [sflag:s2] =	dma.local @!p0 [hbm:s0], s1  }
0x60: {  	s0 =	simm.s32 @!p0 $0x1  }
0x61: {  	_ =	swait.ge @!p0 [sflag:s0], s1  }
0x62: {  	s1 =	ssub.s32 @!p0 $0x0, s1;
	[sflag:s0] =	ssyncset.done @!p0 $0x0  }
0x63: {  	[sflag:s0] =	ssyncadd.s32 @!p0 s1  }
0x64: {  	[bflag:$0x3] =	sbarrier.arrive $0xFFFF  }
0x65: {  	_ =	shalt  }

// kernel: kernel.14.cloned.1.call-start
scs
__scs_entry_jumppad:
0x0: {  	(pc) =	sbr.rel $0x88, $3  }
0x1: {  	(tag) =	ssettag $0x0;
	lr =	simm.s32 $0x1  }
0x2: {  	[smem:$0x3F96] =	sst lr;
	_ =	strace $0xD0000000  }
0x3: {  	_ = 	snop  }
0x4: {  	_ = 	snop  }
0x5: {  	_ = 	snop  }
0x6: {  	_ = 	snop  }
0x7: {  	_ = 	snop  }
__scs_overlays_trampoline_lowered:
0x8: {  	[smem:$0x3FA5] =	sst s0  }
0x9: {  	[smem:$0x3FA6] =	sst s1  }
0xa: {  	[smem:$0x3FA7] =	sst s2  }
0xb: {  	[smem:$0x3FA8] =	sst s3  }
0xc: {  	[smem:$0x3FA9] =	sst s4  }
0xd: {  	[smem:$0x3FAA] =	sst s5  }
0xe: {  	[smem:$0x3FAB] =	sst s6  }
0xf: {  	[smem:$0x3FAC] =	sst s7  }
0x10: {  	[smem:$0x3FAD] =	sst s8  }
0x11: {  	[smem:$0x3FAE] =	sst s9;
	s0 =	simm.s32 @!p0 $0x0  }
0x12: {  	s1 =	sld [smem:$0x3F94];
	s0 =	simm.s32 @p0 $0x1  }
0x13: {  	[smem:$0x3FAF] =	sst s0;
	s0 =	simm.s32 @!p1 $0x0  }
0x14: {  	s2 =	sld [smem:$0x3F93];
	s0 =	simm.s32 @p1 $0x1  }
0x15: {  	[smem:$0x3FB0] =	sst s0;
	s0 =	simm.s32 @!p2 $0x0  }
0x16: {  	s3 =	sld [smem:$0x3FDB];
	s0 =	simm.s32 @p2 $0x1  }
0x17: {  	s4 =	simm.s32 $0x1BF5;
	[smem:$0x3FB2] =	sst s0  }
0x18: {  	s0 =	sld [smem:$0x3F95];
	_ =	swait.ge [sflag:s4], $0x0  }
0x19: {  	s7 =	sld [smem:$0x3F96]  }
0x1a: {  	s8 =	sadd.s32 $0xFFFFE003, lr  }
0x1b: {  	s9 =	sadd.s32 $0xFFFFFEF7, lr;
	s5 =	simm.s32 $0xFFFFFFFF;
	p2 =	slt.u32 s8, $0xFFFFF086  }
0x1c: {  	p1 =	slt.u32 s9, $0xF7A;
	s5 =	simm.s32 @!p2 $0x0  }
0x1d: {  	s5 =	simm.s32 @p1 $0x1;
	p0 =	seq.s32 s7, s2  }
0x1e: {  	s7 =	smul.u32 @!p0 $0xF7A, s2;
	p2 =	seq.s32 @!p0 s5, $0x0  }
0x1f: {  	s9 =	smul.u32 $0xF7A, s1;
	s8 =	simm.s32 @!p0 $0x1BF5;
	p2 =	por !p2, p0  }
0x20: {  	[sflag:s8] =	ssyncset.s32 @!p0 $0xFFFFF086;
	s6 =	sadd.s32 @!p0 s3, s7;
	s7 =	simm.s32 @!p0 $0x108  }
0x21: {  	s3 =	sadd.s32 s3, s9;
	s6 =	sadd.s32 @!p0 $0x88, s6;
	s7 =	simm.s32 @p2 $0x1082  }
0x22: {  	[simem:s7], [sflag:s8] =	dma.local @!p0 [hbm:s6], $0xF7A  }
0x23: {  	s9 =	sor.u32 $0xD0000000, s2;
	s6 =	simm.s32 $0x108;
	_ =	swait.ge @!p0 [sflag:s8], $0x0  }
0x24: {  	s3 =	sadd.s32 $0x88, s3;
	s6 =	simm.s32 @!p1 $0x1082;
	[sflag:s4] =	ssyncset.s32 $0xFFFFF086  }
0x25: {  	[simem:s6], [sflag:s4] =	dma.local [hbm:s3], $0xF7A  }
0x26: {  	[smem:$0x3F96] =	sst s1;
	(tag) =	ssettag s2;
	_ =	strace s9  }
0x27: {  	s1 =	sld [smem:$0x3FA6]  }
0x28: {  	s2 =	sld [smem:$0x3FA7]  }
0x29: {  	s4 =	sld [smem:$0x3FA9]  }
0x2a: {  	p0 =	seq.s32 s5, $0x0;
	s5 =	sld [smem:$0x3FAA]  }
0x2b: {  	s6 =	sld [smem:$0x3FAB]  }
0x2c: {  	s7 =	sld [smem:$0x3FAC]  }
0x2d: {  	s3 =	simm.s32 $0x108;
	s8 =	sld [smem:$0x3FAD]  }
0x2e: {  	s3 =	simm.s32 @!p0 $0x1082;
	s9 =	sld [smem:$0x3FAE]  }
0x2f: {  	lr =	sadd.s32 s0, s3;
	s0 =	sld [smem:$0x3FA5]  }
0x30: {  	s3 =	sld [smem:$0x3FA8]  }
0x31: {  	[smem:$0x3FB1] =	sst s10  }
0x32: {  	s10 =	sld [smem:$0x3FAF];
	_ =	sdelay $0x3  }
0x33: {  	p0 =	seq.s32 s10, $0x1;
	s10 =	sld [smem:$0x3FB1];
	_ =	sdelay $0x3  }
0x34: {  	[smem:$0x3FB1] =	sst s10  }
0x35: {  	s10 =	sld [smem:$0x3FB0];
	_ =	sdelay $0x3  }
0x36: {  	p1 =	seq.s32 s10, $0x1;
	s10 =	sld [smem:$0x3FB1];
	_ =	sdelay $0x3  }
0x37: {  	[smem:$0x3FB1] =	sst s10  }
0x38: {  	s10 =	sld [smem:$0x3FB2]  }
0x39: {  	_ = 	snop;
	(pc) =	sbr.ind lr, $3  }
0x3a: {  	_ = 	snop  }
0x3b: {  	_ = 	snop  }
0x3c: {  	p2 =	seq.s32 s10, $0x1;
	s10 =	sld [smem:$0x3FB1]  }
0x3d: {  	_ =	shalt  }
0x3e: {  	_ =	shalt  }
0x3f: {  	_ =	shalt  }
0x40: {  	_ =	shalt  }
0x41: {  	_ =	shalt  }
0x42: {  	_ =	shalt  }
0x43: {  	_ =	shalt  }
0x44: {  	_ =	shalt  }
0x45: {  	_ =	shalt  }
0x46: {  	_ =	shalt  }
0x47: {  	_ =	shalt  }
0x48: {  	_ =	shalt  }
0x49: {  	_ =	shalt  }
0x4a: {  	_ =	shalt  }
0x4b: {  	_ =	shalt  }
0x4c: {  	_ =	shalt  }
0x4d: {  	_ =	shalt  }
0x4e: {  	_ =	shalt  }
0x4f: {  	_ =	shalt  }
0x50: {  	_ =	shalt  }
0x51: {  	_ =	shalt  }
0x52: {  	_ =	shalt  }
0x53: {  	_ =	shalt  }
0x54: {  	_ =	shalt  }
0x55: {  	_ =	shalt  }
0x56: {  	_ =	shalt  }
0x57: {  	_ =	shalt  }
0x58: {  	_ =	shalt  }
0x59: {  	_ =	shalt  }
0x5a: {  	_ =	shalt  }
0x5b: {  	_ =	shalt  }
0x5c: {  	_ =	shalt  }
0x5d: {  	_ =	shalt  }
0x5e: {  	_ =	shalt  }
0x5f: {  	_ =	shalt  }
0x60: {  	_ =	shalt  }
0x61: {  	_ =	shalt  }
0x62: {  	_ =	shalt  }
0x63: {  	_ =	shalt  }
0x64: {  	_ =	shalt  }
0x65: {  	_ =	shalt  }
0x66: {  	_ =	shalt  }
0x67: {  	_ =	shalt  }
0x68: {  	_ =	shalt  }
0x69: {  	_ =	shalt  }
0x6a: {  	_ =	shalt  }
0x6b: {  	_ =	shalt  }
0x6c: {  	_ =	shalt  }
0x6d: {  	_ =	shalt  }
0x6e: {  	_ =	shalt  }
0x6f: {  	_ =	shalt  }
0x70: {  	_ =	shalt  }
0x71: {  	_ =	shalt  }
0x72: {  	_ =	shalt  }
0x73: {  	_ =	shalt  }
0x74: {  	_ =	shalt  }
0x75: {  	_ =	shalt  }
0x76: {  	_ =	shalt  }
0x77: {  	_ =	shalt  }
0x78: {  	_ =	shalt  }
0x79: {  	_ =	shalt  }
0x7a: {  	_ =	shalt  }
0x7b: {  	_ =	shalt  }
0x7c: {  	_ =	shalt  }
0x7d: {  	_ =	shalt  }
0x7e: {  	_ =	shalt  }
0x7f: {  	_ =	shalt  }
0x80: {  	_ =	shalt  }
0x81: {  	_ =	shalt  }
0x82: {  	_ =	shalt  }
0x83: {  	_ =	shalt  }
0x84: {  	_ =	shalt  }
0x85: {  	_ =	shalt  }
0x86: {  	_ =	shalt  }
0x87: {  	_ =	shalt  }
.Lfunc_end0:
.L_simem_size_0:
called_computation.1_lowered:
.L_overlay_start_0:
0x88: {  	s2 =	sld [smem:$0x3FD9]  }
0x89: {  	s3 =	sld [smem:$0x3FFE];
	_ =	sdelay $0x1  }
0x8a: {  	s1 =	srdreg.scid  }
0x8b: {  	s0 =	sand.u32 $0x1, s1  }
0x8c: {  	s16 =	sshll.u32 s0, $0xA;
	s2 =	sadd.s32 s3, s2  }
0x8d: {  	s2 =	sadd.s32 s2, s16  }
0x8e: {  	[smem:$0x3FBD] =	sst s2  }
0x8f: {  	_ = 	snop  }
0x90: {  	(tm) =	ssettm $0x1  }
0x91: {  	s17 =	sld [smem:$0x3FFB];
	_ =	sdelay $0x3  }
0x92: {  	_ =	strace s17  }
0x93: {  	s2 =	sld [smem:$0x3FFC];
	_ =	sdelay $0x3  }
0x94: {  	_ =	strace s2  }
0x95: {  	s2 =	sld [smem:$0x3FFD];
	_ =	sdelay $0x3  }
0x96: {  	_ =	strace s2  }
0x97: {  	_ =	strace $0x8FFFFFFF  }
0x98: {  	s18 =	sld [smem:$0x3FDB];
	_ =	sdelay $0x1  }
0x99: {  	s19 =	simm.s32 $_scs_section_size  }
0x9a: {  	s4 =	simm.s32 $_size__tile_overlayer_lowered;
	s5 =	simm.s32 $_tile_overlayer_lowered  }
0x9b: {  	s22 =	simm.s32 $0x1BFF;
	s21 =	sshll.u32 s5, $0x1;
	s2 =	sadd.s32 s19, s18  }
0x9c: {  	s6 =	simm.s32 $0x0;
	s20 =	sshll.u32 s4, $0x1;
	s4 =	sadd.s32 s21, s2  }
0x9d: {  	[timem:s6], [sflag:s22] =	dma.local [hbm:s4], s20  }
0x9e: {  	_ =	swait.ge [sflag:s22], s20  }
0x9f: {  	s3 =	ssub.s32 $0x0, s20;
	[sflag:s22] =	ssyncset.done $0x0  }
0xa0: {  	[sflag:s22] =	ssyncadd.s32 s3;
	_ =	sdelay $0x1  }
0xa1: {  	s23 =	simm.s32 $0x1B8B  }
0xa2: {  	_ =	swait.ge [sflag:s23], $0x1  }
0xa3: {  	[sflag:s23] =	ssyncset.done $0x0  }
0xa4: {  	s25 =	simm.s32 $0x1B8E;
	s24 =	sld [smem:$0x3FFE];
	[sflag:s23] =	ssyncadd.s32 $0xFFFFFFFF  }
0xa5: {  	s26 =	simm.s32 $execute0_lowered;
	[smem:$0x3FD2] =	sst s25  }
0xa6: {  	s4 =	sshll.u32 s26, $0x1;
	_ =	strace $0x80000049;
	[dreg:$0x1] =	wrdreg $0xFFFFFFFF  }
0xa7: {  	s28 =	simm.s32 $_size_execute0_lowered;
	s2 =	sadd.s32 s2, s4;
	[dreg:$0x0] =	wrdreg $0x0  }
0xa8: {  	s4 =	sshll.u32 s28, $0x1;
	[dreg:$0x2] =	wrdreg s2  }
0xa9: {  	[dreg:$0x3] =	wrdreg s4  }
0xaa: {  	[dreg:$0x4] =	wrdreg $0xC0  }
0xab: {  	_ =	task [dreg:s6], $0x5FFFF  }
0xac: {  	[dreg:$0x1] =	wrdreg $0xFFFFFFFF  }
0xad: {  	[dreg:$0x0] =	wrdreg $0x60  }
0xae: {  	[dreg:$0x2] =	wrdreg s24  }
0xaf: {  	[dreg:$0x3] =	wrdreg $0xB3000  }
0xb0: {  	[dreg:$0x4] =	wrdreg $0x9  }
0xb1: {  	_ =	task.clear_ibuf [dreg:s6], $0x5FFFF;
	_ =	strace $0x90000049  }
0xb2: {  	s29 =	simm.s32 $0x9;
	_ =	strace $0x8000004B  }
0xb3: {  	_ =	swait.ge [sflag:s29], $0x1  }
0xb4: {  	[sflag:s29] =	ssyncadd.s32 $0xFFFFFFFF  }
0xb5: {  	_ =	strace $0x9000004B  }
0xb6: {  	_ =	sfence  }
0xb7: {  	s30 =	sld [smem:$0x0];
	_ =	sdelay $0x2  }
0xb8: {  	s31 =	sshll.u32 s1, $0xD;
	s1 =	sshrl.u32 s1, $0x2  }
0xb9: {  	s3 =	sand.u32 $0x4000, s31;
	s1 =	sadd.s32 s1, s30  }
0xba: {  	s0 =	sor.u32 s3, s0;
	s1 =	sshll.u32 s1, $0x11  }
0xbb: {  	s0 =	sor.u32 s1, s0  }
0xbc: {  	s0 =	sadd.s32 $0x8F2B, s0  }
0xbd: {  	[sflag:s0] =	ssyncadd.remote.s32 $0x1  }
0xbe: {  	_ =	sfence.sel $0xFFFF  }
0xbf: {  	[dreg:$0x0] =	wrdreg $0xFFFFFFFF;
	(pc) =	sbr.abs _section_cstart, $3  }
0xc0: {  	[dreg:$0x1] =	wrdreg $0xFFFFFFFF  }
0xc1: {  	_ =	task.clear_ibuf [dreg:s6], $0x2FFFF;
	_ =	strace $0x9FFFFFFF  }
0xc2: {  	(tm) =	ssettm $0x7FFFFFFF  }
0xc3: {  	_ =	shalt  }
tec
execute0_lowered:
.L_overlay_start_1:
0x0: {  	(tag) =	ssettag $0x1  }
0x1: {  	s0 =	srdreg.scid;
	s5 =	rddreg [dreg:$0x0]  }
0x2: {  	s8 =	stileid.u32;
	s2 =	rddreg [dreg:$0x1];
	s3 =	simm.s32 $0x0  }
0x3: {  	s18 =	simm.s32 $0x7;
	s19 =	simm.s32 $0x5100;
	s28 =	simm.s32 $0x5080  }
0x4: {  	s29 =	simm.s32 $0x4;
	s30 =	simm.s32 $0x2;
	s31 =	simm.s32 $0x7180  }
0x5: {  	s0 =	sand.u32 $0x1, s0;
	s1 =	sshll.u32 s8, $0x1;
	s7 =	smul.u32 $0x14000, s8  }
0x6: {  	[smem:$0x7FF] =	sst s3;
	s4 =	sadd.s32 $0x2CA00, s5;
	s8 =	smul.u32 $0x50000, s8  }
0x7: {  	s1 =	sor.u32 s0, s1;
	s6 =	smul.u32 $0x140000, s0;
	s0 =	ssub.s32 $0x2, s0  }
0x8: {  	_ =	strace $0x8000004A;
	s1 =	smul.u32 $0xA00, s1;
	s20 =	sshrl.u32 s0, $0x1  }
0x9: {  	s8 =	sshrl.u32 s8, $0x2;
	s6 =	sadd.s32 s7, s6;
	s0 =	ssub.s32 s0, s20  }
0xa: {  	s20 =	simm.s32 $0x40;
	s7 =	simm.s32 $0x6;
	s1 =	sadd.s32 s1, s5  }
0xb: {  	s6 =	sshrl.u32 s6, $0x3;
	s17 =	smax.u32 s0, $0x1;
	s0 =	simm.s32 $0x3  }
0xc: {  	s6 =	sadd.s32 s6, s5;
	s5 =	sadd.s32 s8, s2;
	s1 =	sadd.s32 $0x18A00, s1  }
0xd: {  	s8 =	simm.s32 $0x0;
	[dreg:$0x3] =	wrdreg s1;
	s21 =	sadd.s32 $0x2000, s5  }
0xe: {  	s22 =	sadd.s32 $0x4000, s5;
	s23 =	sadd.s32 $0x6000, s5;
	[dreg:$0x4] =	wrdreg s21  }
0xf: {  	s24 =	sadd.s32 $0x8000, s5;
	s25 =	sadd.s32 $0xA000, s5;
	[dreg:$0x5] =	wrdreg s22  }
0x10: {  	s26 =	sadd.s32 $0xC000, s5;
	s13 =	sadd.s32 $0xE000, s5;
	[dreg:$0x6] =	wrdreg s23  }
.Ltmp0:
0x11: {  	s14 =	sadd.s32 $0x10000, s5;
	[dreg:$0x7] =	wrdreg s24;
	(pc) =	sbr.rel .LBB2_1-.Ltmp0, $4  }
0x12: {  	s15 =	sadd.s32 $0x12000, s5;
	s16 =	sadd.s32 $0x53C00, s6;
	[dreg:$0x8] =	wrdreg s25  }
0x13: {  	s1 =	simm.s32 $0x5;
	s6 =	simm.s32 $0x9280;
	[dreg:$0x9] =	wrdreg s26  }
0x14: {  	s21 =	simm.s32 $0x5000;
	s22 =	simm.s32 $0x7100;
	s23 =	simm.s32 $0x7200  }
0x15: {  	v0 =	vimm.f32 $0.0e+00;
	s24 =	simm.s32 $0x9200;
	s25 =	simm.s32 $0x9300;
	s26 =	simm.s32 $0x1  }
.LBB2_6:
0x16: {  	_ =	swait.ge [sflag:s0], $0x2000  }
0x17: {  	[sflag:s0] =	ssyncset.done $0x0  }
0x18: {  	[sflag:s0] =	ssyncadd.s32 $0xFFFFE000  }
0x19: {  	[spmem:s2] =	stream.indirect.scatter.add.f32 [tilespmem:s25], [sflag:$0x6], $0x80, s6, s20, $0xb8;
	[tilespmem:$0x1F300] =	vst v63  }
0x1a: {  	_ =	swait.ge [sflag:s7], $0x2000  }
0x1b: {  	[sflag:s7] =	ssyncset.done $0x0  }
0x1c: {  	[sflag:s7] =	ssyncadd.s32 $0xFFFFE000  }
0x1d: {  	_ =	swait.ge [sflag:s26], $0x2000  }
0x1e: {  	[sflag:s26] =	ssyncset.done $0x0  }
0x1f: {  	[sflag:s26] =	ssyncadd.s32 $0xFFFFE000  }
0x20: {  	[spmem:s2] =	stream.indirect.scatter.add.f32 [tilespmem:s19], [sflag:$0x4], $0x80, s28, s20, $0xb8;
	[tilespmem:$0x1F300] =	vst v63  }
0x21: {  	s9 =	stileid.u32;
	_ =	swait.ge [sflag:s29], $0x2000  }
0x22: {  	s10 =	sshrl.u32 s5, $0x3;
	s8 =	sadd.s32 $0x1, s8;
	[sflag:s29] =	ssyncset.done $0x0  }
0x23: {  	s9 =	sshll.u32 s9, $0x6;
	p0 =	sne.s32 s8, s17;
	[sflag:s29] =	ssyncadd.s32 $0xFFFFE000  }
.Ltmp1:
0x24: {  	s9 =	sor.u32 $0x1C07, s9;
	[bflag:$0x0] =	sbarrier.arrive $0xFFFF;
	(pc) =	sbr.rel @!p0 .LBB2_7-.Ltmp1, $4  }
0x25: {  	[hbm:s16], [sflag:s9] =	dma.local [spmem:s10], $0x2800  }
0x26: {  	_ =	swait.ge [sflag:s18], $0x2800  }
0x27: {  	[sflag:s18] =	ssyncset.done $0x0  }
0x28: {  	[sflag:s18] =	ssyncadd.s32 $0xFFFFD800  }
.LBB2_1:
0x29: {  	s9 =	rddreg [dreg:$0x3]  }
0x2a: {  	[tilespmem:s3], [sflag:$0x7] =	stream.linear.gather [hbm4b:s9+s3], $0x4E80, $0x38;
	[tilespmem:$0x1F300] =	vst v63  }
0x2b: {  	s12 =	sand.u32 $0x7E00, s3;
	s10 =	sand.u32 $0x70, s3;
	_ =	swait.ge [sflag:s18], $0x4E80  }
0x2c: {  	s11 =	sshrl.u32 s12, $0x2;
	s9 =	simm.s32 $0x40;
	[sflag:s18] =	ssyncset.done $0x0  }
0x2d: {  	s11 =	sor.u32 s10, s11;
	s10 =	simm.s32 $0x0;
	[sflag:s18] =	ssyncadd.s32 $0xFFFFB180  }
.LBB2_2:
0x2e: {  	p0 =	sne.s32 s9, $0x7FC0  }
0x2f: {  	[tilespmem:s11+$0x5100] =	vst v0;
	s10 =	sadd.s32 $0x10, s10;
	s11 =	smov.u32 s9;
	s9 =	sadd.s32 $0x40, s9  }
.Ltmp2:
0x30: {  	(pc) =	sbr.rel @p0 .LBB2_2-.Ltmp2, $4  }
0x31: {  	_ = 	snop  }
0x32: {  	s11 =	sand.u32 $0x7E00, s11  }
0x33: {  	s12 =	sand.u32 $0x70, s10;
	s11 =	sshrl.u32 s11, $0x2  }
0x34: {  	s11 =	sor.u32 s12, s11  }
0x35: {  	[tilespmem:s11+$0x5100] =	vst v0  }
0x36: {  	[spmem:s5] =	stream.linear.scatter [tilespmem:s19], [sflag:$0x7], $0x2000, $0x38;
	[tilespmem:$0x1F300] =	vst v63  }
0x37: {  	_ =	swait.ge [sflag:s18], $0x2000  }
0x38: {  	[sflag:s18] =	ssyncset.done $0x0  }
0x39: {  	s9 =	rddreg [dreg:$0x4];
	[sflag:s18] =	ssyncadd.s32 $0xFFFFE000  }
0x3a: {  	[spmem:s9] =	stream.linear.scatter [tilespmem:s19], [sflag:$0x7], $0x2000, $0x38;
	[tilespmem:$0x1F300] =	vst v63  }
0x3b: {  	_ =	swait.ge [sflag:s18], $0x2000  }
0x3c: {  	[sflag:s18] =	ssyncset.done $0x0  }
0x3d: {  	s11 =	rddreg [dreg:$0x5];
	[sflag:s18] =	ssyncadd.s32 $0xFFFFE000  }
0x3e: {  	[spmem:s11] =	stream.linear.scatter [tilespmem:s19], [sflag:$0x7], $0x2000, $0x38;
	[tilespmem:$0x1F300] =	vst v63  }
0x3f: {  	_ =	swait.ge [sflag:s18], $0x2000  }
0x40: {  	[sflag:s18] =	ssyncset.done $0x0  }
0x41: {  	s12 =	rddreg [dreg:$0x6];
	[sflag:s18] =	ssyncadd.s32 $0xFFFFE000  }
0x42: {  	[spmem:s12] =	stream.linear.scatter [tilespmem:s19], [sflag:$0x7], $0x2000, $0x38;
	[tilespmem:$0x1F300] =	vst v63  }
0x43: {  	_ =	swait.ge [sflag:s18], $0x2000  }
0x44: {  	[sflag:s18] =	ssyncset.done $0x0  }
0x45: {  	s10 =	rddreg [dreg:$0x7];
	[sflag:s18] =	ssyncadd.s32 $0xFFFFE000  }
0x46: {  	[spmem:s10] =	stream.linear.scatter [tilespmem:s19], [sflag:$0x7], $0x2000, $0x38;
	[tilespmem:$0x1F300] =	vst v63  }
0x47: {  	_ =	swait.ge [sflag:s18], $0x2000  }
0x48: {  	[sflag:s18] =	ssyncset.done $0x0  }
0x49: {  	s11 =	rddreg [dreg:$0x8];
	[sflag:s18] =	ssyncadd.s32 $0xFFFFE000  }
0x4a: {  	[spmem:s11] =	stream.linear.scatter [tilespmem:s19], [sflag:$0x7], $0x2000, $0x38;
	[tilespmem:$0x1F300] =	vst v63  }
0x4b: {  	_ =	swait.ge [sflag:s18], $0x2000  }
0x4c: {  	[sflag:s18] =	ssyncset.done $0x0  }
0x4d: {  	s12 =	rddreg [dreg:$0x9];
	[sflag:s18] =	ssyncadd.s32 $0xFFFFE000  }
0x4e: {  	[spmem:s12] =	stream.linear.scatter [tilespmem:s19], [sflag:$0x7], $0x2000, $0x38;
	[tilespmem:$0x1F300] =	vst v63  }
0x4f: {  	_ =	swait.ge [sflag:s18], $0x2000  }
0x50: {  	[sflag:s18] =	ssyncset.done $0x0  }
0x51: {  	[sflag:s18] =	ssyncadd.s32 $0xFFFFE000  }
0x52: {  	[spmem:s13] =	stream.linear.scatter [tilespmem:s19], [sflag:$0x7], $0x2000, $0x38;
	[tilespmem:$0x1F300] =	vst v63  }
0x53: {  	_ =	swait.ge [sflag:s18], $0x2000  }
0x54: {  	[sflag:s18] =	ssyncset.done $0x0  }
0x55: {  	[sflag:s18] =	ssyncadd.s32 $0xFFFFE000  }
0x56: {  	[spmem:s14] =	stream.linear.scatter [tilespmem:s19], [sflag:$0x7], $0x2000, $0x38;
	[tilespmem:$0x1F300] =	vst v63  }
0x57: {  	_ =	swait.ge [sflag:s18], $0x2000  }
0x58: {  	[sflag:s18] =	ssyncset.done $0x0  }
0x59: {  	[sflag:s18] =	ssyncadd.s32 $0xFFFFE000  }
0x5a: {  	[spmem:s15] =	stream.linear.scatter [tilespmem:s19], [sflag:$0x7], $0x2000, $0x38;
	[tilespmem:$0x1F300] =	vst v63  }
0x5b: {  	_ =	swait.ge [sflag:s18], $0x2000  }
0x5c: {  	[sflag:s18] =	ssyncset.done $0x0  }
0x5d: {  	[sflag:s18] =	ssyncadd.s32 $0xFFFFE000  }
0x5e: {  	[bflag:$0x0] =	sbarrier.arrive $0xFFFF  }
0x5f: {  	v1 =	vld [tilespmem:$0x0];
	_ =	sdelay $0x1  }
0x60: {  	v2 =	vld [tilespmem:$0x10];
	_ =	sdelay $0x1  }
0x61: {  	v3 =	vld [tilespmem:$0x20]  }
0x62: {  	v4 =	vand.u32 $0xFFFF, v1  }
0x63: {  	v59 =	vld [tilespmem:$0x30];
	v1 =	vshra.s32 v1, $0x10;
	[tilespmem:$0x5000] =	vst v4  }
0x64: {  	[tilespmem:$0x5080] =	vst v1;
	v1 =	vand.u32 $0xFFFF, v2  }
0x65: {  	[tilespmem:$0x5010] =	vst v1;
	v1 =	vshra.s32 v2, $0x10  }
0x66: {  	[tilespmem:$0x5090] =	vst v1;
	v1 =	vand.u32 $0xFFFF, v3  }
0x67: {  	[tilespmem:$0x5020] =	vst v1;
	v1 =	vshra.s32 v3, $0x10  }
0x68: {  	[tilespmem:$0x50A0] =	vst v1;
	v1 =	vand.u32 $0xFFFF, v59  }
0x69: {  	[tilespmem:$0x5030] =	vst v1;
	v1 =	vshra.s32 v59, $0x10  }
0x6a: {  	[tilespmem:$0x50B0] =	vst v1  }
0x6b: {  	[tilespmem:s19], [sflag:$0x1] =	stream.indirect.gather [hbm4b:s4+s20], $0x80, s21, s20, $0xb8;
	[tilespmem:$0x1F300] =	vst v63  }
0x6c: {  	v1 =	vld [tilespmem:$0x80];
	_ =	sdelay $0x1  }
0x6d: {  	v2 =	vld [tilespmem:$0x90];
	_ =	sdelay $0x1  }
0x6e: {  	v3 =	vld [tilespmem:$0xA0]  }
0x6f: {  	v60 =	vand.u32 $0xFFFF, v1  }
0x70: {  	v61 =	vld [tilespmem:$0xB0];
	v1 =	vshra.s32 v1, $0x10;
	[tilespmem:$0x7100] =	vst v60  }
0x71: {  	[tilespmem:$0x7180] =	vst v1;
	v1 =	vand.u32 $0xFFFF, v2  }
0x72: {  	[tilespmem:$0x7110] =	vst v1;
	v1 =	vshra.s32 v2, $0x10  }
0x73: {  	[tilespmem:$0x7190] =	vst v1;
	v1 =	vand.u32 $0xFFFF, v3  }
0x74: {  	[tilespmem:$0x7120] =	vst v1;
	v1 =	vshra.s32 v3, $0x10  }
0x75: {  	[tilespmem:$0x71A0] =	vst v1;
	v1 =	vand.u32 $0xFFFF, v61  }
0x76: {  	[tilespmem:$0x7130] =	vst v1;
	v1 =	vshra.s32 v61, $0x10  }
0x77: {  	[tilespmem:$0x71B0] =	vst v1  }
0x78: {  	[tilespmem:s23], [sflag:$0x2] =	stream.indirect.gather [hbm4b:s4+s20], $0x80, s22, s20, $0xb8;
	[tilespmem:$0x1F300] =	vst v63  }
0x79: {  	v1 =	vld [tilespmem:$0x100];
	_ =	sdelay $0x1  }
0x7a: {  	v2 =	vld [tilespmem:$0x110];
	_ =	sdelay $0x1  }
0x7b: {  	v3 =	vld [tilespmem:$0x120]  }
0x7c: {  	v62 =	vand.u32 $0xFFFF, v1  }
0x7d: {  	v63 =	vld [tilespmem:$0x130];
	v1 =	vshra.s32 v1, $0x10;
	[tilespmem:$0x9200] =	vst v62  }
0x7e: {  	[tilespmem:$0x9280] =	vst v1;
	v1 =	vand.u32 $0xFFFF, v2  }
0x7f: {  	[tilespmem:$0x9210] =	vst v1;
	v1 =	vshra.s32 v2, $0x10  }
0x80: {  	[tilespmem:$0x9290] =	vst v1;
	v1 =	vand.u32 $0xFFFF, v3  }
0x81: {  	[tilespmem:$0x9220] =	vst v1;
	v1 =	vshra.s32 v3, $0x10  }
0x82: {  	[tilespmem:$0x92A0] =	vst v1;
	v1 =	vand.u32 $0xFFFF, v63  }
0x83: {  	[tilespmem:$0x9230] =	vst v1;
	v1 =	vshra.s32 v63, $0x10  }
0x84: {  	s9 =	simm.s32 $0xAC0;
	[tilespmem:$0x92B0] =	vst v1  }
0x85: {  	[tilespmem:s25], [sflag:$0x3] =	stream.indirect.gather [hbm4b:s4+s20], $0x80, s24, s20, $0xb8;
	[tilespmem:$0x1F300] =	vst v63  }
.LBB2_4:
0x86: {  	_ =	swait.ge [sflag:s26], $0x2000  }
0x87: {  	[sflag:s26] =	ssyncset.done $0x0  }
0x88: {  	[sflag:s26] =	ssyncadd.s32 $0xFFFFE000  }
0x89: {  	[spmem:s2] =	stream.indirect.scatter.add.f32 [tilespmem:s19], [sflag:$0x4], $0x80, s28, s20, $0xb8;
	[tilespmem:$0x1F300] =	vst v63  }
0x8a: {  	_ =	swait.ge [sflag:s29], $0x2000  }
0x8b: {  	[sflag:s29] =	ssyncset.done $0x0  }
0x8c: {  	s10 =	sshra.s32 s9, $0x2;
	[sflag:s29] =	ssyncadd.s32 $0xFFFFE000  }
0x8d: {  	v1 =	vld [tilespmem:s10+$0xFFFFFED0];
	_ =	sdelay $0x4  }
0x8e: {  	v2 =	vand.u32 $0xFFFF, v1  }
0x8f: {  	v1 =	vshra.s32 v1, $0x10;
	[tilespmem:$0x5000] =	vst v2  }
0x90: {  	[tilespmem:$0x5080] =	vst v1  }
0x91: {  	v1 =	vld [tilespmem:s10+$0xFFFFFEE0];
	_ =	sdelay $0x4  }
0x92: {  	v2 =	vand.u32 $0xFFFF, v1  }
0x93: {  	v1 =	vshra.s32 v1, $0x10;
	[tilespmem:$0x5010] =	vst v2  }
0x94: {  	[tilespmem:$0x5090] =	vst v1  }
0x95: {  	v1 =	vld [tilespmem:s10+$0xFFFFFEF0];
	_ =	sdelay $0x4  }
0x96: {  	v2 =	vand.u32 $0xFFFF, v1  }
0x97: {  	v1 =	vshra.s32 v1, $0x10;
	[tilespmem:$0x5020] =	vst v2  }
0x98: {  	[tilespmem:$0x50A0] =	vst v1  }
0x99: {  	v1 =	vld [tilespmem:s10+$0xFFFFFF00];
	_ =	sdelay $0x4  }
0x9a: {  	v2 =	vand.u32 $0xFFFF, v1  }
0x9b: {  	v1 =	vshra.s32 v1, $0x10;
	[tilespmem:$0x5030] =	vst v2  }
0x9c: {  	[tilespmem:$0x50B0] =	vst v1  }
0x9d: {  	[tilespmem:s19], [sflag:$0x1] =	stream.indirect.gather [hbm4b:s4+s20], $0x80, s21, s20, $0xb8;
	[tilespmem:$0x1F300] =	vst v63  }
0x9e: {  	_ =	swait.ge [sflag:s30], $0x2000  }
0x9f: {  	p0 =	seq.s32 s9, $0x13CC0;
	[sflag:s30] =	ssyncset.done $0x0  }
.Ltmp3:
0xa0: {  	[sflag:s30] =	ssyncadd.s32 $0xFFFFE000;
	(pc) =	sbr.rel @p0 .LBB2_6-.Ltmp3, $4  }
0xa1: {  	[spmem:s2] =	stream.indirect.scatter.add.f32 [tilespmem:s23], [sflag:$0x5], $0x80, s31, s20, $0xb8;
	[tilespmem:$0x1F300] =	vst v63  }
0xa2: {  	_ =	swait.ge [sflag:s1], $0x2000  }
0xa3: {  	[sflag:s1] =	ssyncset.done $0x0  }
0xa4: {  	[sflag:s1] =	ssyncadd.s32 $0xFFFFE000  }
0xa5: {  	v1 =	vld [tilespmem:s10+$0xFFFFFF50];
	_ =	sdelay $0x4  }
0xa6: {  	v2 =	vand.u32 $0xFFFF, v1  }
0xa7: {  	v1 =	vshra.s32 v1, $0x10;
	[tilespmem:$0x7100] =	vst v2  }
0xa8: {  	[tilespmem:$0x7180] =	vst v1  }
0xa9: {  	v1 =	vld [tilespmem:s10+$0xFFFFFF60];
	_ =	sdelay $0x4  }
0xaa: {  	v2 =	vand.u32 $0xFFFF, v1  }
0xab: {  	v1 =	vshra.s32 v1, $0x10;
	[tilespmem:$0x7110] =	vst v2  }
0xac: {  	[tilespmem:$0x7190] =	vst v1  }
0xad: {  	v1 =	vld [tilespmem:s10+$0xFFFFFF70];
	_ =	sdelay $0x4  }
0xae: {  	v2 =	vand.u32 $0xFFFF, v1  }
0xaf: {  	v1 =	vshra.s32 v1, $0x10;
	[tilespmem:$0x7120] =	vst v2  }
0xb0: {  	[tilespmem:$0x71A0] =	vst v1  }
0xb1: {  	v1 =	vld [tilespmem:s10+$0xFFFFFF80];
	_ =	sdelay $0x4  }
0xb2: {  	v2 =	vand.u32 $0xFFFF, v1  }
0xb3: {  	v1 =	vshra.s32 v1, $0x10;
	[tilespmem:$0x7130] =	vst v2  }
0xb4: {  	[tilespmem:$0x71B0] =	vst v1  }
0xb5: {  	[tilespmem:s23], [sflag:$0x2] =	stream.indirect.gather [hbm4b:s4+s20], $0x80, s22, s20, $0xb8;
	[tilespmem:$0x1F300] =	vst v63  }
0xb6: {  	_ =	swait.ge [sflag:s0], $0x2000  }
0xb7: {  	[sflag:s0] =	ssyncset.done $0x0  }
0xb8: {  	[sflag:s0] =	ssyncadd.s32 $0xFFFFE000  }
0xb9: {  	[spmem:s2] =	stream.indirect.scatter.add.f32 [tilespmem:s25], [sflag:$0x6], $0x80, s6, s20, $0xb8;
	[tilespmem:$0x1F300] =	vst v63  }
0xba: {  	_ =	swait.ge [sflag:s7], $0x2000  }
0xbb: {  	[sflag:s7] =	ssyncset.done $0x0  }
0xbc: {  	[sflag:s7] =	ssyncadd.s32 $0xFFFFE000  }
0xbd: {  	v1 =	vld [tilespmem:s10+$0xFFFFFFD0];
	_ =	sdelay $0x4  }
0xbe: {  	v2 =	vand.u32 $0xFFFF, v1  }
0xbf: {  	v1 =	vshra.s32 v1, $0x10;
	[tilespmem:$0x9200] =	vst v2  }
0xc0: {  	[tilespmem:$0x9280] =	vst v1  }
0xc1: {  	v1 =	vld [tilespmem:s10+$0xFFFFFFE0];
	_ =	sdelay $0x4  }
0xc2: {  	v2 =	vand.u32 $0xFFFF, v1  }
0xc3: {  	v1 =	vshra.s32 v1, $0x10;
	[tilespmem:$0x9210] =	vst v2  }
0xc4: {  	[tilespmem:$0x9290] =	vst v1  }
0xc5: {  	v1 =	vld [tilespmem:s10+$0xFFFFFFF0];
	_ =	sdelay $0x4  }
0xc6: {  	v2 =	vand.u32 $0xFFFF, v1  }
0xc7: {  	v1 =	vshra.s32 v1, $0x10;
	[tilespmem:$0x9220] =	vst v2  }
0xc8: {  	[tilespmem:$0x92A0] =	vst v1  }
0xc9: {  	v1 =	vld [tilespmem:s10+$0x0];
	_ =	sdelay $0x3  }
.Ltmp4:
0xca: {  	_ = 	snop;
	(pc) =	sbr.rel .LBB2_4-.Ltmp4, $4  }
0xcb: {  	v2 =	vand.u32 $0xFFFF, v1  }
0xcc: {  	v1 =	vshra.s32 v1, $0x10;
	[tilespmem:$0x9230] =	vst v2  }
0xcd: {  	s9 =	sadd.s32 $0x600, s9;
	[tilespmem:$0x92B0] =	vst v1  }
0xce: {  	[tilespmem:s25], [sflag:$0x3] =	stream.indirect.gather [hbm4b:s4+s20], $0x80, s24, s20, $0xb8;
	[tilespmem:$0x1F300] =	vst v63  }
.LBB2_7:
0xcf: {  	_ =	sfence.sel $0x180000  }
0xd0: {  	[bflag:$0x0] =	sbarrier.arrive $0xFFFF  }
0xd1: {  	_ =	strace $0x9000004A  }
0xd2: {  	s0 =	stileid.u32;
	[bflag:$0x2] =	sbarrier.arrive $0xFFFF  }
0xd3: {  	p0 =	sne.s32 s0, $0x0;
	s0 =	rddreg [dreg:$0x2]  }
0xd4: {  	s0 =	sadd.s32 @!p0 $0x100000, s0  }
0xd5: {  	[sflag:s0] =	ssyncadd.tile.s32 @!p0 $0x1;
	_ =	shalt  }
.Lfunc_end2:
_tile_overlayer_lowered:
.L_overlay_start_2:
0xd6: {  	(tag) =	ssettag $0x2  }
0xd7: {  	s0 =	rddreg [dreg:$0x0];
	s2 =	stileid.u32  }
0xd8: {  	s1 =	rddreg [dreg:$0x1];
	p0 =	sne.s32 s2, $0x0  }
0xd9: {  	s3 =	rddreg [dreg:$0x2];
	[bflag:$0x3] =	sbarrier.arrive $0xFFFF;
	s2 =	simm.s32 @!p0 $0x1C07  }
0xda: {  	[timem:s3], [sflag:s2] =	dma.local @!p0 [hbm:s0], s1  }
0xdb: {  	s0 =	simm.s32 @!p0 $0x7  }
0xdc: {  	_ =	swait.ge @!p0 [sflag:s0], s1  }
0xdd: {  	s1 =	ssub.s32 @!p0 $0x0, s1;
	[sflag:s0] =	ssyncset.done @!p0 $0x0  }
0xde: {  	[sflag:s0] =	ssyncadd.s32 @!p0 s1  }
0xdf: {  	[bflag:$0x3] =	sbarrier.arrive $0xFFFF  }
0xe0: {  	_ =	shalt  }

// kernel: kernel.17.cloned.1.call-start
scs
__scs_entry_jumppad:
0x0: {  	(pc) =	sbr.rel $0x88, $3  }
0x1: {  	(tag) =	ssettag $0x0;
	lr =	simm.s32 $0x1  }
0x2: {  	[smem:$0x3F96] =	sst lr;
	_ =	strace $0xD0000000  }
0x3: {  	_ = 	snop  }
0x4: {  	_ = 	snop  }
0x5: {  	_ = 	snop  }
0x6: {  	_ = 	snop  }
0x7: {  	_ = 	snop  }
__scs_overlays_trampoline_lowered:
0x8: {  	[smem:$0x3FA5] =	sst s0  }
0x9: {  	[smem:$0x3FA6] =	sst s1  }
0xa: {  	[smem:$0x3FA7] =	sst s2  }
0xb: {  	[smem:$0x3FA8] =	sst s3  }
0xc: {  	[smem:$0x3FA9] =	sst s4  }
0xd: {  	[smem:$0x3FAA] =	sst s5  }
0xe: {  	[smem:$0x3FAB] =	sst s6  }
0xf: {  	[smem:$0x3FAC] =	sst s7  }
0x10: {  	[smem:$0x3FAD] =	sst s8  }
0x11: {  	[smem:$0x3FAE] =	sst s9;
	s0 =	simm.s32 @!p0 $0x0  }
0x12: {  	s1 =	sld [smem:$0x3F94];
	s0 =	simm.s32 @p0 $0x1  }
0x13: {  	[smem:$0x3FAF] =	sst s0;
	s0 =	simm.s32 @!p1 $0x0  }
0x14: {  	s2 =	sld [smem:$0x3F93];
	s0 =	simm.s32 @p1 $0x1  }
0x15: {  	[smem:$0x3FB0] =	sst s0;
	s0 =	simm.s32 @!p2 $0x0  }
0x16: {  	s3 =	sld [smem:$0x3FDB];
	s0 =	simm.s32 @p2 $0x1  }
0x17: {  	s4 =	simm.s32 $0x1BF5;
	[smem:$0x3FB2] =	sst s0  }
0x18: {  	s0 =	sld [smem:$0x3F95];
	_ =	swait.ge [sflag:s4], $0x0  }
0x19: {  	s7 =	sld [smem:$0x3F96]  }
0x1a: {  	s8 =	sadd.s32 $0xFFFFE003, lr  }
0x1b: {  	s9 =	sadd.s32 $0xFFFFFEF7, lr;
	s5 =	simm.s32 $0xFFFFFFFF;
	p2 =	slt.u32 s8, $0xFFFFF086  }
0x1c: {  	p1 =	slt.u32 s9, $0xF7A;
	s5 =	simm.s32 @!p2 $0x0  }
0x1d: {  	s5 =	simm.s32 @p1 $0x1;
	p0 =	seq.s32 s7, s2  }
0x1e: {  	s7 =	smul.u32 @!p0 $0xF7A, s2;
	p2 =	seq.s32 @!p0 s5, $0x0  }
0x1f: {  	s9 =	smul.u32 $0xF7A, s1;
	s8 =	simm.s32 @!p0 $0x1BF5;
	p2 =	por !p2, p0  }
0x20: {  	[sflag:s8] =	ssyncset.s32 @!p0 $0xFFFFF086;
	s6 =	sadd.s32 @!p0 s3, s7;
	s7 =	simm.s32 @!p0 $0x108  }
0x21: {  	s3 =	sadd.s32 s3, s9;
	s6 =	sadd.s32 @!p0 $0x88, s6;
	s7 =	simm.s32 @p2 $0x1082  }
0x22: {  	[simem:s7], [sflag:s8] =	dma.local @!p0 [hbm:s6], $0xF7A  }
0x23: {  	s9 =	sor.u32 $0xD0000000, s2;
	s6 =	simm.s32 $0x108;
	_ =	swait.ge @!p0 [sflag:s8], $0x0  }
0x24: {  	s3 =	sadd.s32 $0x88, s3;
	s6 =	simm.s32 @!p1 $0x1082;
	[sflag:s4] =	ssyncset.s32 $0xFFFFF086  }
0x25: {  	[simem:s6], [sflag:s4] =	dma.local [hbm:s3], $0xF7A  }
0x26: {  	[smem:$0x3F96] =	sst s1;
	(tag) =	ssettag s2;
	_ =	strace s9  }
0x27: {  	s1 =	sld [smem:$0x3FA6]  }
0x28: {  	s2 =	sld [smem:$0x3FA7]  }
0x29: {  	s4 =	sld [smem:$0x3FA9]  }
0x2a: {  	p0 =	seq.s32 s5, $0x0;
	s5 =	sld [smem:$0x3FAA]  }
0x2b: {  	s6 =	sld [smem:$0x3FAB]  }
0x2c: {  	s7 =	sld [smem:$0x3FAC]  }
0x2d: {  	s3 =	simm.s32 $0x108;
	s8 =	sld [smem:$0x3FAD]  }
0x2e: {  	s3 =	simm.s32 @!p0 $0x1082;
	s9 =	sld [smem:$0x3FAE]  }
0x2f: {  	lr =	sadd.s32 s0, s3;
	s0 =	sld [smem:$0x3FA5]  }
0x30: {  	s3 =	sld [smem:$0x3FA8]  }
0x31: {  	[smem:$0x3FB1] =	sst s10  }
0x32: {  	s10 =	sld [smem:$0x3FAF];
	_ =	sdelay $0x3  }
0x33: {  	p0 =	seq.s32 s10, $0x1;
	s10 =	sld [smem:$0x3FB1];
	_ =	sdelay $0x3  }
0x34: {  	[smem:$0x3FB1] =	sst s10  }
0x35: {  	s10 =	sld [smem:$0x3FB0];
	_ =	sdelay $0x3  }
0x36: {  	p1 =	seq.s32 s10, $0x1;
	s10 =	sld [smem:$0x3FB1];
	_ =	sdelay $0x3  }
0x37: {  	[smem:$0x3FB1] =	sst s10  }
0x38: {  	s10 =	sld [smem:$0x3FB2]  }
0x39: {  	_ = 	snop;
	(pc) =	sbr.ind lr, $3  }
0x3a: {  	_ = 	snop  }
0x3b: {  	_ = 	snop  }
0x3c: {  	p2 =	seq.s32 s10, $0x1;
	s10 =	sld [smem:$0x3FB1]  }
0x3d: {  	_ =	shalt  }
0x3e: {  	_ =	shalt  }
0x3f: {  	_ =	shalt  }
0x40: {  	_ =	shalt  }
0x41: {  	_ =	shalt  }
0x42: {  	_ =	shalt  }
0x43: {  	_ =	shalt  }
0x44: {  	_ =	shalt  }
0x45: {  	_ =	shalt  }
0x46: {  	_ =	shalt  }
0x47: {  	_ =	shalt  }
0x48: {  	_ =	shalt  }
0x49: {  	_ =	shalt  }
0x4a: {  	_ =	shalt  }
0x4b: {  	_ =	shalt  }
0x4c: {  	_ =	shalt  }
0x4d: {  	_ =	shalt  }
0x4e: {  	_ =	shalt  }
0x4f: {  	_ =	shalt  }
0x50: {  	_ =	shalt  }
0x51: {  	_ =	shalt  }
0x52: {  	_ =	shalt  }
0x53: {  	_ =	shalt  }
0x54: {  	_ =	shalt  }
0x55: {  	_ =	shalt  }
0x56: {  	_ =	shalt  }
0x57: {  	_ =	shalt  }
0x58: {  	_ =	shalt  }
0x59: {  	_ =	shalt  }
0x5a: {  	_ =	shalt  }
0x5b: {  	_ =	shalt  }
0x5c: {  	_ =	shalt  }
0x5d: {  	_ =	shalt  }
0x5e: {  	_ =	shalt  }
0x5f: {  	_ =	shalt  }
0x60: {  	_ =	shalt  }
0x61: {  	_ =	shalt  }
0x62: {  	_ =	shalt  }
0x63: {  	_ =	shalt  }
0x64: {  	_ =	shalt  }
0x65: {  	_ =	shalt  }
0x66: {  	_ =	shalt  }
0x67: {  	_ =	shalt  }
0x68: {  	_ =	shalt  }
0x69: {  	_ =	shalt  }
0x6a: {  	_ =	shalt  }
0x6b: {  	_ =	shalt  }
0x6c: {  	_ =	shalt  }
0x6d: {  	_ =	shalt  }
0x6e: {  	_ =	shalt  }
0x6f: {  	_ =	shalt  }
0x70: {  	_ =	shalt  }
0x71: {  	_ =	shalt  }
0x72: {  	_ =	shalt  }
0x73: {  	_ =	shalt  }
0x74: {  	_ =	shalt  }
0x75: {  	_ =	shalt  }
0x76: {  	_ =	shalt  }
0x77: {  	_ =	shalt  }
0x78: {  	_ =	shalt  }
0x79: {  	_ =	shalt  }
0x7a: {  	_ =	shalt  }
0x7b: {  	_ =	shalt  }
0x7c: {  	_ =	shalt  }
0x7d: {  	_ =	shalt  }
0x7e: {  	_ =	shalt  }
0x7f: {  	_ =	shalt  }
0x80: {  	_ =	shalt  }
0x81: {  	_ =	shalt  }
0x82: {  	_ =	shalt  }
0x83: {  	_ =	shalt  }
0x84: {  	_ =	shalt  }
0x85: {  	_ =	shalt  }
0x86: {  	_ =	shalt  }
0x87: {  	_ =	shalt  }
.Lfunc_end0:
.L_simem_size_0:
called_computation.2_lowered:
.L_overlay_start_0:
0x88: {  	s2 =	sld [smem:$0x3FD9]  }
0x89: {  	s3 =	sld [smem:$0x3FFE];
	_ =	sdelay $0x1  }
0x8a: {  	s1 =	srdreg.scid  }
0x8b: {  	s0 =	sand.u32 $0x1, s1  }
0x8c: {  	s16 =	sshll.u32 s0, $0xA;
	s2 =	sadd.s32 s3, s2  }
0x8d: {  	s2 =	sadd.s32 s2, s16  }
0x8e: {  	[smem:$0x3FBD] =	sst s2  }
0x8f: {  	_ = 	snop  }
0x90: {  	(tm) =	ssettm $0x1  }
0x91: {  	s17 =	sld [smem:$0x3FFB];
	_ =	sdelay $0x3  }
0x92: {  	_ =	strace s17  }
0x93: {  	s2 =	sld [smem:$0x3FFC];
	_ =	sdelay $0x3  }
0x94: {  	_ =	strace s2  }
0x95: {  	s2 =	sld [smem:$0x3FFD];
	_ =	sdelay $0x3  }
0x96: {  	_ =	strace s2  }
0x97: {  	_ =	strace $0x8FFFFFFF  }
0x98: {  	s18 =	sld [smem:$0x3FDB];
	_ =	sdelay $0x1  }
0x99: {  	s19 =	simm.s32 $_scs_section_size  }
0x9a: {  	s4 =	simm.s32 $_size__tile_overlayer_lowered;
	s5 =	simm.s32 $_tile_overlayer_lowered  }
0x9b: {  	s22 =	simm.s32 $0x1BFF;
	s21 =	sshll.u32 s5, $0x1;
	s2 =	sadd.s32 s19, s18  }
0x9c: {  	s6 =	simm.s32 $0x0;
	s20 =	sshll.u32 s4, $0x1;
	s4 =	sadd.s32 s21, s2  }
0x9d: {  	[timem:s6], [sflag:s22] =	dma.local [hbm:s4], s20  }
0x9e: {  	_ =	swait.ge [sflag:s22], s20  }
0x9f: {  	s3 =	ssub.s32 $0x0, s20;
	[sflag:s22] =	ssyncset.done $0x0  }
0xa0: {  	[sflag:s22] =	ssyncadd.s32 s3;
	_ =	sdelay $0x1  }
0xa1: {  	s23 =	simm.s32 $0x1B8B  }
0xa2: {  	_ =	swait.ge [sflag:s23], $0x1  }
0xa3: {  	[sflag:s23] =	ssyncset.done $0x0  }
0xa4: {  	s25 =	simm.s32 $0x1B8E;
	s24 =	sld [smem:$0x3FFE];
	[sflag:s23] =	ssyncadd.s32 $0xFFFFFFFF  }
0xa5: {  	s26 =	simm.s32 $execute0_lowered;
	[smem:$0x3FD2] =	sst s25  }
0xa6: {  	s4 =	sshll.u32 s26, $0x1;
	_ =	strace $0x8000004C;
	[dreg:$0x1] =	wrdreg $0xFFFFFFFF  }
0xa7: {  	s28 =	simm.s32 $_size_execute0_lowered;
	s2 =	sadd.s32 s2, s4;
	[dreg:$0x0] =	wrdreg $0x0  }
0xa8: {  	s4 =	sshll.u32 s28, $0x1;
	[dreg:$0x2] =	wrdreg s2  }
0xa9: {  	[dreg:$0x3] =	wrdreg s4  }
0xaa: {  	[dreg:$0x4] =	wrdreg $0xC0  }
0xab: {  	_ =	task [dreg:s6], $0x5FFFF  }
0xac: {  	[dreg:$0x1] =	wrdreg $0xFFFFFFFF  }
0xad: {  	[dreg:$0x0] =	wrdreg $0x60  }
0xae: {  	[dreg:$0x2] =	wrdreg s24  }
0xaf: {  	[dreg:$0x3] =	wrdreg $0xB3000  }
0xb0: {  	[dreg:$0x4] =	wrdreg $0x9  }
0xb1: {  	_ =	task.clear_ibuf [dreg:s6], $0x5FFFF;
	_ =	strace $0x9000004C  }
0xb2: {  	s29 =	simm.s32 $0x9;
	_ =	strace $0x8000004E  }
0xb3: {  	_ =	swait.ge [sflag:s29], $0x1  }
0xb4: {  	[sflag:s29] =	ssyncadd.s32 $0xFFFFFFFF  }
0xb5: {  	_ =	strace $0x9000004E  }
0xb6: {  	_ =	sfence  }
0xb7: {  	s30 =	sld [smem:$0x0];
	_ =	sdelay $0x2  }
0xb8: {  	s31 =	sshll.u32 s1, $0xD;
	s1 =	sshrl.u32 s1, $0x2  }
0xb9: {  	s3 =	sand.u32 $0x4000, s31;
	s1 =	sadd.s32 s1, s30  }
0xba: {  	s0 =	sor.u32 s3, s0;
	s1 =	sshll.u32 s1, $0x11  }
0xbb: {  	s0 =	sor.u32 s1, s0  }
0xbc: {  	s0 =	sadd.s32 $0x8F2B, s0  }
0xbd: {  	[sflag:s0] =	ssyncadd.remote.s32 $0x1  }
0xbe: {  	_ =	sfence.sel $0xFFFF  }
0xbf: {  	[dreg:$0x0] =	wrdreg $0xFFFFFFFF;
	(pc) =	sbr.abs _section_cstart, $3  }
0xc0: {  	[dreg:$0x1] =	wrdreg $0xFFFFFFFF  }
0xc1: {  	_ =	task.clear_ibuf [dreg:s6], $0x2FFFF;
	_ =	strace $0x9FFFFFFF  }
0xc2: {  	(tm) =	ssettm $0x7FFFFFFF  }
0xc3: {  	_ =	shalt  }
tec
execute0_lowered:
.L_overlay_start_1:
0x0: {  	(tag) =	ssettag $0x1  }
0x1: {  	s0 =	srdreg.scid;
	s5 =	rddreg [dreg:$0x0]  }
0x2: {  	s8 =	stileid.u32;
	s2 =	rddreg [dreg:$0x1];
	s3 =	simm.s32 $0x0  }
0x3: {  	s18 =	simm.s32 $0x7;
	s19 =	simm.s32 $0x5100;
	s28 =	simm.s32 $0x5080  }
0x4: {  	s29 =	simm.s32 $0x4;
	s30 =	simm.s32 $0x2;
	s31 =	simm.s32 $0x7180  }
0x5: {  	s0 =	sand.u32 $0x1, s0;
	s1 =	sshll.u32 s8, $0x1;
	s7 =	smul.u32 $0x14000, s8  }
0x6: {  	[smem:$0x7FF] =	sst s3;
	s4 =	sadd.s32 $0x2CA00, s5;
	s8 =	smul.u32 $0x50000, s8  }
0x7: {  	s1 =	sor.u32 s0, s1;
	s6 =	smul.u32 $0x140000, s0;
	s0 =	ssub.s32 $0x2, s0  }
0x8: {  	_ =	strace $0x8000004D;
	s1 =	smul.u32 $0xA00, s1;
	s20 =	sshrl.u32 s0, $0x1  }
0x9: {  	s8 =	sshrl.u32 s8, $0x2;
	s6 =	sadd.s32 s7, s6;
	s0 =	ssub.s32 s0, s20  }
0xa: {  	s20 =	simm.s32 $0x40;
	s7 =	simm.s32 $0x6;
	s1 =	sadd.s32 s1, s5  }
0xb: {  	s6 =	sshrl.u32 s6, $0x3;
	s17 =	smax.u32 s0, $0x1;
	s0 =	simm.s32 $0x3  }
0xc: {  	s6 =	sadd.s32 s6, s5;
	s5 =	sadd.s32 s8, s2;
	s1 =	sadd.s32 $0x18A00, s1  }
0xd: {  	s8 =	simm.s32 $0x0;
	[dreg:$0x3] =	wrdreg s1;
	s21 =	sadd.s32 $0x2000, s5  }
0xe: {  	s22 =	sadd.s32 $0x4000, s5;
	s23 =	sadd.s32 $0x6000, s5;
	[dreg:$0x4] =	wrdreg s21  }
0xf: {  	s24 =	sadd.s32 $0x8000, s5;
	s25 =	sadd.s32 $0xA000, s5;
	[dreg:$0x5] =	wrdreg s22  }
0x10: {  	s26 =	sadd.s32 $0xC000, s5;
	s13 =	sadd.s32 $0xE000, s5;
	[dreg:$0x6] =	wrdreg s23  }
.Ltmp0:
0x11: {  	s14 =	sadd.s32 $0x10000, s5;
	[dreg:$0x7] =	wrdreg s24;
	(pc) =	sbr.rel .LBB2_1-.Ltmp0, $4  }
0x12: {  	s15 =	sadd.s32 $0x12000, s5;
	s16 =	sadd.s32 $0x7AE00, s6;
	[dreg:$0x8] =	wrdreg s25  }
0x13: {  	s1 =	simm.s32 $0x5;
	s6 =	simm.s32 $0x9280;
	[dreg:$0x9] =	wrdreg s26  }
0x14: {  	s21 =	simm.s32 $0x5000;
	s22 =	simm.s32 $0x7100;
	s23 =	simm.s32 $0x7200  }
0x15: {  	v0 =	vimm.f32 $0.0e+00;
	s24 =	simm.s32 $0x9200;
	s25 =	simm.s32 $0x9300;
	s26 =	simm.s32 $0x1  }
.LBB2_6:
0x16: {  	_ =	swait.ge [sflag:s0], $0x2000  }
0x17: {  	[sflag:s0] =	ssyncset.done $0x0  }
0x18: {  	[sflag:s0] =	ssyncadd.s32 $0xFFFFE000  }
0x19: {  	[spmem:s2] =	stream.indirect.scatter.add.f32 [tilespmem:s25], [sflag:$0x6], $0x80, s6, s20, $0xb8;
	[tilespmem:$0x1F300] =	vst v63  }
0x1a: {  	_ =	swait.ge [sflag:s7], $0x2000  }
0x1b: {  	[sflag:s7] =	ssyncset.done $0x0  }
0x1c: {  	[sflag:s7] =	ssyncadd.s32 $0xFFFFE000  }
0x1d: {  	_ =	swait.ge [sflag:s26], $0x2000  }
0x1e: {  	[sflag:s26] =	ssyncset.done $0x0  }
0x1f: {  	[sflag:s26] =	ssyncadd.s32 $0xFFFFE000  }
0x20: {  	[spmem:s2] =	stream.indirect.scatter.add.f32 [tilespmem:s19], [sflag:$0x4], $0x80, s28, s20, $0xb8;
	[tilespmem:$0x1F300] =	vst v63  }
0x21: {  	s9 =	stileid.u32;
	_ =	swait.ge [sflag:s29], $0x2000  }
0x22: {  	s10 =	sshrl.u32 s5, $0x3;
	s8 =	sadd.s32 $0x1, s8;
	[sflag:s29] =	ssyncset.done $0x0  }
0x23: {  	s9 =	sshll.u32 s9, $0x6;
	p0 =	sne.s32 s8, s17;
	[sflag:s29] =	ssyncadd.s32 $0xFFFFE000  }
.Ltmp1:
0x24: {  	s9 =	sor.u32 $0x1C07, s9;
	[bflag:$0x0] =	sbarrier.arrive $0xFFFF;
	(pc) =	sbr.rel @!p0 .LBB2_7-.Ltmp1, $4  }
0x25: {  	[hbm:s16], [sflag:s9] =	dma.local [spmem:s10], $0x2800  }
0x26: {  	_ =	swait.ge [sflag:s18], $0x2800  }
0x27: {  	[sflag:s18] =	ssyncset.done $0x0  }
0x28: {  	[sflag:s18] =	ssyncadd.s32 $0xFFFFD800  }
.LBB2_1:
0x29: {  	s9 =	rddreg [dreg:$0x3]  }
0x2a: {  	[tilespmem:s3], [sflag:$0x7] =	stream.linear.gather [hbm4b:s9+s3], $0x4E80, $0x38;
	[tilespmem:$0x1F300] =	vst v63  }
0x2b: {  	s12 =	sand.u32 $0x7E00, s3;
	s10 =	sand.u32 $0x70, s3;
	_ =	swait.ge [sflag:s18], $0x4E80  }
0x2c: {  	s11 =	sshrl.u32 s12, $0x2;
	s9 =	simm.s32 $0x40;
	[sflag:s18] =	ssyncset.done $0x0  }
0x2d: {  	s11 =	sor.u32 s10, s11;
	s10 =	simm.s32 $0x0;
	[sflag:s18] =	ssyncadd.s32 $0xFFFFB180  }
.LBB2_2:
0x2e: {  	p0 =	sne.s32 s9, $0x7FC0  }
0x2f: {  	[tilespmem:s11+$0x5100] =	vst v0;
	s10 =	sadd.s32 $0x10, s10;
	s11 =	smov.u32 s9;
	s9 =	sadd.s32 $0x40, s9  }
.Ltmp2:
0x30: {  	(pc) =	sbr.rel @p0 .LBB2_2-.Ltmp2, $4  }
0x31: {  	_ = 	snop  }
0x32: {  	s11 =	sand.u32 $0x7E00, s11  }
0x33: {  	s12 =	sand.u32 $0x70, s10;
	s11 =	sshrl.u32 s11, $0x2  }
0x34: {  	s11 =	sor.u32 s12, s11  }
0x35: {  	[tilespmem:s11+$0x5100] =	vst v0  }
0x36: {  	[spmem:s5] =	stream.linear.scatter [tilespmem:s19], [sflag:$0x7], $0x2000, $0x38;
	[tilespmem:$0x1F300] =	vst v63  }
0x37: {  	_ =	swait.ge [sflag:s18], $0x2000  }
0x38: {  	[sflag:s18] =	ssyncset.done $0x0  }
0x39: {  	s9 =	rddreg [dreg:$0x4];
	[sflag:s18] =	ssyncadd.s32 $0xFFFFE000  }
0x3a: {  	[spmem:s9] =	stream.linear.scatter [tilespmem:s19], [sflag:$0x7], $0x2000, $0x38;
	[tilespmem:$0x1F300] =	vst v63  }
0x3b: {  	_ =	swait.ge [sflag:s18], $0x2000  }
0x3c: {  	[sflag:s18] =	ssyncset.done $0x0  }
0x3d: {  	s11 =	rddreg [dreg:$0x5];
	[sflag:s18] =	ssyncadd.s32 $0xFFFFE000  }
0x3e: {  	[spmem:s11] =	stream.linear.scatter [tilespmem:s19], [sflag:$0x7], $0x2000, $0x38;
	[tilespmem:$0x1F300] =	vst v63  }
0x3f: {  	_ =	swait.ge [sflag:s18], $0x2000  }
0x40: {  	[sflag:s18] =	ssyncset.done $0x0  }
0x41: {  	s12 =	rddreg [dreg:$0x6];
	[sflag:s18] =	ssyncadd.s32 $0xFFFFE000  }
0x42: {  	[spmem:s12] =	stream.linear.scatter [tilespmem:s19], [sflag:$0x7], $0x2000, $0x38;
	[tilespmem:$0x1F300] =	vst v63  }
0x43: {  	_ =	swait.ge [sflag:s18], $0x2000  }
0x44: {  	[sflag:s18] =	ssyncset.done $0x0  }
0x45: {  	s10 =	rddreg [dreg:$0x7];
	[sflag:s18] =	ssyncadd.s32 $0xFFFFE000  }
0x46: {  	[spmem:s10] =	stream.linear.scatter [tilespmem:s19], [sflag:$0x7], $0x2000, $0x38;
	[tilespmem:$0x1F300] =	vst v63  }
0x47: {  	_ =	swait.ge [sflag:s18], $0x2000  }
0x48: {  	[sflag:s18] =	ssyncset.done $0x0  }
0x49: {  	s11 =	rddreg [dreg:$0x8];
	[sflag:s18] =	ssyncadd.s32 $0xFFFFE000  }
0x4a: {  	[spmem:s11] =	stream.linear.scatter [tilespmem:s19], [sflag:$0x7], $0x2000, $0x38;
	[tilespmem:$0x1F300] =	vst v63  }
0x4b: {  	_ =	swait.ge [sflag:s18], $0x2000  }
0x4c: {  	[sflag:s18] =	ssyncset.done $0x0  }
0x4d: {  	s12 =	rddreg [dreg:$0x9];
	[sflag:s18] =	ssyncadd.s32 $0xFFFFE000  }
0x4e: {  	[spmem:s12] =	stream.linear.scatter [tilespmem:s19], [sflag:$0x7], $0x2000, $0x38;
	[tilespmem:$0x1F300] =	vst v63  }
0x4f: {  	_ =	swait.ge [sflag:s18], $0x2000  }
0x50: {  	[sflag:s18] =	ssyncset.done $0x0  }
0x51: {  	[sflag:s18] =	ssyncadd.s32 $0xFFFFE000  }
0x52: {  	[spmem:s13] =	stream.linear.scatter [tilespmem:s19], [sflag:$0x7], $0x2000, $0x38;
	[tilespmem:$0x1F300] =	vst v63  }
0x53: {  	_ =	swait.ge [sflag:s18], $0x2000  }
0x54: {  	[sflag:s18] =	ssyncset.done $0x0  }
0x55: {  	[sflag:s18] =	ssyncadd.s32 $0xFFFFE000  }
0x56: {  	[spmem:s14] =	stream.linear.scatter [tilespmem:s19], [sflag:$0x7], $0x2000, $0x38;
	[tilespmem:$0x1F300] =	vst v63  }
0x57: {  	_ =	swait.ge [sflag:s18], $0x2000  }
0x58: {  	[sflag:s18] =	ssyncset.done $0x0  }
0x59: {  	[sflag:s18] =	ssyncadd.s32 $0xFFFFE000  }
0x5a: {  	[spmem:s15] =	stream.linear.scatter [tilespmem:s19], [sflag:$0x7], $0x2000, $0x38;
	[tilespmem:$0x1F300] =	vst v63  }
0x5b: {  	_ =	swait.ge [sflag:s18], $0x2000  }
0x5c: {  	[sflag:s18] =	ssyncset.done $0x0  }
0x5d: {  	[sflag:s18] =	ssyncadd.s32 $0xFFFFE000  }
0x5e: {  	[bflag:$0x0] =	sbarrier.arrive $0xFFFF  }
0x5f: {  	v1 =	vld [tilespmem:$0x0];
	_ =	sdelay $0x1  }
0x60: {  	v2 =	vld [tilespmem:$0x10];
	_ =	sdelay $0x1  }
0x61: {  	v3 =	vld [tilespmem:$0x20]  }
0x62: {  	v4 =	vand.u32 $0xFFFF, v1  }
0x63: {  	v59 =	vld [tilespmem:$0x30];
	v1 =	vshra.s32 v1, $0x10;
	[tilespmem:$0x5000] =	vst v4  }
0x64: {  	[tilespmem:$0x5080] =	vst v1;
	v1 =	vand.u32 $0xFFFF, v2  }
0x65: {  	[tilespmem:$0x5010] =	vst v1;
	v1 =	vshra.s32 v2, $0x10  }
0x66: {  	[tilespmem:$0x5090] =	vst v1;
	v1 =	vand.u32 $0xFFFF, v3  }
0x67: {  	[tilespmem:$0x5020] =	vst v1;
	v1 =	vshra.s32 v3, $0x10  }
0x68: {  	[tilespmem:$0x50A0] =	vst v1;
	v1 =	vand.u32 $0xFFFF, v59  }
0x69: {  	[tilespmem:$0x5030] =	vst v1;
	v1 =	vshra.s32 v59, $0x10  }
0x6a: {  	[tilespmem:$0x50B0] =	vst v1  }
0x6b: {  	[tilespmem:s19], [sflag:$0x1] =	stream.indirect.gather [hbm4b:s4+s20], $0x80, s21, s20, $0xb8;
	[tilespmem:$0x1F300] =	vst v63  }
0x6c: {  	v1 =	vld [tilespmem:$0x80];
	_ =	sdelay $0x1  }
0x6d: {  	v2 =	vld [tilespmem:$0x90];
	_ =	sdelay $0x1  }
0x6e: {  	v3 =	vld [tilespmem:$0xA0]  }
0x6f: {  	v60 =	vand.u32 $0xFFFF, v1  }
0x70: {  	v61 =	vld [tilespmem:$0xB0];
	v1 =	vshra.s32 v1, $0x10;
	[tilespmem:$0x7100] =	vst v60  }
0x71: {  	[tilespmem:$0x7180] =	vst v1;
	v1 =	vand.u32 $0xFFFF, v2  }
0x72: {  	[tilespmem:$0x7110] =	vst v1;
	v1 =	vshra.s32 v2, $0x10  }
0x73: {  	[tilespmem:$0x7190] =	vst v1;
	v1 =	vand.u32 $0xFFFF, v3  }
0x74: {  	[tilespmem:$0x7120] =	vst v1;
	v1 =	vshra.s32 v3, $0x10  }
0x75: {  	[tilespmem:$0x71A0] =	vst v1;
	v1 =	vand.u32 $0xFFFF, v61  }
0x76: {  	[tilespmem:$0x7130] =	vst v1;
	v1 =	vshra.s32 v61, $0x10  }
0x77: {  	[tilespmem:$0x71B0] =	vst v1  }
0x78: {  	[tilespmem:s23], [sflag:$0x2] =	stream.indirect.gather [hbm4b:s4+s20], $0x80, s22, s20, $0xb8;
	[tilespmem:$0x1F300] =	vst v63  }
0x79: {  	v1 =	vld [tilespmem:$0x100];
	_ =	sdelay $0x1  }
0x7a: {  	v2 =	vld [tilespmem:$0x110];
	_ =	sdelay $0x1  }
0x7b: {  	v3 =	vld [tilespmem:$0x120]  }
0x7c: {  	v62 =	vand.u32 $0xFFFF, v1  }
0x7d: {  	v63 =	vld [tilespmem:$0x130];
	v1 =	vshra.s32 v1, $0x10;
	[tilespmem:$0x9200] =	vst v62  }
0x7e: {  	[tilespmem:$0x9280] =	vst v1;
	v1 =	vand.u32 $0xFFFF, v2  }
0x7f: {  	[tilespmem:$0x9210] =	vst v1;
	v1 =	vshra.s32 v2, $0x10  }
0x80: {  	[tilespmem:$0x9290] =	vst v1;
	v1 =	vand.u32 $0xFFFF, v3  }
0x81: {  	[tilespmem:$0x9220] =	vst v1;
	v1 =	vshra.s32 v3, $0x10  }
0x82: {  	[tilespmem:$0x92A0] =	vst v1;
	v1 =	vand.u32 $0xFFFF, v63  }
0x83: {  	[tilespmem:$0x9230] =	vst v1;
	v1 =	vshra.s32 v63, $0x10  }
0x84: {  	s9 =	simm.s32 $0xAC0;
	[tilespmem:$0x92B0] =	vst v1  }
0x85: {  	[tilespmem:s25], [sflag:$0x3] =	stream.indirect.gather [hbm4b:s4+s20], $0x80, s24, s20, $0xb8;
	[tilespmem:$0x1F300] =	vst v63  }
.LBB2_4:
0x86: {  	_ =	swait.ge [sflag:s26], $0x2000  }
0x87: {  	[sflag:s26] =	ssyncset.done $0x0  }
0x88: {  	[sflag:s26] =	ssyncadd.s32 $0xFFFFE000  }
0x89: {  	[spmem:s2] =	stream.indirect.scatter.add.f32 [tilespmem:s19], [sflag:$0x4], $0x80, s28, s20, $0xb8;
	[tilespmem:$0x1F300] =	vst v63  }
0x8a: {  	_ =	swait.ge [sflag:s29], $0x2000  }
0x8b: {  	[sflag:s29] =	ssyncset.done $0x0  }
0x8c: {  	s10 =	sshra.s32 s9, $0x2;
	[sflag:s29] =	ssyncadd.s32 $0xFFFFE000  }
0x8d: {  	v1 =	vld [tilespmem:s10+$0xFFFFFED0];
	_ =	sdelay $0x4  }
0x8e: {  	v2 =	vand.u32 $0xFFFF, v1  }
0x8f: {  	v1 =	vshra.s32 v1, $0x10;
	[tilespmem:$0x5000] =	vst v2  }
0x90: {  	[tilespmem:$0x5080] =	vst v1  }
0x91: {  	v1 =	vld [tilespmem:s10+$0xFFFFFEE0];
	_ =	sdelay $0x4  }
0x92: {  	v2 =	vand.u32 $0xFFFF, v1  }
0x93: {  	v1 =	vshra.s32 v1, $0x10;
	[tilespmem:$0x5010] =	vst v2  }
0x94: {  	[tilespmem:$0x5090] =	vst v1  }
0x95: {  	v1 =	vld [tilespmem:s10+$0xFFFFFEF0];
	_ =	sdelay $0x4  }
0x96: {  	v2 =	vand.u32 $0xFFFF, v1  }
0x97: {  	v1 =	vshra.s32 v1, $0x10;
	[tilespmem:$0x5020] =	vst v2  }
0x98: {  	[tilespmem:$0x50A0] =	vst v1  }
0x99: {  	v1 =	vld [tilespmem:s10+$0xFFFFFF00];
	_ =	sdelay $0x4  }
0x9a: {  	v2 =	vand.u32 $0xFFFF, v1  }
0x9b: {  	v1 =	vshra.s32 v1, $0x10;
	[tilespmem:$0x5030] =	vst v2  }
0x9c: {  	[tilespmem:$0x50B0] =	vst v1  }
0x9d: {  	[tilespmem:s19], [sflag:$0x1] =	stream.indirect.gather [hbm4b:s4+s20], $0x80, s21, s20, $0xb8;
	[tilespmem:$0x1F300] =	vst v63  }
0x9e: {  	_ =	swait.ge [sflag:s30], $0x2000  }
0x9f: {  	p0 =	seq.s32 s9, $0x13CC0;
	[sflag:s30] =	ssyncset.done $0x0  }
.Ltmp3:
0xa0: {  	[sflag:s30] =	ssyncadd.s32 $0xFFFFE000;
	(pc) =	sbr.rel @p0 .LBB2_6-.Ltmp3, $4  }
0xa1: {  	[spmem:s2] =	stream.indirect.scatter.add.f32 [tilespmem:s23], [sflag:$0x5], $0x80, s31, s20, $0xb8;
	[tilespmem:$0x1F300] =	vst v63  }
0xa2: {  	_ =	swait.ge [sflag:s1], $0x2000  }
0xa3: {  	[sflag:s1] =	ssyncset.done $0x0  }
0xa4: {  	[sflag:s1] =	ssyncadd.s32 $0xFFFFE000  }
0xa5: {  	v1 =	vld [tilespmem:s10+$0xFFFFFF50];
	_ =	sdelay $0x4  }
0xa6: {  	v2 =	vand.u32 $0xFFFF, v1  }
0xa7: {  	v1 =	vshra.s32 v1, $0x10;
	[tilespmem:$0x7100] =	vst v2  }
0xa8: {  	[tilespmem:$0x7180] =	vst v1  }
0xa9: {  	v1 =	vld [tilespmem:s10+$0xFFFFFF60];
	_ =	sdelay $0x4  }
0xaa: {  	v2 =	vand.u32 $0xFFFF, v1  }
0xab: {  	v1 =	vshra.s32 v1, $0x10;
	[tilespmem:$0x7110] =	vst v2  }
0xac: {  	[tilespmem:$0x7190] =	vst v1  }
0xad: {  	v1 =	vld [tilespmem:s10+$0xFFFFFF70];
	_ =	sdelay $0x4  }
0xae: {  	v2 =	vand.u32 $0xFFFF, v1  }
0xaf: {  	v1 =	vshra.s32 v1, $0x10;
	[tilespmem:$0x7120] =	vst v2  }
0xb0: {  	[tilespmem:$0x71A0] =	vst v1  }
0xb1: {  	v1 =	vld [tilespmem:s10+$0xFFFFFF80];
	_ =	sdelay $0x4  }
0xb2: {  	v2 =	vand.u32 $0xFFFF, v1  }
0xb3: {  	v1 =	vshra.s32 v1, $0x10;
	[tilespmem:$0x7130] =	vst v2  }
0xb4: {  	[tilespmem:$0x71B0] =	vst v1  }
0xb5: {  	[tilespmem:s23], [sflag:$0x2] =	stream.indirect.gather [hbm4b:s4+s20], $0x80, s22, s20, $0xb8;
	[tilespmem:$0x1F300] =	vst v63  }
0xb6: {  	_ =	swait.ge [sflag:s0], $0x2000  }
0xb7: {  	[sflag:s0] =	ssyncset.done $0x0  }
0xb8: {  	[sflag:s0] =	ssyncadd.s32 $0xFFFFE000  }
0xb9: {  	[spmem:s2] =	stream.indirect.scatter.add.f32 [tilespmem:s25], [sflag:$0x6], $0x80, s6, s20, $0xb8;
	[tilespmem:$0x1F300] =	vst v63  }
0xba: {  	_ =	swait.ge [sflag:s7], $0x2000  }
0xbb: {  	[sflag:s7] =	ssyncset.done $0x0  }
0xbc: {  	[sflag:s7] =	ssyncadd.s32 $0xFFFFE000  }
0xbd: {  	v1 =	vld [tilespmem:s10+$0xFFFFFFD0];
	_ =	sdelay $0x4  }
0xbe: {  	v2 =	vand.u32 $0xFFFF, v1  }
0xbf: {  	v1 =	vshra.s32 v1, $0x10;
	[tilespmem:$0x9200] =	vst v2  }
0xc0: {  	[tilespmem:$0x9280] =	vst v1  }
0xc1: {  	v1 =	vld [tilespmem:s10+$0xFFFFFFE0];
	_ =	sdelay $0x4  }
0xc2: {  	v2 =	vand.u32 $0xFFFF, v1  }
0xc3: {  	v1 =	vshra.s32 v1, $0x10;
	[tilespmem:$0x9210] =	vst v2  }
0xc4: {  	[tilespmem:$0x9290] =	vst v1  }
0xc5: {  	v1 =	vld [tilespmem:s10+$0xFFFFFFF0];
	_ =	sdelay $0x4  }
0xc6: {  	v2 =	vand.u32 $0xFFFF, v1  }
0xc7: {  	v1 =	vshra.s32 v1, $0x10;
	[tilespmem:$0x9220] =	vst v2  }
0xc8: {  	[tilespmem:$0x92A0] =	vst v1  }
0xc9: {  	v1 =	vld [tilespmem:s10+$0x0];
	_ =	sdelay $0x3  }
.Ltmp4:
0xca: {  	_ = 	snop;
	(pc) =	sbr.rel .LBB2_4-.Ltmp4, $4  }
0xcb: {  	v2 =	vand.u32 $0xFFFF, v1  }
0xcc: {  	v1 =	vshra.s32 v1, $0x10;
	[tilespmem:$0x9230] =	vst v2  }
0xcd: {  	s9 =	sadd.s32 $0x600, s9;
	[tilespmem:$0x92B0] =	vst v1  }
0xce: {  	[tilespmem:s25], [sflag:$0x3] =	stream.indirect.gather [hbm4b:s4+s20], $0x80, s24, s20, $0xb8;
	[tilespmem:$0x1F300] =	vst v63  }
.LBB2_7:
0xcf: {  	_ =	sfence.sel $0x180000  }
0xd0: {  	[bflag:$0x0] =	sbarrier.arrive $0xFFFF  }
0xd1: {  	_ =	strace $0x9000004D  }
0xd2: {  	s0 =	stileid.u32;
	[bflag:$0x2] =	sbarrier.arrive $0xFFFF  }
0xd3: {  	p0 =	sne.s32 s0, $0x0;
	s0 =	rddreg [dreg:$0x2]  }
0xd4: {  	s0 =	sadd.s32 @!p0 $0x100000, s0  }
0xd5: {  	[sflag:s0] =	ssyncadd.tile.s32 @!p0 $0x1;
	_ =	shalt  }
.Lfunc_end2:
_tile_overlayer_lowered:
.L_overlay_start_2:
0xd6: {  	(tag) =	ssettag $0x2  }
0xd7: {  	s0 =	rddreg [dreg:$0x0];
	s2 =	stileid.u32  }
0xd8: {  	s1 =	rddreg [dreg:$0x1];
	p0 =	sne.s32 s2, $0x0  }
0xd9: {  	s3 =	rddreg [dreg:$0x2];
	[bflag:$0x3] =	sbarrier.arrive $0xFFFF;
	s2 =	simm.s32 @!p0 $0x1C07  }
0xda: {  	[timem:s3], [sflag:s2] =	dma.local @!p0 [hbm:s0], s1  }
0xdb: {  	s0 =	simm.s32 @!p0 $0x7  }
0xdc: {  	_ =	swait.ge @!p0 [sflag:s0], s1  }
0xdd: {  	s1 =	ssub.s32 @!p0 $0x0, s1;
	[sflag:s0] =	ssyncset.done @!p0 $0x0  }
0xde: {  	[sflag:s0] =	ssyncadd.s32 @!p0 s1  }
0xdf: {  	[bflag:$0x3] =	sbarrier.arrive $0xFFFF  }
0xe0: {  	_ =	shalt  }

// kernel: kernel.20.cloned.1.call-start
scs
__scs_entry_jumppad:
0x0: {  	(pc) =	sbr.rel $0x88, $3  }
0x1: {  	(tag) =	ssettag $0x0;
	lr =	simm.s32 $0x1  }
0x2: {  	[smem:$0x3F96] =	sst lr;
	_ =	strace $0xD0000000  }
0x3: {  	_ = 	snop  }
0x4: {  	_ = 	snop  }
0x5: {  	_ = 	snop  }
0x6: {  	_ = 	snop  }
0x7: {  	_ = 	snop  }
__scs_overlays_trampoline_lowered:
0x8: {  	[smem:$0x3FA5] =	sst s0  }
0x9: {  	[smem:$0x3FA6] =	sst s1  }
0xa: {  	[smem:$0x3FA7] =	sst s2  }
0xb: {  	[smem:$0x3FA8] =	sst s3  }
0xc: {  	[smem:$0x3FA9] =	sst s4  }
0xd: {  	[smem:$0x3FAA] =	sst s5  }
0xe: {  	[smem:$0x3FAB] =	sst s6  }
0xf: {  	[smem:$0x3FAC] =	sst s7  }
0x10: {  	[smem:$0x3FAD] =	sst s8  }
0x11: {  	[smem:$0x3FAE] =	sst s9;
	s0 =	simm.s32 @!p0 $0x0  }
0x12: {  	s1 =	sld [smem:$0x3F94];
	s0 =	simm.s32 @p0 $0x1  }
0x13: {  	[smem:$0x3FAF] =	sst s0;
	s0 =	simm.s32 @!p1 $0x0  }
0x14: {  	s2 =	sld [smem:$0x3F93];
	s0 =	simm.s32 @p1 $0x1  }
0x15: {  	[smem:$0x3FB0] =	sst s0;
	s0 =	simm.s32 @!p2 $0x0  }
0x16: {  	s3 =	sld [smem:$0x3FDB];
	s0 =	simm.s32 @p2 $0x1  }
0x17: {  	s4 =	simm.s32 $0x1BF5;
	[smem:$0x3FB2] =	sst s0  }
0x18: {  	s0 =	sld [smem:$0x3F95];
	_ =	swait.ge [sflag:s4], $0x0  }
0x19: {  	s7 =	sld [smem:$0x3F96]  }
0x1a: {  	s8 =	sadd.s32 $0xFFFFE003, lr  }
0x1b: {  	s9 =	sadd.s32 $0xFFFFFEF7, lr;
	s5 =	simm.s32 $0xFFFFFFFF;
	p2 =	slt.u32 s8, $0xFFFFF086  }
0x1c: {  	p1 =	slt.u32 s9, $0xF7A;
	s5 =	simm.s32 @!p2 $0x0  }
0x1d: {  	s5 =	simm.s32 @p1 $0x1;
	p0 =	seq.s32 s7, s2  }
0x1e: {  	s7 =	smul.u32 @!p0 $0xF7A, s2;
	p2 =	seq.s32 @!p0 s5, $0x0  }
0x1f: {  	s9 =	smul.u32 $0xF7A, s1;
	s8 =	simm.s32 @!p0 $0x1BF5;
	p2 =	por !p2, p0  }
0x20: {  	[sflag:s8] =	ssyncset.s32 @!p0 $0xFFFFF086;
	s6 =	sadd.s32 @!p0 s3, s7;
	s7 =	simm.s32 @!p0 $0x108  }
0x21: {  	s3 =	sadd.s32 s3, s9;
	s6 =	sadd.s32 @!p0 $0x88, s6;
	s7 =	simm.s32 @p2 $0x1082  }
0x22: {  	[simem:s7], [sflag:s8] =	dma.local @!p0 [hbm:s6], $0xF7A  }
0x23: {  	s9 =	sor.u32 $0xD0000000, s2;
	s6 =	simm.s32 $0x108;
	_ =	swait.ge @!p0 [sflag:s8], $0x0  }
0x24: {  	s3 =	sadd.s32 $0x88, s3;
	s6 =	simm.s32 @!p1 $0x1082;
	[sflag:s4] =	ssyncset.s32 $0xFFFFF086  }
0x25: {  	[simem:s6], [sflag:s4] =	dma.local [hbm:s3], $0xF7A  }
0x26: {  	[smem:$0x3F96] =	sst s1;
	(tag) =	ssettag s2;
	_ =	strace s9  }
0x27: {  	s1 =	sld [smem:$0x3FA6]  }
0x28: {  	s2 =	sld [smem:$0x3FA7]  }
0x29: {  	s4 =	sld [smem:$0x3FA9]  }
0x2a: {  	p0 =	seq.s32 s5, $0x0;
	s5 =	sld [smem:$0x3FAA]  }
0x2b: {  	s6 =	sld [smem:$0x3FAB]  }
0x2c: {  	s7 =	sld [smem:$0x3FAC]  }
0x2d: {  	s3 =	simm.s32 $0x108;
	s8 =	sld [smem:$0x3FAD]  }
0x2e: {  	s3 =	simm.s32 @!p0 $0x1082;
	s9 =	sld [smem:$0x3FAE]  }
0x2f: {  	lr =	sadd.s32 s0, s3;
	s0 =	sld [smem:$0x3FA5]  }
0x30: {  	s3 =	sld [smem:$0x3FA8]  }
0x31: {  	[smem:$0x3FB1] =	sst s10  }
0x32: {  	s10 =	sld [smem:$0x3FAF];
	_ =	sdelay $0x3  }
0x33: {  	p0 =	seq.s32 s10, $0x1;
	s10 =	sld [smem:$0x3FB1];
	_ =	sdelay $0x3  }
0x34: {  	[smem:$0x3FB1] =	sst s10  }
0x35: {  	s10 =	sld [smem:$0x3FB0];
	_ =	sdelay $0x3  }
0x36: {  	p1 =	seq.s32 s10, $0x1;
	s10 =	sld [smem:$0x3FB1];
	_ =	sdelay $0x3  }
0x37: {  	[smem:$0x3FB1] =	sst s10  }
0x38: {  	s10 =	sld [smem:$0x3FB2]  }
0x39: {  	_ = 	snop;
	(pc) =	sbr.ind lr, $3  }
0x3a: {  	_ = 	snop  }
0x3b: {  	_ = 	snop  }
0x3c: {  	p2 =	seq.s32 s10, $0x1;
	s10 =	sld [smem:$0x3FB1]  }
0x3d: {  	_ =	shalt  }
0x3e: {  	_ =	shalt  }
0x3f: {  	_ =	shalt  }
0x40: {  	_ =	shalt  }
0x41: {  	_ =	shalt  }
0x42: {  	_ =	shalt  }
0x43: {  	_ =	shalt  }
0x44: {  	_ =	shalt  }
0x45: {  	_ =	shalt  }
0x46: {  	_ =	shalt  }
0x47: {  	_ =	shalt  }
0x48: {  	_ =	shalt  }
0x49: {  	_ =	shalt  }
0x4a: {  	_ =	shalt  }
0x4b: {  	_ =	shalt  }
0x4c: {  	_ =	shalt  }
0x4d: {  	_ =	shalt  }
0x4e: {  	_ =	shalt  }
0x4f: {  	_ =	shalt  }
0x50: {  	_ =	shalt  }
0x51: {  	_ =	shalt  }
0x52: {  	_ =	shalt  }
0x53: {  	_ =	shalt  }
0x54: {  	_ =	shalt  }
0x55: {  	_ =	shalt  }
0x56: {  	_ =	shalt  }
0x57: {  	_ =	shalt  }
0x58: {  	_ =	shalt  }
0x59: {  	_ =	shalt  }
0x5a: {  	_ =	shalt  }
0x5b: {  	_ =	shalt  }
0x5c: {  	_ =	shalt  }
0x5d: {  	_ =	shalt  }
0x5e: {  	_ =	shalt  }
0x5f: {  	_ =	shalt  }
0x60: {  	_ =	shalt  }
0x61: {  	_ =	shalt  }
0x62: {  	_ =	shalt  }
0x63: {  	_ =	shalt  }
0x64: {  	_ =	shalt  }
0x65: {  	_ =	shalt  }
0x66: {  	_ =	shalt  }
0x67: {  	_ =	shalt  }
0x68: {  	_ =	shalt  }
0x69: {  	_ =	shalt  }
0x6a: {  	_ =	shalt  }
0x6b: {  	_ =	shalt  }
0x6c: {  	_ =	shalt  }
0x6d: {  	_ =	shalt  }
0x6e: {  	_ =	shalt  }
0x6f: {  	_ =	shalt  }
0x70: {  	_ =	shalt  }
0x71: {  	_ =	shalt  }
0x72: {  	_ =	shalt  }
0x73: {  	_ =	shalt  }
0x74: {  	_ =	shalt  }
0x75: {  	_ =	shalt  }
0x76: {  	_ =	shalt  }
0x77: {  	_ =	shalt  }
0x78: {  	_ =	shalt  }
0x79: {  	_ =	shalt  }
0x7a: {  	_ =	shalt  }
0x7b: {  	_ =	shalt  }
0x7c: {  	_ =	shalt  }
0x7d: {  	_ =	shalt  }
0x7e: {  	_ =	shalt  }
0x7f: {  	_ =	shalt  }
0x80: {  	_ =	shalt  }
0x81: {  	_ =	shalt  }
0x82: {  	_ =	shalt  }
0x83: {  	_ =	shalt  }
0x84: {  	_ =	shalt  }
0x85: {  	_ =	shalt  }
0x86: {  	_ =	shalt  }
0x87: {  	_ =	shalt  }
.Lfunc_end0:
.L_simem_size_0:
called_computation.3_lowered:
.L_overlay_start_0:
0x88: {  	s2 =	sld [smem:$0x3FD9]  }
0x89: {  	s3 =	sld [smem:$0x3FFE];
	_ =	sdelay $0x1  }
0x8a: {  	s1 =	srdreg.scid  }
0x8b: {  	s0 =	sand.u32 $0x1, s1  }
0x8c: {  	s16 =	sshll.u32 s0, $0xA;
	s2 =	sadd.s32 s3, s2  }
0x8d: {  	s2 =	sadd.s32 s2, s16  }
0x8e: {  	[smem:$0x3FBD] =	sst s2  }
0x8f: {  	_ = 	snop  }
0x90: {  	(tm) =	ssettm $0x1  }
0x91: {  	s17 =	sld [smem:$0x3FFB];
	_ =	sdelay $0x3  }
0x92: {  	_ =	strace s17  }
0x93: {  	s2 =	sld [smem:$0x3FFC];
	_ =	sdelay $0x3  }
0x94: {  	_ =	strace s2  }
0x95: {  	s2 =	sld [smem:$0x3FFD];
	_ =	sdelay $0x3  }
0x96: {  	_ =	strace s2  }
0x97: {  	_ =	strace $0x8FFFFFFF  }
0x98: {  	s18 =	sld [smem:$0x3FDB];
	_ =	sdelay $0x1  }
0x99: {  	s19 =	simm.s32 $_scs_section_size  }
0x9a: {  	s4 =	simm.s32 $_size__tile_overlayer_lowered;
	s5 =	simm.s32 $_tile_overlayer_lowered  }
0x9b: {  	s22 =	simm.s32 $0x1BFF;
	s21 =	sshll.u32 s5, $0x1;
	s2 =	sadd.s32 s19, s18  }
0x9c: {  	s6 =	simm.s32 $0x0;
	s20 =	sshll.u32 s4, $0x1;
	s4 =	sadd.s32 s21, s2  }
0x9d: {  	[timem:s6], [sflag:s22] =	dma.local [hbm:s4], s20  }
0x9e: {  	_ =	swait.ge [sflag:s22], s20  }
0x9f: {  	s3 =	ssub.s32 $0x0, s20;
	[sflag:s22] =	ssyncset.done $0x0  }
0xa0: {  	[sflag:s22] =	ssyncadd.s32 s3;
	_ =	sdelay $0x1  }
0xa1: {  	s23 =	simm.s32 $0x1B8B  }
0xa2: {  	_ =	swait.ge [sflag:s23], $0x1  }
0xa3: {  	[sflag:s23] =	ssyncset.done $0x0  }
0xa4: {  	s25 =	simm.s32 $0x1B8E;
	s24 =	sld [smem:$0x3FFE];
	[sflag:s23] =	ssyncadd.s32 $0xFFFFFFFF  }
0xa5: {  	s26 =	simm.s32 $execute0_lowered;
	[smem:$0x3FD2] =	sst s25  }
0xa6: {  	s4 =	sshll.u32 s26, $0x1;
	_ =	strace $0x8000004F;
	[dreg:$0x1] =	wrdreg $0xFFFFFFFF  }
0xa7: {  	s28 =	simm.s32 $_size_execute0_lowered;
	s2 =	sadd.s32 s2, s4;
	[dreg:$0x0] =	wrdreg $0x0  }
0xa8: {  	s4 =	sshll.u32 s28, $0x1;
	[dreg:$0x2] =	wrdreg s2  }
0xa9: {  	[dreg:$0x3] =	wrdreg s4  }
0xaa: {  	[dreg:$0x4] =	wrdreg $0xC0  }
0xab: {  	_ =	task [dreg:s6], $0x5FFFF  }
0xac: {  	[dreg:$0x1] =	wrdreg $0xFFFFFFFF  }
0xad: {  	[dreg:$0x0] =	wrdreg $0x60  }
0xae: {  	[dreg:$0x2] =	wrdreg s24  }
0xaf: {  	[dreg:$0x3] =	wrdreg $0xB3000  }
0xb0: {  	[dreg:$0x4] =	wrdreg $0x9  }
0xb1: {  	_ =	task.clear_ibuf [dreg:s6], $0x5FFFF;
	_ =	strace $0x9000004F  }
0xb2: {  	s29 =	simm.s32 $0x9;
	_ =	strace $0x80000051  }
0xb3: {  	_ =	swait.ge [sflag:s29], $0x1  }
0xb4: {  	[sflag:s29] =	ssyncadd.s32 $0xFFFFFFFF  }
0xb5: {  	_ =	strace $0x90000051  }
0xb6: {  	_ =	sfence  }
0xb7: {  	s30 =	sld [smem:$0x0];
	_ =	sdelay $0x2  }
0xb8: {  	s31 =	sshll.u32 s1, $0xD;
	s1 =	sshrl.u32 s1, $0x2  }
0xb9: {  	s3 =	sand.u32 $0x4000, s31;
	s1 =	sadd.s32 s1, s30  }
0xba: {  	s0 =	sor.u32 s3, s0;
	s1 =	sshll.u32 s1, $0x11  }
0xbb: {  	s0 =	sor.u32 s1, s0  }
0xbc: {  	s0 =	sadd.s32 $0x8F2B, s0  }
0xbd: {  	[sflag:s0] =	ssyncadd.remote.s32 $0x1  }
0xbe: {  	_ =	sfence.sel $0xFFFF  }
0xbf: {  	[dreg:$0x0] =	wrdreg $0xFFFFFFFF;
	(pc) =	sbr.abs _section_cstart, $3  }
0xc0: {  	[dreg:$0x1] =	wrdreg $0xFFFFFFFF  }
0xc1: {  	_ =	task.clear_ibuf [dreg:s6], $0x2FFFF;
	_ =	strace $0x9FFFFFFF  }
0xc2: {  	(tm) =	ssettm $0x7FFFFFFF  }
0xc3: {  	_ =	shalt  }
tec
execute0_lowered:
.L_overlay_start_1:
0x0: {  	(tag) =	ssettag $0x1  }
0x1: {  	s0 =	srdreg.scid;
	s5 =	rddreg [dreg:$0x0]  }
0x2: {  	s8 =	stileid.u32;
	s2 =	rddreg [dreg:$0x1];
	s3 =	simm.s32 $0x0  }
0x3: {  	s18 =	simm.s32 $0x7;
	s19 =	simm.s32 $0x5100;
	s28 =	simm.s32 $0x5080  }
0x4: {  	s29 =	simm.s32 $0x4;
	s30 =	simm.s32 $0x2;
	s31 =	simm.s32 $0x7180  }
0x5: {  	s0 =	sand.u32 $0x1, s0;
	s1 =	sshll.u32 s8, $0x1;
	s7 =	smul.u32 $0x14000, s8  }
0x6: {  	[smem:$0x7FF] =	sst s3;
	s4 =	sadd.s32 $0x2CA00, s5;
	s8 =	smul.u32 $0x50000, s8  }
0x7: {  	s1 =	sor.u32 s0, s1;
	s6 =	smul.u32 $0x140000, s0;
	s0 =	ssub.s32 $0x2, s0  }
0x8: {  	_ =	strace $0x80000050;
	s1 =	smul.u32 $0xA00, s1;
	s20 =	sshrl.u32 s0, $0x1  }
0x9: {  	s8 =	sshrl.u32 s8, $0x2;
	s6 =	sadd.s32 s7, s6;
	s0 =	ssub.s32 s0, s20  }
0xa: {  	s20 =	simm.s32 $0x40;
	s7 =	simm.s32 $0x6;
	s1 =	sadd.s32 s1, s5  }
0xb: {  	s6 =	sshrl.u32 s6, $0x3;
	s17 =	smax.u32 s0, $0x1;
	s0 =	simm.s32 $0x3  }
0xc: {  	s6 =	sadd.s32 s6, s5;
	s5 =	sadd.s32 s8, s2;
	s1 =	sadd.s32 $0x18A00, s1  }
0xd: {  	s8 =	simm.s32 $0x0;
	[dreg:$0x3] =	wrdreg s1;
	s21 =	sadd.s32 $0x2000, s5  }
0xe: {  	s22 =	sadd.s32 $0x4000, s5;
	s23 =	sadd.s32 $0x6000, s5;
	[dreg:$0x4] =	wrdreg s21  }
0xf: {  	s24 =	sadd.s32 $0x8000, s5;
	s25 =	sadd.s32 $0xA000, s5;
	[dreg:$0x5] =	wrdreg s22  }
0x10: {  	s26 =	sadd.s32 $0xC000, s5;
	s13 =	sadd.s32 $0xE000, s5;
	[dreg:$0x6] =	wrdreg s23  }
.Ltmp0:
0x11: {  	s14 =	sadd.s32 $0x10000, s5;
	[dreg:$0x7] =	wrdreg s24;
	(pc) =	sbr.rel .LBB2_1-.Ltmp0, $4  }
0x12: {  	s15 =	sadd.s32 $0x12000, s5;
	s16 =	sadd.s32 $0x53C00, s6;
	[dreg:$0x8] =	wrdreg s25  }
0x13: {  	s1 =	simm.s32 $0x5;
	s6 =	simm.s32 $0x9280;
	[dreg:$0x9] =	wrdreg s26  }
0x14: {  	s21 =	simm.s32 $0x5000;
	s22 =	simm.s32 $0x7100;
	s23 =	simm.s32 $0x7200  }
0x15: {  	v0 =	vimm.f32 $0.0e+00;
	s24 =	simm.s32 $0x9200;
	s25 =	simm.s32 $0x9300;
	s26 =	simm.s32 $0x1  }
.LBB2_6:
0x16: {  	_ =	swait.ge [sflag:s0], $0x2000  }
0x17: {  	[sflag:s0] =	ssyncset.done $0x0  }
0x18: {  	[sflag:s0] =	ssyncadd.s32 $0xFFFFE000  }
0x19: {  	[spmem:s2] =	stream.indirect.scatter.add.f32 [tilespmem:s25], [sflag:$0x6], $0x80, s6, s20, $0xb8;
	[tilespmem:$0x1F300] =	vst v63  }
0x1a: {  	_ =	swait.ge [sflag:s7], $0x2000  }
0x1b: {  	[sflag:s7] =	ssyncset.done $0x0  }
0x1c: {  	[sflag:s7] =	ssyncadd.s32 $0xFFFFE000  }
0x1d: {  	_ =	swait.ge [sflag:s26], $0x2000  }
0x1e: {  	[sflag:s26] =	ssyncset.done $0x0  }
0x1f: {  	[sflag:s26] =	ssyncadd.s32 $0xFFFFE000  }
0x20: {  	[spmem:s2] =	stream.indirect.scatter.add.f32 [tilespmem:s19], [sflag:$0x4], $0x80, s28, s20, $0xb8;
	[tilespmem:$0x1F300] =	vst v63  }
0x21: {  	s9 =	stileid.u32;
	_ =	swait.ge [sflag:s29], $0x2000  }
0x22: {  	s10 =	sshrl.u32 s5, $0x3;
	s8 =	sadd.s32 $0x1, s8;
	[sflag:s29] =	ssyncset.done $0x0  }
0x23: {  	s9 =	sshll.u32 s9, $0x6;
	p0 =	sne.s32 s8, s17;
	[sflag:s29] =	ssyncadd.s32 $0xFFFFE000  }
.Ltmp1:
0x24: {  	s9 =	sor.u32 $0x1C07, s9;
	[bflag:$0x0] =	sbarrier.arrive $0xFFFF;
	(pc) =	sbr.rel @!p0 .LBB2_7-.Ltmp1, $4  }
0x25: {  	[hbm:s16], [sflag:s9] =	dma.local [spmem:s10], $0x2800  }
0x26: {  	_ =	swait.ge [sflag:s18], $0x2800  }
0x27: {  	[sflag:s18] =	ssyncset.done $0x0  }
0x28: {  	[sflag:s18] =	ssyncadd.s32 $0xFFFFD800  }
.LBB2_1:
0x29: {  	s9 =	rddreg [dreg:$0x3]  }
0x2a: {  	[tilespmem:s3], [sflag:$0x7] =	stream.linear.gather [hbm4b:s9+s3], $0x4E80, $0x38;
	[tilespmem:$0x1F300] =	vst v63  }
0x2b: {  	s12 =	sand.u32 $0x7E00, s3;
	s10 =	sand.u32 $0x70, s3;
	_ =	swait.ge [sflag:s18], $0x4E80  }
0x2c: {  	s11 =	sshrl.u32 s12, $0x2;
	s9 =	simm.s32 $0x40;
	[sflag:s18] =	ssyncset.done $0x0  }
0x2d: {  	s11 =	sor.u32 s10, s11;
	s10 =	simm.s32 $0x0;
	[sflag:s18] =	ssyncadd.s32 $0xFFFFB180  }
.LBB2_2:
0x2e: {  	p0 =	sne.s32 s9, $0x7FC0  }
0x2f: {  	[tilespmem:s11+$0x5100] =	vst v0;
	s10 =	sadd.s32 $0x10, s10;
	s11 =	smov.u32 s9;
	s9 =	sadd.s32 $0x40, s9  }
.Ltmp2:
0x30: {  	(pc) =	sbr.rel @p0 .LBB2_2-.Ltmp2, $4  }
0x31: {  	_ = 	snop  }
0x32: {  	s11 =	sand.u32 $0x7E00, s11  }
0x33: {  	s12 =	sand.u32 $0x70, s10;
	s11 =	sshrl.u32 s11, $0x2  }
0x34: {  	s11 =	sor.u32 s12, s11  }
0x35: {  	[tilespmem:s11+$0x5100] =	vst v0  }
0x36: {  	[spmem:s5] =	stream.linear.scatter [tilespmem:s19], [sflag:$0x7], $0x2000, $0x38;
	[tilespmem:$0x1F300] =	vst v63  }
0x37: {  	_ =	swait.ge [sflag:s18], $0x2000  }
0x38: {  	[sflag:s18] =	ssyncset.done $0x0  }
0x39: {  	s9 =	rddreg [dreg:$0x4];
	[sflag:s18] =	ssyncadd.s32 $0xFFFFE000  }
0x3a: {  	[spmem:s9] =	stream.linear.scatter [tilespmem:s19], [sflag:$0x7], $0x2000, $0x38;
	[tilespmem:$0x1F300] =	vst v63  }
0x3b: {  	_ =	swait.ge [sflag:s18], $0x2000  }
0x3c: {  	[sflag:s18] =	ssyncset.done $0x0  }
0x3d: {  	s11 =	rddreg [dreg:$0x5];
	[sflag:s18] =	ssyncadd.s32 $0xFFFFE000  }
0x3e: {  	[spmem:s11] =	stream.linear.scatter [tilespmem:s19], [sflag:$0x7], $0x2000, $0x38;
	[tilespmem:$0x1F300] =	vst v63  }
0x3f: {  	_ =	swait.ge [sflag:s18], $0x2000  }
0x40: {  	[sflag:s18] =	ssyncset.done $0x0  }
0x41: {  	s12 =	rddreg [dreg:$0x6];
	[sflag:s18] =	ssyncadd.s32 $0xFFFFE000  }
0x42: {  	[spmem:s12] =	stream.linear.scatter [tilespmem:s19], [sflag:$0x7], $0x2000, $0x38;
	[tilespmem:$0x1F300] =	vst v63  }
0x43: {  	_ =	swait.ge [sflag:s18], $0x2000  }
0x44: {  	[sflag:s18] =	ssyncset.done $0x0  }
0x45: {  	s10 =	rddreg [dreg:$0x7];
	[sflag:s18] =	ssyncadd.s32 $0xFFFFE000  }
0x46: {  	[spmem:s10] =	stream.linear.scatter [tilespmem:s19], [sflag:$0x7], $0x2000, $0x38;
	[tilespmem:$0x1F300] =	vst v63  }
0x47: {  	_ =	swait.ge [sflag:s18], $0x2000  }
0x48: {  	[sflag:s18] =	ssyncset.done $0x0  }
0x49: {  	s11 =	rddreg [dreg:$0x8];
	[sflag:s18] =	ssyncadd.s32 $0xFFFFE000  }
0x4a: {  	[spmem:s11] =	stream.linear.scatter [tilespmem:s19], [sflag:$0x7], $0x2000, $0x38;
	[tilespmem:$0x1F300] =	vst v63  }
0x4b: {  	_ =	swait.ge [sflag:s18], $0x2000  }
0x4c: {  	[sflag:s18] =	ssyncset.done $0x0  }
0x4d: {  	s12 =	rddreg [dreg:$0x9];
	[sflag:s18] =	ssyncadd.s32 $0xFFFFE000  }
0x4e: {  	[spmem:s12] =	stream.linear.scatter [tilespmem:s19], [sflag:$0x7], $0x2000, $0x38;
	[tilespmem:$0x1F300] =	vst v63  }
0x4f: {  	_ =	swait.ge [sflag:s18], $0x2000  }
0x50: {  	[sflag:s18] =	ssyncset.done $0x0  }
0x51: {  	[sflag:s18] =	ssyncadd.s32 $0xFFFFE000  }
0x52: {  	[spmem:s13] =	stream.linear.scatter [tilespmem:s19], [sflag:$0x7], $0x2000, $0x38;
	[tilespmem:$0x1F300] =	vst v63  }
0x53: {  	_ =	swait.ge [sflag:s18], $0x2000  }
0x54: {  	[sflag:s18] =	ssyncset.done $0x0  }
0x55: {  	[sflag:s18] =	ssyncadd.s32 $0xFFFFE000  }
0x56: {  	[spmem:s14] =	stream.linear.scatter [tilespmem:s19], [sflag:$0x7], $0x2000, $0x38;
	[tilespmem:$0x1F300] =	vst v63  }
0x57: {  	_ =	swait.ge [sflag:s18], $0x2000  }
0x58: {  	[sflag:s18] =	ssyncset.done $0x0  }
0x59: {  	[sflag:s18] =	ssyncadd.s32 $0xFFFFE000  }
0x5a: {  	[spmem:s15] =	stream.linear.scatter [tilespmem:s19], [sflag:$0x7], $0x2000, $0x38;
	[tilespmem:$0x1F300] =	vst v63  }
0x5b: {  	_ =	swait.ge [sflag:s18], $0x2000  }
0x5c: {  	[sflag:s18] =	ssyncset.done $0x0  }
0x5d: {  	[sflag:s18] =	ssyncadd.s32 $0xFFFFE000  }
0x5e: {  	[bflag:$0x0] =	sbarrier.arrive $0xFFFF  }
0x5f: {  	v1 =	vld [tilespmem:$0x0];
	_ =	sdelay $0x1  }
0x60: {  	v2 =	vld [tilespmem:$0x10];
	_ =	sdelay $0x1  }
0x61: {  	v3 =	vld [tilespmem:$0x20]  }
0x62: {  	v4 =	vand.u32 $0xFFFF, v1  }
0x63: {  	v59 =	vld [tilespmem:$0x30];
	v1 =	vshra.s32 v1, $0x10;
	[tilespmem:$0x5000] =	vst v4  }
0x64: {  	[tilespmem:$0x5080] =	vst v1;
	v1 =	vand.u32 $0xFFFF, v2  }
0x65: {  	[tilespmem:$0x5010] =	vst v1;
	v1 =	vshra.s32 v2, $0x10  }
0x66: {  	[tilespmem:$0x5090] =	vst v1;
	v1 =	vand.u32 $0xFFFF, v3  }
0x67: {  	[tilespmem:$0x5020] =	vst v1;
	v1 =	vshra.s32 v3, $0x10  }
0x68: {  	[tilespmem:$0x50A0] =	vst v1;
	v1 =	vand.u32 $0xFFFF, v59  }
0x69: {  	[tilespmem:$0x5030] =	vst v1;
	v1 =	vshra.s32 v59, $0x10  }
0x6a: {  	[tilespmem:$0x50B0] =	vst v1  }
0x6b: {  	[tilespmem:s19], [sflag:$0x1] =	stream.indirect.gather [hbm4b:s4+s20], $0x80, s21, s20, $0xb8;
	[tilespmem:$0x1F300] =	vst v63  }
0x6c: {  	v1 =	vld [tilespmem:$0x80];
	_ =	sdelay $0x1  }
0x6d: {  	v2 =	vld [tilespmem:$0x90];
	_ =	sdelay $0x1  }
0x6e: {  	v3 =	vld [tilespmem:$0xA0]  }
0x6f: {  	v60 =	vand.u32 $0xFFFF, v1  }
0x70: {  	v61 =	vld [tilespmem:$0xB0];
	v1 =	vshra.s32 v1, $0x10;
	[tilespmem:$0x7100] =	vst v60  }
0x71: {  	[tilespmem:$0x7180] =	vst v1;
	v1 =	vand.u32 $0xFFFF, v2  }
0x72: {  	[tilespmem:$0x7110] =	vst v1;
	v1 =	vshra.s32 v2, $0x10  }
0x73: {  	[tilespmem:$0x7190] =	vst v1;
	v1 =	vand.u32 $0xFFFF, v3  }
0x74: {  	[tilespmem:$0x7120] =	vst v1;
	v1 =	vshra.s32 v3, $0x10  }
0x75: {  	[tilespmem:$0x71A0] =	vst v1;
	v1 =	vand.u32 $0xFFFF, v61  }
0x76: {  	[tilespmem:$0x7130] =	vst v1;
	v1 =	vshra.s32 v61, $0x10  }
0x77: {  	[tilespmem:$0x71B0] =	vst v1  }
0x78: {  	[tilespmem:s23], [sflag:$0x2] =	stream.indirect.gather [hbm4b:s4+s20], $0x80, s22, s20, $0xb8;
	[tilespmem:$0x1F300] =	vst v63  }
0x79: {  	v1 =	vld [tilespmem:$0x100];
	_ =	sdelay $0x1  }
0x7a: {  	v2 =	vld [tilespmem:$0x110];
	_ =	sdelay $0x1  }
0x7b: {  	v3 =	vld [tilespmem:$0x120]  }
0x7c: {  	v62 =	vand.u32 $0xFFFF, v1  }
0x7d: {  	v63 =	vld [tilespmem:$0x130];
	v1 =	vshra.s32 v1, $0x10;
	[tilespmem:$0x9200] =	vst v62  }
0x7e: {  	[tilespmem:$0x9280] =	vst v1;
	v1 =	vand.u32 $0xFFFF, v2  }
0x7f: {  	[tilespmem:$0x9210] =	vst v1;
	v1 =	vshra.s32 v2, $0x10  }
0x80: {  	[tilespmem:$0x9290] =	vst v1;
	v1 =	vand.u32 $0xFFFF, v3  }
0x81: {  	[tilespmem:$0x9220] =	vst v1;
	v1 =	vshra.s32 v3, $0x10  }
0x82: {  	[tilespmem:$0x92A0] =	vst v1;
	v1 =	vand.u32 $0xFFFF, v63  }
0x83: {  	[tilespmem:$0x9230] =	vst v1;
	v1 =	vshra.s32 v63, $0x10  }
0x84: {  	s9 =	simm.s32 $0xAC0;
	[tilespmem:$0x92B0] =	vst v1  }
0x85: {  	[tilespmem:s25], [sflag:$0x3] =	stream.indirect.gather [hbm4b:s4+s20], $0x80, s24, s20, $0xb8;
	[tilespmem:$0x1F300] =	vst v63  }
.LBB2_4:
0x86: {  	_ =	swait.ge [sflag:s26], $0x2000  }
0x87: {  	[sflag:s26] =	ssyncset.done $0x0  }
0x88: {  	[sflag:s26] =	ssyncadd.s32 $0xFFFFE000  }
0x89: {  	[spmem:s2] =	stream.indirect.scatter.add.f32 [tilespmem:s19], [sflag:$0x4], $0x80, s28, s20, $0xb8;
	[tilespmem:$0x1F300] =	vst v63  }
0x8a: {  	_ =	swait.ge [sflag:s29], $0x2000  }
0x8b: {  	[sflag:s29] =	ssyncset.done $0x0  }
0x8c: {  	s10 =	sshra.s32 s9, $0x2;
	[sflag:s29] =	ssyncadd.s32 $0xFFFFE000  }
0x8d: {  	v1 =	vld [tilespmem:s10+$0xFFFFFED0];
	_ =	sdelay $0x4  }
0x8e: {  	v2 =	vand.u32 $0xFFFF, v1  }
0x8f: {  	v1 =	vshra.s32 v1, $0x10;
	[tilespmem:$0x5000] =	vst v2  }
0x90: {  	[tilespmem:$0x5080] =	vst v1  }
0x91: {  	v1 =	vld [tilespmem:s10+$0xFFFFFEE0];
	_ =	sdelay $0x4  }
0x92: {  	v2 =	vand.u32 $0xFFFF, v1  }
0x93: {  	v1 =	vshra.s32 v1, $0x10;
	[tilespmem:$0x5010] =	vst v2  }
0x94: {  	[tilespmem:$0x5090] =	vst v1  }
0x95: {  	v1 =	vld [tilespmem:s10+$0xFFFFFEF0];
	_ =	sdelay $0x4  }
0x96: {  	v2 =	vand.u32 $0xFFFF, v1  }
0x97: {  	v1 =	vshra.s32 v1, $0x10;
	[tilespmem:$0x5020] =	vst v2  }
0x98: {  	[tilespmem:$0x50A0] =	vst v1  }
0x99: {  	v1 =	vld [tilespmem:s10+$0xFFFFFF00];
	_ =	sdelay $0x4  }
0x9a: {  	v2 =	vand.u32 $0xFFFF, v1  }
0x9b: {  	v1 =	vshra.s32 v1, $0x10;
	[tilespmem:$0x5030] =	vst v2  }
0x9c: {  	[tilespmem:$0x50B0] =	vst v1  }
0x9d: {  	[tilespmem:s19], [sflag:$0x1] =	stream.indirect.gather [hbm4b:s4+s20], $0x80, s21, s20, $0xb8;
	[tilespmem:$0x1F300] =	vst v63  }
0x9e: {  	_ =	swait.ge [sflag:s30], $0x2000  }
0x9f: {  	p0 =	seq.s32 s9, $0x13CC0;
	[sflag:s30] =	ssyncset.done $0x0  }
.Ltmp3:
0xa0: {  	[sflag:s30] =	ssyncadd.s32 $0xFFFFE000;
	(pc) =	sbr.rel @p0 .LBB2_6-.Ltmp3, $4  }
0xa1: {  	[spmem:s2] =	stream.indirect.scatter.add.f32 [tilespmem:s23], [sflag:$0x5], $0x80, s31, s20, $0xb8;
	[tilespmem:$0x1F300] =	vst v63  }
0xa2: {  	_ =	swait.ge [sflag:s1], $0x2000  }
0xa3: {  	[sflag:s1] =	ssyncset.done $0x0  }
0xa4: {  	[sflag:s1] =	ssyncadd.s32 $0xFFFFE000  }
0xa5: {  	v1 =	vld [tilespmem:s10+$0xFFFFFF50];
	_ =	sdelay $0x4  }
0xa6: {  	v2 =	vand.u32 $0xFFFF, v1  }
0xa7: {  	v1 =	vshra.s32 v1, $0x10;
	[tilespmem:$0x7100] =	vst v2  }
0xa8: {  	[tilespmem:$0x7180] =	vst v1  }
0xa9: {  	v1 =	vld [tilespmem:s10+$0xFFFFFF60];
	_ =	sdelay $0x4  }
0xaa: {  	v2 =	vand.u32 $0xFFFF, v1  }
0xab: {  	v1 =	vshra.s32 v1, $0x10;
	[tilespmem:$0x7110] =	vst v2  }
0xac: {  	[tilespmem:$0x7190] =	vst v1  }
0xad: {  	v1 =	vld [tilespmem:s10+$0xFFFFFF70];
	_ =	sdelay $0x4  }
0xae: {  	v2 =	vand.u32 $0xFFFF, v1  }
0xaf: {  	v1 =	vshra.s32 v1, $0x10;
	[tilespmem:$0x7120] =	vst v2  }
0xb0: {  	[tilespmem:$0x71A0] =	vst v1  }
0xb1: {  	v1 =	vld [tilespmem:s10+$0xFFFFFF80];
	_ =	sdelay $0x4  }
0xb2: {  	v2 =	vand.u32 $0xFFFF, v1  }
0xb3: {  	v1 =	vshra.s32 v1, $0x10;
	[tilespmem:$0x7130] =	vst v2  }
0xb4: {  	[tilespmem:$0x71B0] =	vst v1  }
0xb5: {  	[tilespmem:s23], [sflag:$0x2] =	stream.indirect.gather [hbm4b:s4+s20], $0x80, s22, s20, $0xb8;
	[tilespmem:$0x1F300] =	vst v63  }
0xb6: {  	_ =	swait.ge [sflag:s0], $0x2000  }
0xb7: {  	[sflag:s0] =	ssyncset.done $0x0  }
0xb8: {  	[sflag:s0] =	ssyncadd.s32 $0xFFFFE000  }
0xb9: {  	[spmem:s2] =	stream.indirect.scatter.add.f32 [tilespmem:s25], [sflag:$0x6], $0x80, s6, s20, $0xb8;
	[tilespmem:$0x1F300] =	vst v63  }
0xba: {  	_ =	swait.ge [sflag:s7], $0x2000  }
0xbb: {  	[sflag:s7] =	ssyncset.done $0x0  }
0xbc: {  	[sflag:s7] =	ssyncadd.s32 $0xFFFFE000  }
0xbd: {  	v1 =	vld [tilespmem:s10+$0xFFFFFFD0];
	_ =	sdelay $0x4  }
0xbe: {  	v2 =	vand.u32 $0xFFFF, v1  }
0xbf: {  	v1 =	vshra.s32 v1, $0x10;
	[tilespmem:$0x9200] =	vst v2  }
0xc0: {  	[tilespmem:$0x9280] =	vst v1  }
0xc1: {  	v1 =	vld [tilespmem:s10+$0xFFFFFFE0];
	_ =	sdelay $0x4  }
0xc2: {  	v2 =	vand.u32 $0xFFFF, v1  }
0xc3: {  	v1 =	vshra.s32 v1, $0x10;
	[tilespmem:$0x9210] =	vst v2  }
0xc4: {  	[tilespmem:$0x9290] =	vst v1  }
0xc5: {  	v1 =	vld [tilespmem:s10+$0xFFFFFFF0];
	_ =	sdelay $0x4  }
0xc6: {  	v2 =	vand.u32 $0xFFFF, v1  }
0xc7: {  	v1 =	vshra.s32 v1, $0x10;
	[tilespmem:$0x9220] =	vst v2  }
0xc8: {  	[tilespmem:$0x92A0] =	vst v1  }
0xc9: {  	v1 =	vld [tilespmem:s10+$0x0];
	_ =	sdelay $0x3  }
.Ltmp4:
0xca: {  	_ = 	snop;
	(pc) =	sbr.rel .LBB2_4-.Ltmp4, $4  }
0xcb: {  	v2 =	vand.u32 $0xFFFF, v1  }
0xcc: {  	v1 =	vshra.s32 v1, $0x10;
	[tilespmem:$0x9230] =	vst v2  }
0xcd: {  	s9 =	sadd.s32 $0x600, s9;
	[tilespmem:$0x92B0] =	vst v1  }
0xce: {  	[tilespmem:s25], [sflag:$0x3] =	stream.indirect.gather [hbm4b:s4+s20], $0x80, s24, s20, $0xb8;
	[tilespmem:$0x1F300] =	vst v63  }
.LBB2_7:
0xcf: {  	_ =	sfence.sel $0x180000  }
0xd0: {  	[bflag:$0x0] =	sbarrier.arrive $0xFFFF  }
0xd1: {  	_ =	strace $0x90000050  }
0xd2: {  	s0 =	stileid.u32;
	[bflag:$0x2] =	sbarrier.arrive $0xFFFF  }
0xd3: {  	p0 =	sne.s32 s0, $0x0;
	s0 =	rddreg [dreg:$0x2]  }
0xd4: {  	s0 =	sadd.s32 @!p0 $0x100000, s0  }
0xd5: {  	[sflag:s0] =	ssyncadd.tile.s32 @!p0 $0x1;
	_ =	shalt  }
.Lfunc_end2:
_tile_overlayer_lowered:
.L_overlay_start_2:
0xd6: {  	(tag) =	ssettag $0x2  }
0xd7: {  	s0 =	rddreg [dreg:$0x0];
	s2 =	stileid.u32  }
0xd8: {  	s1 =	rddreg [dreg:$0x1];
	p0 =	sne.s32 s2, $0x0  }
0xd9: {  	s3 =	rddreg [dreg:$0x2];
	[bflag:$0x3] =	sbarrier.arrive $0xFFFF;
	s2 =	simm.s32 @!p0 $0x1C07  }
0xda: {  	[timem:s3], [sflag:s2] =	dma.local @!p0 [hbm:s0], s1  }
0xdb: {  	s0 =	simm.s32 @!p0 $0x7  }
0xdc: {  	_ =	swait.ge @!p0 [sflag:s0], s1  }
0xdd: {  	s1 =	ssub.s32 @!p0 $0x0, s1;
	[sflag:s0] =	ssyncset.done @!p0 $0x0  }
0xde: {  	[sflag:s0] =	ssyncadd.s32 @!p0 s1  }
0xdf: {  	[bflag:$0x3] =	sbarrier.arrive $0xFFFF  }
0xe0: {  	_ =	shalt  }

</sc_bundles>
